<compile_context>
chip_gen: v7x
topology: tpu7x:2x2x1
jax: 0.10.2.dev20260603
libtpu: 0.0.44.dev20260713+nightly
codegen_flags: <defaults>
</compile_context>

<pallas_src>
import functools

import jax
import jax.numpy as jnp
from jax import lax
from jax.experimental import pallas as pl
from jax.experimental.pallas import tpu as pltpu
from jax.experimental.pallas import tpu_sc as plsc

D = 64
BLK = 128
S = 50
NB1 = 16384
CPW = 4
NUM_V = 1000000




VP = 128
NSTRIP = NUM_V // VP
PRW = D + 1


@functools.lru_cache(maxsize=None)
def _build_prep():
    info = plsc.get_sparse_core_info()
    NC = info.num_cores
    NW = NC * info.num_subcores
    base_strips = NSTRIP // NW
    extra = NSTRIP - base_strips * NW
    mesh = plsc.VectorSubcoreMesh(core_axis_name="c", subcore_axis_name="s")

    @functools.partial(
        pl.kernel,
        mesh=mesh,
        out_type=jax.ShapeDtypeStruct((NUM_V // 2, 2 * D), jnp.float32),
        compiler_params=pltpu.CompilerParams(use_tc_tiling_on_sc=True,
                                             needs_layout_passes=False),
        scratch_types=[
            pltpu.VMEM((2, D, VP), jnp.float32),
            pltpu.VMEM((VP * PRW,), jnp.float32),
            pltpu.VMEM((VP * PRW,), jnp.float32),
            pltpu.VMEM((2, VP // 2, 2 * D), jnp.float32),
            pltpu.SemaphoreType.DMA,
            pltpu.SemaphoreType.DMA,
            pltpu.SemaphoreType.DMA,
            pltpu.SemaphoreType.DMA,
        ],
    )
    def prep_kernel(tabt_hbm, tail_hbm, out_hbm, sbuf, pf0, pf1, sd,
                    si0, si1, so0, so1):
        pfs = (pf0, pf1)
        sem_i = (si0, si1)
        sem_o = (so0, so1)
        wid = lax.axis_index("s") * NC + lax.axis_index("c")
        nstrip = base_strips + jnp.where(wid < extra, 1, 0)
        s0 = wid * base_strips + jnp.minimum(wid, extra)

        iota16 = lax.iota(jnp.int32, 16)
        vvecs = [(iota16 + 16 * q) * PRW for q in range(VP // 16)]

        def strip_of(i):
            return s0 + i

        def issue_in(i, b):
            pltpu.async_copy(
                tabt_hbm.at[:, pl.ds(strip_of(i) * VP, VP)], sbuf.at[b],
                sem_i[b])

        def wait_in(i, b):
            pltpu.make_async_copy(
                tabt_hbm.at[:, pl.ds(strip_of(i) * VP, VP)], sbuf.at[b],
                sem_i[b]).wait()

        def issue_out(i, b):
            pltpu.async_copy(
                sd.at[b], out_hbm.at[pl.ds(strip_of(i) * (VP // 2), VP // 2),
                                     pl.ds(0, 2 * D)], sem_o[b])

        def wait_out(i, b):
            pltpu.make_async_copy(
                sd.at[b], out_hbm.at[pl.ds(strip_of(i) * (VP // 2), VP // 2),
                                     pl.ds(0, 2 * D)], sem_o[b]).wait()

        def transpose_strip(b, ncol):
            nq = ncol // 16

            def dbody(i, carry):
                for r in range(2):
                    d = i * 2 + r
                    vals = [sbuf[b, d, pl.ds(16 * q, 16)] for q in range(nq)]
                    for q in range(nq):
                        plsc.store_scatter(pfs[b], [vvecs[q] + d], vals[q])
                return carry

            lax.fori_loop(0, D // 2, dbody, 0)

            def rbody(i, carry):
                for r in range(2):
                    v = i * 2 + r
                    vals = [pfs[b][pl.ds(v * PRW + 16 * q, 16)]
                            for q in range(D // 16)]
                    for q in range(D // 16):
                        sd[b, v >> 1, pl.ds((v & 1) * D + 16 * q, 16)] = (
                            vals[q])
                return carry

            lax.fori_loop(0, ncol // 2, rbody, 0)

        for b in range(2):
            @pl.when(nstrip > b)
            def _():
                issue_in(b, b)

        def body(kk, carry):
            for b in range(2):
                i = 2 * kk + b

                @pl.when(i < nstrip)
                def _():
                    wait_in(i, b)

                    @pl.when(i >= 2)
                    def _():
                        wait_out(i - 2, b)

                    transpose_strip(b, VP)
                    issue_out(i, b)

                    @pl.when(i + 2 < nstrip)
                    def _():
                        issue_in(i + 2, b)
            return carry

        lax.fori_loop(0, (base_strips + 2) // 2, body, 0)

        for b in range(2):
            @pl.when(nstrip > b)
            def _():
                wait_out(nstrip - 2 + b, b)

        @pl.when(wid == NW - 1)
        def _():
            pltpu.sync_copy(tail_hbm, sd.at[0, pl.ds(0, 32), :])
            pltpu.sync_copy(sd.at[0, pl.ds(0, 32), :],
                            out_hbm.at[pl.ds(NSTRIP * (VP // 2), 32),
                                       pl.ds(0, 2 * D)])

    return prep_kernel


@functools.lru_cache(maxsize=None)
def _build():
    info = plsc.get_sparse_core_info()
    NC = info.num_cores
    NW = NC * info.num_subcores
    n_blocks = S * CPW
    mesh = plsc.VectorSubcoreMesh(core_axis_name="c", subcore_axis_name="s")

    @functools.partial(
        pl.kernel,
        mesh=mesh,
        out_type=jax.ShapeDtypeStruct((S, D, NB1), jnp.float32),
        compiler_params=pltpu.CompilerParams(use_tc_tiling_on_sc=True,
                                             needs_layout_passes=False),
        scratch_types=[
            pltpu.VMEM((S, CPW * BLK), jnp.int32),
            pltpu.VMEM((2, BLK), jnp.int32),
            pltpu.VMEM((2, BLK, BLK), jnp.float32),
            pltpu.VMEM((D * (BLK + 1),), jnp.float32),
            pltpu.VMEM((D * (BLK + 1),), jnp.float32),
            pltpu.VMEM((2, D, BLK), jnp.float32),
            pltpu.SemaphoreType.DMA,
            pltpu.SemaphoreType.DMA,
            pltpu.SemaphoreType.DMA,
            pltpu.SemaphoreType.DMA,
        ],
    )
    def gather_kernel(ids_hbm, tab_hbm, out_hbm, slab, pairs, block, stagf0,
                      stagf1, stag, sg0, sg1, sw0, sw1):
        stagfs = (stagf0, stagf1)
        sem_g = (sg0, sg1)
        sem_w = (sw0, sw1)
        wid = lax.axis_index("s") * NC + lax.axis_index("c")
        col0 = wid * (CPW * BLK)

        pltpu.sync_copy(ids_hbm.at[:, pl.ds(col0, CPW * BLK)], slab)

        iotas = [lax.iota(jnp.int32, 16) + 16 * g for g in range(8)]

        def compute_pairs(k, par):
            s = k >> 2
            off = (k & 3) * BLK
            for g in range(8):
                v = slab[s, pl.ds(off + 16 * g, 16)]
                pairs[par, pl.ds(16 * g, 16)] = v >> 1

        def issue_gather(par):
            pltpu.async_copy(tab_hbm.at[pairs.at[par]], block.at[par],
                             sem_g[par])

        def wait_gather(par):
            pltpu.make_async_copy(tab_hbm.at[pairs.at[par]], block.at[par],
                                  sem_g[par]).wait()

        def issue_write(k, par):
            s = k >> 2
            c = (k & 3) * BLK + col0
            pltpu.async_copy(stag.at[par],
                             out_hbm.at[s, :, pl.ds(c, BLK)], sem_w[par])

        def wait_write(k, par):
            s = k >> 2
            c = (k & 3) * BLK + col0
            pltpu.make_async_copy(stag.at[par],
                                  out_hbm.at[s, :, pl.ds(c, BLK)],
                                  sem_w[par]).wait()

        iota16 = lax.iota(jnp.int32, 16)
        RW = BLK + 1
        dvecs = [(iota16 + 16 * dd) * RW
                 for dd in range(D // 16)]
        nd = D // 16

        def transpose_block(k, par):
            s = k >> 2
            off = (k & 3) * BLK

            def tbody(g, carry):
                ids = slab[s, pl.ds(off + 16 * g, 16)]
                halves = (ids & 1) * D
                hs = [halves[j] for j in range(16)]
                t0 = 16 * g
                for j0 in range(0, 16, 2):
                    vals = [block[par, t0 + j0 + jj,
                                  pl.ds(hs[j0 + jj] + 16 * dd, 16)]
                            for jj in range(2) for dd in range(nd)]
                    for jj in range(2):
                        for dd in range(nd):
                            plsc.store_scatter(stagfs[par],
                                               [dvecs[dd] + (t0 + j0 + jj)],
                                               vals[jj * nd + dd])
                return carry

            lax.fori_loop(0, BLK // 16, tbody, 0)

            def rbody(i, carry):
                for r in range(4):
                    d = i * 4 + r
                    vs = [stagfs[par][pl.ds(d * RW + 16 * q, 16)]
                          for q in range(8)]
                    for q in range(8):
                        stag[par, d, pl.ds(16 * q, 16)] = vs[q]
                return carry

            lax.fori_loop(0, D // 4, rbody, 0)

        for par in range(2):
            compute_pairs(par, par)
            issue_gather(par)

        def body(kk, carry):
            for par in range(2):
                k = 2 * kk + par
                wait_gather(par)

                @pl.when(k >= 2)
                def _():
                    wait_write(k - 2, par)

                transpose_block(k, par)
                issue_write(k, par)

                @pl.when(k < n_blocks - 2)
                def _():
                    compute_pairs(k + 2, par)
                    issue_gather(par)
            return carry

        lax.fori_loop(0, n_blocks // 2, body, 0)

        for par in range(2):
            wait_write(n_blocks - 2 + par, par)

    return gather_kernel


def kernel(token_ids, embedding_matrix):
    ids_t = token_ids.T.astype(jnp.int32)
    tab_t = embedding_matrix.T
    tail = embedding_matrix[NSTRIP * VP:].reshape(32, 2 * D)
    tab2 = _build_prep()(tab_t, tail)
    out3 = _build()(ids_t, tab2)
    return jnp.transpose(out3, (2, 0, 1))

# --- scband reference (transcript-rebuilt; emitter-appended) ---
"""Pipeline reference for scband-embedding-49701361549424 (READ-ONLY COPY).

The authoritative reference and input builder live on the scoring server;
editing this copy changes nothing except your own understanding.
"""

import jax, jax.numpy as jnp
import numpy as np

NUM_EMBEDDINGS = 1000000
EMBEDDING_DIM = 64

def setup_inputs(seed: int = 0) -> dict:
    key = jax.random.key(seed)
    k1, k2 = jax.random.split(key)
    token_ids = jax.random.randint(k1, (16384, 50), 0, NUM_EMBEDDINGS, dtype=jnp.int64 if jax.config.jax_enable_x64 else jnp.int32)
    sigma = (2.0 / (NUM_EMBEDDINGS + EMBEDDING_DIM)) ** 0.5
    # truncated normal in [-3*sigma, 3*sigma]
    embedding_matrix = sigma * jax.random.truncated_normal(k2, -3.0, 3.0, (NUM_EMBEDDINGS, EMBEDDING_DIM), dtype=jnp.float32)
    return {"token_ids": token_ids, "embedding_matrix": embedding_matrix}

def reference(token_ids, embedding_matrix):
    # Faithful translation: embedding_matrix[token_ids]
    return jnp.take(embedding_matrix, token_ids, axis=0)

if __name__ == "__main__":
    import jax
    _d = setup_inputs()
    print(jax.jit(kernel)(*tuple(_d.values())))

</pallas_src>

<mosaic_0001>
#map = affine_map<(d0, d1) -> (0, 0)>
module attributes {stable_mosaic.version = 14 : i64} {
  func.func @prep_kernel(%arg0: i32, %arg1: i32, %arg2: memref<64x1000000xf32, #tpu.memory_space<hbm>>, %arg3: memref<32x128xf32, #tpu.memory_space<hbm>>, %arg4: memref<500000x128xf32, #tpu.memory_space<hbm>>, %arg5: memref<2x64x128xf32, #tpu.memory_space<vmem>>, %arg6: memref<8320xf32, #tpu.memory_space<vmem>>, %arg7: memref<8320xf32, #tpu.memory_space<vmem>>, %arg8: memref<2x64x128xf32, #tpu.memory_space<vmem>>, %arg9: memref<!tpu.dma_semaphore, #tpu.memory_space<semaphore_mem>>, %arg10: memref<!tpu.dma_semaphore, #tpu.memory_space<semaphore_mem>>, %arg11: memref<!tpu.dma_semaphore, #tpu.memory_space<semaphore_mem>>, %arg12: memref<!tpu.dma_semaphore, #tpu.memory_space<semaphore_mem>>) attributes {dimension_semantics = [#tpu.dimension_semantics<core_parallel>, #tpu.dimension_semantics<subcore_parallel>], iteration_bounds = array<i64: 2, 16>, scalar_prefetch = 0 : i64, scratch_operands = 8 : i64, tpu.core_type = #tpu.core_type<sc_vector_subcore>, window_params = [{transform_indices = #map}, {transform_indices = #map}, {transform_indices = #map}]} {
    %mul3A = arith.constant 2 : i32
    %mul3A_0 = arith.muli %arg1, %mul3A : i32
    %add3A = arith.addi %mul3A_0, %arg0 : i32
    %lt3A = arith.constant 4 : i32
    %lt3A_1 = arith.cmpi slt, %add3A, %lt3A : i32
    %jit3A = arith.constant 1 : i32
    %jit3A_2 = arith.constant 0 : i32
    %select_n3A = arith.select %lt3A_1, %jit3A, %jit3A_2 : i32
    %add3A_3 = arith.constant 244 : i32
    %add3A_4 = arith.addi %add3A_3, %select_n3A : i32
    %mul3A_5 = arith.constant 244 : i32
    %mul3A_6 = arith.muli %add3A, %mul3A_5 : i32
    %min3A = arith.constant 4 : i32
    %min3A_7 = arith.minsi %add3A, %min3A : i32
    %add3A_8 = arith.addi %mul3A_6, %min3A_7 : i32
    %iota3A = tpu.iota {dimensions = array<i32: 0>} : vector<16xi32>
    %add3A_9 = arith.constant 0 : i32
    %add3A_10 = vector.broadcast %add3A_9 : i32 to vector<16xi32>
    %add3A_11 = arith.addi %iota3A, %add3A_10 : vector<16xi32>
    %mul3A_12 = arith.constant 65 : i32
    %mul3A_13 = vector.broadcast %mul3A_12 : i32 to vector<16xi32>
    %mul3A_14 = arith.muli %add3A_11, %mul3A_13 : vector<16xi32>
    %add3A_15 = arith.constant 16 : i32
    %add3A_16 = vector.broadcast %add3A_15 : i32 to vector<16xi32>
    %add3A_17 = arith.addi %iota3A, %add3A_16 : vector<16xi32>
    %mul3A_18 = arith.constant 65 : i32
    %mul3A_19 = vector.broadcast %mul3A_18 : i32 to vector<16xi32>
    %mul3A_20 = arith.muli %add3A_17, %mul3A_19 : vector<16xi32>
    %add3A_21 = arith.constant 32 : i32
    %add3A_22 = vector.broadcast %add3A_21 : i32 to vector<16xi32>
    %add3A_23 = arith.addi %iota3A, %add3A_22 : vector<16xi32>
    %mul3A_24 = arith.constant 65 : i32
    %mul3A_25 = vector.broadcast %mul3A_24 : i32 to vector<16xi32>
    %mul3A_26 = arith.muli %add3A_23, %mul3A_25 : vector<16xi32>
    %add3A_27 = arith.constant 48 : i32
    %add3A_28 = vector.broadcast %add3A_27 : i32 to vector<16xi32>
    %add3A_29 = arith.addi %iota3A, %add3A_28 : vector<16xi32>
    %mul3A_30 = arith.constant 65 : i32
    %mul3A_31 = vector.broadcast %mul3A_30 : i32 to vector<16xi32>
    %mul3A_32 = arith.muli %add3A_29, %mul3A_31 : vector<16xi32>
    %add3A_33 = arith.constant 64 : i32
    %add3A_34 = vector.broadcast %add3A_33 : i32 to vector<16xi32>
    %add3A_35 = arith.addi %iota3A, %add3A_34 : vector<16xi32>
    %mul3A_36 = arith.constant 65 : i32
    %mul3A_37 = vector.broadcast %mul3A_36 : i32 to vector<16xi32>
    %mul3A_38 = arith.muli %add3A_35, %mul3A_37 : vector<16xi32>
    %add3A_39 = arith.constant 80 : i32
    %add3A_40 = vector.broadcast %add3A_39 : i32 to vector<16xi32>
    %add3A_41 = arith.addi %iota3A, %add3A_40 : vector<16xi32>
    %mul3A_42 = arith.constant 65 : i32
    %mul3A_43 = vector.broadcast %mul3A_42 : i32 to vector<16xi32>
    %mul3A_44 = arith.muli %add3A_41, %mul3A_43 : vector<16xi32>
    %add3A_45 = arith.constant 96 : i32
    %add3A_46 = vector.broadcast %add3A_45 : i32 to vector<16xi32>
    %add3A_47 = arith.addi %iota3A, %add3A_46 : vector<16xi32>
    %mul3A_48 = arith.constant 65 : i32
    %mul3A_49 = vector.broadcast %mul3A_48 : i32 to vector<16xi32>
    %mul3A_50 = arith.muli %add3A_47, %mul3A_49 : vector<16xi32>
    %add3A_51 = arith.constant 112 : i32
    %add3A_52 = vector.broadcast %add3A_51 : i32 to vector<16xi32>
    %add3A_53 = arith.addi %iota3A, %add3A_52 : vector<16xi32>
    %mul3A_54 = arith.constant 65 : i32
    %mul3A_55 = vector.broadcast %mul3A_54 : i32 to vector<16xi32>
    %mul3A_56 = arith.muli %add3A_53, %mul3A_55 : vector<16xi32>
    %gt3A = arith.constant 0 : i32
    %gt3A_57 = arith.cmpi sgt, %add3A_4, %gt3A : i32
    %convert_element_type3A = arith.extui %gt3A_57 : i1 to i32
    %cond3A = arith.constant 0 : i32
    %cond3A_58 = arith.cmpi ne, %convert_element_type3A, %cond3A : i32
    scf.if %cond3A_58 {
      %add3A_83 = arith.constant 0 : i32
      %add3A_84 = arith.addi %add3A_8, %add3A_83 : i32
      %mul3A_85 = arith.constant 128 : i32
      %mul3A_86 = arith.muli %add3A_84, %mul3A_85 : i32
      %dma_start3A = arith.constant 0 : i32
      %dma_start3A_87 = arith.constant 0 : i32
      %dma_start3A_88 = arith.constant 0 : i32
      %dma_start3A_89 = tpu.memref_slice %arg5[%dma_start3A, %dma_start3A_87, %dma_start3A_88] : memref<2x64x128xf32, #tpu.memory_space<vmem>> -> memref<1x64x128xf32, #tpu.memory_space<vmem>>
      %dma_start3A_90 = tpu.memref_squeeze %dma_start3A_89 : memref<1x64x128xf32, #tpu.memory_space<vmem>> -> memref<64x128xf32, #tpu.memory_space<vmem>>
      %dma_start3A_91 = arith.constant 0 : i32
      %dma_start3A_92 = tpu.memref_slice %arg2[%dma_start3A_91, %mul3A_86] : memref<64x1000000xf32, #tpu.memory_space<hbm>> -> memref<64x128xf32, #tpu.memory_space<hbm>>
      %dma_start3A_93 = arith.constant 0 : i32
      %dma_start3A_94 = arith.constant 0 : i32
      %dma_start3A_95 = tpu.memref_slice %arg5[%dma_start3A, %dma_start3A_93, %dma_start3A_94] : memref<2x64x128xf32, #tpu.memory_space<vmem>> -> memref<1x64x128xf32, #tpu.memory_space<vmem>>
      %dma_start3A_96 = tpu.memref_squeeze %dma_start3A_95 : memref<1x64x128xf32, #tpu.memory_space<vmem>> -> memref<64x128xf32, #tpu.memory_space<vmem>>
      %dma_start3A_97 = arith.constant 0 : i32
      %dma_start3A_98 = tpu.memref_slice %arg2[%dma_start3A_97, %mul3A_86] : memref<64x1000000xf32, #tpu.memory_space<hbm>> -> memref<64x128xf32, #tpu.memory_space<hbm>>
      tpu.enqueue_dma source(%dma_start3A_98 : memref<64x128xf32, #tpu.memory_space<hbm>>) target(%dma_start3A_96 : memref<64x128xf32, #tpu.memory_space<vmem>>) target_semaphore(%arg9 : memref<!tpu.dma_semaphore, #tpu.memory_space<semaphore_mem>>)
    } else {
    }
    %gt3A_59 = arith.constant 1 : i32
    %gt3A_60 = arith.cmpi sgt, %add3A_4, %gt3A_59 : i32
    %convert_element_type3A_61 = arith.extui %gt3A_60 : i1 to i32
    %cond3A_62 = arith.constant 0 : i32
    %cond3A_63 = arith.cmpi ne, %convert_element_type3A_61, %cond3A_62 : i32
    scf.if %cond3A_63 {
      %add3A_83 = arith.constant 1 : i32
      %add3A_84 = arith.addi %add3A_8, %add3A_83 : i32
      %mul3A_85 = arith.constant 128 : i32
      %mul3A_86 = arith.muli %add3A_84, %mul3A_85 : i32
      %dma_start3A = arith.constant 1 : i32
      %dma_start3A_87 = arith.constant 0 : i32
      %dma_start3A_88 = arith.constant 0 : i32
      %dma_start3A_89 = tpu.memref_slice %arg5[%dma_start3A, %dma_start3A_87, %dma_start3A_88] : memref<2x64x128xf32, #tpu.memory_space<vmem>> -> memref<1x64x128xf32, #tpu.memory_space<vmem>>
      %dma_start3A_90 = tpu.memref_squeeze %dma_start3A_89 : memref<1x64x128xf32, #tpu.memory_space<vmem>> -> memref<64x128xf32, #tpu.memory_space<vmem>>
      %dma_start3A_91 = arith.constant 0 : i32
      %dma_start3A_92 = tpu.memref_slice %arg2[%dma_start3A_91, %mul3A_86] : memref<64x1000000xf32, #tpu.memory_space<hbm>> -> memref<64x128xf32, #tpu.memory_space<hbm>>
      %dma_start3A_93 = arith.constant 0 : i32
      %dma_start3A_94 = arith.constant 0 : i32
      %dma_start3A_95 = tpu.memref_slice %arg5[%dma_start3A, %dma_start3A_93, %dma_start3A_94] : memref<2x64x128xf32, #tpu.memory_space<vmem>> -> memref<1x64x128xf32, #tpu.memory_space<vmem>>
      %dma_start3A_96 = tpu.memref_squeeze %dma_start3A_95 : memref<1x64x128xf32, #tpu.memory_space<vmem>> -> memref<64x128xf32, #tpu.memory_space<vmem>>
      %dma_start3A_97 = arith.constant 0 : i32
      %dma_start3A_98 = tpu.memref_slice %arg2[%dma_start3A_97, %mul3A_86] : memref<64x1000000xf32, #tpu.memory_space<hbm>> -> memref<64x128xf32, #tpu.memory_space<hbm>>
      tpu.enqueue_dma source(%dma_start3A_98 : memref<64x128xf32, #tpu.memory_space<hbm>>) target(%dma_start3A_96 : memref<64x128xf32, #tpu.memory_space<vmem>>) target_semaphore(%arg10 : memref<!tpu.dma_semaphore, #tpu.memory_space<semaphore_mem>>)
    } else {
    }
    %scan3A = arith.constant 0 : i32
    %scan3A_64 = arith.constant 0 : i32
    %scan3A_65 = arith.constant 123 : i32
    %scan3A_66 = arith.addi %scan3A_64, %scan3A_65 : i32
    %scan3A_67 = arith.constant 1 : i32
    scf.for %scan3A_83 = %scan3A_64 to %scan3A_66 step %scan3A_67  : i32 {
      %mul3A_84 = arith.constant 2 : i32
      %mul3A_85 = arith.muli %mul3A_84, %scan3A_83 : i32
      %add3A_86 = arith.constant 0 : i32
      %add3A_87 = arith.addi %mul3A_85, %add3A_86 : i32
      %lt3A_88 = arith.cmpi slt, %add3A_87, %add3A_4 : i32
      %convert_element_type3A_89 = arith.extui %lt3A_88 : i1 to i32
      %cond3A_90 = arith.constant 0 : i32
      %cond3A_91 = arith.cmpi ne, %convert_element_type3A_89, %cond3A_90 : i32
      scf.if %cond3A_91 {
        %add3A_100 = arith.addi %add3A_8, %add3A_87 : i32
        %mul3A_101 = arith.constant 128 : i32
        %mul3A_102 = arith.muli %add3A_100, %mul3A_101 : i32
        %dma_wait3A = arith.constant 0 : i32
        %dma_wait3A_103 = arith.constant 0 : i32
        %dma_wait3A_104 = arith.constant 0 : i32
        %dma_wait3A_105 = tpu.memref_slice %arg5[%dma_wait3A, %dma_wait3A_103, %dma_wait3A_104] : memref<2x64x128xf32, #tpu.memory_space<vmem>> -> memref<1x64x128xf32, #tpu.memory_space<vmem>>
        %dma_wait3A_106 = tpu.memref_squeeze %dma_wait3A_105 : memref<1x64x128xf32, #tpu.memory_space<vmem>> -> memref<64x128xf32, #tpu.memory_space<vmem>>
        %dma_wait3A_107 = arith.constant 0 : i32
        %dma_wait3A_108 = tpu.memref_slice %arg2[%dma_wait3A_107, %mul3A_102] : memref<64x1000000xf32, #tpu.memory_space<hbm>> -> memref<64x128xf32, #tpu.memory_space<hbm>>
        %dma_wait3A_109 = arith.constant 0 : i32
        %dma_wait3A_110 = arith.constant 0 : i32
        %dma_wait3A_111 = tpu.memref_slice %arg5[%dma_wait3A, %dma_wait3A_109, %dma_wait3A_110] : memref<2x64x128xf32, #tpu.memory_space<vmem>> -> memref<1x64x128xf32, #tpu.memory_space<vmem>>
        %dma_wait3A_112 = tpu.memref_squeeze %dma_wait3A_111 : memref<1x64x128xf32, #tpu.memory_space<vmem>> -> memref<64x128xf32, #tpu.memory_space<vmem>>
        %dma_wait3A_113 = arith.constant 0 : i32
        %dma_wait3A_114 = tpu.memref_slice %arg2[%dma_wait3A_113, %mul3A_102] : memref<64x1000000xf32, #tpu.memory_space<hbm>> -> memref<64x128xf32, #tpu.memory_space<hbm>>
        tpu.wait_dma2 semaphore(%arg9 : memref<!tpu.dma_semaphore, #tpu.memory_space<semaphore_mem>>) src(%dma_wait3A_114 : memref<64x128xf32, #tpu.memory_space<hbm>>) dst(%dma_wait3A_112 : memref<64x128xf32, #tpu.memory_space<vmem>>)
        %ge3A = arith.constant 2 : i32
        %ge3A_115 = arith.cmpi sge, %add3A_87, %ge3A : i32
        %convert_element_type3A_116 = arith.extui %ge3A_115 : i1 to i32
        %cond3A_117 = arith.constant 0 : i32
        %cond3A_118 = arith.cmpi ne, %convert_element_type3A_116, %cond3A_117 : i32
        scf.if %cond3A_118 {
          %sub3A = arith.constant 2 : i32
          %sub3A_152 = arith.subi %add3A_87, %sub3A : i32
          %add3A_153 = arith.addi %add3A_8, %sub3A_152 : i32
          %mul3A_154 = arith.constant 64 : i32
          %mul3A_155 = arith.muli %add3A_153, %mul3A_154 : i32
          %dma_wait3A_156 = arith.constant 0 : i32
          %dma_wait3A_157 = arith.constant 0 : i32
          %dma_wait3A_158 = arith.constant 0 : i32
          %dma_wait3A_159 = tpu.memref_slice %arg8[%dma_wait3A_156, %dma_wait3A_157, %dma_wait3A_158] : memref<2x64x128xf32, #tpu.memory_space<vmem>> -> memref<1x64x128xf32, #tpu.memory_space<vmem>>
          %dma_wait3A_160 = tpu.memref_squeeze %dma_wait3A_159 : memref<1x64x128xf32, #tpu.memory_space<vmem>> -> memref<64x128xf32, #tpu.memory_space<vmem>>
          %dma_wait3A_161 = arith.constant 0 : i32
          %dma_wait3A_162 = tpu.memref_slice %arg4[%mul3A_155, %dma_wait3A_161] : memref<500000x128xf32, #tpu.memory_space<hbm>> -> memref<64x128xf32, #tpu.memory_space<hbm>>
          %dma_wait3A_163 = arith.constant 0 : i32
          %dma_wait3A_164 = tpu.memref_slice %arg4[%mul3A_155, %dma_wait3A_163] : memref<500000x128xf32, #tpu.memory_space<hbm>> -> memref<64x128xf32, #tpu.memory_space<hbm>>
          %dma_wait3A_165 = arith.constant 0 : i32
          %dma_wait3A_166 = arith.constant 0 : i32
          %dma_wait3A_167 = tpu.memref_slice %arg8[%dma_wait3A_156, %dma_wait3A_165, %dma_wait3A_166] : memref<2x64x128xf32, #tpu.memory_space<vmem>> -> memref<1x64x128xf32, #tpu.memory_space<vmem>>
          %dma_wait3A_168 = tpu.memref_squeeze %dma_wait3A_167 : memref<1x64x128xf32, #tpu.memory_space<vmem>> -> memref<64x128xf32, #tpu.memory_space<vmem>>
          tpu.wait_dma2 semaphore(%arg11 : memref<!tpu.dma_semaphore, #tpu.memory_space<semaphore_mem>>) src(%dma_wait3A_168 : memref<64x128xf32, #tpu.memory_space<vmem>>) dst(%dma_wait3A_164 : memref<64x128xf32, #tpu.memory_space<hbm>>)
        } else {
        }
        %scan3A_119 = arith.constant 0 : i32
        %scan3A_120 = arith.constant 0 : i32
        %scan3A_121 = arith.constant 32 : i32
        %scan3A_122 = arith.addi %scan3A_120, %scan3A_121 : i32
        %scan3A_123 = arith.constant 1 : i32
        scf.for %scan3A_152 = %scan3A_120 to %scan3A_122 step %scan3A_123  : i32 {
          %mul3A_153 = arith.constant 2 : i32
          %mul3A_154 = arith.muli %scan3A_152, %mul3A_153 : i32
          %add3A_155 = arith.constant 0 : i32
          %add3A_156 = arith.addi %mul3A_154, %add3A_155 : i32
          %get3A = arith.constant 0 : i32
          %get3A_157 = arith.index_cast %get3A : i32 to index
          %get3A_158 = arith.index_cast %add3A_156 : i32 to index
          %get3A_159 = arith.constant 0 : index
          %get3A_160 = tpu.vector_load %arg5[%get3A_157, %get3A_158, %get3A_159] {strides = array<i32>} : memref<2x64x128xf32, #tpu.memory_space<vmem>>, vector<16xf32>,
          %get3A_161 = arith.constant 0 : i32
          %get3A_162 = arith.index_cast %get3A_161 : i32 to index
          %get3A_163 = arith.index_cast %add3A_156 : i32 to index
          %get3A_164 = arith.constant 16 : index
          %get3A_165 = tpu.vector_load %arg5[%get3A_162, %get3A_163, %get3A_164] {strides = array<i32>} : memref<2x64x128xf32, #tpu.memory_space<vmem>>, vector<16xf32>,
          %get3A_166 = arith.constant 0 : i32
          %get3A_167 = arith.index_cast %get3A_166 : i32 to index
          %get3A_168 = arith.index_cast %add3A_156 : i32 to index
          %get3A_169 = arith.constant 32 : index
          %get3A_170 = tpu.vector_load %arg5[%get3A_167, %get3A_168, %get3A_169] {strides = array<i32>} : memref<2x64x128xf32, #tpu.memory_space<vmem>>, vector<16xf32>,
          %get3A_171 = arith.constant 0 : i32
          %get3A_172 = arith.index_cast %get3A_171 : i32 to index
          %get3A_173 = arith.index_cast %add3A_156 : i32 to index
          %get3A_174 = arith.constant 48 : index
          %get3A_175 = tpu.vector_load %arg5[%get3A_172, %get3A_173, %get3A_174] {strides = array<i32>} : memref<2x64x128xf32, #tpu.memory_space<vmem>>, vector<16xf32>,
          %get3A_176 = arith.constant 0 : i32
          %get3A_177 = arith.index_cast %get3A_176 : i32 to index
          %get3A_178 = arith.index_cast %add3A_156 : i32 to index
          %get3A_179 = arith.constant 64 : index
          %get3A_180 = tpu.vector_load %arg5[%get3A_177, %get3A_178, %get3A_179] {strides = array<i32>} : memref<2x64x128xf32, #tpu.memory_space<vmem>>, vector<16xf32>,
          %get3A_181 = arith.constant 0 : i32
          %get3A_182 = arith.index_cast %get3A_181 : i32 to index
          %get3A_183 = arith.index_cast %add3A_156 : i32 to index
          %get3A_184 = arith.constant 80 : index
          %get3A_185 = tpu.vector_load %arg5[%get3A_182, %get3A_183, %get3A_184] {strides = array<i32>} : memref<2x64x128xf32, #tpu.memory_space<vmem>>, vector<16xf32>,
          %get3A_186 = arith.constant 0 : i32
          %get3A_187 = arith.index_cast %get3A_186 : i32 to index
          %get3A_188 = arith.index_cast %add3A_156 : i32 to index
          %get3A_189 = arith.constant 96 : index
          %get3A_190 = tpu.vector_load %arg5[%get3A_187, %get3A_188, %get3A_189] {strides = array<i32>} : memref<2x64x128xf32, #tpu.memory_space<vmem>>, vector<16xf32>,
          %get3A_191 = arith.constant 0 : i32
          %get3A_192 = arith.index_cast %get3A_191 : i32 to index
          %get3A_193 = arith.index_cast %add3A_156 : i32 to index
          %get3A_194 = arith.constant 112 : index
          %get3A_195 = tpu.vector_load %arg5[%get3A_192, %get3A_193, %get3A_194] {strides = array<i32>} : memref<2x64x128xf32, #tpu.memory_space<vmem>>, vector<16xf32>,
          %add3A_196 = vector.broadcast %add3A_156 : i32 to vector<16xi32>
          %add3A_197 = arith.addi %mul3A_14, %add3A_196 : vector<16xi32>
          tpu.vector_store_idx %arg6[%add3A_197], %get3A_160 : memref<8320xf32, #tpu.memory_space<vmem>>[vector<16xi32>], vector<16xf32>,
          %add3A_198 = vector.broadcast %add3A_156 : i32 to vector<16xi32>
          %add3A_199 = arith.addi %mul3A_20, %add3A_198 : vector<16xi32>
          tpu.vector_store_idx %arg6[%add3A_199], %get3A_165 : memref<8320xf32, #tpu.memory_space<vmem>>[vector<16xi32>], vector<16xf32>,
          %add3A_200 = vector.broadcast %add3A_156 : i32 to vector<16xi32>
          %add3A_201 = arith.addi %mul3A_26, %add3A_200 : vector<16xi32>
          tpu.vector_store_idx %arg6[%add3A_201], %get3A_170 : memref<8320xf32, #tpu.memory_space<vmem>>[vector<16xi32>], vector<16xf32>,
          %add3A_202 = vector.broadcast %add3A_156 : i32 to vector<16xi32>
          %add3A_203 = arith.addi %mul3A_32, %add3A_202 : vector<16xi32>
          tpu.vector_store_idx %arg6[%add3A_203], %get3A_175 : memref<8320xf32, #tpu.memory_space<vmem>>[vector<16xi32>], vector<16xf32>,
          %add3A_204 = vector.broadcast %add3A_156 : i32 to vector<16xi32>
          %add3A_205 = arith.addi %mul3A_38, %add3A_204 : vector<16xi32>
          tpu.vector_store_idx %arg6[%add3A_205], %get3A_180 : memref<8320xf32, #tpu.memory_space<vmem>>[vector<16xi32>], vector<16xf32>,
          %add3A_206 = vector.broadcast %add3A_156 : i32 to vector<16xi32>
          %add3A_207 = arith.addi %mul3A_44, %add3A_206 : vector<16xi32>
          tpu.vector_store_idx %arg6[%add3A_207], %get3A_185 : memref<8320xf32, #tpu.memory_space<vmem>>[vector<16xi32>], vector<16xf32>,
          %add3A_208 = vector.broadcast %add3A_156 : i32 to vector<16xi32>
          %add3A_209 = arith.addi %mul3A_50, %add3A_208 : vector<16xi32>
          tpu.vector_store_idx %arg6[%add3A_209], %get3A_190 : memref<8320xf32, #tpu.memory_space<vmem>>[vector<16xi32>], vector<16xf32>,
          %add3A_210 = vector.broadcast %add3A_156 : i32 to vector<16xi32>
          %add3A_211 = arith.addi %mul3A_56, %add3A_210 : vector<16xi32>
          tpu.vector_store_idx %arg6[%add3A_211], %get3A_195 : memref<8320xf32, #tpu.memory_space<vmem>>[vector<16xi32>], vector<16xf32>,
          %mul3A_212 = arith.constant 2 : i32
          %mul3A_213 = arith.muli %scan3A_152, %mul3A_212 : i32
          %add3A_214 = arith.constant 1 : i32
          %add3A_215 = arith.addi %mul3A_213, %add3A_214 : i32
          %get3A_216 = arith.constant 0 : i32
          %get3A_217 = arith.index_cast %get3A_216 : i32 to index
          %get3A_218 = arith.index_cast %add3A_215 : i32 to index
          %get3A_219 = arith.constant 0 : index
          %get3A_220 = tpu.vector_load %arg5[%get3A_217, %get3A_218, %get3A_219] {strides = array<i32>} : memref<2x64x128xf32, #tpu.memory_space<vmem>>, vector<16xf32>,
          %get3A_221 = arith.constant 0 : i32
          %get3A_222 = arith.index_cast %get3A_221 : i32 to index
          %get3A_223 = arith.index_cast %add3A_215 : i32 to index
          %get3A_224 = arith.constant 16 : index
          %get3A_225 = tpu.vector_load %arg5[%get3A_222, %get3A_223, %get3A_224] {strides = array<i32>} : memref<2x64x128xf32, #tpu.memory_space<vmem>>, vector<16xf32>,
          %get3A_226 = arith.constant 0 : i32
          %get3A_227 = arith.index_cast %get3A_226 : i32 to index
          %get3A_228 = arith.index_cast %add3A_215 : i32 to index
          %get3A_229 = arith.constant 32 : index
          %get3A_230 = tpu.vector_load %arg5[%get3A_227, %get3A_228, %get3A_229] {strides = array<i32>} : memref<2x64x128xf32, #tpu.memory_space<vmem>>, vector<16xf32>,
          %get3A_231 = arith.constant 0 : i32
          %get3A_232 = arith.index_cast %get3A_231 : i32 to index
          %get3A_233 = arith.index_cast %add3A_215 : i32 to index
          %get3A_234 = arith.constant 48 : index
          %get3A_235 = tpu.vector_load %arg5[%get3A_232, %get3A_233, %get3A_234] {strides = array<i32>} : memref<2x64x128xf32, #tpu.memory_space<vmem>>, vector<16xf32>,
          %get3A_236 = arith.constant 0 : i32
          %get3A_237 = arith.index_cast %get3A_236 : i32 to index
          %get3A_238 = arith.index_cast %add3A_215 : i32 to index
          %get3A_239 = arith.constant 64 : index
          %get3A_240 = tpu.vector_load %arg5[%get3A_237, %get3A_238, %get3A_239] {strides = array<i32>} : memref<2x64x128xf32, #tpu.memory_space<vmem>>, vector<16xf32>,
          %get3A_241 = arith.constant 0 : i32
          %get3A_242 = arith.index_cast %get3A_241 : i32 to index
          %get3A_243 = arith.index_cast %add3A_215 : i32 to index
          %get3A_244 = arith.constant 80 : index
          %get3A_245 = tpu.vector_load %arg5[%get3A_242, %get3A_243, %get3A_244] {strides = array<i32>} : memref<2x64x128xf32, #tpu.memory_space<vmem>>, vector<16xf32>,
          %get3A_246 = arith.constant 0 : i32
          %get3A_247 = arith.index_cast %get3A_246 : i32 to index
          %get3A_248 = arith.index_cast %add3A_215 : i32 to index
          %get3A_249 = arith.constant 96 : index
          %get3A_250 = tpu.vector_load %arg5[%get3A_247, %get3A_248, %get3A_249] {strides = array<i32>} : memref<2x64x128xf32, #tpu.memory_space<vmem>>, vector<16xf32>,
          %get3A_251 = arith.constant 0 : i32
          %get3A_252 = arith.index_cast %get3A_251 : i32 to index
          %get3A_253 = arith.index_cast %add3A_215 : i32 to index
          %get3A_254 = arith.constant 112 : index
          %get3A_255 = tpu.vector_load %arg5[%get3A_252, %get3A_253, %get3A_254] {strides = array<i32>} : memref<2x64x128xf32, #tpu.memory_space<vmem>>, vector<16xf32>,
          %add3A_256 = vector.broadcast %add3A_215 : i32 to vector<16xi32>
          %add3A_257 = arith.addi %mul3A_14, %add3A_256 : vector<16xi32>
          tpu.vector_store_idx %arg6[%add3A_257], %get3A_220 : memref<8320xf32, #tpu.memory_space<vmem>>[vector<16xi32>], vector<16xf32>,
          %add3A_258 = vector.broadcast %add3A_215 : i32 to vector<16xi32>
          %add3A_259 = arith.addi %mul3A_20, %add3A_258 : vector<16xi32>
          tpu.vector_store_idx %arg6[%add3A_259], %get3A_225 : memref<8320xf32, #tpu.memory_space<vmem>>[vector<16xi32>], vector<16xf32>,
          %add3A_260 = vector.broadcast %add3A_215 : i32 to vector<16xi32>
          %add3A_261 = arith.addi %mul3A_26, %add3A_260 : vector<16xi32>
          tpu.vector_store_idx %arg6[%add3A_261], %get3A_230 : memref<8320xf32, #tpu.memory_space<vmem>>[vector<16xi32>], vector<16xf32>,
          %add3A_262 = vector.broadcast %add3A_215 : i32 to vector<16xi32>
          %add3A_263 = arith.addi %mul3A_32, %add3A_262 : vector<16xi32>
          tpu.vector_store_idx %arg6[%add3A_263], %get3A_235 : memref<8320xf32, #tpu.memory_space<vmem>>[vector<16xi32>], vector<16xf32>,
          %add3A_264 = vector.broadcast %add3A_215 : i32 to vector<16xi32>
          %add3A_265 = arith.addi %mul3A_38, %add3A_264 : vector<16xi32>
          tpu.vector_store_idx %arg6[%add3A_265], %get3A_240 : memref<8320xf32, #tpu.memory_space<vmem>>[vector<16xi32>], vector<16xf32>,
          %add3A_266 = vector.broadcast %add3A_215 : i32 to vector<16xi32>
          %add3A_267 = arith.addi %mul3A_44, %add3A_266 : vector<16xi32>
          tpu.vector_store_idx %arg6[%add3A_267], %get3A_245 : memref<8320xf32, #tpu.memory_space<vmem>>[vector<16xi32>], vector<16xf32>,
          %add3A_268 = vector.broadcast %add3A_215 : i32 to vector<16xi32>
          %add3A_269 = arith.addi %mul3A_50, %add3A_268 : vector<16xi32>
          tpu.vector_store_idx %arg6[%add3A_269], %get3A_250 : memref<8320xf32, #tpu.memory_space<vmem>>[vector<16xi32>], vector<16xf32>,
          %add3A_270 = vector.broadcast %add3A_215 : i32 to vector<16xi32>
          %add3A_271 = arith.addi %mul3A_56, %add3A_270 : vector<16xi32>
          tpu.vector_store_idx %arg6[%add3A_271], %get3A_255 : memref<8320xf32, #tpu.memory_space<vmem>>[vector<16xi32>], vector<16xf32>,
        }
        %scan3A_124 = arith.constant 32 : i32
        %scan3A_125 = arith.constant 0 : i32
        %scan3A_126 = arith.constant 0 : i32
        %scan3A_127 = arith.constant 64 : i32
        %scan3A_128 = arith.addi %scan3A_126, %scan3A_127 : i32
        %scan3A_129 = arith.constant 1 : i32
        scf.for %scan3A_152 = %scan3A_126 to %scan3A_128 step %scan3A_129  : i32 {
          %mul3A_153 = arith.constant 2 : i32
          %mul3A_154 = arith.muli %scan3A_152, %mul3A_153 : i32
          %add3A_155 = arith.constant 0 : i32
          %add3A_156 = arith.addi %mul3A_154, %add3A_155 : i32
          %mul3A_157 = arith.constant 65 : i32
          %mul3A_158 = arith.muli %add3A_156, %mul3A_157 : i32
          %add3A_159 = arith.constant 0 : i32
          %add3A_160 = arith.addi %mul3A_158, %add3A_159 : i32
          %get3A = arith.index_cast %add3A_160 : i32 to index
          %get3A_161 = tpu.vector_load %arg6[%get3A] {strides = array<i32>} : memref<8320xf32, #tpu.memory_space<vmem>>, vector<16xf32>,
          %mul3A_162 = arith.constant 65 : i32
          %mul3A_163 = arith.muli %add3A_156, %mul3A_162 : i32
          %add3A_164 = arith.constant 16 : i32
          %add3A_165 = arith.addi %mul3A_163, %add3A_164 : i32
          %get3A_166 = arith.index_cast %add3A_165 : i32 to index
          %get3A_167 = tpu.vector_load %arg6[%get3A_166] {strides = array<i32>} : memref<8320xf32, #tpu.memory_space<vmem>>, vector<16xf32>,
          %mul3A_168 = arith.constant 65 : i32
          %mul3A_169 = arith.muli %add3A_156, %mul3A_168 : i32
          %add3A_170 = arith.constant 32 : i32
          %add3A_171 = arith.addi %mul3A_169, %add3A_170 : i32
          %get3A_172 = arith.index_cast %add3A_171 : i32 to index
          %get3A_173 = tpu.vector_load %arg6[%get3A_172] {strides = array<i32>} : memref<8320xf32, #tpu.memory_space<vmem>>, vector<16xf32>,
          %mul3A_174 = arith.constant 65 : i32
          %mul3A_175 = arith.muli %add3A_156, %mul3A_174 : i32
          %add3A_176 = arith.constant 48 : i32
          %add3A_177 = arith.addi %mul3A_175, %add3A_176 : i32
          %get3A_178 = arith.index_cast %add3A_177 : i32 to index
          %get3A_179 = tpu.vector_load %arg6[%get3A_178] {strides = array<i32>} : memref<8320xf32, #tpu.memory_space<vmem>>, vector<16xf32>,
          %shift_right_arithmetic3A = arith.constant 1 : i32
          %shift_right_arithmetic3A_180 = arith.shrsi %add3A_156, %shift_right_arithmetic3A : i32
          %and3A = arith.constant 1 : i32
          %and3A_181 = arith.andi %add3A_156, %and3A : i32
          %mul3A_182 = arith.constant 64 : i32
          %mul3A_183 = arith.muli %and3A_181, %mul3A_182 : i32
          %add3A_184 = arith.constant 0 : i32
          %add3A_185 = arith.addi %mul3A_183, %add3A_184 : i32
          %swap3A = arith.constant 0 : i32
          %swap3A_186 = arith.index_cast %swap3A : i32 to index
          %swap3A_187 = arith.index_cast %shift_right_arithmetic3A_180 : i32 to index
          %swap3A_188 = arith.index_cast %add3A_185 : i32 to index
          %swap3A_189 = tpu.vector_load %arg8[%swap3A_186, %swap3A_187, %swap3A_188] {strides = array<i32>} : memref<2x64x128xf32, #tpu.memory_space<vmem>>, vector<16xf32>,
          tpu.vector_store %arg8[%swap3A_186, %swap3A_187, %swap3A_188], %get3A_161 {strides = array<i32>} : memref<2x64x128xf32, #tpu.memory_space<vmem>>, vector<16xf32>,
          %shift_right_arithmetic3A_190 = arith.constant 1 : i32
          %shift_right_arithmetic3A_191 = arith.shrsi %add3A_156, %shift_right_arithmetic3A_190 : i32
          %and3A_192 = arith.constant 1 : i32
          %and3A_193 = arith.andi %add3A_156, %and3A_192 : i32
          %mul3A_194 = arith.constant 64 : i32
          %mul3A_195 = arith.muli %and3A_193, %mul3A_194 : i32
          %add3A_196 = arith.constant 16 : i32
          %add3A_197 = arith.addi %mul3A_195, %add3A_196 : i32
          %swap3A_198 = arith.constant 0 : i32
          %swap3A_199 = arith.index_cast %swap3A_198 : i32 to index
          %swap3A_200 = arith.index_cast %shift_right_arithmetic3A_191 : i32 to index
          %swap3A_201 = arith.index_cast %add3A_197 : i32 to index
          %swap3A_202 = tpu.vector_load %arg8[%swap3A_199, %swap3A_200, %swap3A_201] {strides = array<i32>} : memref<2x64x128xf32, #tpu.memory_space<vmem>>, vector<16xf32>,
          tpu.vector_store %arg8[%swap3A_199, %swap3A_200, %swap3A_201], %get3A_167 {strides = array<i32>} : memref<2x64x128xf32, #tpu.memory_space<vmem>>, vector<16xf32>,
          %shift_right_arithmetic3A_203 = arith.constant 1 : i32
          %shift_right_arithmetic3A_204 = arith.shrsi %add3A_156, %shift_right_arithmetic3A_203 : i32
          %and3A_205 = arith.constant 1 : i32
          %and3A_206 = arith.andi %add3A_156, %and3A_205 : i32
          %mul3A_207 = arith.constant 64 : i32
          %mul3A_208 = arith.muli %and3A_206, %mul3A_207 : i32
          %add3A_209 = arith.constant 32 : i32
          %add3A_210 = arith.addi %mul3A_208, %add3A_209 : i32
          %swap3A_211 = arith.constant 0 : i32
          %swap3A_212 = arith.index_cast %swap3A_211 : i32 to index
          %swap3A_213 = arith.index_cast %shift_right_arithmetic3A_204 : i32 to index
          %swap3A_214 = arith.index_cast %add3A_210 : i32 to index
          %swap3A_215 = tpu.vector_load %arg8[%swap3A_212, %swap3A_213, %swap3A_214] {strides = array<i32>} : memref<2x64x128xf32, #tpu.memory_space<vmem>>, vector<16xf32>,
          tpu.vector_store %arg8[%swap3A_212, %swap3A_213, %swap3A_214], %get3A_173 {strides = array<i32>} : memref<2x64x128xf32, #tpu.memory_space<vmem>>, vector<16xf32>,
          %shift_right_arithmetic3A_216 = arith.constant 1 : i32
          %shift_right_arithmetic3A_217 = arith.shrsi %add3A_156, %shift_right_arithmetic3A_216 : i32
          %and3A_218 = arith.constant 1 : i32
          %and3A_219 = arith.andi %add3A_156, %and3A_218 : i32
          %mul3A_220 = arith.constant 64 : i32
          %mul3A_221 = arith.muli %and3A_219, %mul3A_220 : i32
          %add3A_222 = arith.constant 48 : i32
          %add3A_223 = arith.addi %mul3A_221, %add3A_222 : i32
          %swap3A_224 = arith.constant 0 : i32
          %swap3A_225 = arith.index_cast %swap3A_224 : i32 to index
          %swap3A_226 = arith.index_cast %shift_right_arithmetic3A_217 : i32 to index
          %swap3A_227 = arith.index_cast %add3A_223 : i32 to index
          %swap3A_228 = tpu.vector_load %arg8[%swap3A_225, %swap3A_226, %swap3A_227] {strides = array<i32>} : memref<2x64x128xf32, #tpu.memory_space<vmem>>, vector<16xf32>,
          tpu.vector_store %arg8[%swap3A_225, %swap3A_226, %swap3A_227], %get3A_179 {strides = array<i32>} : memref<2x64x128xf32, #tpu.memory_space<vmem>>, vector<16xf32>,
          %mul3A_229 = arith.constant 2 : i32
          %mul3A_230 = arith.muli %scan3A_152, %mul3A_229 : i32
          %add3A_231 = arith.constant 1 : i32
          %add3A_232 = arith.addi %mul3A_230, %add3A_231 : i32
          %mul3A_233 = arith.constant 65 : i32
          %mul3A_234 = arith.muli %add3A_232, %mul3A_233 : i32
          %add3A_235 = arith.constant 0 : i32
          %add3A_236 = arith.addi %mul3A_234, %add3A_235 : i32
          %get3A_237 = arith.index_cast %add3A_236 : i32 to index
          %get3A_238 = tpu.vector_load %arg6[%get3A_237] {strides = array<i32>} : memref<8320xf32, #tpu.memory_space<vmem>>, vector<16xf32>,
          %mul3A_239 = arith.constant 65 : i32
          %mul3A_240 = arith.muli %add3A_232, %mul3A_239 : i32
          %add3A_241 = arith.constant 16 : i32
          %add3A_242 = arith.addi %mul3A_240, %add3A_241 : i32
          %get3A_243 = arith.index_cast %add3A_242 : i32 to index
          %get3A_244 = tpu.vector_load %arg6[%get3A_243] {strides = array<i32>} : memref<8320xf32, #tpu.memory_space<vmem>>, vector<16xf32>,
          %mul3A_245 = arith.constant 65 : i32
          %mul3A_246 = arith.muli %add3A_232, %mul3A_245 : i32
          %add3A_247 = arith.constant 32 : i32
          %add3A_248 = arith.addi %mul3A_246, %add3A_247 : i32
          %get3A_249 = arith.index_cast %add3A_248 : i32 to index
          %get3A_250 = tpu.vector_load %arg6[%get3A_249] {strides = array<i32>} : memref<8320xf32, #tpu.memory_space<vmem>>, vector<16xf32>,
          %mul3A_251 = arith.constant 65 : i32
          %mul3A_252 = arith.muli %add3A_232, %mul3A_251 : i32
          %add3A_253 = arith.constant 48 : i32
          %add3A_254 = arith.addi %mul3A_252, %add3A_253 : i32
          %get3A_255 = arith.index_cast %add3A_254 : i32 to index
          %get3A_256 = tpu.vector_load %arg6[%get3A_255] {strides = array<i32>} : memref<8320xf32, #tpu.memory_space<vmem>>, vector<16xf32>,
          %shift_right_arithmetic3A_257 = arith.constant 1 : i32
          %shift_right_arithmetic3A_258 = arith.shrsi %add3A_232, %shift_right_arithmetic3A_257 : i32
          %and3A_259 = arith.constant 1 : i32
          %and3A_260 = arith.andi %add3A_232, %and3A_259 : i32
          %mul3A_261 = arith.constant 64 : i32
          %mul3A_262 = arith.muli %and3A_260, %mul3A_261 : i32
          %add3A_263 = arith.constant 0 : i32
          %add3A_264 = arith.addi %mul3A_262, %add3A_263 : i32
          %swap3A_265 = arith.constant 0 : i32
          %swap3A_266 = arith.index_cast %swap3A_265 : i32 to index
          %swap3A_267 = arith.index_cast %shift_right_arithmetic3A_258 : i32 to index
          %swap3A_268 = arith.index_cast %add3A_264 : i32 to index
          %swap3A_269 = tpu.vector_load %arg8[%swap3A_266, %swap3A_267, %swap3A_268] {strides = array<i32>} : memref<2x64x128xf32, #tpu.memory_space<vmem>>, vector<16xf32>,
          tpu.vector_store %arg8[%swap3A_266, %swap3A_267, %swap3A_268], %get3A_238 {strides = array<i32>} : memref<2x64x128xf32, #tpu.memory_space<vmem>>, vector<16xf32>,
          %shift_right_arithmetic3A_270 = arith.constant 1 : i32
          %shift_right_arithmetic3A_271 = arith.shrsi %add3A_232, %shift_right_arithmetic3A_270 : i32
          %and3A_272 = arith.constant 1 : i32
          %and3A_273 = arith.andi %add3A_232, %and3A_272 : i32
          %mul3A_274 = arith.constant 64 : i32
          %mul3A_275 = arith.muli %and3A_273, %mul3A_274 : i32
          %add3A_276 = arith.constant 16 : i32
          %add3A_277 = arith.addi %mul3A_275, %add3A_276 : i32
          %swap3A_278 = arith.constant 0 : i32
          %swap3A_279 = arith.index_cast %swap3A_278 : i32 to index
          %swap3A_280 = arith.index_cast %shift_right_arithmetic3A_271 : i32 to index
          %swap3A_281 = arith.index_cast %add3A_277 : i32 to index
          %swap3A_282 = tpu.vector_load %arg8[%swap3A_279, %swap3A_280, %swap3A_281] {strides = array<i32>} : memref<2x64x128xf32, #tpu.memory_space<vmem>>, vector<16xf32>,
          tpu.vector_store %arg8[%swap3A_279, %swap3A_280, %swap3A_281], %get3A_244 {strides = array<i32>} : memref<2x64x128xf32, #tpu.memory_space<vmem>>, vector<16xf32>,
          %shift_right_arithmetic3A_283 = arith.constant 1 : i32
          %shift_right_arithmetic3A_284 = arith.shrsi %add3A_232, %shift_right_arithmetic3A_283 : i32
          %and3A_285 = arith.constant 1 : i32
          %and3A_286 = arith.andi %add3A_232, %and3A_285 : i32
          %mul3A_287 = arith.constant 64 : i32
          %mul3A_288 = arith.muli %and3A_286, %mul3A_287 : i32
          %add3A_289 = arith.constant 32 : i32
          %add3A_290 = arith.addi %mul3A_288, %add3A_289 : i32
          %swap3A_291 = arith.constant 0 : i32
          %swap3A_292 = arith.index_cast %swap3A_291 : i32 to index
          %swap3A_293 = arith.index_cast %shift_right_arithmetic3A_284 : i32 to index
          %swap3A_294 = arith.index_cast %add3A_290 : i32 to index
          %swap3A_295 = tpu.vector_load %arg8[%swap3A_292, %swap3A_293, %swap3A_294] {strides = array<i32>} : memref<2x64x128xf32, #tpu.memory_space<vmem>>, vector<16xf32>,
          tpu.vector_store %arg8[%swap3A_292, %swap3A_293, %swap3A_294], %get3A_250 {strides = array<i32>} : memref<2x64x128xf32, #tpu.memory_space<vmem>>, vector<16xf32>,
          %shift_right_arithmetic3A_296 = arith.constant 1 : i32
          %shift_right_arithmetic3A_297 = arith.shrsi %add3A_232, %shift_right_arithmetic3A_296 : i32
          %and3A_298 = arith.constant 1 : i32
          %and3A_299 = arith.andi %add3A_232, %and3A_298 : i32
          %mul3A_300 = arith.constant 64 : i32
          %mul3A_301 = arith.muli %and3A_299, %mul3A_300 : i32
          %add3A_302 = arith.constant 48 : i32
          %add3A_303 = arith.addi %mul3A_301, %add3A_302 : i32
          %swap3A_304 = arith.constant 0 : i32
          %swap3A_305 = arith.index_cast %swap3A_304 : i32 to index
          %swap3A_306 = arith.index_cast %shift_right_arithmetic3A_297 : i32 to index
          %swap3A_307 = arith.index_cast %add3A_303 : i32 to index
          %swap3A_308 = tpu.vector_load %arg8[%swap3A_305, %swap3A_306, %swap3A_307] {strides = array<i32>} : memref<2x64x128xf32, #tpu.memory_space<vmem>>, vector<16xf32>,
          tpu.vector_store %arg8[%swap3A_305, %swap3A_306, %swap3A_307], %get3A_256 {strides = array<i32>} : memref<2x64x128xf32, #tpu.memory_space<vmem>>, vector<16xf32>,
        }
        %scan3A_130 = arith.constant 64 : i32
        %add3A_131 = arith.addi %add3A_8, %add3A_87 : i32
        %mul3A_132 = arith.constant 64 : i32
        %mul3A_133 = arith.muli %add3A_131, %mul3A_132 : i32
        %dma_start3A = arith.constant 0 : i32
        %dma_start3A_134 = arith.constant 0 : i32
        %dma_start3A_135 = arith.constant 0 : i32
        %dma_start3A_136 = tpu.memref_slice %arg8[%dma_start3A, %dma_start3A_134, %dma_start3A_135] : memref<2x64x128xf32, #tpu.memory_space<vmem>> -> memref<1x64x128xf32, #tpu.memory_space<vmem>>
        %dma_start3A_137 = tpu.memref_squeeze %dma_start3A_136 : memref<1x64x128xf32, #tpu.memory_space<vmem>> -> memref<64x128xf32, #tpu.memory_space<vmem>>
        %dma_start3A_138 = arith.constant 0 : i32
        %dma_start3A_139 = tpu.memref_slice %arg4[%mul3A_133, %dma_start3A_138] : memref<500000x128xf32, #tpu.memory_space<hbm>> -> memref<64x128xf32, #tpu.memory_space<hbm>>
        %dma_start3A_140 = arith.constant 0 : i32
        %dma_start3A_141 = tpu.memref_slice %arg4[%mul3A_133, %dma_start3A_140] : memref<500000x128xf32, #tpu.memory_space<hbm>> -> memref<64x128xf32, #tpu.memory_space<hbm>>
        %dma_start3A_142 = arith.constant 0 : i32
        %dma_start3A_143 = arith.constant 0 : i32
        %dma_start3A_144 = tpu.memref_slice %arg8[%dma_start3A, %dma_start3A_142, %dma_start3A_143] : memref<2x64x128xf32, #tpu.memory_space<vmem>> -> memref<1x64x128xf32, #tpu.memory_space<vmem>>
        %dma_start3A_145 = tpu.memref_squeeze %dma_start3A_144 : memref<1x64x128xf32, #tpu.memory_space<vmem>> -> memref<64x128xf32, #tpu.memory_space<vmem>>
        tpu.enqueue_dma source(%dma_start3A_145 : memref<64x128xf32, #tpu.memory_space<vmem>>) target(%dma_start3A_141 : memref<64x128xf32, #tpu.memory_space<hbm>>) target_semaphore(%arg11 : memref<!tpu.dma_semaphore, #tpu.memory_space<semaphore_mem>>)
        %add3A_146 = arith.constant 2 : i32
        %add3A_147 = arith.addi %add3A_87, %add3A_146 : i32
        %lt3A_148 = arith.cmpi slt, %add3A_147, %add3A_4 : i32
        %convert_element_type3A_149 = arith.extui %lt3A_148 : i1 to i32
        %cond3A_150 = arith.constant 0 : i32
        %cond3A_151 = arith.cmpi ne, %convert_element_type3A_149, %cond3A_150 : i32
        scf.if %cond3A_151 {
          %add3A_152 = arith.constant 2 : i32
          %add3A_153 = arith.addi %add3A_87, %add3A_152 : i32
          %add3A_154 = arith.addi %add3A_8, %add3A_153 : i32
          %mul3A_155 = arith.constant 128 : i32
          %mul3A_156 = arith.muli %add3A_154, %mul3A_155 : i32
          %dma_start3A_157 = arith.constant 0 : i32
          %dma_start3A_158 = arith.constant 0 : i32
          %dma_start3A_159 = arith.constant 0 : i32
          %dma_start3A_160 = tpu.memref_slice %arg5[%dma_start3A_157, %dma_start3A_158, %dma_start3A_159] : memref<2x64x128xf32, #tpu.memory_space<vmem>> -> memref<1x64x128xf32, #tpu.memory_space<vmem>>
          %dma_start3A_161 = tpu.memref_squeeze %dma_start3A_160 : memref<1x64x128xf32, #tpu.memory_space<vmem>> -> memref<64x128xf32, #tpu.memory_space<vmem>>
          %dma_start3A_162 = arith.constant 0 : i32
          %dma_start3A_163 = tpu.memref_slice %arg2[%dma_start3A_162, %mul3A_156] : memref<64x1000000xf32, #tpu.memory_space<hbm>> -> memref<64x128xf32, #tpu.memory_space<hbm>>
          %dma_start3A_164 = arith.constant 0 : i32
          %dma_start3A_165 = arith.constant 0 : i32
          %dma_start3A_166 = tpu.memref_slice %arg5[%dma_start3A_157, %dma_start3A_164, %dma_start3A_165] : memref<2x64x128xf32, #tpu.memory_space<vmem>> -> memref<1x64x128xf32, #tpu.memory_space<vmem>>
          %dma_start3A_167 = tpu.memref_squeeze %dma_start3A_166 : memref<1x64x128xf32, #tpu.memory_space<vmem>> -> memref<64x128xf32, #tpu.memory_space<vmem>>
          %dma_start3A_168 = arith.constant 0 : i32
          %dma_start3A_169 = tpu.memref_slice %arg2[%dma_start3A_168, %mul3A_156] : memref<64x1000000xf32, #tpu.memory_space<hbm>> -> memref<64x128xf32, #tpu.memory_space<hbm>>
          tpu.enqueue_dma source(%dma_start3A_169 : memref<64x128xf32, #tpu.memory_space<hbm>>) target(%dma_start3A_167 : memref<64x128xf32, #tpu.memory_space<vmem>>) target_semaphore(%arg9 : memref<!tpu.dma_semaphore, #tpu.memory_space<semaphore_mem>>)
        } else {
        }
      } else {
      }
      %mul3A_92 = arith.constant 2 : i32
      %mul3A_93 = arith.muli %mul3A_92, %scan3A_83 : i32
      %add3A_94 = arith.constant 1 : i32
      %add3A_95 = arith.addi %mul3A_93, %add3A_94 : i32
      %lt3A_96 = arith.cmpi slt, %add3A_95, %add3A_4 : i32
      %convert_element_type3A_97 = arith.extui %lt3A_96 : i1 to i32
      %cond3A_98 = arith.constant 0 : i32
      %cond3A_99 = arith.cmpi ne, %convert_element_type3A_97, %cond3A_98 : i32
      scf.if %cond3A_99 {
        %add3A_100 = arith.addi %add3A_8, %add3A_95 : i32
        %mul3A_101 = arith.constant 128 : i32
        %mul3A_102 = arith.muli %add3A_100, %mul3A_101 : i32
        %dma_wait3A = arith.constant 1 : i32
        %dma_wait3A_103 = arith.constant 0 : i32
        %dma_wait3A_104 = arith.constant 0 : i32
        %dma_wait3A_105 = tpu.memref_slice %arg5[%dma_wait3A, %dma_wait3A_103, %dma_wait3A_104] : memref<2x64x128xf32, #tpu.memory_space<vmem>> -> memref<1x64x128xf32, #tpu.memory_space<vmem>>
        %dma_wait3A_106 = tpu.memref_squeeze %dma_wait3A_105 : memref<1x64x128xf32, #tpu.memory_space<vmem>> -> memref<64x128xf32, #tpu.memory_space<vmem>>
        %dma_wait3A_107 = arith.constant 0 : i32
        %dma_wait3A_108 = tpu.memref_slice %arg2[%dma_wait3A_107, %mul3A_102] : memref<64x1000000xf32, #tpu.memory_space<hbm>> -> memref<64x128xf32, #tpu.memory_space<hbm>>
        %dma_wait3A_109 = arith.constant 0 : i32
        %dma_wait3A_110 = arith.constant 0 : i32
        %dma_wait3A_111 = tpu.memref_slice %arg5[%dma_wait3A, %dma_wait3A_109, %dma_wait3A_110] : memref<2x64x128xf32, #tpu.memory_space<vmem>> -> memref<1x64x128xf32, #tpu.memory_space<vmem>>
        %dma_wait3A_112 = tpu.memref_squeeze %dma_wait3A_111 : memref<1x64x128xf32, #tpu.memory_space<vmem>> -> memref<64x128xf32, #tpu.memory_space<vmem>>
        %dma_wait3A_113 = arith.constant 0 : i32
        %dma_wait3A_114 = tpu.memref_slice %arg2[%dma_wait3A_113, %mul3A_102] : memref<64x1000000xf32, #tpu.memory_space<hbm>> -> memref<64x128xf32, #tpu.memory_space<hbm>>
        tpu.wait_dma2 semaphore(%arg10 : memref<!tpu.dma_semaphore, #tpu.memory_space<semaphore_mem>>) src(%dma_wait3A_114 : memref<64x128xf32, #tpu.memory_space<hbm>>) dst(%dma_wait3A_112 : memref<64x128xf32, #tpu.memory_space<vmem>>)
        %ge3A = arith.constant 2 : i32
        %ge3A_115 = arith.cmpi sge, %add3A_95, %ge3A : i32
        %convert_element_type3A_116 = arith.extui %ge3A_115 : i1 to i32
        %cond3A_117 = arith.constant 0 : i32
        %cond3A_118 = arith.cmpi ne, %convert_element_type3A_116, %cond3A_117 : i32
        scf.if %cond3A_118 {
          %sub3A = arith.constant 2 : i32
          %sub3A_152 = arith.subi %add3A_95, %sub3A : i32
          %add3A_153 = arith.addi %add3A_8, %sub3A_152 : i32
          %mul3A_154 = arith.constant 64 : i32
          %mul3A_155 = arith.muli %add3A_153, %mul3A_154 : i32
          %dma_wait3A_156 = arith.constant 1 : i32
          %dma_wait3A_157 = arith.constant 0 : i32
          %dma_wait3A_158 = arith.constant 0 : i32
          %dma_wait3A_159 = tpu.memref_slice %arg8[%dma_wait3A_156, %dma_wait3A_157, %dma_wait3A_158] : memref<2x64x128xf32, #tpu.memory_space<vmem>> -> memref<1x64x128xf32, #tpu.memory_space<vmem>>
          %dma_wait3A_160 = tpu.memref_squeeze %dma_wait3A_159 : memref<1x64x128xf32, #tpu.memory_space<vmem>> -> memref<64x128xf32, #tpu.memory_space<vmem>>
          %dma_wait3A_161 = arith.constant 0 : i32
          %dma_wait3A_162 = tpu.memref_slice %arg4[%mul3A_155, %dma_wait3A_161] : memref<500000x128xf32, #tpu.memory_space<hbm>> -> memref<64x128xf32, #tpu.memory_space<hbm>>
          %dma_wait3A_163 = arith.constant 0 : i32
          %dma_wait3A_164 = tpu.memref_slice %arg4[%mul3A_155, %dma_wait3A_163] : memref<500000x128xf32, #tpu.memory_space<hbm>> -> memref<64x128xf32, #tpu.memory_space<hbm>>
          %dma_wait3A_165 = arith.constant 0 : i32
          %dma_wait3A_166 = arith.constant 0 : i32
          %dma_wait3A_167 = tpu.memref_slice %arg8[%dma_wait3A_156, %dma_wait3A_165, %dma_wait3A_166] : memref<2x64x128xf32, #tpu.memory_space<vmem>> -> memref<1x64x128xf32, #tpu.memory_space<vmem>>
          %dma_wait3A_168 = tpu.memref_squeeze %dma_wait3A_167 : memref<1x64x128xf32, #tpu.memory_space<vmem>> -> memref<64x128xf32, #tpu.memory_space<vmem>>
          tpu.wait_dma2 semaphore(%arg12 : memref<!tpu.dma_semaphore, #tpu.memory_space<semaphore_mem>>) src(%dma_wait3A_168 : memref<64x128xf32, #tpu.memory_space<vmem>>) dst(%dma_wait3A_164 : memref<64x128xf32, #tpu.memory_space<hbm>>)
        } else {
        }
        %scan3A_119 = arith.constant 0 : i32
        %scan3A_120 = arith.constant 0 : i32
        %scan3A_121 = arith.constant 32 : i32
        %scan3A_122 = arith.addi %scan3A_120, %scan3A_121 : i32
        %scan3A_123 = arith.constant 1 : i32
        scf.for %scan3A_152 = %scan3A_120 to %scan3A_122 step %scan3A_123  : i32 {
          %mul3A_153 = arith.constant 2 : i32
          %mul3A_154 = arith.muli %scan3A_152, %mul3A_153 : i32
          %add3A_155 = arith.constant 0 : i32
          %add3A_156 = arith.addi %mul3A_154, %add3A_155 : i32
          %get3A = arith.constant 1 : i32
          %get3A_157 = arith.index_cast %get3A : i32 to index
          %get3A_158 = arith.index_cast %add3A_156 : i32 to index
          %get3A_159 = arith.constant 0 : index
          %get3A_160 = tpu.vector_load %arg5[%get3A_157, %get3A_158, %get3A_159] {strides = array<i32>} : memref<2x64x128xf32, #tpu.memory_space<vmem>>, vector<16xf32>,
          %get3A_161 = arith.constant 1 : i32
          %get3A_162 = arith.index_cast %get3A_161 : i32 to index
          %get3A_163 = arith.index_cast %add3A_156 : i32 to index
          %get3A_164 = arith.constant 16 : index
          %get3A_165 = tpu.vector_load %arg5[%get3A_162, %get3A_163, %get3A_164] {strides = array<i32>} : memref<2x64x128xf32, #tpu.memory_space<vmem>>, vector<16xf32>,
          %get3A_166 = arith.constant 1 : i32
          %get3A_167 = arith.index_cast %get3A_166 : i32 to index
          %get3A_168 = arith.index_cast %add3A_156 : i32 to index
          %get3A_169 = arith.constant 32 : index
          %get3A_170 = tpu.vector_load %arg5[%get3A_167, %get3A_168, %get3A_169] {strides = array<i32>} : memref<2x64x128xf32, #tpu.memory_space<vmem>>, vector<16xf32>,
          %get3A_171 = arith.constant 1 : i32
          %get3A_172 = arith.index_cast %get3A_171 : i32 to index
          %get3A_173 = arith.index_cast %add3A_156 : i32 to index
          %get3A_174 = arith.constant 48 : index
          %get3A_175 = tpu.vector_load %arg5[%get3A_172, %get3A_173, %get3A_174] {strides = array<i32>} : memref<2x64x128xf32, #tpu.memory_space<vmem>>, vector<16xf32>,
          %get3A_176 = arith.constant 1 : i32
          %get3A_177 = arith.index_cast %get3A_176 : i32 to index
          %get3A_178 = arith.index_cast %add3A_156 : i32 to index
          %get3A_179 = arith.constant 64 : index
          %get3A_180 = tpu.vector_load %arg5[%get3A_177, %get3A_178, %get3A_179] {strides = array<i32>} : memref<2x64x128xf32, #tpu.memory_space<vmem>>, vector<16xf32>,
          %get3A_181 = arith.constant 1 : i32
          %get3A_182 = arith.index_cast %get3A_181 : i32 to index
          %get3A_183 = arith.index_cast %add3A_156 : i32 to index
          %get3A_184 = arith.constant 80 : index
          %get3A_185 = tpu.vector_load %arg5[%get3A_182, %get3A_183, %get3A_184] {strides = array<i32>} : memref<2x64x128xf32, #tpu.memory_space<vmem>>, vector<16xf32>,
          %get3A_186 = arith.constant 1 : i32
          %get3A_187 = arith.index_cast %get3A_186 : i32 to index
          %get3A_188 = arith.index_cast %add3A_156 : i32 to index
          %get3A_189 = arith.constant 96 : index
          %get3A_190 = tpu.vector_load %arg5[%get3A_187, %get3A_188, %get3A_189] {strides = array<i32>} : memref<2x64x128xf32, #tpu.memory_space<vmem>>, vector<16xf32>,
          %get3A_191 = arith.constant 1 : i32
          %get3A_192 = arith.index_cast %get3A_191 : i32 to index
          %get3A_193 = arith.index_cast %add3A_156 : i32 to index
          %get3A_194 = arith.constant 112 : index
          %get3A_195 = tpu.vector_load %arg5[%get3A_192, %get3A_193, %get3A_194] {strides = array<i32>} : memref<2x64x128xf32, #tpu.memory_space<vmem>>, vector<16xf32>,
          %add3A_196 = vector.broadcast %add3A_156 : i32 to vector<16xi32>
          %add3A_197 = arith.addi %mul3A_14, %add3A_196 : vector<16xi32>
          tpu.vector_store_idx %arg7[%add3A_197], %get3A_160 : memref<8320xf32, #tpu.memory_space<vmem>>[vector<16xi32>], vector<16xf32>,
          %add3A_198 = vector.broadcast %add3A_156 : i32 to vector<16xi32>
          %add3A_199 = arith.addi %mul3A_20, %add3A_198 : vector<16xi32>
          tpu.vector_store_idx %arg7[%add3A_199], %get3A_165 : memref<8320xf32, #tpu.memory_space<vmem>>[vector<16xi32>], vector<16xf32>,
          %add3A_200 = vector.broadcast %add3A_156 : i32 to vector<16xi32>
          %add3A_201 = arith.addi %mul3A_26, %add3A_200 : vector<16xi32>
          tpu.vector_store_idx %arg7[%add3A_201], %get3A_170 : memref<8320xf32, #tpu.memory_space<vmem>>[vector<16xi32>], vector<16xf32>,
          %add3A_202 = vector.broadcast %add3A_156 : i32 to vector<16xi32>
          %add3A_203 = arith.addi %mul3A_32, %add3A_202 : vector<16xi32>
          tpu.vector_store_idx %arg7[%add3A_203], %get3A_175 : memref<8320xf32, #tpu.memory_space<vmem>>[vector<16xi32>], vector<16xf32>,
          %add3A_204 = vector.broadcast %add3A_156 : i32 to vector<16xi32>
          %add3A_205 = arith.addi %mul3A_38, %add3A_204 : vector<16xi32>
          tpu.vector_store_idx %arg7[%add3A_205], %get3A_180 : memref<8320xf32, #tpu.memory_space<vmem>>[vector<16xi32>], vector<16xf32>,
          %add3A_206 = vector.broadcast %add3A_156 : i32 to vector<16xi32>
          %add3A_207 = arith.addi %mul3A_44, %add3A_206 : vector<16xi32>
          tpu.vector_store_idx %arg7[%add3A_207], %get3A_185 : memref<8320xf32, #tpu.memory_space<vmem>>[vector<16xi32>], vector<16xf32>,
          %add3A_208 = vector.broadcast %add3A_156 : i32 to vector<16xi32>
          %add3A_209 = arith.addi %mul3A_50, %add3A_208 : vector<16xi32>
          tpu.vector_store_idx %arg7[%add3A_209], %get3A_190 : memref<8320xf32, #tpu.memory_space<vmem>>[vector<16xi32>], vector<16xf32>,
          %add3A_210 = vector.broadcast %add3A_156 : i32 to vector<16xi32>
          %add3A_211 = arith.addi %mul3A_56, %add3A_210 : vector<16xi32>
          tpu.vector_store_idx %arg7[%add3A_211], %get3A_195 : memref<8320xf32, #tpu.memory_space<vmem>>[vector<16xi32>], vector<16xf32>,
          %mul3A_212 = arith.constant 2 : i32
          %mul3A_213 = arith.muli %scan3A_152, %mul3A_212 : i32
          %add3A_214 = arith.constant 1 : i32
          %add3A_215 = arith.addi %mul3A_213, %add3A_214 : i32
          %get3A_216 = arith.constant 1 : i32
          %get3A_217 = arith.index_cast %get3A_216 : i32 to index
          %get3A_218 = arith.index_cast %add3A_215 : i32 to index
          %get3A_219 = arith.constant 0 : index
          %get3A_220 = tpu.vector_load %arg5[%get3A_217, %get3A_218, %get3A_219] {strides = array<i32>} : memref<2x64x128xf32, #tpu.memory_space<vmem>>, vector<16xf32>,
          %get3A_221 = arith.constant 1 : i32
          %get3A_222 = arith.index_cast %get3A_221 : i32 to index
          %get3A_223 = arith.index_cast %add3A_215 : i32 to index
          %get3A_224 = arith.constant 16 : index
          %get3A_225 = tpu.vector_load %arg5[%get3A_222, %get3A_223, %get3A_224] {strides = array<i32>} : memref<2x64x128xf32, #tpu.memory_space<vmem>>, vector<16xf32>,
          %get3A_226 = arith.constant 1 : i32
          %get3A_227 = arith.index_cast %get3A_226 : i32 to index
          %get3A_228 = arith.index_cast %add3A_215 : i32 to index
          %get3A_229 = arith.constant 32 : index
          %get3A_230 = tpu.vector_load %arg5[%get3A_227, %get3A_228, %get3A_229] {strides = array<i32>} : memref<2x64x128xf32, #tpu.memory_space<vmem>>, vector<16xf32>,
          %get3A_231 = arith.constant 1 : i32
          %get3A_232 = arith.index_cast %get3A_231 : i32 to index
          %get3A_233 = arith.index_cast %add3A_215 : i32 to index
          %get3A_234 = arith.constant 48 : index
          %get3A_235 = tpu.vector_load %arg5[%get3A_232, %get3A_233, %get3A_234] {strides = array<i32>} : memref<2x64x128xf32, #tpu.memory_space<vmem>>, vector<16xf32>,
          %get3A_236 = arith.constant 1 : i32
          %get3A_237 = arith.index_cast %get3A_236 : i32 to index
          %get3A_238 = arith.index_cast %add3A_215 : i32 to index
          %get3A_239 = arith.constant 64 : index
          %get3A_240 = tpu.vector_load %arg5[%get3A_237, %get3A_238, %get3A_239] {strides = array<i32>} : memref<2x64x128xf32, #tpu.memory_space<vmem>>, vector<16xf32>,
          %get3A_241 = arith.constant 1 : i32
          %get3A_242 = arith.index_cast %get3A_241 : i32 to index
          %get3A_243 = arith.index_cast %add3A_215 : i32 to index
          %get3A_244 = arith.constant 80 : index
          %get3A_245 = tpu.vector_load %arg5[%get3A_242, %get3A_243, %get3A_244] {strides = array<i32>} : memref<2x64x128xf32, #tpu.memory_space<vmem>>, vector<16xf32>,
          %get3A_246 = arith.constant 1 : i32
          %get3A_247 = arith.index_cast %get3A_246 : i32 to index
          %get3A_248 = arith.index_cast %add3A_215 : i32 to index
          %get3A_249 = arith.constant 96 : index
          %get3A_250 = tpu.vector_load %arg5[%get3A_247, %get3A_248, %get3A_249] {strides = array<i32>} : memref<2x64x128xf32, #tpu.memory_space<vmem>>, vector<16xf32>,
          %get3A_251 = arith.constant 1 : i32
          %get3A_252 = arith.index_cast %get3A_251 : i32 to index
          %get3A_253 = arith.index_cast %add3A_215 : i32 to index
          %get3A_254 = arith.constant 112 : index
          %get3A_255 = tpu.vector_load %arg5[%get3A_252, %get3A_253, %get3A_254] {strides = array<i32>} : memref<2x64x128xf32, #tpu.memory_space<vmem>>, vector<16xf32>,
          %add3A_256 = vector.broadcast %add3A_215 : i32 to vector<16xi32>
          %add3A_257 = arith.addi %mul3A_14, %add3A_256 : vector<16xi32>
          tpu.vector_store_idx %arg7[%add3A_257], %get3A_220 : memref<8320xf32, #tpu.memory_space<vmem>>[vector<16xi32>], vector<16xf32>,
          %add3A_258 = vector.broadcast %add3A_215 : i32 to vector<16xi32>
          %add3A_259 = arith.addi %mul3A_20, %add3A_258 : vector<16xi32>
          tpu.vector_store_idx %arg7[%add3A_259], %get3A_225 : memref<8320xf32, #tpu.memory_space<vmem>>[vector<16xi32>], vector<16xf32>,
          %add3A_260 = vector.broadcast %add3A_215 : i32 to vector<16xi32>
          %add3A_261 = arith.addi %mul3A_26, %add3A_260 : vector<16xi32>
          tpu.vector_store_idx %arg7[%add3A_261], %get3A_230 : memref<8320xf32, #tpu.memory_space<vmem>>[vector<16xi32>], vector<16xf32>,
          %add3A_262 = vector.broadcast %add3A_215 : i32 to vector<16xi32>
          %add3A_263 = arith.addi %mul3A_32, %add3A_262 : vector<16xi32>
          tpu.vector_store_idx %arg7[%add3A_263], %get3A_235 : memref<8320xf32, #tpu.memory_space<vmem>>[vector<16xi32>], vector<16xf32>,
          %add3A_264 = vector.broadcast %add3A_215 : i32 to vector<16xi32>
          %add3A_265 = arith.addi %mul3A_38, %add3A_264 : vector<16xi32>
          tpu.vector_store_idx %arg7[%add3A_265], %get3A_240 : memref<8320xf32, #tpu.memory_space<vmem>>[vector<16xi32>], vector<16xf32>,
          %add3A_266 = vector.broadcast %add3A_215 : i32 to vector<16xi32>
          %add3A_267 = arith.addi %mul3A_44, %add3A_266 : vector<16xi32>
          tpu.vector_store_idx %arg7[%add3A_267], %get3A_245 : memref<8320xf32, #tpu.memory_space<vmem>>[vector<16xi32>], vector<16xf32>,
          %add3A_268 = vector.broadcast %add3A_215 : i32 to vector<16xi32>
          %add3A_269 = arith.addi %mul3A_50, %add3A_268 : vector<16xi32>
          tpu.vector_store_idx %arg7[%add3A_269], %get3A_250 : memref<8320xf32, #tpu.memory_space<vmem>>[vector<16xi32>], vector<16xf32>,
          %add3A_270 = vector.broadcast %add3A_215 : i32 to vector<16xi32>
          %add3A_271 = arith.addi %mul3A_56, %add3A_270 : vector<16xi32>
          tpu.vector_store_idx %arg7[%add3A_271], %get3A_255 : memref<8320xf32, #tpu.memory_space<vmem>>[vector<16xi32>], vector<16xf32>,
        }
        %scan3A_124 = arith.constant 32 : i32
        %scan3A_125 = arith.constant 0 : i32
        %scan3A_126 = arith.constant 0 : i32
        %scan3A_127 = arith.constant 64 : i32
        %scan3A_128 = arith.addi %scan3A_126, %scan3A_127 : i32
        %scan3A_129 = arith.constant 1 : i32
        scf.for %scan3A_152 = %scan3A_126 to %scan3A_128 step %scan3A_129  : i32 {
          %mul3A_153 = arith.constant 2 : i32
          %mul3A_154 = arith.muli %scan3A_152, %mul3A_153 : i32
          %add3A_155 = arith.constant 0 : i32
          %add3A_156 = arith.addi %mul3A_154, %add3A_155 : i32
          %mul3A_157 = arith.constant 65 : i32
          %mul3A_158 = arith.muli %add3A_156, %mul3A_157 : i32
          %add3A_159 = arith.constant 0 : i32
          %add3A_160 = arith.addi %mul3A_158, %add3A_159 : i32
          %get3A = arith.index_cast %add3A_160 : i32 to index
          %get3A_161 = tpu.vector_load %arg7[%get3A] {strides = array<i32>} : memref<8320xf32, #tpu.memory_space<vmem>>, vector<16xf32>,
          %mul3A_162 = arith.constant 65 : i32
          %mul3A_163 = arith.muli %add3A_156, %mul3A_162 : i32
          %add3A_164 = arith.constant 16 : i32
          %add3A_165 = arith.addi %mul3A_163, %add3A_164 : i32
          %get3A_166 = arith.index_cast %add3A_165 : i32 to index
          %get3A_167 = tpu.vector_load %arg7[%get3A_166] {strides = array<i32>} : memref<8320xf32, #tpu.memory_space<vmem>>, vector<16xf32>,
          %mul3A_168 = arith.constant 65 : i32
          %mul3A_169 = arith.muli %add3A_156, %mul3A_168 : i32
          %add3A_170 = arith.constant 32 : i32
          %add3A_171 = arith.addi %mul3A_169, %add3A_170 : i32
          %get3A_172 = arith.index_cast %add3A_171 : i32 to index
          %get3A_173 = tpu.vector_load %arg7[%get3A_172] {strides = array<i32>} : memref<8320xf32, #tpu.memory_space<vmem>>, vector<16xf32>,
          %mul3A_174 = arith.constant 65 : i32
          %mul3A_175 = arith.muli %add3A_156, %mul3A_174 : i32
          %add3A_176 = arith.constant 48 : i32
          %add3A_177 = arith.addi %mul3A_175, %add3A_176 : i32
          %get3A_178 = arith.index_cast %add3A_177 : i32 to index
          %get3A_179 = tpu.vector_load %arg7[%get3A_178] {strides = array<i32>} : memref<8320xf32, #tpu.memory_space<vmem>>, vector<16xf32>,
          %shift_right_arithmetic3A = arith.constant 1 : i32
          %shift_right_arithmetic3A_180 = arith.shrsi %add3A_156, %shift_right_arithmetic3A : i32
          %and3A = arith.constant 1 : i32
          %and3A_181 = arith.andi %add3A_156, %and3A : i32
          %mul3A_182 = arith.constant 64 : i32
          %mul3A_183 = arith.muli %and3A_181, %mul3A_182 : i32
          %add3A_184 = arith.constant 0 : i32
          %add3A_185 = arith.addi %mul3A_183, %add3A_184 : i32
          %swap3A = arith.constant 1 : i32
          %swap3A_186 = arith.index_cast %swap3A : i32 to index
          %swap3A_187 = arith.index_cast %shift_right_arithmetic3A_180 : i32 to index
          %swap3A_188 = arith.index_cast %add3A_185 : i32 to index
          %swap3A_189 = tpu.vector_load %arg8[%swap3A_186, %swap3A_187, %swap3A_188] {strides = array<i32>} : memref<2x64x128xf32, #tpu.memory_space<vmem>>, vector<16xf32>,
          tpu.vector_store %arg8[%swap3A_186, %swap3A_187, %swap3A_188], %get3A_161 {strides = array<i32>} : memref<2x64x128xf32, #tpu.memory_space<vmem>>, vector<16xf32>,
          %shift_right_arithmetic3A_190 = arith.constant 1 : i32
          %shift_right_arithmetic3A_191 = arith.shrsi %add3A_156, %shift_right_arithmetic3A_190 : i32
          %and3A_192 = arith.constant 1 : i32
          %and3A_193 = arith.andi %add3A_156, %and3A_192 : i32
          %mul3A_194 = arith.constant 64 : i32
          %mul3A_195 = arith.muli %and3A_193, %mul3A_194 : i32
          %add3A_196 = arith.constant 16 : i32
          %add3A_197 = arith.addi %mul3A_195, %add3A_196 : i32
          %swap3A_198 = arith.constant 1 : i32
          %swap3A_199 = arith.index_cast %swap3A_198 : i32 to index
          %swap3A_200 = arith.index_cast %shift_right_arithmetic3A_191 : i32 to index
          %swap3A_201 = arith.index_cast %add3A_197 : i32 to index
          %swap3A_202 = tpu.vector_load %arg8[%swap3A_199, %swap3A_200, %swap3A_201] {strides = array<i32>} : memref<2x64x128xf32, #tpu.memory_space<vmem>>, vector<16xf32>,
          tpu.vector_store %arg8[%swap3A_199, %swap3A_200, %swap3A_201], %get3A_167 {strides = array<i32>} : memref<2x64x128xf32, #tpu.memory_space<vmem>>, vector<16xf32>,
          %shift_right_arithmetic3A_203 = arith.constant 1 : i32
          %shift_right_arithmetic3A_204 = arith.shrsi %add3A_156, %shift_right_arithmetic3A_203 : i32
          %and3A_205 = arith.constant 1 : i32
          %and3A_206 = arith.andi %add3A_156, %and3A_205 : i32
          %mul3A_207 = arith.constant 64 : i32
          %mul3A_208 = arith.muli %and3A_206, %mul3A_207 : i32
          %add3A_209 = arith.constant 32 : i32
          %add3A_210 = arith.addi %mul3A_208, %add3A_209 : i32
          %swap3A_211 = arith.constant 1 : i32
          %swap3A_212 = arith.index_cast %swap3A_211 : i32 to index
          %swap3A_213 = arith.index_cast %shift_right_arithmetic3A_204 : i32 to index
          %swap3A_214 = arith.index_cast %add3A_210 : i32 to index
          %swap3A_215 = tpu.vector_load %arg8[%swap3A_212, %swap3A_213, %swap3A_214] {strides = array<i32>} : memref<2x64x128xf32, #tpu.memory_space<vmem>>, vector<16xf32>,
          tpu.vector_store %arg8[%swap3A_212, %swap3A_213, %swap3A_214], %get3A_173 {strides = array<i32>} : memref<2x64x128xf32, #tpu.memory_space<vmem>>, vector<16xf32>,
          %shift_right_arithmetic3A_216 = arith.constant 1 : i32
          %shift_right_arithmetic3A_217 = arith.shrsi %add3A_156, %shift_right_arithmetic3A_216 : i32
          %and3A_218 = arith.constant 1 : i32
          %and3A_219 = arith.andi %add3A_156, %and3A_218 : i32
          %mul3A_220 = arith.constant 64 : i32
          %mul3A_221 = arith.muli %and3A_219, %mul3A_220 : i32
          %add3A_222 = arith.constant 48 : i32
          %add3A_223 = arith.addi %mul3A_221, %add3A_222 : i32
          %swap3A_224 = arith.constant 1 : i32
          %swap3A_225 = arith.index_cast %swap3A_224 : i32 to index
          %swap3A_226 = arith.index_cast %shift_right_arithmetic3A_217 : i32 to index
          %swap3A_227 = arith.index_cast %add3A_223 : i32 to index
          %swap3A_228 = tpu.vector_load %arg8[%swap3A_225, %swap3A_226, %swap3A_227] {strides = array<i32>} : memref<2x64x128xf32, #tpu.memory_space<vmem>>, vector<16xf32>,
          tpu.vector_store %arg8[%swap3A_225, %swap3A_226, %swap3A_227], %get3A_179 {strides = array<i32>} : memref<2x64x128xf32, #tpu.memory_space<vmem>>, vector<16xf32>,
          %mul3A_229 = arith.constant 2 : i32
          %mul3A_230 = arith.muli %scan3A_152, %mul3A_229 : i32
          %add3A_231 = arith.constant 1 : i32
          %add3A_232 = arith.addi %mul3A_230, %add3A_231 : i32
          %mul3A_233 = arith.constant 65 : i32
          %mul3A_234 = arith.muli %add3A_232, %mul3A_233 : i32
          %add3A_235 = arith.constant 0 : i32
          %add3A_236 = arith.addi %mul3A_234, %add3A_235 : i32
          %get3A_237 = arith.index_cast %add3A_236 : i32 to index
          %get3A_238 = tpu.vector_load %arg7[%get3A_237] {strides = array<i32>} : memref<8320xf32, #tpu.memory_space<vmem>>, vector<16xf32>,
          %mul3A_239 = arith.constant 65 : i32
          %mul3A_240 = arith.muli %add3A_232, %mul3A_239 : i32
          %add3A_241 = arith.constant 16 : i32
          %add3A_242 = arith.addi %mul3A_240, %add3A_241 : i32
          %get3A_243 = arith.index_cast %add3A_242 : i32 to index
          %get3A_244 = tpu.vector_load %arg7[%get3A_243] {strides = array<i32>} : memref<8320xf32, #tpu.memory_space<vmem>>, vector<16xf32>,
          %mul3A_245 = arith.constant 65 : i32
          %mul3A_246 = arith.muli %add3A_232, %mul3A_245 : i32
          %add3A_247 = arith.constant 32 : i32
          %add3A_248 = arith.addi %mul3A_246, %add3A_247 : i32
          %get3A_249 = arith.index_cast %add3A_248 : i32 to index
          %get3A_250 = tpu.vector_load %arg7[%get3A_249] {strides = array<i32>} : memref<8320xf32, #tpu.memory_space<vmem>>, vector<16xf32>,
          %mul3A_251 = arith.constant 65 : i32
          %mul3A_252 = arith.muli %add3A_232, %mul3A_251 : i32
          %add3A_253 = arith.constant 48 : i32
          %add3A_254 = arith.addi %mul3A_252, %add3A_253 : i32
          %get3A_255 = arith.index_cast %add3A_254 : i32 to index
          %get3A_256 = tpu.vector_load %arg7[%get3A_255] {strides = array<i32>} : memref<8320xf32, #tpu.memory_space<vmem>>, vector<16xf32>,
          %shift_right_arithmetic3A_257 = arith.constant 1 : i32
          %shift_right_arithmetic3A_258 = arith.shrsi %add3A_232, %shift_right_arithmetic3A_257 : i32
          %and3A_259 = arith.constant 1 : i32
          %and3A_260 = arith.andi %add3A_232, %and3A_259 : i32
          %mul3A_261 = arith.constant 64 : i32
          %mul3A_262 = arith.muli %and3A_260, %mul3A_261 : i32
          %add3A_263 = arith.constant 0 : i32
          %add3A_264 = arith.addi %mul3A_262, %add3A_263 : i32
          %swap3A_265 = arith.constant 1 : i32
          %swap3A_266 = arith.index_cast %swap3A_265 : i32 to index
          %swap3A_267 = arith.index_cast %shift_right_arithmetic3A_258 : i32 to index
          %swap3A_268 = arith.index_cast %add3A_264 : i32 to index
          %swap3A_269 = tpu.vector_load %arg8[%swap3A_266, %swap3A_267, %swap3A_268] {strides = array<i32>} : memref<2x64x128xf32, #tpu.memory_space<vmem>>, vector<16xf32>,
          tpu.vector_store %arg8[%swap3A_266, %swap3A_267, %swap3A_268], %get3A_238 {strides = array<i32>} : memref<2x64x128xf32, #tpu.memory_space<vmem>>, vector<16xf32>,
          %shift_right_arithmetic3A_270 = arith.constant 1 : i32
          %shift_right_arithmetic3A_271 = arith.shrsi %add3A_232, %shift_right_arithmetic3A_270 : i32
          %and3A_272 = arith.constant 1 : i32
          %and3A_273 = arith.andi %add3A_232, %and3A_272 : i32
          %mul3A_274 = arith.constant 64 : i32
          %mul3A_275 = arith.muli %and3A_273, %mul3A_274 : i32
          %add3A_276 = arith.constant 16 : i32
          %add3A_277 = arith.addi %mul3A_275, %add3A_276 : i32
          %swap3A_278 = arith.constant 1 : i32
          %swap3A_279 = arith.index_cast %swap3A_278 : i32 to index
          %swap3A_280 = arith.index_cast %shift_right_arithmetic3A_271 : i32 to index
          %swap3A_281 = arith.index_cast %add3A_277 : i32 to index
          %swap3A_282 = tpu.vector_load %arg8[%swap3A_279, %swap3A_280, %swap3A_281] {strides = array<i32>} : memref<2x64x128xf32, #tpu.memory_space<vmem>>, vector<16xf32>,
          tpu.vector_store %arg8[%swap3A_279, %swap3A_280, %swap3A_281], %get3A_244 {strides = array<i32>} : memref<2x64x128xf32, #tpu.memory_space<vmem>>, vector<16xf32>,
          %shift_right_arithmetic3A_283 = arith.constant 1 : i32
          %shift_right_arithmetic3A_284 = arith.shrsi %add3A_232, %shift_right_arithmetic3A_283 : i32
          %and3A_285 = arith.constant 1 : i32
          %and3A_286 = arith.andi %add3A_232, %and3A_285 : i32
          %mul3A_287 = arith.constant 64 : i32
          %mul3A_288 = arith.muli %and3A_286, %mul3A_287 : i32
          %add3A_289 = arith.constant 32 : i32
          %add3A_290 = arith.addi %mul3A_288, %add3A_289 : i32
          %swap3A_291 = arith.constant 1 : i32
          %swap3A_292 = arith.index_cast %swap3A_291 : i32 to index
          %swap3A_293 = arith.index_cast %shift_right_arithmetic3A_284 : i32 to index
          %swap3A_294 = arith.index_cast %add3A_290 : i32 to index
          %swap3A_295 = tpu.vector_load %arg8[%swap3A_292, %swap3A_293, %swap3A_294] {strides = array<i32>} : memref<2x64x128xf32, #tpu.memory_space<vmem>>, vector<16xf32>,
          tpu.vector_store %arg8[%swap3A_292, %swap3A_293, %swap3A_294], %get3A_250 {strides = array<i32>} : memref<2x64x128xf32, #tpu.memory_space<vmem>>, vector<16xf32>,
          %shift_right_arithmetic3A_296 = arith.constant 1 : i32
          %shift_right_arithmetic3A_297 = arith.shrsi %add3A_232, %shift_right_arithmetic3A_296 : i32
          %and3A_298 = arith.constant 1 : i32
          %and3A_299 = arith.andi %add3A_232, %and3A_298 : i32
          %mul3A_300 = arith.constant 64 : i32
          %mul3A_301 = arith.muli %and3A_299, %mul3A_300 : i32
          %add3A_302 = arith.constant 48 : i32
          %add3A_303 = arith.addi %mul3A_301, %add3A_302 : i32
          %swap3A_304 = arith.constant 1 : i32
          %swap3A_305 = arith.index_cast %swap3A_304 : i32 to index
          %swap3A_306 = arith.index_cast %shift_right_arithmetic3A_297 : i32 to index
          %swap3A_307 = arith.index_cast %add3A_303 : i32 to index
          %swap3A_308 = tpu.vector_load %arg8[%swap3A_305, %swap3A_306, %swap3A_307] {strides = array<i32>} : memref<2x64x128xf32, #tpu.memory_space<vmem>>, vector<16xf32>,
          tpu.vector_store %arg8[%swap3A_305, %swap3A_306, %swap3A_307], %get3A_256 {strides = array<i32>} : memref<2x64x128xf32, #tpu.memory_space<vmem>>, vector<16xf32>,
        }
        %scan3A_130 = arith.constant 64 : i32
        %add3A_131 = arith.addi %add3A_8, %add3A_95 : i32
        %mul3A_132 = arith.constant 64 : i32
        %mul3A_133 = arith.muli %add3A_131, %mul3A_132 : i32
        %dma_start3A = arith.constant 1 : i32
        %dma_start3A_134 = arith.constant 0 : i32
        %dma_start3A_135 = arith.constant 0 : i32
        %dma_start3A_136 = tpu.memref_slice %arg8[%dma_start3A, %dma_start3A_134, %dma_start3A_135] : memref<2x64x128xf32, #tpu.memory_space<vmem>> -> memref<1x64x128xf32, #tpu.memory_space<vmem>>
        %dma_start3A_137 = tpu.memref_squeeze %dma_start3A_136 : memref<1x64x128xf32, #tpu.memory_space<vmem>> -> memref<64x128xf32, #tpu.memory_space<vmem>>
        %dma_start3A_138 = arith.constant 0 : i32
        %dma_start3A_139 = tpu.memref_slice %arg4[%mul3A_133, %dma_start3A_138] : memref<500000x128xf32, #tpu.memory_space<hbm>> -> memref<64x128xf32, #tpu.memory_space<hbm>>
        %dma_start3A_140 = arith.constant 0 : i32
        %dma_start3A_141 = tpu.memref_slice %arg4[%mul3A_133, %dma_start3A_140] : memref<500000x128xf32, #tpu.memory_space<hbm>> -> memref<64x128xf32, #tpu.memory_space<hbm>>
        %dma_start3A_142 = arith.constant 0 : i32
        %dma_start3A_143 = arith.constant 0 : i32
        %dma_start3A_144 = tpu.memref_slice %arg8[%dma_start3A, %dma_start3A_142, %dma_start3A_143] : memref<2x64x128xf32, #tpu.memory_space<vmem>> -> memref<1x64x128xf32, #tpu.memory_space<vmem>>
        %dma_start3A_145 = tpu.memref_squeeze %dma_start3A_144 : memref<1x64x128xf32, #tpu.memory_space<vmem>> -> memref<64x128xf32, #tpu.memory_space<vmem>>
        tpu.enqueue_dma source(%dma_start3A_145 : memref<64x128xf32, #tpu.memory_space<vmem>>) target(%dma_start3A_141 : memref<64x128xf32, #tpu.memory_space<hbm>>) target_semaphore(%arg12 : memref<!tpu.dma_semaphore, #tpu.memory_space<semaphore_mem>>)
        %add3A_146 = arith.constant 2 : i32
        %add3A_147 = arith.addi %add3A_95, %add3A_146 : i32
        %lt3A_148 = arith.cmpi slt, %add3A_147, %add3A_4 : i32
        %convert_element_type3A_149 = arith.extui %lt3A_148 : i1 to i32
        %cond3A_150 = arith.constant 0 : i32
        %cond3A_151 = arith.cmpi ne, %convert_element_type3A_149, %cond3A_150 : i32
        scf.if %cond3A_151 {
          %add3A_152 = arith.constant 2 : i32
          %add3A_153 = arith.addi %add3A_95, %add3A_152 : i32
          %add3A_154 = arith.addi %add3A_8, %add3A_153 : i32
          %mul3A_155 = arith.constant 128 : i32
          %mul3A_156 = arith.muli %add3A_154, %mul3A_155 : i32
          %dma_start3A_157 = arith.constant 1 : i32
          %dma_start3A_158 = arith.constant 0 : i32
          %dma_start3A_159 = arith.constant 0 : i32
          %dma_start3A_160 = tpu.memref_slice %arg5[%dma_start3A_157, %dma_start3A_158, %dma_start3A_159] : memref<2x64x128xf32, #tpu.memory_space<vmem>> -> memref<1x64x128xf32, #tpu.memory_space<vmem>>
          %dma_start3A_161 = tpu.memref_squeeze %dma_start3A_160 : memref<1x64x128xf32, #tpu.memory_space<vmem>> -> memref<64x128xf32, #tpu.memory_space<vmem>>
          %dma_start3A_162 = arith.constant 0 : i32
          %dma_start3A_163 = tpu.memref_slice %arg2[%dma_start3A_162, %mul3A_156] : memref<64x1000000xf32, #tpu.memory_space<hbm>> -> memref<64x128xf32, #tpu.memory_space<hbm>>
          %dma_start3A_164 = arith.constant 0 : i32
          %dma_start3A_165 = arith.constant 0 : i32
          %dma_start3A_166 = tpu.memref_slice %arg5[%dma_start3A_157, %dma_start3A_164, %dma_start3A_165] : memref<2x64x128xf32, #tpu.memory_space<vmem>> -> memref<1x64x128xf32, #tpu.memory_space<vmem>>
          %dma_start3A_167 = tpu.memref_squeeze %dma_start3A_166 : memref<1x64x128xf32, #tpu.memory_space<vmem>> -> memref<64x128xf32, #tpu.memory_space<vmem>>
          %dma_start3A_168 = arith.constant 0 : i32
          %dma_start3A_169 = tpu.memref_slice %arg2[%dma_start3A_168, %mul3A_156] : memref<64x1000000xf32, #tpu.memory_space<hbm>> -> memref<64x128xf32, #tpu.memory_space<hbm>>
          tpu.enqueue_dma source(%dma_start3A_169 : memref<64x128xf32, #tpu.memory_space<hbm>>) target(%dma_start3A_167 : memref<64x128xf32, #tpu.memory_space<vmem>>) target_semaphore(%arg10 : memref<!tpu.dma_semaphore, #tpu.memory_space<semaphore_mem>>)
        } else {
        }
      } else {
      }
    }
    %scan3A_68 = arith.constant 123 : i32
    %gt3A_69 = arith.constant 0 : i32
    %gt3A_70 = arith.cmpi sgt, %add3A_4, %gt3A_69 : i32
    %convert_element_type3A_71 = arith.extui %gt3A_70 : i1 to i32
    %cond3A_72 = arith.constant 0 : i32
    %cond3A_73 = arith.cmpi ne, %convert_element_type3A_71, %cond3A_72 : i32
    scf.if %cond3A_73 {
      %sub3A = arith.constant 2 : i32
      %sub3A_83 = arith.subi %add3A_4, %sub3A : i32
      %add3A_84 = arith.constant 0 : i32
      %add3A_85 = arith.addi %sub3A_83, %add3A_84 : i32
      %add3A_86 = arith.addi %add3A_8, %add3A_85 : i32
      %mul3A_87 = arith.constant 64 : i32
      %mul3A_88 = arith.muli %add3A_86, %mul3A_87 : i32
      %dma_wait3A = arith.constant 0 : i32
      %dma_wait3A_89 = arith.constant 0 : i32
      %dma_wait3A_90 = arith.constant 0 : i32
      %dma_wait3A_91 = tpu.memref_slice %arg8[%dma_wait3A, %dma_wait3A_89, %dma_wait3A_90] : memref<2x64x128xf32, #tpu.memory_space<vmem>> -> memref<1x64x128xf32, #tpu.memory_space<vmem>>
      %dma_wait3A_92 = tpu.memref_squeeze %dma_wait3A_91 : memref<1x64x128xf32, #tpu.memory_space<vmem>> -> memref<64x128xf32, #tpu.memory_space<vmem>>
      %dma_wait3A_93 = arith.constant 0 : i32
      %dma_wait3A_94 = tpu.memref_slice %arg4[%mul3A_88, %dma_wait3A_93] : memref<500000x128xf32, #tpu.memory_space<hbm>> -> memref<64x128xf32, #tpu.memory_space<hbm>>
      %dma_wait3A_95 = arith.constant 0 : i32
      %dma_wait3A_96 = tpu.memref_slice %arg4[%mul3A_88, %dma_wait3A_95] : memref<500000x128xf32, #tpu.memory_space<hbm>> -> memref<64x128xf32, #tpu.memory_space<hbm>>
      %dma_wait3A_97 = arith.constant 0 : i32
      %dma_wait3A_98 = arith.constant 0 : i32
      %dma_wait3A_99 = tpu.memref_slice %arg8[%dma_wait3A, %dma_wait3A_97, %dma_wait3A_98] : memref<2x64x128xf32, #tpu.memory_space<vmem>> -> memref<1x64x128xf32, #tpu.memory_space<vmem>>
      %dma_wait3A_100 = tpu.memref_squeeze %dma_wait3A_99 : memref<1x64x128xf32, #tpu.memory_space<vmem>> -> memref<64x128xf32, #tpu.memory_space<vmem>>
      tpu.wait_dma2 semaphore(%arg11 : memref<!tpu.dma_semaphore, #tpu.memory_space<semaphore_mem>>) src(%dma_wait3A_100 : memref<64x128xf32, #tpu.memory_space<vmem>>) dst(%dma_wait3A_96 : memref<64x128xf32, #tpu.memory_space<hbm>>)
    } else {
    }
    %gt3A_74 = arith.constant 1 : i32
    %gt3A_75 = arith.cmpi sgt, %add3A_4, %gt3A_74 : i32
    %convert_element_type3A_76 = arith.extui %gt3A_75 : i1 to i32
    %cond3A_77 = arith.constant 0 : i32
    %cond3A_78 = arith.cmpi ne, %convert_element_type3A_76, %cond3A_77 : i32
    scf.if %cond3A_78 {
      %sub3A = arith.constant 2 : i32
      %sub3A_83 = arith.subi %add3A_4, %sub3A : i32
      %add3A_84 = arith.constant 1 : i32
      %add3A_85 = arith.addi %sub3A_83, %add3A_84 : i32
      %add3A_86 = arith.addi %add3A_8, %add3A_85 : i32
      %mul3A_87 = arith.constant 64 : i32
      %mul3A_88 = arith.muli %add3A_86, %mul3A_87 : i32
      %dma_wait3A = arith.constant 1 : i32
      %dma_wait3A_89 = arith.constant 0 : i32
      %dma_wait3A_90 = arith.constant 0 : i32
      %dma_wait3A_91 = tpu.memref_slice %arg8[%dma_wait3A, %dma_wait3A_89, %dma_wait3A_90] : memref<2x64x128xf32, #tpu.memory_space<vmem>> -> memref<1x64x128xf32, #tpu.memory_space<vmem>>
      %dma_wait3A_92 = tpu.memref_squeeze %dma_wait3A_91 : memref<1x64x128xf32, #tpu.memory_space<vmem>> -> memref<64x128xf32, #tpu.memory_space<vmem>>
      %dma_wait3A_93 = arith.constant 0 : i32
      %dma_wait3A_94 = tpu.memref_slice %arg4[%mul3A_88, %dma_wait3A_93] : memref<500000x128xf32, #tpu.memory_space<hbm>> -> memref<64x128xf32, #tpu.memory_space<hbm>>
      %dma_wait3A_95 = arith.constant 0 : i32
      %dma_wait3A_96 = tpu.memref_slice %arg4[%mul3A_88, %dma_wait3A_95] : memref<500000x128xf32, #tpu.memory_space<hbm>> -> memref<64x128xf32, #tpu.memory_space<hbm>>
      %dma_wait3A_97 = arith.constant 0 : i32
      %dma_wait3A_98 = arith.constant 0 : i32
      %dma_wait3A_99 = tpu.memref_slice %arg8[%dma_wait3A, %dma_wait3A_97, %dma_wait3A_98] : memref<2x64x128xf32, #tpu.memory_space<vmem>> -> memref<1x64x128xf32, #tpu.memory_space<vmem>>
      %dma_wait3A_100 = tpu.memref_squeeze %dma_wait3A_99 : memref<1x64x128xf32, #tpu.memory_space<vmem>> -> memref<64x128xf32, #tpu.memory_space<vmem>>
      tpu.wait_dma2 semaphore(%arg12 : memref<!tpu.dma_semaphore, #tpu.memory_space<semaphore_mem>>) src(%dma_wait3A_100 : memref<64x128xf32, #tpu.memory_space<vmem>>) dst(%dma_wait3A_96 : memref<64x128xf32, #tpu.memory_space<hbm>>)
    } else {
    }
    %eq3A = arith.constant 31 : i32
    %eq3A_79 = arith.cmpi eq, %add3A, %eq3A : i32
    %convert_element_type3A_80 = arith.extui %eq3A_79 : i1 to i32
    %cond3A_81 = arith.constant 0 : i32
    %cond3A_82 = arith.cmpi ne, %convert_element_type3A_80, %cond3A_81 : i32
    scf.if %cond3A_82 {
      %run_scoped3A = arith.constant 0 : i32
      "tpu.region"() ({
        %run_scoped3A_84 = tpu.sem_alloc : memref<!tpu.dma_semaphore, #tpu.memory_space<semaphore_mem>>
        %dma_start3A = arith.constant 0 : i32
        %dma_start3A_85 = arith.constant 0 : i32
        %dma_start3A_86 = tpu.memref_slice %arg8[%run_scoped3A, %dma_start3A, %dma_start3A_85] : memref<2x64x128xf32, #tpu.memory_space<vmem>> -> memref<1x32x128xf32, #tpu.memory_space<vmem>>
        %dma_start3A_87 = tpu.memref_squeeze %dma_start3A_86 : memref<1x32x128xf32, #tpu.memory_space<vmem>> -> memref<32x128xf32, #tpu.memory_space<vmem>>
        %dma_start3A_88 = arith.constant 0 : i32
        %dma_start3A_89 = arith.constant 0 : i32
        %dma_start3A_90 = tpu.memref_slice %arg8[%run_scoped3A, %dma_start3A_88, %dma_start3A_89] : memref<2x64x128xf32, #tpu.memory_space<vmem>> -> memref<1x32x128xf32, #tpu.memory_space<vmem>>
        %dma_start3A_91 = tpu.memref_squeeze %dma_start3A_90 : memref<1x32x128xf32, #tpu.memory_space<vmem>> -> memref<32x128xf32, #tpu.memory_space<vmem>>
        tpu.enqueue_dma source(%arg3 : memref<32x128xf32, #tpu.memory_space<hbm>>) target(%dma_start3A_91 : memref<32x128xf32, #tpu.memory_space<vmem>>) target_semaphore(%run_scoped3A_84 : memref<!tpu.dma_semaphore, #tpu.memory_space<semaphore_mem>>)
        %dma_wait3A = arith.constant 0 : i32
        %dma_wait3A_92 = arith.constant 0 : i32
        %dma_wait3A_93 = tpu.memref_slice %arg8[%run_scoped3A, %dma_wait3A, %dma_wait3A_92] : memref<2x64x128xf32, #tpu.memory_space<vmem>> -> memref<1x32x128xf32, #tpu.memory_space<vmem>>
        %dma_wait3A_94 = tpu.memref_squeeze %dma_wait3A_93 : memref<1x32x128xf32, #tpu.memory_space<vmem>> -> memref<32x128xf32, #tpu.memory_space<vmem>>
        %dma_wait3A_95 = arith.constant 0 : i32
        %dma_wait3A_96 = arith.constant 0 : i32
        %dma_wait3A_97 = tpu.memref_slice %arg8[%run_scoped3A, %dma_wait3A_95, %dma_wait3A_96] : memref<2x64x128xf32, #tpu.memory_space<vmem>> -> memref<1x32x128xf32, #tpu.memory_space<vmem>>
        %dma_wait3A_98 = tpu.memref_squeeze %dma_wait3A_97 : memref<1x32x128xf32, #tpu.memory_space<vmem>> -> memref<32x128xf32, #tpu.memory_space<vmem>>
        tpu.wait_dma2 semaphore(%run_scoped3A_84 : memref<!tpu.dma_semaphore, #tpu.memory_space<semaphore_mem>>) src(%arg3 : memref<32x128xf32, #tpu.memory_space<hbm>>) dst(%dma_wait3A_98 : memref<32x128xf32, #tpu.memory_space<vmem>>)
        tpu.yield
      }) : () -> ()
      %run_scoped3A_83 = arith.constant 0 : i32
      "tpu.region"() ({
        %run_scoped3A_84 = tpu.sem_alloc : memref<!tpu.dma_semaphore, #tpu.memory_space<semaphore_mem>>
        %dma_start3A = arith.constant 0 : i32
        %dma_start3A_85 = arith.constant 0 : i32
        %dma_start3A_86 = tpu.memref_slice %arg8[%run_scoped3A_83, %dma_start3A, %dma_start3A_85] : memref<2x64x128xf32, #tpu.memory_space<vmem>> -> memref<1x32x128xf32, #tpu.memory_space<vmem>>
        %dma_start3A_87 = tpu.memref_squeeze %dma_start3A_86 : memref<1x32x128xf32, #tpu.memory_space<vmem>> -> memref<32x128xf32, #tpu.memory_space<vmem>>
        %dma_start3A_88 = arith.constant 499968 : i32
        %dma_start3A_89 = arith.constant 0 : i32
        %dma_start3A_90 = tpu.memref_slice %arg4[%dma_start3A_88, %dma_start3A_89] : memref<500000x128xf32, #tpu.memory_space<hbm>> -> memref<32x128xf32, #tpu.memory_space<hbm>>
        %dma_start3A_91 = arith.constant 499968 : i32
        %dma_start3A_92 = arith.constant 0 : i32
        %dma_start3A_93 = tpu.memref_slice %arg4[%dma_start3A_91, %dma_start3A_92] : memref<500000x128xf32, #tpu.memory_space<hbm>> -> memref<32x128xf32, #tpu.memory_space<hbm>>
        %dma_start3A_94 = arith.constant 0 : i32
        %dma_start3A_95 = arith.constant 0 : i32
        %dma_start3A_96 = tpu.memref_slice %arg8[%run_scoped3A_83, %dma_start3A_94, %dma_start3A_95] : memref<2x64x128xf32, #tpu.memory_space<vmem>> -> memref<1x32x128xf32, #tpu.memory_space<vmem>>
        %dma_start3A_97 = tpu.memref_squeeze %dma_start3A_96 : memref<1x32x128xf32, #tpu.memory_space<vmem>> -> memref<32x128xf32, #tpu.memory_space<vmem>>
        tpu.enqueue_dma source(%dma_start3A_97 : memref<32x128xf32, #tpu.memory_space<vmem>>) target(%dma_start3A_93 : memref<32x128xf32, #tpu.memory_space<hbm>>) target_semaphore(%run_scoped3A_84 : memref<!tpu.dma_semaphore, #tpu.memory_space<semaphore_mem>>)
        %dma_wait3A = arith.constant 0 : i32
        %dma_wait3A_98 = arith.constant 0 : i32
        %dma_wait3A_99 = tpu.memref_slice %arg8[%run_scoped3A_83, %dma_wait3A, %dma_wait3A_98] : memref<2x64x128xf32, #tpu.memory_space<vmem>> -> memref<1x32x128xf32, #tpu.memory_space<vmem>>
        %dma_wait3A_100 = tpu.memref_squeeze %dma_wait3A_99 : memref<1x32x128xf32, #tpu.memory_space<vmem>> -> memref<32x128xf32, #tpu.memory_space<vmem>>
        %dma_wait3A_101 = arith.constant 499968 : i32
        %dma_wait3A_102 = arith.constant 0 : i32
        %dma_wait3A_103 = tpu.memref_slice %arg4[%dma_wait3A_101, %dma_wait3A_102] : memref<500000x128xf32, #tpu.memory_space<hbm>> -> memref<32x128xf32, #tpu.memory_space<hbm>>
        %dma_wait3A_104 = arith.constant 499968 : i32
        %dma_wait3A_105 = arith.constant 0 : i32
        %dma_wait3A_106 = tpu.memref_slice %arg4[%dma_wait3A_104, %dma_wait3A_105] : memref<500000x128xf32, #tpu.memory_space<hbm>> -> memref<32x128xf32, #tpu.memory_space<hbm>>
        %dma_wait3A_107 = arith.constant 0 : i32
        %dma_wait3A_108 = arith.constant 0 : i32
        %dma_wait3A_109 = tpu.memref_slice %arg8[%run_scoped3A_83, %dma_wait3A_107, %dma_wait3A_108] : memref<2x64x128xf32, #tpu.memory_space<vmem>> -> memref<1x32x128xf32, #tpu.memory_space<vmem>>
        %dma_wait3A_110 = tpu.memref_squeeze %dma_wait3A_109 : memref<1x32x128xf32, #tpu.memory_space<vmem>> -> memref<32x128xf32, #tpu.memory_space<vmem>>
        tpu.wait_dma2 semaphore(%run_scoped3A_84 : memref<!tpu.dma_semaphore, #tpu.memory_space<semaphore_mem>>) src(%dma_wait3A_110 : memref<32x128xf32, #tpu.memory_space<vmem>>) dst(%dma_wait3A_106 : memref<32x128xf32, #tpu.memory_space<hbm>>)
        tpu.yield
      }) : () -> ()
    } else {
    }
    return
  }
}

#map = affine_map<(d0, d1) -> (0, 0)>
#map1 = affine_map<(d0, d1) -> (0, 0, 0)>
module attributes {stable_mosaic.version = 14 : i64} {
  func.func @gather_kernel(%arg0: i32, %arg1: i32, %arg2: memref<50x16384xi32, #tpu.memory_space<hbm>>, %arg3: memref<500000x128xf32, #tpu.memory_space<hbm>>, %arg4: memref<50x64x16384xf32, #tpu.memory_space<hbm>>, %arg5: memref<50x512xi32, #tpu.memory_space<vmem>>, %arg6: memref<2x128xi32, #tpu.memory_space<vmem>>, %arg7: memref<2x128x128xf32, #tpu.memory_space<vmem>>, %arg8: memref<8256xf32, #tpu.memory_space<vmem>>, %arg9: memref<8256xf32, #tpu.memory_space<vmem>>, %arg10: memref<2x64x128xf32, #tpu.memory_space<vmem>>, %arg11: memref<!tpu.dma_semaphore, #tpu.memory_space<semaphore_mem>>, %arg12: memref<!tpu.dma_semaphore, #tpu.memory_space<semaphore_mem>>, %arg13: memref<!tpu.dma_semaphore, #tpu.memory_space<semaphore_mem>>, %arg14: memref<!tpu.dma_semaphore, #tpu.memory_space<semaphore_mem>>) attributes {dimension_semantics = [#tpu.dimension_semantics<core_parallel>, #tpu.dimension_semantics<subcore_parallel>], iteration_bounds = array<i64: 2, 16>, scalar_prefetch = 0 : i64, scratch_operands = 10 : i64, tpu.core_type = #tpu.core_type<sc_vector_subcore>, window_params = [{transform_indices = #map}, {transform_indices = #map}, {transform_indices = #map1}]} {
    %mul3A = arith.constant 2 : i32
    %mul3A_0 = arith.muli %arg1, %mul3A : i32
    %add3A = arith.addi %mul3A_0, %arg0 : i32
    %mul3A_1 = arith.constant 512 : i32
    %mul3A_2 = arith.muli %add3A, %mul3A_1 : i32
    "tpu.region"() ({
      %run_scoped3A = tpu.sem_alloc : memref<!tpu.dma_semaphore, #tpu.memory_space<semaphore_mem>>
      %dma_start3A_295 = arith.constant 0 : i32
      %dma_start3A_296 = tpu.memref_slice %arg2[%dma_start3A_295, %mul3A_2] : memref<50x16384xi32, #tpu.memory_space<hbm>> -> memref<50x512xi32, #tpu.memory_space<hbm>>
      %dma_start3A_297 = arith.constant 0 : i32
      %dma_start3A_298 = tpu.memref_slice %arg2[%dma_start3A_297, %mul3A_2] : memref<50x16384xi32, #tpu.memory_space<hbm>> -> memref<50x512xi32, #tpu.memory_space<hbm>>
      tpu.enqueue_dma source(%dma_start3A_298 : memref<50x512xi32, #tpu.memory_space<hbm>>) target(%arg5 : memref<50x512xi32, #tpu.memory_space<vmem>>) target_semaphore(%run_scoped3A : memref<!tpu.dma_semaphore, #tpu.memory_space<semaphore_mem>>)
      %dma_wait3A_299 = arith.constant 0 : i32
      %dma_wait3A_300 = tpu.memref_slice %arg2[%dma_wait3A_299, %mul3A_2] : memref<50x16384xi32, #tpu.memory_space<hbm>> -> memref<50x512xi32, #tpu.memory_space<hbm>>
      %dma_wait3A_301 = arith.constant 0 : i32
      %dma_wait3A_302 = tpu.memref_slice %arg2[%dma_wait3A_301, %mul3A_2] : memref<50x16384xi32, #tpu.memory_space<hbm>> -> memref<50x512xi32, #tpu.memory_space<hbm>>
      tpu.wait_dma2 semaphore(%run_scoped3A : memref<!tpu.dma_semaphore, #tpu.memory_space<semaphore_mem>>) src(%dma_wait3A_302 : memref<50x512xi32, #tpu.memory_space<hbm>>) dst(%arg5 : memref<50x512xi32, #tpu.memory_space<vmem>>)
      tpu.yield
    }) : () -> ()
    %iota3A = tpu.iota {dimensions = array<i32: 0>} : vector<16xi32>
    %add3A_3 = arith.constant 0 : i32
    %add3A_4 = vector.broadcast %add3A_3 : i32 to vector<16xi32>
    %add3A_5 = arith.addi %iota3A, %add3A_4 : vector<16xi32>
    %iota3A_6 = tpu.iota {dimensions = array<i32: 0>} : vector<16xi32>
    %add3A_7 = arith.constant 16 : i32
    %add3A_8 = vector.broadcast %add3A_7 : i32 to vector<16xi32>
    %add3A_9 = arith.addi %iota3A_6, %add3A_8 : vector<16xi32>
    %iota3A_10 = tpu.iota {dimensions = array<i32: 0>} : vector<16xi32>
    %add3A_11 = arith.constant 32 : i32
    %add3A_12 = vector.broadcast %add3A_11 : i32 to vector<16xi32>
    %add3A_13 = arith.addi %iota3A_10, %add3A_12 : vector<16xi32>
    %iota3A_14 = tpu.iota {dimensions = array<i32: 0>} : vector<16xi32>
    %add3A_15 = arith.constant 48 : i32
    %add3A_16 = vector.broadcast %add3A_15 : i32 to vector<16xi32>
    %add3A_17 = arith.addi %iota3A_14, %add3A_16 : vector<16xi32>
    %iota3A_18 = tpu.iota {dimensions = array<i32: 0>} : vector<16xi32>
    %add3A_19 = arith.constant 64 : i32
    %add3A_20 = vector.broadcast %add3A_19 : i32 to vector<16xi32>
    %add3A_21 = arith.addi %iota3A_18, %add3A_20 : vector<16xi32>
    %iota3A_22 = tpu.iota {dimensions = array<i32: 0>} : vector<16xi32>
    %add3A_23 = arith.constant 80 : i32
    %add3A_24 = vector.broadcast %add3A_23 : i32 to vector<16xi32>
    %add3A_25 = arith.addi %iota3A_22, %add3A_24 : vector<16xi32>
    %iota3A_26 = tpu.iota {dimensions = array<i32: 0>} : vector<16xi32>
    %add3A_27 = arith.constant 96 : i32
    %add3A_28 = vector.broadcast %add3A_27 : i32 to vector<16xi32>
    %add3A_29 = arith.addi %iota3A_26, %add3A_28 : vector<16xi32>
    %iota3A_30 = tpu.iota {dimensions = array<i32: 0>} : vector<16xi32>
    %add3A_31 = arith.constant 112 : i32
    %add3A_32 = vector.broadcast %add3A_31 : i32 to vector<16xi32>
    %add3A_33 = arith.addi %iota3A_30, %add3A_32 : vector<16xi32>
    %iota3A_34 = tpu.iota {dimensions = array<i32: 0>} : vector<16xi32>
    %add3A_35 = arith.constant 0 : i32
    %add3A_36 = vector.broadcast %add3A_35 : i32 to vector<16xi32>
    %add3A_37 = arith.addi %iota3A_34, %add3A_36 : vector<16xi32>
    %mul3A_38 = arith.constant 129 : i32
    %mul3A_39 = vector.broadcast %mul3A_38 : i32 to vector<16xi32>
    %mul3A_40 = arith.muli %add3A_37, %mul3A_39 : vector<16xi32>
    %add3A_41 = arith.constant 16 : i32
    %add3A_42 = vector.broadcast %add3A_41 : i32 to vector<16xi32>
    %add3A_43 = arith.addi %iota3A_34, %add3A_42 : vector<16xi32>
    %mul3A_44 = arith.constant 129 : i32
    %mul3A_45 = vector.broadcast %mul3A_44 : i32 to vector<16xi32>
    %mul3A_46 = arith.muli %add3A_43, %mul3A_45 : vector<16xi32>
    %add3A_47 = arith.constant 32 : i32
    %add3A_48 = vector.broadcast %add3A_47 : i32 to vector<16xi32>
    %add3A_49 = arith.addi %iota3A_34, %add3A_48 : vector<16xi32>
    %mul3A_50 = arith.constant 129 : i32
    %mul3A_51 = vector.broadcast %mul3A_50 : i32 to vector<16xi32>
    %mul3A_52 = arith.muli %add3A_49, %mul3A_51 : vector<16xi32>
    %add3A_53 = arith.constant 48 : i32
    %add3A_54 = vector.broadcast %add3A_53 : i32 to vector<16xi32>
    %add3A_55 = arith.addi %iota3A_34, %add3A_54 : vector<16xi32>
    %mul3A_56 = arith.constant 129 : i32
    %mul3A_57 = vector.broadcast %mul3A_56 : i32 to vector<16xi32>
    %mul3A_58 = arith.muli %add3A_55, %mul3A_57 : vector<16xi32>
    %get3A = arith.constant 0 : i32
    %get3A_59 = arith.index_cast %get3A : i32 to index
    %get3A_60 = arith.constant 0 : index
    %get3A_61 = tpu.vector_load %arg5[%get3A_59, %get3A_60] {strides = array<i32>} : memref<50x512xi32, #tpu.memory_space<vmem>>, vector<16xi32>,
    %shift_right_arithmetic3A = arith.constant 1 : i32
    %shift_right_arithmetic3A_62 = vector.broadcast %shift_right_arithmetic3A : i32 to vector<16xi32>
    %shift_right_arithmetic3A_63 = arith.shrsi %get3A_61, %shift_right_arithmetic3A_62 : vector<16xi32>
    %swap3A = arith.constant 0 : i32
    %swap3A_64 = arith.index_cast %swap3A : i32 to index
    %swap3A_65 = arith.constant 0 : index
    %swap3A_66 = tpu.vector_load %arg6[%swap3A_64, %swap3A_65] {strides = array<i32>} : memref<2x128xi32, #tpu.memory_space<vmem>>, vector<16xi32>,
    tpu.vector_store %arg6[%swap3A_64, %swap3A_65], %shift_right_arithmetic3A_63 {strides = array<i32>} : memref<2x128xi32, #tpu.memory_space<vmem>>, vector<16xi32>,
    %get3A_67 = arith.constant 0 : i32
    %get3A_68 = arith.index_cast %get3A_67 : i32 to index
    %get3A_69 = arith.constant 16 : index
    %get3A_70 = tpu.vector_load %arg5[%get3A_68, %get3A_69] {strides = array<i32>} : memref<50x512xi32, #tpu.memory_space<vmem>>, vector<16xi32>,
    %shift_right_arithmetic3A_71 = arith.constant 1 : i32
    %shift_right_arithmetic3A_72 = vector.broadcast %shift_right_arithmetic3A_71 : i32 to vector<16xi32>
    %shift_right_arithmetic3A_73 = arith.shrsi %get3A_70, %shift_right_arithmetic3A_72 : vector<16xi32>
    %swap3A_74 = arith.constant 0 : i32
    %swap3A_75 = arith.index_cast %swap3A_74 : i32 to index
    %swap3A_76 = arith.constant 16 : index
    %swap3A_77 = tpu.vector_load %arg6[%swap3A_75, %swap3A_76] {strides = array<i32>} : memref<2x128xi32, #tpu.memory_space<vmem>>, vector<16xi32>,
    tpu.vector_store %arg6[%swap3A_75, %swap3A_76], %shift_right_arithmetic3A_73 {strides = array<i32>} : memref<2x128xi32, #tpu.memory_space<vmem>>, vector<16xi32>,
    %get3A_78 = arith.constant 0 : i32
    %get3A_79 = arith.index_cast %get3A_78 : i32 to index
    %get3A_80 = arith.constant 32 : index
    %get3A_81 = tpu.vector_load %arg5[%get3A_79, %get3A_80] {strides = array<i32>} : memref<50x512xi32, #tpu.memory_space<vmem>>, vector<16xi32>,
    %shift_right_arithmetic3A_82 = arith.constant 1 : i32
    %shift_right_arithmetic3A_83 = vector.broadcast %shift_right_arithmetic3A_82 : i32 to vector<16xi32>
    %shift_right_arithmetic3A_84 = arith.shrsi %get3A_81, %shift_right_arithmetic3A_83 : vector<16xi32>
    %swap3A_85 = arith.constant 0 : i32
    %swap3A_86 = arith.index_cast %swap3A_85 : i32 to index
    %swap3A_87 = arith.constant 32 : index
    %swap3A_88 = tpu.vector_load %arg6[%swap3A_86, %swap3A_87] {strides = array<i32>} : memref<2x128xi32, #tpu.memory_space<vmem>>, vector<16xi32>,
    tpu.vector_store %arg6[%swap3A_86, %swap3A_87], %shift_right_arithmetic3A_84 {strides = array<i32>} : memref<2x128xi32, #tpu.memory_space<vmem>>, vector<16xi32>,
    %get3A_89 = arith.constant 0 : i32
    %get3A_90 = arith.index_cast %get3A_89 : i32 to index
    %get3A_91 = arith.constant 48 : index
    %get3A_92 = tpu.vector_load %arg5[%get3A_90, %get3A_91] {strides = array<i32>} : memref<50x512xi32, #tpu.memory_space<vmem>>, vector<16xi32>,
    %shift_right_arithmetic3A_93 = arith.constant 1 : i32
    %shift_right_arithmetic3A_94 = vector.broadcast %shift_right_arithmetic3A_93 : i32 to vector<16xi32>
    %shift_right_arithmetic3A_95 = arith.shrsi %get3A_92, %shift_right_arithmetic3A_94 : vector<16xi32>
    %swap3A_96 = arith.constant 0 : i32
    %swap3A_97 = arith.index_cast %swap3A_96 : i32 to index
    %swap3A_98 = arith.constant 48 : index
    %swap3A_99 = tpu.vector_load %arg6[%swap3A_97, %swap3A_98] {strides = array<i32>} : memref<2x128xi32, #tpu.memory_space<vmem>>, vector<16xi32>,
    tpu.vector_store %arg6[%swap3A_97, %swap3A_98], %shift_right_arithmetic3A_95 {strides = array<i32>} : memref<2x128xi32, #tpu.memory_space<vmem>>, vector<16xi32>,
    %get3A_100 = arith.constant 0 : i32
    %get3A_101 = arith.index_cast %get3A_100 : i32 to index
    %get3A_102 = arith.constant 64 : index
    %get3A_103 = tpu.vector_load %arg5[%get3A_101, %get3A_102] {strides = array<i32>} : memref<50x512xi32, #tpu.memory_space<vmem>>, vector<16xi32>,
    %shift_right_arithmetic3A_104 = arith.constant 1 : i32
    %shift_right_arithmetic3A_105 = vector.broadcast %shift_right_arithmetic3A_104 : i32 to vector<16xi32>
    %shift_right_arithmetic3A_106 = arith.shrsi %get3A_103, %shift_right_arithmetic3A_105 : vector<16xi32>
    %swap3A_107 = arith.constant 0 : i32
    %swap3A_108 = arith.index_cast %swap3A_107 : i32 to index
    %swap3A_109 = arith.constant 64 : index
    %swap3A_110 = tpu.vector_load %arg6[%swap3A_108, %swap3A_109] {strides = array<i32>} : memref<2x128xi32, #tpu.memory_space<vmem>>, vector<16xi32>,
    tpu.vector_store %arg6[%swap3A_108, %swap3A_109], %shift_right_arithmetic3A_106 {strides = array<i32>} : memref<2x128xi32, #tpu.memory_space<vmem>>, vector<16xi32>,
    %get3A_111 = arith.constant 0 : i32
    %get3A_112 = arith.index_cast %get3A_111 : i32 to index
    %get3A_113 = arith.constant 80 : index
    %get3A_114 = tpu.vector_load %arg5[%get3A_112, %get3A_113] {strides = array<i32>} : memref<50x512xi32, #tpu.memory_space<vmem>>, vector<16xi32>,
    %shift_right_arithmetic3A_115 = arith.constant 1 : i32
    %shift_right_arithmetic3A_116 = vector.broadcast %shift_right_arithmetic3A_115 : i32 to vector<16xi32>
    %shift_right_arithmetic3A_117 = arith.shrsi %get3A_114, %shift_right_arithmetic3A_116 : vector<16xi32>
    %swap3A_118 = arith.constant 0 : i32
    %swap3A_119 = arith.index_cast %swap3A_118 : i32 to index
    %swap3A_120 = arith.constant 80 : index
    %swap3A_121 = tpu.vector_load %arg6[%swap3A_119, %swap3A_120] {strides = array<i32>} : memref<2x128xi32, #tpu.memory_space<vmem>>, vector<16xi32>,
    tpu.vector_store %arg6[%swap3A_119, %swap3A_120], %shift_right_arithmetic3A_117 {strides = array<i32>} : memref<2x128xi32, #tpu.memory_space<vmem>>, vector<16xi32>,
    %get3A_122 = arith.constant 0 : i32
    %get3A_123 = arith.index_cast %get3A_122 : i32 to index
    %get3A_124 = arith.constant 96 : index
    %get3A_125 = tpu.vector_load %arg5[%get3A_123, %get3A_124] {strides = array<i32>} : memref<50x512xi32, #tpu.memory_space<vmem>>, vector<16xi32>,
    %shift_right_arithmetic3A_126 = arith.constant 1 : i32
    %shift_right_arithmetic3A_127 = vector.broadcast %shift_right_arithmetic3A_126 : i32 to vector<16xi32>
    %shift_right_arithmetic3A_128 = arith.shrsi %get3A_125, %shift_right_arithmetic3A_127 : vector<16xi32>
    %swap3A_129 = arith.constant 0 : i32
    %swap3A_130 = arith.index_cast %swap3A_129 : i32 to index
    %swap3A_131 = arith.constant 96 : index
    %swap3A_132 = tpu.vector_load %arg6[%swap3A_130, %swap3A_131] {strides = array<i32>} : memref<2x128xi32, #tpu.memory_space<vmem>>, vector<16xi32>,
    tpu.vector_store %arg6[%swap3A_130, %swap3A_131], %shift_right_arithmetic3A_128 {strides = array<i32>} : memref<2x128xi32, #tpu.memory_space<vmem>>, vector<16xi32>,
    %get3A_133 = arith.constant 0 : i32
    %get3A_134 = arith.index_cast %get3A_133 : i32 to index
    %get3A_135 = arith.constant 112 : index
    %get3A_136 = tpu.vector_load %arg5[%get3A_134, %get3A_135] {strides = array<i32>} : memref<50x512xi32, #tpu.memory_space<vmem>>, vector<16xi32>,
    %shift_right_arithmetic3A_137 = arith.constant 1 : i32
    %shift_right_arithmetic3A_138 = vector.broadcast %shift_right_arithmetic3A_137 : i32 to vector<16xi32>
    %shift_right_arithmetic3A_139 = arith.shrsi %get3A_136, %shift_right_arithmetic3A_138 : vector<16xi32>
    %swap3A_140 = arith.constant 0 : i32
    %swap3A_141 = arith.index_cast %swap3A_140 : i32 to index
    %swap3A_142 = arith.constant 112 : index
    %swap3A_143 = tpu.vector_load %arg6[%swap3A_141, %swap3A_142] {strides = array<i32>} : memref<2x128xi32, #tpu.memory_space<vmem>>, vector<16xi32>,
    tpu.vector_store %arg6[%swap3A_141, %swap3A_142], %shift_right_arithmetic3A_139 {strides = array<i32>} : memref<2x128xi32, #tpu.memory_space<vmem>>, vector<16xi32>,
    %dma_start3A = arith.constant 0 : i32
    %dma_start3A_144 = arith.constant 0 : i32
    %dma_start3A_145 = arith.constant 0 : i32
    %dma_start3A_146 = arith.constant 0 : i32
    %dma_start3A_147 = tpu.memref_slice %arg7[%dma_start3A_144, %dma_start3A_145, %dma_start3A_146] : memref<2x128x128xf32, #tpu.memory_space<vmem>> -> memref<1x128x128xf32, #tpu.memory_space<vmem>>
    %dma_start3A_148 = tpu.memref_squeeze %dma_start3A_147 : memref<1x128x128xf32, #tpu.memory_space<vmem>> -> memref<128x128xf32, #tpu.memory_space<vmem>>
    %dma_start3A_149 = arith.constant 0 : i32
    %dma_start3A_150 = tpu.memref_slice %arg6[%dma_start3A, %dma_start3A_149] : memref<2x128xi32, #tpu.memory_space<vmem>> -> memref<1x128xi32, #tpu.memory_space<vmem>>
    %dma_start3A_151 = tpu.memref_squeeze %dma_start3A_150 : memref<1x128xi32, #tpu.memory_space<vmem>> -> memref<128xi32, #tpu.memory_space<vmem>>
    %dma_start3A_152 = arith.constant 0 : i32
    %dma_start3A_153 = arith.constant 0 : i32
    %dma_start3A_154 = tpu.memref_slice %arg3[%dma_start3A_152, %dma_start3A_153] : memref<500000x128xf32, #tpu.memory_space<hbm>> -> memref<500000x128xf32, #tpu.memory_space<hbm>>
    tpu.enqueue_indirect_dma source(%dma_start3A_154 : memref<500000x128xf32, #tpu.memory_space<hbm>>) target(%dma_start3A_148 : memref<128x128xf32, #tpu.memory_space<vmem>>) offsets(%dma_start3A_151 : memref<128xi32, #tpu.memory_space<vmem>>) semaphore(%arg11 : memref<!tpu.dma_semaphore, #tpu.memory_space<semaphore_mem>>)
    %get3A_155 = arith.constant 0 : i32
    %get3A_156 = arith.index_cast %get3A_155 : i32 to index
    %get3A_157 = arith.constant 128 : index
    %get3A_158 = tpu.vector_load %arg5[%get3A_156, %get3A_157] {strides = array<i32>} : memref<50x512xi32, #tpu.memory_space<vmem>>, vector<16xi32>,
    %shift_right_arithmetic3A_159 = arith.constant 1 : i32
    %shift_right_arithmetic3A_160 = vector.broadcast %shift_right_arithmetic3A_159 : i32 to vector<16xi32>
    %shift_right_arithmetic3A_161 = arith.shrsi %get3A_158, %shift_right_arithmetic3A_160 : vector<16xi32>
    %swap3A_162 = arith.constant 1 : i32
    %swap3A_163 = arith.index_cast %swap3A_162 : i32 to index
    %swap3A_164 = arith.constant 0 : index
    %swap3A_165 = tpu.vector_load %arg6[%swap3A_163, %swap3A_164] {strides = array<i32>} : memref<2x128xi32, #tpu.memory_space<vmem>>, vector<16xi32>,
    tpu.vector_store %arg6[%swap3A_163, %swap3A_164], %shift_right_arithmetic3A_161 {strides = array<i32>} : memref<2x128xi32, #tpu.memory_space<vmem>>, vector<16xi32>,
    %get3A_166 = arith.constant 0 : i32
    %get3A_167 = arith.index_cast %get3A_166 : i32 to index
    %get3A_168 = arith.constant 144 : index
    %get3A_169 = tpu.vector_load %arg5[%get3A_167, %get3A_168] {strides = array<i32>} : memref<50x512xi32, #tpu.memory_space<vmem>>, vector<16xi32>,
    %shift_right_arithmetic3A_170 = arith.constant 1 : i32
    %shift_right_arithmetic3A_171 = vector.broadcast %shift_right_arithmetic3A_170 : i32 to vector<16xi32>
    %shift_right_arithmetic3A_172 = arith.shrsi %get3A_169, %shift_right_arithmetic3A_171 : vector<16xi32>
    %swap3A_173 = arith.constant 1 : i32
    %swap3A_174 = arith.index_cast %swap3A_173 : i32 to index
    %swap3A_175 = arith.constant 16 : index
    %swap3A_176 = tpu.vector_load %arg6[%swap3A_174, %swap3A_175] {strides = array<i32>} : memref<2x128xi32, #tpu.memory_space<vmem>>, vector<16xi32>,
    tpu.vector_store %arg6[%swap3A_174, %swap3A_175], %shift_right_arithmetic3A_172 {strides = array<i32>} : memref<2x128xi32, #tpu.memory_space<vmem>>, vector<16xi32>,
    %get3A_177 = arith.constant 0 : i32
    %get3A_178 = arith.index_cast %get3A_177 : i32 to index
    %get3A_179 = arith.constant 160 : index
    %get3A_180 = tpu.vector_load %arg5[%get3A_178, %get3A_179] {strides = array<i32>} : memref<50x512xi32, #tpu.memory_space<vmem>>, vector<16xi32>,
    %shift_right_arithmetic3A_181 = arith.constant 1 : i32
    %shift_right_arithmetic3A_182 = vector.broadcast %shift_right_arithmetic3A_181 : i32 to vector<16xi32>
    %shift_right_arithmetic3A_183 = arith.shrsi %get3A_180, %shift_right_arithmetic3A_182 : vector<16xi32>
    %swap3A_184 = arith.constant 1 : i32
    %swap3A_185 = arith.index_cast %swap3A_184 : i32 to index
    %swap3A_186 = arith.constant 32 : index
    %swap3A_187 = tpu.vector_load %arg6[%swap3A_185, %swap3A_186] {strides = array<i32>} : memref<2x128xi32, #tpu.memory_space<vmem>>, vector<16xi32>,
    tpu.vector_store %arg6[%swap3A_185, %swap3A_186], %shift_right_arithmetic3A_183 {strides = array<i32>} : memref<2x128xi32, #tpu.memory_space<vmem>>, vector<16xi32>,
    %get3A_188 = arith.constant 0 : i32
    %get3A_189 = arith.index_cast %get3A_188 : i32 to index
    %get3A_190 = arith.constant 176 : index
    %get3A_191 = tpu.vector_load %arg5[%get3A_189, %get3A_190] {strides = array<i32>} : memref<50x512xi32, #tpu.memory_space<vmem>>, vector<16xi32>,
    %shift_right_arithmetic3A_192 = arith.constant 1 : i32
    %shift_right_arithmetic3A_193 = vector.broadcast %shift_right_arithmetic3A_192 : i32 to vector<16xi32>
    %shift_right_arithmetic3A_194 = arith.shrsi %get3A_191, %shift_right_arithmetic3A_193 : vector<16xi32>
    %swap3A_195 = arith.constant 1 : i32
    %swap3A_196 = arith.index_cast %swap3A_195 : i32 to index
    %swap3A_197 = arith.constant 48 : index
    %swap3A_198 = tpu.vector_load %arg6[%swap3A_196, %swap3A_197] {strides = array<i32>} : memref<2x128xi32, #tpu.memory_space<vmem>>, vector<16xi32>,
    tpu.vector_store %arg6[%swap3A_196, %swap3A_197], %shift_right_arithmetic3A_194 {strides = array<i32>} : memref<2x128xi32, #tpu.memory_space<vmem>>, vector<16xi32>,
    %get3A_199 = arith.constant 0 : i32
    %get3A_200 = arith.index_cast %get3A_199 : i32 to index
    %get3A_201 = arith.constant 192 : index
    %get3A_202 = tpu.vector_load %arg5[%get3A_200, %get3A_201] {strides = array<i32>} : memref<50x512xi32, #tpu.memory_space<vmem>>, vector<16xi32>,
    %shift_right_arithmetic3A_203 = arith.constant 1 : i32
    %shift_right_arithmetic3A_204 = vector.broadcast %shift_right_arithmetic3A_203 : i32 to vector<16xi32>
    %shift_right_arithmetic3A_205 = arith.shrsi %get3A_202, %shift_right_arithmetic3A_204 : vector<16xi32>
    %swap3A_206 = arith.constant 1 : i32
    %swap3A_207 = arith.index_cast %swap3A_206 : i32 to index
    %swap3A_208 = arith.constant 64 : index
    %swap3A_209 = tpu.vector_load %arg6[%swap3A_207, %swap3A_208] {strides = array<i32>} : memref<2x128xi32, #tpu.memory_space<vmem>>, vector<16xi32>,
    tpu.vector_store %arg6[%swap3A_207, %swap3A_208], %shift_right_arithmetic3A_205 {strides = array<i32>} : memref<2x128xi32, #tpu.memory_space<vmem>>, vector<16xi32>,
    %get3A_210 = arith.constant 0 : i32
    %get3A_211 = arith.index_cast %get3A_210 : i32 to index
    %get3A_212 = arith.constant 208 : index
    %get3A_213 = tpu.vector_load %arg5[%get3A_211, %get3A_212] {strides = array<i32>} : memref<50x512xi32, #tpu.memory_space<vmem>>, vector<16xi32>,
    %shift_right_arithmetic3A_214 = arith.constant 1 : i32
    %shift_right_arithmetic3A_215 = vector.broadcast %shift_right_arithmetic3A_214 : i32 to vector<16xi32>
    %shift_right_arithmetic3A_216 = arith.shrsi %get3A_213, %shift_right_arithmetic3A_215 : vector<16xi32>
    %swap3A_217 = arith.constant 1 : i32
    %swap3A_218 = arith.index_cast %swap3A_217 : i32 to index
    %swap3A_219 = arith.constant 80 : index
    %swap3A_220 = tpu.vector_load %arg6[%swap3A_218, %swap3A_219] {strides = array<i32>} : memref<2x128xi32, #tpu.memory_space<vmem>>, vector<16xi32>,
    tpu.vector_store %arg6[%swap3A_218, %swap3A_219], %shift_right_arithmetic3A_216 {strides = array<i32>} : memref<2x128xi32, #tpu.memory_space<vmem>>, vector<16xi32>,
    %get3A_221 = arith.constant 0 : i32
    %get3A_222 = arith.index_cast %get3A_221 : i32 to index
    %get3A_223 = arith.constant 224 : index
    %get3A_224 = tpu.vector_load %arg5[%get3A_222, %get3A_223] {strides = array<i32>} : memref<50x512xi32, #tpu.memory_space<vmem>>, vector<16xi32>,
    %shift_right_arithmetic3A_225 = arith.constant 1 : i32
    %shift_right_arithmetic3A_226 = vector.broadcast %shift_right_arithmetic3A_225 : i32 to vector<16xi32>
    %shift_right_arithmetic3A_227 = arith.shrsi %get3A_224, %shift_right_arithmetic3A_226 : vector<16xi32>
    %swap3A_228 = arith.constant 1 : i32
    %swap3A_229 = arith.index_cast %swap3A_228 : i32 to index
    %swap3A_230 = arith.constant 96 : index
    %swap3A_231 = tpu.vector_load %arg6[%swap3A_229, %swap3A_230] {strides = array<i32>} : memref<2x128xi32, #tpu.memory_space<vmem>>, vector<16xi32>,
    tpu.vector_store %arg6[%swap3A_229, %swap3A_230], %shift_right_arithmetic3A_227 {strides = array<i32>} : memref<2x128xi32, #tpu.memory_space<vmem>>, vector<16xi32>,
    %get3A_232 = arith.constant 0 : i32
    %get3A_233 = arith.index_cast %get3A_232 : i32 to index
    %get3A_234 = arith.constant 240 : index
    %get3A_235 = tpu.vector_load %arg5[%get3A_233, %get3A_234] {strides = array<i32>} : memref<50x512xi32, #tpu.memory_space<vmem>>, vector<16xi32>,
    %shift_right_arithmetic3A_236 = arith.constant 1 : i32
    %shift_right_arithmetic3A_237 = vector.broadcast %shift_right_arithmetic3A_236 : i32 to vector<16xi32>
    %shift_right_arithmetic3A_238 = arith.shrsi %get3A_235, %shift_right_arithmetic3A_237 : vector<16xi32>
    %swap3A_239 = arith.constant 1 : i32
    %swap3A_240 = arith.index_cast %swap3A_239 : i32 to index
    %swap3A_241 = arith.constant 112 : index
    %swap3A_242 = tpu.vector_load %arg6[%swap3A_240, %swap3A_241] {strides = array<i32>} : memref<2x128xi32, #tpu.memory_space<vmem>>, vector<16xi32>,
    tpu.vector_store %arg6[%swap3A_240, %swap3A_241], %shift_right_arithmetic3A_238 {strides = array<i32>} : memref<2x128xi32, #tpu.memory_space<vmem>>, vector<16xi32>,
    %dma_start3A_243 = arith.constant 1 : i32
    %dma_start3A_244 = arith.constant 1 : i32
    %dma_start3A_245 = arith.constant 0 : i32
    %dma_start3A_246 = arith.constant 0 : i32
    %dma_start3A_247 = tpu.memref_slice %arg7[%dma_start3A_244, %dma_start3A_245, %dma_start3A_246] : memref<2x128x128xf32, #tpu.memory_space<vmem>> -> memref<1x128x128xf32, #tpu.memory_space<vmem>>
    %dma_start3A_248 = tpu.memref_squeeze %dma_start3A_247 : memref<1x128x128xf32, #tpu.memory_space<vmem>> -> memref<128x128xf32, #tpu.memory_space<vmem>>
    %dma_start3A_249 = arith.constant 0 : i32
    %dma_start3A_250 = tpu.memref_slice %arg6[%dma_start3A_243, %dma_start3A_249] : memref<2x128xi32, #tpu.memory_space<vmem>> -> memref<1x128xi32, #tpu.memory_space<vmem>>
    %dma_start3A_251 = tpu.memref_squeeze %dma_start3A_250 : memref<1x128xi32, #tpu.memory_space<vmem>> -> memref<128xi32, #tpu.memory_space<vmem>>
    %dma_start3A_252 = arith.constant 0 : i32
    %dma_start3A_253 = arith.constant 0 : i32
    %dma_start3A_254 = tpu.memref_slice %arg3[%dma_start3A_252, %dma_start3A_253] : memref<500000x128xf32, #tpu.memory_space<hbm>> -> memref<500000x128xf32, #tpu.memory_space<hbm>>
    tpu.enqueue_indirect_dma source(%dma_start3A_254 : memref<500000x128xf32, #tpu.memory_space<hbm>>) target(%dma_start3A_248 : memref<128x128xf32, #tpu.memory_space<vmem>>) offsets(%dma_start3A_251 : memref<128xi32, #tpu.memory_space<vmem>>) semaphore(%arg12 : memref<!tpu.dma_semaphore, #tpu.memory_space<semaphore_mem>>)
    %scan3A = arith.constant 0 : i32
    %scan3A_255 = arith.constant 0 : i32
    %scan3A_256 = arith.constant 100 : i32
    %scan3A_257 = arith.addi %scan3A_255, %scan3A_256 : i32
    %scan3A_258 = arith.constant 1 : i32
    scf.for %scan3A_295 = %scan3A_255 to %scan3A_257 step %scan3A_258  : i32 {
      %mul3A_296 = arith.constant 2 : i32
      %mul3A_297 = arith.muli %mul3A_296, %scan3A_295 : i32
      %add3A_298 = arith.constant 0 : i32
      %add3A_299 = arith.addi %mul3A_297, %add3A_298 : i32
      %dma_wait3A_300 = arith.constant 0 : i32
      %dma_wait3A_301 = arith.constant 0 : i32
      %dma_wait3A_302 = arith.constant 0 : i32
      %dma_wait3A_303 = arith.constant 0 : i32
      %dma_wait3A_304 = tpu.memref_slice %arg7[%dma_wait3A_301, %dma_wait3A_302, %dma_wait3A_303] : memref<2x128x128xf32, #tpu.memory_space<vmem>> -> memref<1x128x128xf32, #tpu.memory_space<vmem>>
      %dma_wait3A_305 = tpu.memref_squeeze %dma_wait3A_304 : memref<1x128x128xf32, #tpu.memory_space<vmem>> -> memref<128x128xf32, #tpu.memory_space<vmem>>
      %dma_wait3A_306 = arith.constant 0 : i32
      %dma_wait3A_307 = tpu.memref_slice %arg6[%dma_wait3A_300, %dma_wait3A_306] : memref<2x128xi32, #tpu.memory_space<vmem>> -> memref<1x128xi32, #tpu.memory_space<vmem>>
      %dma_wait3A_308 = tpu.memref_squeeze %dma_wait3A_307 : memref<1x128xi32, #tpu.memory_space<vmem>> -> memref<128xi32, #tpu.memory_space<vmem>>
      %dma_wait3A_309 = arith.constant 0 : i32
      %dma_wait3A_310 = arith.constant 0 : i32
      %dma_wait3A_311 = tpu.memref_slice %arg3[%dma_wait3A_309, %dma_wait3A_310] : memref<500000x128xf32, #tpu.memory_space<hbm>> -> memref<500000x128xf32, #tpu.memory_space<hbm>>
      tpu.wait_indirect_dma semaphore(%arg11 : memref<!tpu.dma_semaphore, #tpu.memory_space<semaphore_mem>>) src(%dma_wait3A_311 : memref<500000x128xf32, #tpu.memory_space<hbm>>) dst(%dma_wait3A_305 : memref<128x128xf32, #tpu.memory_space<vmem>>)
      %ge3A = arith.constant 2 : i32
      %ge3A_312 = arith.cmpi sge, %add3A_299, %ge3A : i32
      %convert_element_type3A = arith.extui %ge3A_312 : i1 to i32
      %cond3A = arith.constant 0 : i32
      %cond3A_313 = arith.cmpi ne, %convert_element_type3A, %cond3A : i32
      scf.if %cond3A_313 {
        %sub3A = arith.constant 2 : i32
        %sub3A_423 = arith.subi %add3A_299, %sub3A : i32
        %shift_right_arithmetic3A_424 = arith.constant 2 : i32
        %shift_right_arithmetic3A_425 = arith.shrsi %sub3A_423, %shift_right_arithmetic3A_424 : i32
        %and3A_426 = arith.constant 3 : i32
        %and3A_427 = arith.andi %sub3A_423, %and3A_426 : i32
        %mul3A_428 = arith.constant 128 : i32
        %mul3A_429 = arith.muli %and3A_427, %mul3A_428 : i32
        %add3A_430 = arith.addi %mul3A_429, %mul3A_2 : i32
        %dma_wait3A_431 = arith.constant 0 : i32
        %dma_wait3A_432 = arith.constant 0 : i32
        %dma_wait3A_433 = arith.constant 0 : i32
        %dma_wait3A_434 = tpu.memref_slice %arg10[%dma_wait3A_431, %dma_wait3A_432, %dma_wait3A_433] : memref<2x64x128xf32, #tpu.memory_space<vmem>> -> memref<1x64x128xf32, #tpu.memory_space<vmem>>
        %dma_wait3A_435 = tpu.memref_squeeze %dma_wait3A_434 : memref<1x64x128xf32, #tpu.memory_space<vmem>> -> memref<64x128xf32, #tpu.memory_space<vmem>>
        %dma_wait3A_436 = arith.constant 0 : i32
        %dma_wait3A_437 = tpu.memref_slice %arg4[%shift_right_arithmetic3A_425, %dma_wait3A_436, %add3A_430] : memref<50x64x16384xf32, #tpu.memory_space<hbm>> -> memref<1x64x128xf32, #tpu.memory_space<hbm>>
        %dma_wait3A_438 = tpu.memref_squeeze %dma_wait3A_437 : memref<1x64x128xf32, #tpu.memory_space<hbm>> -> memref<64x128xf32, #tpu.memory_space<hbm>>
        %dma_wait3A_439 = arith.constant 0 : i32
        %dma_wait3A_440 = tpu.memref_slice %arg4[%shift_right_arithmetic3A_425, %dma_wait3A_439, %add3A_430] : memref<50x64x16384xf32, #tpu.memory_space<hbm>> -> memref<1x64x128xf32, #tpu.memory_space<hbm>>
        %dma_wait3A_441 = tpu.memref_squeeze %dma_wait3A_440 : memref<1x64x128xf32, #tpu.memory_space<hbm>> -> memref<64x128xf32, #tpu.memory_space<hbm>>
        %dma_wait3A_442 = arith.constant 0 : i32
        %dma_wait3A_443 = arith.constant 0 : i32
        %dma_wait3A_444 = tpu.memref_slice %arg10[%dma_wait3A_431, %dma_wait3A_442, %dma_wait3A_443] : memref<2x64x128xf32, #tpu.memory_space<vmem>> -> memref<1x64x128xf32, #tpu.memory_space<vmem>>
        %dma_wait3A_445 = tpu.memref_squeeze %dma_wait3A_444 : memref<1x64x128xf32, #tpu.memory_space<vmem>> -> memref<64x128xf32, #tpu.memory_space<vmem>>
        tpu.wait_dma2 semaphore(%arg13 : memref<!tpu.dma_semaphore, #tpu.memory_space<semaphore_mem>>) src(%dma_wait3A_445 : memref<64x128xf32, #tpu.memory_space<vmem>>) dst(%dma_wait3A_441 : memref<64x128xf32, #tpu.memory_space<hbm>>)
      } else {
      }
      %shift_right_arithmetic3A_314 = arith.constant 2 : i32
      %shift_right_arithmetic3A_315 = arith.shrsi %add3A_299, %shift_right_arithmetic3A_314 : i32
      %and3A = arith.constant 3 : i32
      %and3A_316 = arith.andi %add3A_299, %and3A : i32
      %mul3A_317 = arith.constant 128 : i32
      %mul3A_318 = arith.muli %and3A_316, %mul3A_317 : i32
      %scan3A_319 = arith.constant 0 : i32
      %scan3A_320 = arith.constant 0 : i32
      %scan3A_321 = arith.constant 8 : i32
      %scan3A_322 = arith.addi %scan3A_320, %scan3A_321 : i32
      %scan3A_323 = arith.constant 1 : i32
      scf.for %scan3A_423 = %scan3A_320 to %scan3A_322 step %scan3A_323  : i32 {
        %mul3A_424 = arith.constant 16 : i32
        %mul3A_425 = arith.muli %mul3A_424, %scan3A_423 : i32
        %add3A_426 = arith.addi %mul3A_318, %mul3A_425 : i32
        %get3A_427 = arith.index_cast %shift_right_arithmetic3A_315 : i32 to index
        %get3A_428 = arith.index_cast %add3A_426 : i32 to index
        %get3A_429 = tpu.vector_load %arg5[%get3A_427, %get3A_428] {strides = array<i32>} : memref<50x512xi32, #tpu.memory_space<vmem>>, vector<16xi32>,
        %and3A_430 = arith.constant 1 : i32
        %and3A_431 = vector.broadcast %and3A_430 : i32 to vector<16xi32>
        %and3A_432 = arith.andi %get3A_429, %and3A_431 : vector<16xi32>
        %mul3A_433 = arith.constant 64 : i32
        %mul3A_434 = vector.broadcast %mul3A_433 : i32 to vector<16xi32>
        %mul3A_435 = arith.muli %and3A_432, %mul3A_434 : vector<16xi32>
        %slice3A = vector.extract_strided_slice %mul3A_435 {offsets = [0], sizes = [1], strides = [1]} : vector<16xi32> to vector<1xi32>
        %squeeze3A = vector.extract %slice3A[0] : i32 from vector<1xi32>
        %slice3A_436 = vector.extract_strided_slice %mul3A_435 {offsets = [1], sizes = [1], strides = [1]} : vector<16xi32> to vector<1xi32>
        %squeeze3A_437 = vector.extract %slice3A_436[0] : i32 from vector<1xi32>
        %slice3A_438 = vector.extract_strided_slice %mul3A_435 {offsets = [2], sizes = [1], strides = [1]} : vector<16xi32> to vector<1xi32>
        %squeeze3A_439 = vector.extract %slice3A_438[0] : i32 from vector<1xi32>
        %slice3A_440 = vector.extract_strided_slice %mul3A_435 {offsets = [3], sizes = [1], strides = [1]} : vector<16xi32> to vector<1xi32>
        %squeeze3A_441 = vector.extract %slice3A_440[0] : i32 from vector<1xi32>
        %slice3A_442 = vector.extract_strided_slice %mul3A_435 {offsets = [4], sizes = [1], strides = [1]} : vector<16xi32> to vector<1xi32>
        %squeeze3A_443 = vector.extract %slice3A_442[0] : i32 from vector<1xi32>
        %slice3A_444 = vector.extract_strided_slice %mul3A_435 {offsets = [5], sizes = [1], strides = [1]} : vector<16xi32> to vector<1xi32>
        %squeeze3A_445 = vector.extract %slice3A_444[0] : i32 from vector<1xi32>
        %slice3A_446 = vector.extract_strided_slice %mul3A_435 {offsets = [6], sizes = [1], strides = [1]} : vector<16xi32> to vector<1xi32>
        %squeeze3A_447 = vector.extract %slice3A_446[0] : i32 from vector<1xi32>
        %slice3A_448 = vector.extract_strided_slice %mul3A_435 {offsets = [7], sizes = [1], strides = [1]} : vector<16xi32> to vector<1xi32>
        %squeeze3A_449 = vector.extract %slice3A_448[0] : i32 from vector<1xi32>
        %slice3A_450 = vector.extract_strided_slice %mul3A_435 {offsets = [8], sizes = [1], strides = [1]} : vector<16xi32> to vector<1xi32>
        %squeeze3A_451 = vector.extract %slice3A_450[0] : i32 from vector<1xi32>
        %slice3A_452 = vector.extract_strided_slice %mul3A_435 {offsets = [9], sizes = [1], strides = [1]} : vector<16xi32> to vector<1xi32>
        %squeeze3A_453 = vector.extract %slice3A_452[0] : i32 from vector<1xi32>
        %slice3A_454 = vector.extract_strided_slice %mul3A_435 {offsets = [10], sizes = [1], strides = [1]} : vector<16xi32> to vector<1xi32>
        %squeeze3A_455 = vector.extract %slice3A_454[0] : i32 from vector<1xi32>
        %slice3A_456 = vector.extract_strided_slice %mul3A_435 {offsets = [11], sizes = [1], strides = [1]} : vector<16xi32> to vector<1xi32>
        %squeeze3A_457 = vector.extract %slice3A_456[0] : i32 from vector<1xi32>
        %slice3A_458 = vector.extract_strided_slice %mul3A_435 {offsets = [12], sizes = [1], strides = [1]} : vector<16xi32> to vector<1xi32>
        %squeeze3A_459 = vector.extract %slice3A_458[0] : i32 from vector<1xi32>
        %slice3A_460 = vector.extract_strided_slice %mul3A_435 {offsets = [13], sizes = [1], strides = [1]} : vector<16xi32> to vector<1xi32>
        %squeeze3A_461 = vector.extract %slice3A_460[0] : i32 from vector<1xi32>
        %slice3A_462 = vector.extract_strided_slice %mul3A_435 {offsets = [14], sizes = [1], strides = [1]} : vector<16xi32> to vector<1xi32>
        %squeeze3A_463 = vector.extract %slice3A_462[0] : i32 from vector<1xi32>
        %slice3A_464 = vector.extract_strided_slice %mul3A_435 {offsets = [15], sizes = [1], strides = [1]} : vector<16xi32> to vector<1xi32>
        %squeeze3A_465 = vector.extract %slice3A_464[0] : i32 from vector<1xi32>
        %mul3A_466 = arith.constant 16 : i32
        %mul3A_467 = arith.muli %mul3A_466, %scan3A_423 : i32
        %add3A_468 = arith.constant 0 : i32
        %add3A_469 = arith.addi %mul3A_467, %add3A_468 : i32
        %add3A_470 = arith.constant 0 : i32
        %add3A_471 = arith.addi %add3A_469, %add3A_470 : i32
        %add3A_472 = arith.constant 0 : i32
        %add3A_473 = arith.addi %squeeze3A, %add3A_472 : i32
        %get3A_474 = arith.constant 0 : i32
        %get3A_475 = arith.index_cast %get3A_474 : i32 to index
        %get3A_476 = arith.index_cast %add3A_471 : i32 to index
        %get3A_477 = arith.index_cast %add3A_473 : i32 to index
        %get3A_478 = tpu.vector_load %arg7[%get3A_475, %get3A_476, %get3A_477] {strides = array<i32>} : memref<2x128x128xf32, #tpu.memory_space<vmem>>, vector<16xf32>,
        %add3A_479 = arith.constant 0 : i32
        %add3A_480 = arith.addi %mul3A_467, %add3A_479 : i32
        %add3A_481 = arith.constant 0 : i32
        %add3A_482 = arith.addi %add3A_480, %add3A_481 : i32
        %add3A_483 = arith.constant 16 : i32
        %add3A_484 = arith.addi %squeeze3A, %add3A_483 : i32
        %get3A_485 = arith.constant 0 : i32
        %get3A_486 = arith.index_cast %get3A_485 : i32 to index
        %get3A_487 = arith.index_cast %add3A_482 : i32 to index
        %get3A_488 = arith.index_cast %add3A_484 : i32 to index
        %get3A_489 = tpu.vector_load %arg7[%get3A_486, %get3A_487, %get3A_488] {strides = array<i32>} : memref<2x128x128xf32, #tpu.memory_space<vmem>>, vector<16xf32>,
        %add3A_490 = arith.constant 0 : i32
        %add3A_491 = arith.addi %mul3A_467, %add3A_490 : i32
        %add3A_492 = arith.constant 0 : i32
        %add3A_493 = arith.addi %add3A_491, %add3A_492 : i32
        %add3A_494 = arith.constant 32 : i32
        %add3A_495 = arith.addi %squeeze3A, %add3A_494 : i32
        %get3A_496 = arith.constant 0 : i32
        %get3A_497 = arith.index_cast %get3A_496 : i32 to index
        %get3A_498 = arith.index_cast %add3A_493 : i32 to index
        %get3A_499 = arith.index_cast %add3A_495 : i32 to index
        %get3A_500 = tpu.vector_load %arg7[%get3A_497, %get3A_498, %get3A_499] {strides = array<i32>} : memref<2x128x128xf32, #tpu.memory_space<vmem>>, vector<16xf32>,
        %add3A_501 = arith.constant 0 : i32
        %add3A_502 = arith.addi %mul3A_467, %add3A_501 : i32
        %add3A_503 = arith.constant 0 : i32
        %add3A_504 = arith.addi %add3A_502, %add3A_503 : i32
        %add3A_505 = arith.constant 48 : i32
        %add3A_506 = arith.addi %squeeze3A, %add3A_505 : i32
        %get3A_507 = arith.constant 0 : i32
        %get3A_508 = arith.index_cast %get3A_507 : i32 to index
        %get3A_509 = arith.index_cast %add3A_504 : i32 to index
        %get3A_510 = arith.index_cast %add3A_506 : i32 to index
        %get3A_511 = tpu.vector_load %arg7[%get3A_508, %get3A_509, %get3A_510] {strides = array<i32>} : memref<2x128x128xf32, #tpu.memory_space<vmem>>, vector<16xf32>,
        %add3A_512 = arith.constant 0 : i32
        %add3A_513 = arith.addi %mul3A_467, %add3A_512 : i32
        %add3A_514 = arith.constant 1 : i32
        %add3A_515 = arith.addi %add3A_513, %add3A_514 : i32
        %add3A_516 = arith.constant 0 : i32
        %add3A_517 = arith.addi %squeeze3A_437, %add3A_516 : i32
        %get3A_518 = arith.constant 0 : i32
        %get3A_519 = arith.index_cast %get3A_518 : i32 to index
        %get3A_520 = arith.index_cast %add3A_515 : i32 to index
        %get3A_521 = arith.index_cast %add3A_517 : i32 to index
        %get3A_522 = tpu.vector_load %arg7[%get3A_519, %get3A_520, %get3A_521] {strides = array<i32>} : memref<2x128x128xf32, #tpu.memory_space<vmem>>, vector<16xf32>,
        %add3A_523 = arith.constant 0 : i32
        %add3A_524 = arith.addi %mul3A_467, %add3A_523 : i32
        %add3A_525 = arith.constant 1 : i32
        %add3A_526 = arith.addi %add3A_524, %add3A_525 : i32
        %add3A_527 = arith.constant 16 : i32
        %add3A_528 = arith.addi %squeeze3A_437, %add3A_527 : i32
        %get3A_529 = arith.constant 0 : i32
        %get3A_530 = arith.index_cast %get3A_529 : i32 to index
        %get3A_531 = arith.index_cast %add3A_526 : i32 to index
        %get3A_532 = arith.index_cast %add3A_528 : i32 to index
        %get3A_533 = tpu.vector_load %arg7[%get3A_530, %get3A_531, %get3A_532] {strides = array<i32>} : memref<2x128x128xf32, #tpu.memory_space<vmem>>, vector<16xf32>,
        %add3A_534 = arith.constant 0 : i32
        %add3A_535 = arith.addi %mul3A_467, %add3A_534 : i32
        %add3A_536 = arith.constant 1 : i32
        %add3A_537 = arith.addi %add3A_535, %add3A_536 : i32
        %add3A_538 = arith.constant 32 : i32
        %add3A_539 = arith.addi %squeeze3A_437, %add3A_538 : i32
        %get3A_540 = arith.constant 0 : i32
        %get3A_541 = arith.index_cast %get3A_540 : i32 to index
        %get3A_542 = arith.index_cast %add3A_537 : i32 to index
        %get3A_543 = arith.index_cast %add3A_539 : i32 to index
        %get3A_544 = tpu.vector_load %arg7[%get3A_541, %get3A_542, %get3A_543] {strides = array<i32>} : memref<2x128x128xf32, #tpu.memory_space<vmem>>, vector<16xf32>,
        %add3A_545 = arith.constant 0 : i32
        %add3A_546 = arith.addi %mul3A_467, %add3A_545 : i32
        %add3A_547 = arith.constant 1 : i32
        %add3A_548 = arith.addi %add3A_546, %add3A_547 : i32
        %add3A_549 = arith.constant 48 : i32
        %add3A_550 = arith.addi %squeeze3A_437, %add3A_549 : i32
        %get3A_551 = arith.constant 0 : i32
        %get3A_552 = arith.index_cast %get3A_551 : i32 to index
        %get3A_553 = arith.index_cast %add3A_548 : i32 to index
        %get3A_554 = arith.index_cast %add3A_550 : i32 to index
        %get3A_555 = tpu.vector_load %arg7[%get3A_552, %get3A_553, %get3A_554] {strides = array<i32>} : memref<2x128x128xf32, #tpu.memory_space<vmem>>, vector<16xf32>,
        %add3A_556 = arith.constant 0 : i32
        %add3A_557 = arith.addi %mul3A_467, %add3A_556 : i32
        %add3A_558 = arith.constant 0 : i32
        %add3A_559 = arith.addi %add3A_557, %add3A_558 : i32
        %add3A_560 = vector.broadcast %add3A_559 : i32 to vector<16xi32>
        %add3A_561 = arith.addi %mul3A_40, %add3A_560 : vector<16xi32>
        tpu.vector_store_idx %arg8[%add3A_561], %get3A_478 : memref<8256xf32, #tpu.memory_space<vmem>>[vector<16xi32>], vector<16xf32>,
        %add3A_562 = arith.constant 0 : i32
        %add3A_563 = arith.addi %mul3A_467, %add3A_562 : i32
        %add3A_564 = arith.constant 0 : i32
        %add3A_565 = arith.addi %add3A_563, %add3A_564 : i32
        %add3A_566 = vector.broadcast %add3A_565 : i32 to vector<16xi32>
        %add3A_567 = arith.addi %mul3A_46, %add3A_566 : vector<16xi32>
        tpu.vector_store_idx %arg8[%add3A_567], %get3A_489 : memref<8256xf32, #tpu.memory_space<vmem>>[vector<16xi32>], vector<16xf32>,
        %add3A_568 = arith.constant 0 : i32
        %add3A_569 = arith.addi %mul3A_467, %add3A_568 : i32
        %add3A_570 = arith.constant 0 : i32
        %add3A_571 = arith.addi %add3A_569, %add3A_570 : i32
        %add3A_572 = vector.broadcast %add3A_571 : i32 to vector<16xi32>
        %add3A_573 = arith.addi %mul3A_52, %add3A_572 : vector<16xi32>
        tpu.vector_store_idx %arg8[%add3A_573], %get3A_500 : memref<8256xf32, #tpu.memory_space<vmem>>[vector<16xi32>], vector<16xf32>,
        %add3A_574 = arith.constant 0 : i32
        %add3A_575 = arith.addi %mul3A_467, %add3A_574 : i32
        %add3A_576 = arith.constant 0 : i32
        %add3A_577 = arith.addi %add3A_575, %add3A_576 : i32
        %add3A_578 = vector.broadcast %add3A_577 : i32 to vector<16xi32>
        %add3A_579 = arith.addi %mul3A_58, %add3A_578 : vector<16xi32>
        tpu.vector_store_idx %arg8[%add3A_579], %get3A_511 : memref<8256xf32, #tpu.memory_space<vmem>>[vector<16xi32>], vector<16xf32>,
        %add3A_580 = arith.constant 0 : i32
        %add3A_581 = arith.addi %mul3A_467, %add3A_580 : i32
        %add3A_582 = arith.constant 1 : i32
        %add3A_583 = arith.addi %add3A_581, %add3A_582 : i32
        %add3A_584 = vector.broadcast %add3A_583 : i32 to vector<16xi32>
        %add3A_585 = arith.addi %mul3A_40, %add3A_584 : vector<16xi32>
        tpu.vector_store_idx %arg8[%add3A_585], %get3A_522 : memref<8256xf32, #tpu.memory_space<vmem>>[vector<16xi32>], vector<16xf32>,
        %add3A_586 = arith.constant 0 : i32
        %add3A_587 = arith.addi %mul3A_467, %add3A_586 : i32
        %add3A_588 = arith.constant 1 : i32
        %add3A_589 = arith.addi %add3A_587, %add3A_588 : i32
        %add3A_590 = vector.broadcast %add3A_589 : i32 to vector<16xi32>
        %add3A_591 = arith.addi %mul3A_46, %add3A_590 : vector<16xi32>
        tpu.vector_store_idx %arg8[%add3A_591], %get3A_533 : memref<8256xf32, #tpu.memory_space<vmem>>[vector<16xi32>], vector<16xf32>,
        %add3A_592 = arith.constant 0 : i32
        %add3A_593 = arith.addi %mul3A_467, %add3A_592 : i32
        %add3A_594 = arith.constant 1 : i32
        %add3A_595 = arith.addi %add3A_593, %add3A_594 : i32
        %add3A_596 = vector.broadcast %add3A_595 : i32 to vector<16xi32>
        %add3A_597 = arith.addi %mul3A_52, %add3A_596 : vector<16xi32>
        tpu.vector_store_idx %arg8[%add3A_597], %get3A_544 : memref<8256xf32, #tpu.memory_space<vmem>>[vector<16xi32>], vector<16xf32>,
        %add3A_598 = arith.constant 0 : i32
        %add3A_599 = arith.addi %mul3A_467, %add3A_598 : i32
        %add3A_600 = arith.constant 1 : i32
        %add3A_601 = arith.addi %add3A_599, %add3A_600 : i32
        %add3A_602 = vector.broadcast %add3A_601 : i32 to vector<16xi32>
        %add3A_603 = arith.addi %mul3A_58, %add3A_602 : vector<16xi32>
        tpu.vector_store_idx %arg8[%add3A_603], %get3A_555 : memref<8256xf32, #tpu.memory_space<vmem>>[vector<16xi32>], vector<16xf32>,
        %add3A_604 = arith.constant 2 : i32
        %add3A_605 = arith.addi %mul3A_467, %add3A_604 : i32
        %add3A_606 = arith.constant 0 : i32
        %add3A_607 = arith.addi %add3A_605, %add3A_606 : i32
        %add3A_608 = arith.constant 0 : i32
        %add3A_609 = arith.addi %squeeze3A_439, %add3A_608 : i32
        %get3A_610 = arith.constant 0 : i32
        %get3A_611 = arith.index_cast %get3A_610 : i32 to index
        %get3A_612 = arith.index_cast %add3A_607 : i32 to index
        %get3A_613 = arith.index_cast %add3A_609 : i32 to index
        %get3A_614 = tpu.vector_load %arg7[%get3A_611, %get3A_612, %get3A_613] {strides = array<i32>} : memref<2x128x128xf32, #tpu.memory_space<vmem>>, vector<16xf32>,
        %add3A_615 = arith.constant 2 : i32
        %add3A_616 = arith.addi %mul3A_467, %add3A_615 : i32
        %add3A_617 = arith.constant 0 : i32
        %add3A_618 = arith.addi %add3A_616, %add3A_617 : i32
        %add3A_619 = arith.constant 16 : i32
        %add3A_620 = arith.addi %squeeze3A_439, %add3A_619 : i32
        %get3A_621 = arith.constant 0 : i32
        %get3A_622 = arith.index_cast %get3A_621 : i32 to index
        %get3A_623 = arith.index_cast %add3A_618 : i32 to index
        %get3A_624 = arith.index_cast %add3A_620 : i32 to index
        %get3A_625 = tpu.vector_load %arg7[%get3A_622, %get3A_623, %get3A_624] {strides = array<i32>} : memref<2x128x128xf32, #tpu.memory_space<vmem>>, vector<16xf32>,
        %add3A_626 = arith.constant 2 : i32
        %add3A_627 = arith.addi %mul3A_467, %add3A_626 : i32
        %add3A_628 = arith.constant 0 : i32
        %add3A_629 = arith.addi %add3A_627, %add3A_628 : i32
        %add3A_630 = arith.constant 32 : i32
        %add3A_631 = arith.addi %squeeze3A_439, %add3A_630 : i32
        %get3A_632 = arith.constant 0 : i32
        %get3A_633 = arith.index_cast %get3A_632 : i32 to index
        %get3A_634 = arith.index_cast %add3A_629 : i32 to index
        %get3A_635 = arith.index_cast %add3A_631 : i32 to index
        %get3A_636 = tpu.vector_load %arg7[%get3A_633, %get3A_634, %get3A_635] {strides = array<i32>} : memref<2x128x128xf32, #tpu.memory_space<vmem>>, vector<16xf32>,
        %add3A_637 = arith.constant 2 : i32
        %add3A_638 = arith.addi %mul3A_467, %add3A_637 : i32
        %add3A_639 = arith.constant 0 : i32
        %add3A_640 = arith.addi %add3A_638, %add3A_639 : i32
        %add3A_641 = arith.constant 48 : i32
        %add3A_642 = arith.addi %squeeze3A_439, %add3A_641 : i32
        %get3A_643 = arith.constant 0 : i32
        %get3A_644 = arith.index_cast %get3A_643 : i32 to index
        %get3A_645 = arith.index_cast %add3A_640 : i32 to index
        %get3A_646 = arith.index_cast %add3A_642 : i32 to index
        %get3A_647 = tpu.vector_load %arg7[%get3A_644, %get3A_645, %get3A_646] {strides = array<i32>} : memref<2x128x128xf32, #tpu.memory_space<vmem>>, vector<16xf32>,
        %add3A_648 = arith.constant 2 : i32
        %add3A_649 = arith.addi %mul3A_467, %add3A_648 : i32
        %add3A_650 = arith.constant 1 : i32
        %add3A_651 = arith.addi %add3A_649, %add3A_650 : i32
        %add3A_652 = arith.constant 0 : i32
        %add3A_653 = arith.addi %squeeze3A_441, %add3A_652 : i32
        %get3A_654 = arith.constant 0 : i32
        %get3A_655 = arith.index_cast %get3A_654 : i32 to index
        %get3A_656 = arith.index_cast %add3A_651 : i32 to index
        %get3A_657 = arith.index_cast %add3A_653 : i32 to index
        %get3A_658 = tpu.vector_load %arg7[%get3A_655, %get3A_656, %get3A_657] {strides = array<i32>} : memref<2x128x128xf32, #tpu.memory_space<vmem>>, vector<16xf32>,
        %add3A_659 = arith.constant 2 : i32
        %add3A_660 = arith.addi %mul3A_467, %add3A_659 : i32
        %add3A_661 = arith.constant 1 : i32
        %add3A_662 = arith.addi %add3A_660, %add3A_661 : i32
        %add3A_663 = arith.constant 16 : i32
        %add3A_664 = arith.addi %squeeze3A_441, %add3A_663 : i32
        %get3A_665 = arith.constant 0 : i32
        %get3A_666 = arith.index_cast %get3A_665 : i32 to index
        %get3A_667 = arith.index_cast %add3A_662 : i32 to index
        %get3A_668 = arith.index_cast %add3A_664 : i32 to index
        %get3A_669 = tpu.vector_load %arg7[%get3A_666, %get3A_667, %get3A_668] {strides = array<i32>} : memref<2x128x128xf32, #tpu.memory_space<vmem>>, vector<16xf32>,
        %add3A_670 = arith.constant 2 : i32
        %add3A_671 = arith.addi %mul3A_467, %add3A_670 : i32
        %add3A_672 = arith.constant 1 : i32
        %add3A_673 = arith.addi %add3A_671, %add3A_672 : i32
        %add3A_674 = arith.constant 32 : i32
        %add3A_675 = arith.addi %squeeze3A_441, %add3A_674 : i32
        %get3A_676 = arith.constant 0 : i32
        %get3A_677 = arith.index_cast %get3A_676 : i32 to index
        %get3A_678 = arith.index_cast %add3A_673 : i32 to index
        %get3A_679 = arith.index_cast %add3A_675 : i32 to index
        %get3A_680 = tpu.vector_load %arg7[%get3A_677, %get3A_678, %get3A_679] {strides = array<i32>} : memref<2x128x128xf32, #tpu.memory_space<vmem>>, vector<16xf32>,
        %add3A_681 = arith.constant 2 : i32
        %add3A_682 = arith.addi %mul3A_467, %add3A_681 : i32
        %add3A_683 = arith.constant 1 : i32
        %add3A_684 = arith.addi %add3A_682, %add3A_683 : i32
        %add3A_685 = arith.constant 48 : i32
        %add3A_686 = arith.addi %squeeze3A_441, %add3A_685 : i32
        %get3A_687 = arith.constant 0 : i32
        %get3A_688 = arith.index_cast %get3A_687 : i32 to index
        %get3A_689 = arith.index_cast %add3A_684 : i32 to index
        %get3A_690 = arith.index_cast %add3A_686 : i32 to index
        %get3A_691 = tpu.vector_load %arg7[%get3A_688, %get3A_689, %get3A_690] {strides = array<i32>} : memref<2x128x128xf32, #tpu.memory_space<vmem>>, vector<16xf32>,
        %add3A_692 = arith.constant 2 : i32
        %add3A_693 = arith.addi %mul3A_467, %add3A_692 : i32
        %add3A_694 = arith.constant 0 : i32
        %add3A_695 = arith.addi %add3A_693, %add3A_694 : i32
        %add3A_696 = vector.broadcast %add3A_695 : i32 to vector<16xi32>
        %add3A_697 = arith.addi %mul3A_40, %add3A_696 : vector<16xi32>
        tpu.vector_store_idx %arg8[%add3A_697], %get3A_614 : memref<8256xf32, #tpu.memory_space<vmem>>[vector<16xi32>], vector<16xf32>,
        %add3A_698 = arith.constant 2 : i32
        %add3A_699 = arith.addi %mul3A_467, %add3A_698 : i32
        %add3A_700 = arith.constant 0 : i32
        %add3A_701 = arith.addi %add3A_699, %add3A_700 : i32
        %add3A_702 = vector.broadcast %add3A_701 : i32 to vector<16xi32>
        %add3A_703 = arith.addi %mul3A_46, %add3A_702 : vector<16xi32>
        tpu.vector_store_idx %arg8[%add3A_703], %get3A_625 : memref<8256xf32, #tpu.memory_space<vmem>>[vector<16xi32>], vector<16xf32>,
        %add3A_704 = arith.constant 2 : i32
        %add3A_705 = arith.addi %mul3A_467, %add3A_704 : i32
        %add3A_706 = arith.constant 0 : i32
        %add3A_707 = arith.addi %add3A_705, %add3A_706 : i32
        %add3A_708 = vector.broadcast %add3A_707 : i32 to vector<16xi32>
        %add3A_709 = arith.addi %mul3A_52, %add3A_708 : vector<16xi32>
        tpu.vector_store_idx %arg8[%add3A_709], %get3A_636 : memref<8256xf32, #tpu.memory_space<vmem>>[vector<16xi32>], vector<16xf32>,
        %add3A_710 = arith.constant 2 : i32
        %add3A_711 = arith.addi %mul3A_467, %add3A_710 : i32
        %add3A_712 = arith.constant 0 : i32
        %add3A_713 = arith.addi %add3A_711, %add3A_712 : i32
        %add3A_714 = vector.broadcast %add3A_713 : i32 to vector<16xi32>
        %add3A_715 = arith.addi %mul3A_58, %add3A_714 : vector<16xi32>
        tpu.vector_store_idx %arg8[%add3A_715], %get3A_647 : memref<8256xf32, #tpu.memory_space<vmem>>[vector<16xi32>], vector<16xf32>,
        %add3A_716 = arith.constant 2 : i32
        %add3A_717 = arith.addi %mul3A_467, %add3A_716 : i32
        %add3A_718 = arith.constant 1 : i32
        %add3A_719 = arith.addi %add3A_717, %add3A_718 : i32
        %add3A_720 = vector.broadcast %add3A_719 : i32 to vector<16xi32>
        %add3A_721 = arith.addi %mul3A_40, %add3A_720 : vector<16xi32>
        tpu.vector_store_idx %arg8[%add3A_721], %get3A_658 : memref<8256xf32, #tpu.memory_space<vmem>>[vector<16xi32>], vector<16xf32>,
        %add3A_722 = arith.constant 2 : i32
        %add3A_723 = arith.addi %mul3A_467, %add3A_722 : i32
        %add3A_724 = arith.constant 1 : i32
        %add3A_725 = arith.addi %add3A_723, %add3A_724 : i32
        %add3A_726 = vector.broadcast %add3A_725 : i32 to vector<16xi32>
        %add3A_727 = arith.addi %mul3A_46, %add3A_726 : vector<16xi32>
        tpu.vector_store_idx %arg8[%add3A_727], %get3A_669 : memref<8256xf32, #tpu.memory_space<vmem>>[vector<16xi32>], vector<16xf32>,
        %add3A_728 = arith.constant 2 : i32
        %add3A_729 = arith.addi %mul3A_467, %add3A_728 : i32
        %add3A_730 = arith.constant 1 : i32
        %add3A_731 = arith.addi %add3A_729, %add3A_730 : i32
        %add3A_732 = vector.broadcast %add3A_731 : i32 to vector<16xi32>
        %add3A_733 = arith.addi %mul3A_52, %add3A_732 : vector<16xi32>
        tpu.vector_store_idx %arg8[%add3A_733], %get3A_680 : memref<8256xf32, #tpu.memory_space<vmem>>[vector<16xi32>], vector<16xf32>,
        %add3A_734 = arith.constant 2 : i32
        %add3A_735 = arith.addi %mul3A_467, %add3A_734 : i32
        %add3A_736 = arith.constant 1 : i32
        %add3A_737 = arith.addi %add3A_735, %add3A_736 : i32
        %add3A_738 = vector.broadcast %add3A_737 : i32 to vector<16xi32>
        %add3A_739 = arith.addi %mul3A_58, %add3A_738 : vector<16xi32>
        tpu.vector_store_idx %arg8[%add3A_739], %get3A_691 : memref<8256xf32, #tpu.memory_space<vmem>>[vector<16xi32>], vector<16xf32>,
        %add3A_740 = arith.constant 4 : i32
        %add3A_741 = arith.addi %mul3A_467, %add3A_740 : i32
        %add3A_742 = arith.constant 0 : i32
        %add3A_743 = arith.addi %add3A_741, %add3A_742 : i32
        %add3A_744 = arith.constant 0 : i32
        %add3A_745 = arith.addi %squeeze3A_443, %add3A_744 : i32
        %get3A_746 = arith.constant 0 : i32
        %get3A_747 = arith.index_cast %get3A_746 : i32 to index
        %get3A_748 = arith.index_cast %add3A_743 : i32 to index
        %get3A_749 = arith.index_cast %add3A_745 : i32 to index
        %get3A_750 = tpu.vector_load %arg7[%get3A_747, %get3A_748, %get3A_749] {strides = array<i32>} : memref<2x128x128xf32, #tpu.memory_space<vmem>>, vector<16xf32>,
        %add3A_751 = arith.constant 4 : i32
        %add3A_752 = arith.addi %mul3A_467, %add3A_751 : i32
        %add3A_753 = arith.constant 0 : i32
        %add3A_754 = arith.addi %add3A_752, %add3A_753 : i32
        %add3A_755 = arith.constant 16 : i32
        %add3A_756 = arith.addi %squeeze3A_443, %add3A_755 : i32
        %get3A_757 = arith.constant 0 : i32
        %get3A_758 = arith.index_cast %get3A_757 : i32 to index
        %get3A_759 = arith.index_cast %add3A_754 : i32 to index
        %get3A_760 = arith.index_cast %add3A_756 : i32 to index
        %get3A_761 = tpu.vector_load %arg7[%get3A_758, %get3A_759, %get3A_760] {strides = array<i32>} : memref<2x128x128xf32, #tpu.memory_space<vmem>>, vector<16xf32>,
        %add3A_762 = arith.constant 4 : i32
        %add3A_763 = arith.addi %mul3A_467, %add3A_762 : i32
        %add3A_764 = arith.constant 0 : i32
        %add3A_765 = arith.addi %add3A_763, %add3A_764 : i32
        %add3A_766 = arith.constant 32 : i32
        %add3A_767 = arith.addi %squeeze3A_443, %add3A_766 : i32
        %get3A_768 = arith.constant 0 : i32
        %get3A_769 = arith.index_cast %get3A_768 : i32 to index
        %get3A_770 = arith.index_cast %add3A_765 : i32 to index
        %get3A_771 = arith.index_cast %add3A_767 : i32 to index
        %get3A_772 = tpu.vector_load %arg7[%get3A_769, %get3A_770, %get3A_771] {strides = array<i32>} : memref<2x128x128xf32, #tpu.memory_space<vmem>>, vector<16xf32>,
        %add3A_773 = arith.constant 4 : i32
        %add3A_774 = arith.addi %mul3A_467, %add3A_773 : i32
        %add3A_775 = arith.constant 0 : i32
        %add3A_776 = arith.addi %add3A_774, %add3A_775 : i32
        %add3A_777 = arith.constant 48 : i32
        %add3A_778 = arith.addi %squeeze3A_443, %add3A_777 : i32
        %get3A_779 = arith.constant 0 : i32
        %get3A_780 = arith.index_cast %get3A_779 : i32 to index
        %get3A_781 = arith.index_cast %add3A_776 : i32 to index
        %get3A_782 = arith.index_cast %add3A_778 : i32 to index
        %get3A_783 = tpu.vector_load %arg7[%get3A_780, %get3A_781, %get3A_782] {strides = array<i32>} : memref<2x128x128xf32, #tpu.memory_space<vmem>>, vector<16xf32>,
        %add3A_784 = arith.constant 4 : i32
        %add3A_785 = arith.addi %mul3A_467, %add3A_784 : i32
        %add3A_786 = arith.constant 1 : i32
        %add3A_787 = arith.addi %add3A_785, %add3A_786 : i32
        %add3A_788 = arith.constant 0 : i32
        %add3A_789 = arith.addi %squeeze3A_445, %add3A_788 : i32
        %get3A_790 = arith.constant 0 : i32
        %get3A_791 = arith.index_cast %get3A_790 : i32 to index
        %get3A_792 = arith.index_cast %add3A_787 : i32 to index
        %get3A_793 = arith.index_cast %add3A_789 : i32 to index
        %get3A_794 = tpu.vector_load %arg7[%get3A_791, %get3A_792, %get3A_793] {strides = array<i32>} : memref<2x128x128xf32, #tpu.memory_space<vmem>>, vector<16xf32>,
        %add3A_795 = arith.constant 4 : i32
        %add3A_796 = arith.addi %mul3A_467, %add3A_795 : i32
        %add3A_797 = arith.constant 1 : i32
        %add3A_798 = arith.addi %add3A_796, %add3A_797 : i32
        %add3A_799 = arith.constant 16 : i32
        %add3A_800 = arith.addi %squeeze3A_445, %add3A_799 : i32
        %get3A_801 = arith.constant 0 : i32
        %get3A_802 = arith.index_cast %get3A_801 : i32 to index
        %get3A_803 = arith.index_cast %add3A_798 : i32 to index
        %get3A_804 = arith.index_cast %add3A_800 : i32 to index
        %get3A_805 = tpu.vector_load %arg7[%get3A_802, %get3A_803, %get3A_804] {strides = array<i32>} : memref<2x128x128xf32, #tpu.memory_space<vmem>>, vector<16xf32>,
        %add3A_806 = arith.constant 4 : i32
        %add3A_807 = arith.addi %mul3A_467, %add3A_806 : i32
        %add3A_808 = arith.constant 1 : i32
        %add3A_809 = arith.addi %add3A_807, %add3A_808 : i32
        %add3A_810 = arith.constant 32 : i32
        %add3A_811 = arith.addi %squeeze3A_445, %add3A_810 : i32
        %get3A_812 = arith.constant 0 : i32
        %get3A_813 = arith.index_cast %get3A_812 : i32 to index
        %get3A_814 = arith.index_cast %add3A_809 : i32 to index
        %get3A_815 = arith.index_cast %add3A_811 : i32 to index
        %get3A_816 = tpu.vector_load %arg7[%get3A_813, %get3A_814, %get3A_815] {strides = array<i32>} : memref<2x128x128xf32, #tpu.memory_space<vmem>>, vector<16xf32>,
        %add3A_817 = arith.constant 4 : i32
        %add3A_818 = arith.addi %mul3A_467, %add3A_817 : i32
        %add3A_819 = arith.constant 1 : i32
        %add3A_820 = arith.addi %add3A_818, %add3A_819 : i32
        %add3A_821 = arith.constant 48 : i32
        %add3A_822 = arith.addi %squeeze3A_445, %add3A_821 : i32
        %get3A_823 = arith.constant 0 : i32
        %get3A_824 = arith.index_cast %get3A_823 : i32 to index
        %get3A_825 = arith.index_cast %add3A_820 : i32 to index
        %get3A_826 = arith.index_cast %add3A_822 : i32 to index
        %get3A_827 = tpu.vector_load %arg7[%get3A_824, %get3A_825, %get3A_826] {strides = array<i32>} : memref<2x128x128xf32, #tpu.memory_space<vmem>>, vector<16xf32>,
        %add3A_828 = arith.constant 4 : i32
        %add3A_829 = arith.addi %mul3A_467, %add3A_828 : i32
        %add3A_830 = arith.constant 0 : i32
        %add3A_831 = arith.addi %add3A_829, %add3A_830 : i32
        %add3A_832 = vector.broadcast %add3A_831 : i32 to vector<16xi32>
        %add3A_833 = arith.addi %mul3A_40, %add3A_832 : vector<16xi32>
        tpu.vector_store_idx %arg8[%add3A_833], %get3A_750 : memref<8256xf32, #tpu.memory_space<vmem>>[vector<16xi32>], vector<16xf32>,
        %add3A_834 = arith.constant 4 : i32
        %add3A_835 = arith.addi %mul3A_467, %add3A_834 : i32
        %add3A_836 = arith.constant 0 : i32
        %add3A_837 = arith.addi %add3A_835, %add3A_836 : i32
        %add3A_838 = vector.broadcast %add3A_837 : i32 to vector<16xi32>
        %add3A_839 = arith.addi %mul3A_46, %add3A_838 : vector<16xi32>
        tpu.vector_store_idx %arg8[%add3A_839], %get3A_761 : memref<8256xf32, #tpu.memory_space<vmem>>[vector<16xi32>], vector<16xf32>,
        %add3A_840 = arith.constant 4 : i32
        %add3A_841 = arith.addi %mul3A_467, %add3A_840 : i32
        %add3A_842 = arith.constant 0 : i32
        %add3A_843 = arith.addi %add3A_841, %add3A_842 : i32
        %add3A_844 = vector.broadcast %add3A_843 : i32 to vector<16xi32>
        %add3A_845 = arith.addi %mul3A_52, %add3A_844 : vector<16xi32>
        tpu.vector_store_idx %arg8[%add3A_845], %get3A_772 : memref<8256xf32, #tpu.memory_space<vmem>>[vector<16xi32>], vector<16xf32>,
        %add3A_846 = arith.constant 4 : i32
        %add3A_847 = arith.addi %mul3A_467, %add3A_846 : i32
        %add3A_848 = arith.constant 0 : i32
        %add3A_849 = arith.addi %add3A_847, %add3A_848 : i32
        %add3A_850 = vector.broadcast %add3A_849 : i32 to vector<16xi32>
        %add3A_851 = arith.addi %mul3A_58, %add3A_850 : vector<16xi32>
        tpu.vector_store_idx %arg8[%add3A_851], %get3A_783 : memref<8256xf32, #tpu.memory_space<vmem>>[vector<16xi32>], vector<16xf32>,
        %add3A_852 = arith.constant 4 : i32
        %add3A_853 = arith.addi %mul3A_467, %add3A_852 : i32
        %add3A_854 = arith.constant 1 : i32
        %add3A_855 = arith.addi %add3A_853, %add3A_854 : i32
        %add3A_856 = vector.broadcast %add3A_855 : i32 to vector<16xi32>
        %add3A_857 = arith.addi %mul3A_40, %add3A_856 : vector<16xi32>
        tpu.vector_store_idx %arg8[%add3A_857], %get3A_794 : memref<8256xf32, #tpu.memory_space<vmem>>[vector<16xi32>], vector<16xf32>,
        %add3A_858 = arith.constant 4 : i32
        %add3A_859 = arith.addi %mul3A_467, %add3A_858 : i32
        %add3A_860 = arith.constant 1 : i32
        %add3A_861 = arith.addi %add3A_859, %add3A_860 : i32
        %add3A_862 = vector.broadcast %add3A_861 : i32 to vector<16xi32>
        %add3A_863 = arith.addi %mul3A_46, %add3A_862 : vector<16xi32>
        tpu.vector_store_idx %arg8[%add3A_863], %get3A_805 : memref<8256xf32, #tpu.memory_space<vmem>>[vector<16xi32>], vector<16xf32>,
        %add3A_864 = arith.constant 4 : i32
        %add3A_865 = arith.addi %mul3A_467, %add3A_864 : i32
        %add3A_866 = arith.constant 1 : i32
        %add3A_867 = arith.addi %add3A_865, %add3A_866 : i32
        %add3A_868 = vector.broadcast %add3A_867 : i32 to vector<16xi32>
        %add3A_869 = arith.addi %mul3A_52, %add3A_868 : vector<16xi32>
        tpu.vector_store_idx %arg8[%add3A_869], %get3A_816 : memref<8256xf32, #tpu.memory_space<vmem>>[vector<16xi32>], vector<16xf32>,
        %add3A_870 = arith.constant 4 : i32
        %add3A_871 = arith.addi %mul3A_467, %add3A_870 : i32
        %add3A_872 = arith.constant 1 : i32
        %add3A_873 = arith.addi %add3A_871, %add3A_872 : i32
        %add3A_874 = vector.broadcast %add3A_873 : i32 to vector<16xi32>
        %add3A_875 = arith.addi %mul3A_58, %add3A_874 : vector<16xi32>
        tpu.vector_store_idx %arg8[%add3A_875], %get3A_827 : memref<8256xf32, #tpu.memory_space<vmem>>[vector<16xi32>], vector<16xf32>,
        %add3A_876 = arith.constant 6 : i32
        %add3A_877 = arith.addi %mul3A_467, %add3A_876 : i32
        %add3A_878 = arith.constant 0 : i32
        %add3A_879 = arith.addi %add3A_877, %add3A_878 : i32
        %add3A_880 = arith.constant 0 : i32
        %add3A_881 = arith.addi %squeeze3A_447, %add3A_880 : i32
        %get3A_882 = arith.constant 0 : i32
        %get3A_883 = arith.index_cast %get3A_882 : i32 to index
        %get3A_884 = arith.index_cast %add3A_879 : i32 to index
        %get3A_885 = arith.index_cast %add3A_881 : i32 to index
        %get3A_886 = tpu.vector_load %arg7[%get3A_883, %get3A_884, %get3A_885] {strides = array<i32>} : memref<2x128x128xf32, #tpu.memory_space<vmem>>, vector<16xf32>,
        %add3A_887 = arith.constant 6 : i32
        %add3A_888 = arith.addi %mul3A_467, %add3A_887 : i32
        %add3A_889 = arith.constant 0 : i32
        %add3A_890 = arith.addi %add3A_888, %add3A_889 : i32
        %add3A_891 = arith.constant 16 : i32
        %add3A_892 = arith.addi %squeeze3A_447, %add3A_891 : i32
        %get3A_893 = arith.constant 0 : i32
        %get3A_894 = arith.index_cast %get3A_893 : i32 to index
        %get3A_895 = arith.index_cast %add3A_890 : i32 to index
        %get3A_896 = arith.index_cast %add3A_892 : i32 to index
        %get3A_897 = tpu.vector_load %arg7[%get3A_894, %get3A_895, %get3A_896] {strides = array<i32>} : memref<2x128x128xf32, #tpu.memory_space<vmem>>, vector<16xf32>,
        %add3A_898 = arith.constant 6 : i32
        %add3A_899 = arith.addi %mul3A_467, %add3A_898 : i32
        %add3A_900 = arith.constant 0 : i32
        %add3A_901 = arith.addi %add3A_899, %add3A_900 : i32
        %add3A_902 = arith.constant 32 : i32
        %add3A_903 = arith.addi %squeeze3A_447, %add3A_902 : i32
        %get3A_904 = arith.constant 0 : i32
        %get3A_905 = arith.index_cast %get3A_904 : i32 to index
        %get3A_906 = arith.index_cast %add3A_901 : i32 to index
        %get3A_907 = arith.index_cast %add3A_903 : i32 to index
        %get3A_908 = tpu.vector_load %arg7[%get3A_905, %get3A_906, %get3A_907] {strides = array<i32>} : memref<2x128x128xf32, #tpu.memory_space<vmem>>, vector<16xf32>,
        %add3A_909 = arith.constant 6 : i32
        %add3A_910 = arith.addi %mul3A_467, %add3A_909 : i32
        %add3A_911 = arith.constant 0 : i32
        %add3A_912 = arith.addi %add3A_910, %add3A_911 : i32
        %add3A_913 = arith.constant 48 : i32
        %add3A_914 = arith.addi %squeeze3A_447, %add3A_913 : i32
        %get3A_915 = arith.constant 0 : i32
        %get3A_916 = arith.index_cast %get3A_915 : i32 to index
        %get3A_917 = arith.index_cast %add3A_912 : i32 to index
        %get3A_918 = arith.index_cast %add3A_914 : i32 to index
        %get3A_919 = tpu.vector_load %arg7[%get3A_916, %get3A_917, %get3A_918] {strides = array<i32>} : memref<2x128x128xf32, #tpu.memory_space<vmem>>, vector<16xf32>,
        %add3A_920 = arith.constant 6 : i32
        %add3A_921 = arith.addi %mul3A_467, %add3A_920 : i32
        %add3A_922 = arith.constant 1 : i32
        %add3A_923 = arith.addi %add3A_921, %add3A_922 : i32
        %add3A_924 = arith.constant 0 : i32
        %add3A_925 = arith.addi %squeeze3A_449, %add3A_924 : i32
        %get3A_926 = arith.constant 0 : i32
        %get3A_927 = arith.index_cast %get3A_926 : i32 to index
        %get3A_928 = arith.index_cast %add3A_923 : i32 to index
        %get3A_929 = arith.index_cast %add3A_925 : i32 to index
        %get3A_930 = tpu.vector_load %arg7[%get3A_927, %get3A_928, %get3A_929] {strides = array<i32>} : memref<2x128x128xf32, #tpu.memory_space<vmem>>, vector<16xf32>,
        %add3A_931 = arith.constant 6 : i32
        %add3A_932 = arith.addi %mul3A_467, %add3A_931 : i32
        %add3A_933 = arith.constant 1 : i32
        %add3A_934 = arith.addi %add3A_932, %add3A_933 : i32
        %add3A_935 = arith.constant 16 : i32
        %add3A_936 = arith.addi %squeeze3A_449, %add3A_935 : i32
        %get3A_937 = arith.constant 0 : i32
        %get3A_938 = arith.index_cast %get3A_937 : i32 to index
        %get3A_939 = arith.index_cast %add3A_934 : i32 to index
        %get3A_940 = arith.index_cast %add3A_936 : i32 to index
        %get3A_941 = tpu.vector_load %arg7[%get3A_938, %get3A_939, %get3A_940] {strides = array<i32>} : memref<2x128x128xf32, #tpu.memory_space<vmem>>, vector<16xf32>,
        %add3A_942 = arith.constant 6 : i32
        %add3A_943 = arith.addi %mul3A_467, %add3A_942 : i32
        %add3A_944 = arith.constant 1 : i32
        %add3A_945 = arith.addi %add3A_943, %add3A_944 : i32
        %add3A_946 = arith.constant 32 : i32
        %add3A_947 = arith.addi %squeeze3A_449, %add3A_946 : i32
        %get3A_948 = arith.constant 0 : i32
        %get3A_949 = arith.index_cast %get3A_948 : i32 to index
        %get3A_950 = arith.index_cast %add3A_945 : i32 to index
        %get3A_951 = arith.index_cast %add3A_947 : i32 to index
        %get3A_952 = tpu.vector_load %arg7[%get3A_949, %get3A_950, %get3A_951] {strides = array<i32>} : memref<2x128x128xf32, #tpu.memory_space<vmem>>, vector<16xf32>,
        %add3A_953 = arith.constant 6 : i32
        %add3A_954 = arith.addi %mul3A_467, %add3A_953 : i32
        %add3A_955 = arith.constant 1 : i32
        %add3A_956 = arith.addi %add3A_954, %add3A_955 : i32
        %add3A_957 = arith.constant 48 : i32
        %add3A_958 = arith.addi %squeeze3A_449, %add3A_957 : i32
        %get3A_959 = arith.constant 0 : i32
        %get3A_960 = arith.index_cast %get3A_959 : i32 to index
        %get3A_961 = arith.index_cast %add3A_956 : i32 to index
        %get3A_962 = arith.index_cast %add3A_958 : i32 to index
        %get3A_963 = tpu.vector_load %arg7[%get3A_960, %get3A_961, %get3A_962] {strides = array<i32>} : memref<2x128x128xf32, #tpu.memory_space<vmem>>, vector<16xf32>,
        %add3A_964 = arith.constant 6 : i32
        %add3A_965 = arith.addi %mul3A_467, %add3A_964 : i32
        %add3A_966 = arith.constant 0 : i32
        %add3A_967 = arith.addi %add3A_965, %add3A_966 : i32
        %add3A_968 = vector.broadcast %add3A_967 : i32 to vector<16xi32>
        %add3A_969 = arith.addi %mul3A_40, %add3A_968 : vector<16xi32>
        tpu.vector_store_idx %arg8[%add3A_969], %get3A_886 : memref<8256xf32, #tpu.memory_space<vmem>>[vector<16xi32>], vector<16xf32>,
        %add3A_970 = arith.constant 6 : i32
        %add3A_971 = arith.addi %mul3A_467, %add3A_970 : i32
        %add3A_972 = arith.constant 0 : i32
        %add3A_973 = arith.addi %add3A_971, %add3A_972 : i32
        %add3A_974 = vector.broadcast %add3A_973 : i32 to vector<16xi32>
        %add3A_975 = arith.addi %mul3A_46, %add3A_974 : vector<16xi32>
        tpu.vector_store_idx %arg8[%add3A_975], %get3A_897 : memref<8256xf32, #tpu.memory_space<vmem>>[vector<16xi32>], vector<16xf32>,
        %add3A_976 = arith.constant 6 : i32
        %add3A_977 = arith.addi %mul3A_467, %add3A_976 : i32
        %add3A_978 = arith.constant 0 : i32
        %add3A_979 = arith.addi %add3A_977, %add3A_978 : i32
        %add3A_980 = vector.broadcast %add3A_979 : i32 to vector<16xi32>
        %add3A_981 = arith.addi %mul3A_52, %add3A_980 : vector<16xi32>
        tpu.vector_store_idx %arg8[%add3A_981], %get3A_908 : memref<8256xf32, #tpu.memory_space<vmem>>[vector<16xi32>], vector<16xf32>,
        %add3A_982 = arith.constant 6 : i32
        %add3A_983 = arith.addi %mul3A_467, %add3A_982 : i32
        %add3A_984 = arith.constant 0 : i32
        %add3A_985 = arith.addi %add3A_983, %add3A_984 : i32
        %add3A_986 = vector.broadcast %add3A_985 : i32 to vector<16xi32>
        %add3A_987 = arith.addi %mul3A_58, %add3A_986 : vector<16xi32>
        tpu.vector_store_idx %arg8[%add3A_987], %get3A_919 : memref<8256xf32, #tpu.memory_space<vmem>>[vector<16xi32>], vector<16xf32>,
        %add3A_988 = arith.constant 6 : i32
        %add3A_989 = arith.addi %mul3A_467, %add3A_988 : i32
        %add3A_990 = arith.constant 1 : i32
        %add3A_991 = arith.addi %add3A_989, %add3A_990 : i32
        %add3A_992 = vector.broadcast %add3A_991 : i32 to vector<16xi32>
        %add3A_993 = arith.addi %mul3A_40, %add3A_992 : vector<16xi32>
        tpu.vector_store_idx %arg8[%add3A_993], %get3A_930 : memref<8256xf32, #tpu.memory_space<vmem>>[vector<16xi32>], vector<16xf32>,
        %add3A_994 = arith.constant 6 : i32
        %add3A_995 = arith.addi %mul3A_467, %add3A_994 : i32
        %add3A_996 = arith.constant 1 : i32
        %add3A_997 = arith.addi %add3A_995, %add3A_996 : i32
        %add3A_998 = vector.broadcast %add3A_997 : i32 to vector<16xi32>
        %add3A_999 = arith.addi %mul3A_46, %add3A_998 : vector<16xi32>
        tpu.vector_store_idx %arg8[%add3A_999], %get3A_941 : memref<8256xf32, #tpu.memory_space<vmem>>[vector<16xi32>], vector<16xf32>,
        %add3A_1000 = arith.constant 6 : i32
        %add3A_1001 = arith.addi %mul3A_467, %add3A_1000 : i32
        %add3A_1002 = arith.constant 1 : i32
        %add3A_1003 = arith.addi %add3A_1001, %add3A_1002 : i32
        %add3A_1004 = vector.broadcast %add3A_1003 : i32 to vector<16xi32>
        %add3A_1005 = arith.addi %mul3A_52, %add3A_1004 : vector<16xi32>
        tpu.vector_store_idx %arg8[%add3A_1005], %get3A_952 : memref<8256xf32, #tpu.memory_space<vmem>>[vector<16xi32>], vector<16xf32>,
        %add3A_1006 = arith.constant 6 : i32
        %add3A_1007 = arith.addi %mul3A_467, %add3A_1006 : i32
        %add3A_1008 = arith.constant 1 : i32
        %add3A_1009 = arith.addi %add3A_1007, %add3A_1008 : i32
        %add3A_1010 = vector.broadcast %add3A_1009 : i32 to vector<16xi32>
        %add3A_1011 = arith.addi %mul3A_58, %add3A_1010 : vector<16xi32>
        tpu.vector_store_idx %arg8[%add3A_1011], %get3A_963 : memref<8256xf32, #tpu.memory_space<vmem>>[vector<16xi32>], vector<16xf32>,
        %add3A_1012 = arith.constant 8 : i32
        %add3A_1013 = arith.addi %mul3A_467, %add3A_1012 : i32
        %add3A_1014 = arith.constant 0 : i32
        %add3A_1015 = arith.addi %add3A_1013, %add3A_1014 : i32
        %add3A_1016 = arith.constant 0 : i32
        %add3A_1017 = arith.addi %squeeze3A_451, %add3A_1016 : i32
        %get3A_1018 = arith.constant 0 : i32
        %get3A_1019 = arith.index_cast %get3A_1018 : i32 to index
        %get3A_1020 = arith.index_cast %add3A_1015 : i32 to index
        %get3A_1021 = arith.index_cast %add3A_1017 : i32 to index
        %get3A_1022 = tpu.vector_load %arg7[%get3A_1019, %get3A_1020, %get3A_1021] {strides = array<i32>} : memref<2x128x128xf32, #tpu.memory_space<vmem>>, vector<16xf32>,
        %add3A_1023 = arith.constant 8 : i32
        %add3A_1024 = arith.addi %mul3A_467, %add3A_1023 : i32
        %add3A_1025 = arith.constant 0 : i32
        %add3A_1026 = arith.addi %add3A_1024, %add3A_1025 : i32
        %add3A_1027 = arith.constant 16 : i32
        %add3A_1028 = arith.addi %squeeze3A_451, %add3A_1027 : i32
        %get3A_1029 = arith.constant 0 : i32
        %get3A_1030 = arith.index_cast %get3A_1029 : i32 to index
        %get3A_1031 = arith.index_cast %add3A_1026 : i32 to index
        %get3A_1032 = arith.index_cast %add3A_1028 : i32 to index
        %get3A_1033 = tpu.vector_load %arg7[%get3A_1030, %get3A_1031, %get3A_1032] {strides = array<i32>} : memref<2x128x128xf32, #tpu.memory_space<vmem>>, vector<16xf32>,
        %add3A_1034 = arith.constant 8 : i32
        %add3A_1035 = arith.addi %mul3A_467, %add3A_1034 : i32
        %add3A_1036 = arith.constant 0 : i32
        %add3A_1037 = arith.addi %add3A_1035, %add3A_1036 : i32
        %add3A_1038 = arith.constant 32 : i32
        %add3A_1039 = arith.addi %squeeze3A_451, %add3A_1038 : i32
        %get3A_1040 = arith.constant 0 : i32
        %get3A_1041 = arith.index_cast %get3A_1040 : i32 to index
        %get3A_1042 = arith.index_cast %add3A_1037 : i32 to index
        %get3A_1043 = arith.index_cast %add3A_1039 : i32 to index
        %get3A_1044 = tpu.vector_load %arg7[%get3A_1041, %get3A_1042, %get3A_1043] {strides = array<i32>} : memref<2x128x128xf32, #tpu.memory_space<vmem>>, vector<16xf32>,
        %add3A_1045 = arith.constant 8 : i32
        %add3A_1046 = arith.addi %mul3A_467, %add3A_1045 : i32
        %add3A_1047 = arith.constant 0 : i32
        %add3A_1048 = arith.addi %add3A_1046, %add3A_1047 : i32
        %add3A_1049 = arith.constant 48 : i32
        %add3A_1050 = arith.addi %squeeze3A_451, %add3A_1049 : i32
        %get3A_1051 = arith.constant 0 : i32
        %get3A_1052 = arith.index_cast %get3A_1051 : i32 to index
        %get3A_1053 = arith.index_cast %add3A_1048 : i32 to index
        %get3A_1054 = arith.index_cast %add3A_1050 : i32 to index
        %get3A_1055 = tpu.vector_load %arg7[%get3A_1052, %get3A_1053, %get3A_1054] {strides = array<i32>} : memref<2x128x128xf32, #tpu.memory_space<vmem>>, vector<16xf32>,
        %add3A_1056 = arith.constant 8 : i32
        %add3A_1057 = arith.addi %mul3A_467, %add3A_1056 : i32
        %add3A_1058 = arith.constant 1 : i32
        %add3A_1059 = arith.addi %add3A_1057, %add3A_1058 : i32
        %add3A_1060 = arith.constant 0 : i32
        %add3A_1061 = arith.addi %squeeze3A_453, %add3A_1060 : i32
        %get3A_1062 = arith.constant 0 : i32
        %get3A_1063 = arith.index_cast %get3A_1062 : i32 to index
        %get3A_1064 = arith.index_cast %add3A_1059 : i32 to index
        %get3A_1065 = arith.index_cast %add3A_1061 : i32 to index
        %get3A_1066 = tpu.vector_load %arg7[%get3A_1063, %get3A_1064, %get3A_1065] {strides = array<i32>} : memref<2x128x128xf32, #tpu.memory_space<vmem>>, vector<16xf32>,
        %add3A_1067 = arith.constant 8 : i32
        %add3A_1068 = arith.addi %mul3A_467, %add3A_1067 : i32
        %add3A_1069 = arith.constant 1 : i32
        %add3A_1070 = arith.addi %add3A_1068, %add3A_1069 : i32
        %add3A_1071 = arith.constant 16 : i32
        %add3A_1072 = arith.addi %squeeze3A_453, %add3A_1071 : i32
        %get3A_1073 = arith.constant 0 : i32
        %get3A_1074 = arith.index_cast %get3A_1073 : i32 to index
        %get3A_1075 = arith.index_cast %add3A_1070 : i32 to index
        %get3A_1076 = arith.index_cast %add3A_1072 : i32 to index
        %get3A_1077 = tpu.vector_load %arg7[%get3A_1074, %get3A_1075, %get3A_1076] {strides = array<i32>} : memref<2x128x128xf32, #tpu.memory_space<vmem>>, vector<16xf32>,
        %add3A_1078 = arith.constant 8 : i32
        %add3A_1079 = arith.addi %mul3A_467, %add3A_1078 : i32
        %add3A_1080 = arith.constant 1 : i32
        %add3A_1081 = arith.addi %add3A_1079, %add3A_1080 : i32
        %add3A_1082 = arith.constant 32 : i32
        %add3A_1083 = arith.addi %squeeze3A_453, %add3A_1082 : i32
        %get3A_1084 = arith.constant 0 : i32
        %get3A_1085 = arith.index_cast %get3A_1084 : i32 to index
        %get3A_1086 = arith.index_cast %add3A_1081 : i32 to index
        %get3A_1087 = arith.index_cast %add3A_1083 : i32 to index
        %get3A_1088 = tpu.vector_load %arg7[%get3A_1085, %get3A_1086, %get3A_1087] {strides = array<i32>} : memref<2x128x128xf32, #tpu.memory_space<vmem>>, vector<16xf32>,
        %add3A_1089 = arith.constant 8 : i32
        %add3A_1090 = arith.addi %mul3A_467, %add3A_1089 : i32
        %add3A_1091 = arith.constant 1 : i32
        %add3A_1092 = arith.addi %add3A_1090, %add3A_1091 : i32
        %add3A_1093 = arith.constant 48 : i32
        %add3A_1094 = arith.addi %squeeze3A_453, %add3A_1093 : i32
        %get3A_1095 = arith.constant 0 : i32
        %get3A_1096 = arith.index_cast %get3A_1095 : i32 to index
        %get3A_1097 = arith.index_cast %add3A_1092 : i32 to index
        %get3A_1098 = arith.index_cast %add3A_1094 : i32 to index
        %get3A_1099 = tpu.vector_load %arg7[%get3A_1096, %get3A_1097, %get3A_1098] {strides = array<i32>} : memref<2x128x128xf32, #tpu.memory_space<vmem>>, vector<16xf32>,
        %add3A_1100 = arith.constant 8 : i32
        %add3A_1101 = arith.addi %mul3A_467, %add3A_1100 : i32
        %add3A_1102 = arith.constant 0 : i32
        %add3A_1103 = arith.addi %add3A_1101, %add3A_1102 : i32
        %add3A_1104 = vector.broadcast %add3A_1103 : i32 to vector<16xi32>
        %add3A_1105 = arith.addi %mul3A_40, %add3A_1104 : vector<16xi32>
        tpu.vector_store_idx %arg8[%add3A_1105], %get3A_1022 : memref<8256xf32, #tpu.memory_space<vmem>>[vector<16xi32>], vector<16xf32>,
        %add3A_1106 = arith.constant 8 : i32
        %add3A_1107 = arith.addi %mul3A_467, %add3A_1106 : i32
        %add3A_1108 = arith.constant 0 : i32
        %add3A_1109 = arith.addi %add3A_1107, %add3A_1108 : i32
        %add3A_1110 = vector.broadcast %add3A_1109 : i32 to vector<16xi32>
        %add3A_1111 = arith.addi %mul3A_46, %add3A_1110 : vector<16xi32>
        tpu.vector_store_idx %arg8[%add3A_1111], %get3A_1033 : memref<8256xf32, #tpu.memory_space<vmem>>[vector<16xi32>], vector<16xf32>,
        %add3A_1112 = arith.constant 8 : i32
        %add3A_1113 = arith.addi %mul3A_467, %add3A_1112 : i32
        %add3A_1114 = arith.constant 0 : i32
        %add3A_1115 = arith.addi %add3A_1113, %add3A_1114 : i32
        %add3A_1116 = vector.broadcast %add3A_1115 : i32 to vector<16xi32>
        %add3A_1117 = arith.addi %mul3A_52, %add3A_1116 : vector<16xi32>
        tpu.vector_store_idx %arg8[%add3A_1117], %get3A_1044 : memref<8256xf32, #tpu.memory_space<vmem>>[vector<16xi32>], vector<16xf32>,
        %add3A_1118 = arith.constant 8 : i32
        %add3A_1119 = arith.addi %mul3A_467, %add3A_1118 : i32
        %add3A_1120 = arith.constant 0 : i32
        %add3A_1121 = arith.addi %add3A_1119, %add3A_1120 : i32
        %add3A_1122 = vector.broadcast %add3A_1121 : i32 to vector<16xi32>
        %add3A_1123 = arith.addi %mul3A_58, %add3A_1122 : vector<16xi32>
        tpu.vector_store_idx %arg8[%add3A_1123], %get3A_1055 : memref<8256xf32, #tpu.memory_space<vmem>>[vector<16xi32>], vector<16xf32>,
        %add3A_1124 = arith.constant 8 : i32
        %add3A_1125 = arith.addi %mul3A_467, %add3A_1124 : i32
        %add3A_1126 = arith.constant 1 : i32
        %add3A_1127 = arith.addi %add3A_1125, %add3A_1126 : i32
        %add3A_1128 = vector.broadcast %add3A_1127 : i32 to vector<16xi32>
        %add3A_1129 = arith.addi %mul3A_40, %add3A_1128 : vector<16xi32>
        tpu.vector_store_idx %arg8[%add3A_1129], %get3A_1066 : memref<8256xf32, #tpu.memory_space<vmem>>[vector<16xi32>], vector<16xf32>,
        %add3A_1130 = arith.constant 8 : i32
        %add3A_1131 = arith.addi %mul3A_467, %add3A_1130 : i32
        %add3A_1132 = arith.constant 1 : i32
        %add3A_1133 = arith.addi %add3A_1131, %add3A_1132 : i32
        %add3A_1134 = vector.broadcast %add3A_1133 : i32 to vector<16xi32>
        %add3A_1135 = arith.addi %mul3A_46, %add3A_1134 : vector<16xi32>
        tpu.vector_store_idx %arg8[%add3A_1135], %get3A_1077 : memref<8256xf32, #tpu.memory_space<vmem>>[vector<16xi32>], vector<16xf32>,
        %add3A_1136 = arith.constant 8 : i32
        %add3A_1137 = arith.addi %mul3A_467, %add3A_1136 : i32
        %add3A_1138 = arith.constant 1 : i32
        %add3A_1139 = arith.addi %add3A_1137, %add3A_1138 : i32
        %add3A_1140 = vector.broadcast %add3A_1139 : i32 to vector<16xi32>
        %add3A_1141 = arith.addi %mul3A_52, %add3A_1140 : vector<16xi32>
        tpu.vector_store_idx %arg8[%add3A_1141], %get3A_1088 : memref<8256xf32, #tpu.memory_space<vmem>>[vector<16xi32>], vector<16xf32>,
        %add3A_1142 = arith.constant 8 : i32
        %add3A_1143 = arith.addi %mul3A_467, %add3A_1142 : i32
        %add3A_1144 = arith.constant 1 : i32
        %add3A_1145 = arith.addi %add3A_1143, %add3A_1144 : i32
        %add3A_1146 = vector.broadcast %add3A_1145 : i32 to vector<16xi32>
        %add3A_1147 = arith.addi %mul3A_58, %add3A_1146 : vector<16xi32>
        tpu.vector_store_idx %arg8[%add3A_1147], %get3A_1099 : memref<8256xf32, #tpu.memory_space<vmem>>[vector<16xi32>], vector<16xf32>,
        %add3A_1148 = arith.constant 10 : i32
        %add3A_1149 = arith.addi %mul3A_467, %add3A_1148 : i32
        %add3A_1150 = arith.constant 0 : i32
        %add3A_1151 = arith.addi %add3A_1149, %add3A_1150 : i32
        %add3A_1152 = arith.constant 0 : i32
        %add3A_1153 = arith.addi %squeeze3A_455, %add3A_1152 : i32
        %get3A_1154 = arith.constant 0 : i32
        %get3A_1155 = arith.index_cast %get3A_1154 : i32 to index
        %get3A_1156 = arith.index_cast %add3A_1151 : i32 to index
        %get3A_1157 = arith.index_cast %add3A_1153 : i32 to index
        %get3A_1158 = tpu.vector_load %arg7[%get3A_1155, %get3A_1156, %get3A_1157] {strides = array<i32>} : memref<2x128x128xf32, #tpu.memory_space<vmem>>, vector<16xf32>,
        %add3A_1159 = arith.constant 10 : i32
        %add3A_1160 = arith.addi %mul3A_467, %add3A_1159 : i32
        %add3A_1161 = arith.constant 0 : i32
        %add3A_1162 = arith.addi %add3A_1160, %add3A_1161 : i32
        %add3A_1163 = arith.constant 16 : i32
        %add3A_1164 = arith.addi %squeeze3A_455, %add3A_1163 : i32
        %get3A_1165 = arith.constant 0 : i32
        %get3A_1166 = arith.index_cast %get3A_1165 : i32 to index
        %get3A_1167 = arith.index_cast %add3A_1162 : i32 to index
        %get3A_1168 = arith.index_cast %add3A_1164 : i32 to index
        %get3A_1169 = tpu.vector_load %arg7[%get3A_1166, %get3A_1167, %get3A_1168] {strides = array<i32>} : memref<2x128x128xf32, #tpu.memory_space<vmem>>, vector<16xf32>,
        %add3A_1170 = arith.constant 10 : i32
        %add3A_1171 = arith.addi %mul3A_467, %add3A_1170 : i32
        %add3A_1172 = arith.constant 0 : i32
        %add3A_1173 = arith.addi %add3A_1171, %add3A_1172 : i32
        %add3A_1174 = arith.constant 32 : i32
        %add3A_1175 = arith.addi %squeeze3A_455, %add3A_1174 : i32
        %get3A_1176 = arith.constant 0 : i32
        %get3A_1177 = arith.index_cast %get3A_1176 : i32 to index
        %get3A_1178 = arith.index_cast %add3A_1173 : i32 to index
        %get3A_1179 = arith.index_cast %add3A_1175 : i32 to index
        %get3A_1180 = tpu.vector_load %arg7[%get3A_1177, %get3A_1178, %get3A_1179] {strides = array<i32>} : memref<2x128x128xf32, #tpu.memory_space<vmem>>, vector<16xf32>,
        %add3A_1181 = arith.constant 10 : i32
        %add3A_1182 = arith.addi %mul3A_467, %add3A_1181 : i32
        %add3A_1183 = arith.constant 0 : i32
        %add3A_1184 = arith.addi %add3A_1182, %add3A_1183 : i32
        %add3A_1185 = arith.constant 48 : i32
        %add3A_1186 = arith.addi %squeeze3A_455, %add3A_1185 : i32
        %get3A_1187 = arith.constant 0 : i32
        %get3A_1188 = arith.index_cast %get3A_1187 : i32 to index
        %get3A_1189 = arith.index_cast %add3A_1184 : i32 to index
        %get3A_1190 = arith.index_cast %add3A_1186 : i32 to index
        %get3A_1191 = tpu.vector_load %arg7[%get3A_1188, %get3A_1189, %get3A_1190] {strides = array<i32>} : memref<2x128x128xf32, #tpu.memory_space<vmem>>, vector<16xf32>,
        %add3A_1192 = arith.constant 10 : i32
        %add3A_1193 = arith.addi %mul3A_467, %add3A_1192 : i32
        %add3A_1194 = arith.constant 1 : i32
        %add3A_1195 = arith.addi %add3A_1193, %add3A_1194 : i32
        %add3A_1196 = arith.constant 0 : i32
        %add3A_1197 = arith.addi %squeeze3A_457, %add3A_1196 : i32
        %get3A_1198 = arith.constant 0 : i32
        %get3A_1199 = arith.index_cast %get3A_1198 : i32 to index
        %get3A_1200 = arith.index_cast %add3A_1195 : i32 to index
        %get3A_1201 = arith.index_cast %add3A_1197 : i32 to index
        %get3A_1202 = tpu.vector_load %arg7[%get3A_1199, %get3A_1200, %get3A_1201] {strides = array<i32>} : memref<2x128x128xf32, #tpu.memory_space<vmem>>, vector<16xf32>,
        %add3A_1203 = arith.constant 10 : i32
        %add3A_1204 = arith.addi %mul3A_467, %add3A_1203 : i32
        %add3A_1205 = arith.constant 1 : i32
        %add3A_1206 = arith.addi %add3A_1204, %add3A_1205 : i32
        %add3A_1207 = arith.constant 16 : i32
        %add3A_1208 = arith.addi %squeeze3A_457, %add3A_1207 : i32
        %get3A_1209 = arith.constant 0 : i32
        %get3A_1210 = arith.index_cast %get3A_1209 : i32 to index
        %get3A_1211 = arith.index_cast %add3A_1206 : i32 to index
        %get3A_1212 = arith.index_cast %add3A_1208 : i32 to index
        %get3A_1213 = tpu.vector_load %arg7[%get3A_1210, %get3A_1211, %get3A_1212] {strides = array<i32>} : memref<2x128x128xf32, #tpu.memory_space<vmem>>, vector<16xf32>,
        %add3A_1214 = arith.constant 10 : i32
        %add3A_1215 = arith.addi %mul3A_467, %add3A_1214 : i32
        %add3A_1216 = arith.constant 1 : i32
        %add3A_1217 = arith.addi %add3A_1215, %add3A_1216 : i32
        %add3A_1218 = arith.constant 32 : i32
        %add3A_1219 = arith.addi %squeeze3A_457, %add3A_1218 : i32
        %get3A_1220 = arith.constant 0 : i32
        %get3A_1221 = arith.index_cast %get3A_1220 : i32 to index
        %get3A_1222 = arith.index_cast %add3A_1217 : i32 to index
        %get3A_1223 = arith.index_cast %add3A_1219 : i32 to index
        %get3A_1224 = tpu.vector_load %arg7[%get3A_1221, %get3A_1222, %get3A_1223] {strides = array<i32>} : memref<2x128x128xf32, #tpu.memory_space<vmem>>, vector<16xf32>,
        %add3A_1225 = arith.constant 10 : i32
        %add3A_1226 = arith.addi %mul3A_467, %add3A_1225 : i32
        %add3A_1227 = arith.constant 1 : i32
        %add3A_1228 = arith.addi %add3A_1226, %add3A_1227 : i32
        %add3A_1229 = arith.constant 48 : i32
        %add3A_1230 = arith.addi %squeeze3A_457, %add3A_1229 : i32
        %get3A_1231 = arith.constant 0 : i32
        %get3A_1232 = arith.index_cast %get3A_1231 : i32 to index
        %get3A_1233 = arith.index_cast %add3A_1228 : i32 to index
        %get3A_1234 = arith.index_cast %add3A_1230 : i32 to index
        %get3A_1235 = tpu.vector_load %arg7[%get3A_1232, %get3A_1233, %get3A_1234] {strides = array<i32>} : memref<2x128x128xf32, #tpu.memory_space<vmem>>, vector<16xf32>,
        %add3A_1236 = arith.constant 10 : i32
        %add3A_1237 = arith.addi %mul3A_467, %add3A_1236 : i32
        %add3A_1238 = arith.constant 0 : i32
        %add3A_1239 = arith.addi %add3A_1237, %add3A_1238 : i32
        %add3A_1240 = vector.broadcast %add3A_1239 : i32 to vector<16xi32>
        %add3A_1241 = arith.addi %mul3A_40, %add3A_1240 : vector<16xi32>
        tpu.vector_store_idx %arg8[%add3A_1241], %get3A_1158 : memref<8256xf32, #tpu.memory_space<vmem>>[vector<16xi32>], vector<16xf32>,
        %add3A_1242 = arith.constant 10 : i32
        %add3A_1243 = arith.addi %mul3A_467, %add3A_1242 : i32
        %add3A_1244 = arith.constant 0 : i32
        %add3A_1245 = arith.addi %add3A_1243, %add3A_1244 : i32
        %add3A_1246 = vector.broadcast %add3A_1245 : i32 to vector<16xi32>
        %add3A_1247 = arith.addi %mul3A_46, %add3A_1246 : vector<16xi32>
        tpu.vector_store_idx %arg8[%add3A_1247], %get3A_1169 : memref<8256xf32, #tpu.memory_space<vmem>>[vector<16xi32>], vector<16xf32>,
        %add3A_1248 = arith.constant 10 : i32
        %add3A_1249 = arith.addi %mul3A_467, %add3A_1248 : i32
        %add3A_1250 = arith.constant 0 : i32
        %add3A_1251 = arith.addi %add3A_1249, %add3A_1250 : i32
        %add3A_1252 = vector.broadcast %add3A_1251 : i32 to vector<16xi32>
        %add3A_1253 = arith.addi %mul3A_52, %add3A_1252 : vector<16xi32>
        tpu.vector_store_idx %arg8[%add3A_1253], %get3A_1180 : memref<8256xf32, #tpu.memory_space<vmem>>[vector<16xi32>], vector<16xf32>,
        %add3A_1254 = arith.constant 10 : i32
        %add3A_1255 = arith.addi %mul3A_467, %add3A_1254 : i32
        %add3A_1256 = arith.constant 0 : i32
        %add3A_1257 = arith.addi %add3A_1255, %add3A_1256 : i32
        %add3A_1258 = vector.broadcast %add3A_1257 : i32 to vector<16xi32>
        %add3A_1259 = arith.addi %mul3A_58, %add3A_1258 : vector<16xi32>
        tpu.vector_store_idx %arg8[%add3A_1259], %get3A_1191 : memref<8256xf32, #tpu.memory_space<vmem>>[vector<16xi32>], vector<16xf32>,
        %add3A_1260 = arith.constant 10 : i32
        %add3A_1261 = arith.addi %mul3A_467, %add3A_1260 : i32
        %add3A_1262 = arith.constant 1 : i32
        %add3A_1263 = arith.addi %add3A_1261, %add3A_1262 : i32
        %add3A_1264 = vector.broadcast %add3A_1263 : i32 to vector<16xi32>
        %add3A_1265 = arith.addi %mul3A_40, %add3A_1264 : vector<16xi32>
        tpu.vector_store_idx %arg8[%add3A_1265], %get3A_1202 : memref<8256xf32, #tpu.memory_space<vmem>>[vector<16xi32>], vector<16xf32>,
        %add3A_1266 = arith.constant 10 : i32
        %add3A_1267 = arith.addi %mul3A_467, %add3A_1266 : i32
        %add3A_1268 = arith.constant 1 : i32
        %add3A_1269 = arith.addi %add3A_1267, %add3A_1268 : i32
        %add3A_1270 = vector.broadcast %add3A_1269 : i32 to vector<16xi32>
        %add3A_1271 = arith.addi %mul3A_46, %add3A_1270 : vector<16xi32>
        tpu.vector_store_idx %arg8[%add3A_1271], %get3A_1213 : memref<8256xf32, #tpu.memory_space<vmem>>[vector<16xi32>], vector<16xf32>,
        %add3A_1272 = arith.constant 10 : i32
        %add3A_1273 = arith.addi %mul3A_467, %add3A_1272 : i32
        %add3A_1274 = arith.constant 1 : i32
        %add3A_1275 = arith.addi %add3A_1273, %add3A_1274 : i32
        %add3A_1276 = vector.broadcast %add3A_1275 : i32 to vector<16xi32>
        %add3A_1277 = arith.addi %mul3A_52, %add3A_1276 : vector<16xi32>
        tpu.vector_store_idx %arg8[%add3A_1277], %get3A_1224 : memref<8256xf32, #tpu.memory_space<vmem>>[vector<16xi32>], vector<16xf32>,
        %add3A_1278 = arith.constant 10 : i32
        %add3A_1279 = arith.addi %mul3A_467, %add3A_1278 : i32
        %add3A_1280 = arith.constant 1 : i32
        %add3A_1281 = arith.addi %add3A_1279, %add3A_1280 : i32
        %add3A_1282 = vector.broadcast %add3A_1281 : i32 to vector<16xi32>
        %add3A_1283 = arith.addi %mul3A_58, %add3A_1282 : vector<16xi32>
        tpu.vector_store_idx %arg8[%add3A_1283], %get3A_1235 : memref<8256xf32, #tpu.memory_space<vmem>>[vector<16xi32>], vector<16xf32>,
        %add3A_1284 = arith.constant 12 : i32
        %add3A_1285 = arith.addi %mul3A_467, %add3A_1284 : i32
        %add3A_1286 = arith.constant 0 : i32
        %add3A_1287 = arith.addi %add3A_1285, %add3A_1286 : i32
        %add3A_1288 = arith.constant 0 : i32
        %add3A_1289 = arith.addi %squeeze3A_459, %add3A_1288 : i32
        %get3A_1290 = arith.constant 0 : i32
        %get3A_1291 = arith.index_cast %get3A_1290 : i32 to index
        %get3A_1292 = arith.index_cast %add3A_1287 : i32 to index
        %get3A_1293 = arith.index_cast %add3A_1289 : i32 to index
        %get3A_1294 = tpu.vector_load %arg7[%get3A_1291, %get3A_1292, %get3A_1293] {strides = array<i32>} : memref<2x128x128xf32, #tpu.memory_space<vmem>>, vector<16xf32>,
        %add3A_1295 = arith.constant 12 : i32
        %add3A_1296 = arith.addi %mul3A_467, %add3A_1295 : i32
        %add3A_1297 = arith.constant 0 : i32
        %add3A_1298 = arith.addi %add3A_1296, %add3A_1297 : i32
        %add3A_1299 = arith.constant 16 : i32
        %add3A_1300 = arith.addi %squeeze3A_459, %add3A_1299 : i32
        %get3A_1301 = arith.constant 0 : i32
        %get3A_1302 = arith.index_cast %get3A_1301 : i32 to index
        %get3A_1303 = arith.index_cast %add3A_1298 : i32 to index
        %get3A_1304 = arith.index_cast %add3A_1300 : i32 to index
        %get3A_1305 = tpu.vector_load %arg7[%get3A_1302, %get3A_1303, %get3A_1304] {strides = array<i32>} : memref<2x128x128xf32, #tpu.memory_space<vmem>>, vector<16xf32>,
        %add3A_1306 = arith.constant 12 : i32
        %add3A_1307 = arith.addi %mul3A_467, %add3A_1306 : i32
        %add3A_1308 = arith.constant 0 : i32
        %add3A_1309 = arith.addi %add3A_1307, %add3A_1308 : i32
        %add3A_1310 = arith.constant 32 : i32
        %add3A_1311 = arith.addi %squeeze3A_459, %add3A_1310 : i32
        %get3A_1312 = arith.constant 0 : i32
        %get3A_1313 = arith.index_cast %get3A_1312 : i32 to index
        %get3A_1314 = arith.index_cast %add3A_1309 : i32 to index
        %get3A_1315 = arith.index_cast %add3A_1311 : i32 to index
        %get3A_1316 = tpu.vector_load %arg7[%get3A_1313, %get3A_1314, %get3A_1315] {strides = array<i32>} : memref<2x128x128xf32, #tpu.memory_space<vmem>>, vector<16xf32>,
        %add3A_1317 = arith.constant 12 : i32
        %add3A_1318 = arith.addi %mul3A_467, %add3A_1317 : i32
        %add3A_1319 = arith.constant 0 : i32
        %add3A_1320 = arith.addi %add3A_1318, %add3A_1319 : i32
        %add3A_1321 = arith.constant 48 : i32
        %add3A_1322 = arith.addi %squeeze3A_459, %add3A_1321 : i32
        %get3A_1323 = arith.constant 0 : i32
        %get3A_1324 = arith.index_cast %get3A_1323 : i32 to index
        %get3A_1325 = arith.index_cast %add3A_1320 : i32 to index
        %get3A_1326 = arith.index_cast %add3A_1322 : i32 to index
        %get3A_1327 = tpu.vector_load %arg7[%get3A_1324, %get3A_1325, %get3A_1326] {strides = array<i32>} : memref<2x128x128xf32, #tpu.memory_space<vmem>>, vector<16xf32>,
        %add3A_1328 = arith.constant 12 : i32
        %add3A_1329 = arith.addi %mul3A_467, %add3A_1328 : i32
        %add3A_1330 = arith.constant 1 : i32
        %add3A_1331 = arith.addi %add3A_1329, %add3A_1330 : i32
        %add3A_1332 = arith.constant 0 : i32
        %add3A_1333 = arith.addi %squeeze3A_461, %add3A_1332 : i32
        %get3A_1334 = arith.constant 0 : i32
        %get3A_1335 = arith.index_cast %get3A_1334 : i32 to index
        %get3A_1336 = arith.index_cast %add3A_1331 : i32 to index
        %get3A_1337 = arith.index_cast %add3A_1333 : i32 to index
        %get3A_1338 = tpu.vector_load %arg7[%get3A_1335, %get3A_1336, %get3A_1337] {strides = array<i32>} : memref<2x128x128xf32, #tpu.memory_space<vmem>>, vector<16xf32>,
        %add3A_1339 = arith.constant 12 : i32
        %add3A_1340 = arith.addi %mul3A_467, %add3A_1339 : i32
        %add3A_1341 = arith.constant 1 : i32
        %add3A_1342 = arith.addi %add3A_1340, %add3A_1341 : i32
        %add3A_1343 = arith.constant 16 : i32
        %add3A_1344 = arith.addi %squeeze3A_461, %add3A_1343 : i32
        %get3A_1345 = arith.constant 0 : i32
        %get3A_1346 = arith.index_cast %get3A_1345 : i32 to index
        %get3A_1347 = arith.index_cast %add3A_1342 : i32 to index
        %get3A_1348 = arith.index_cast %add3A_1344 : i32 to index
        %get3A_1349 = tpu.vector_load %arg7[%get3A_1346, %get3A_1347, %get3A_1348] {strides = array<i32>} : memref<2x128x128xf32, #tpu.memory_space<vmem>>, vector<16xf32>,
        %add3A_1350 = arith.constant 12 : i32
        %add3A_1351 = arith.addi %mul3A_467, %add3A_1350 : i32
        %add3A_1352 = arith.constant 1 : i32
        %add3A_1353 = arith.addi %add3A_1351, %add3A_1352 : i32
        %add3A_1354 = arith.constant 32 : i32
        %add3A_1355 = arith.addi %squeeze3A_461, %add3A_1354 : i32
        %get3A_1356 = arith.constant 0 : i32
        %get3A_1357 = arith.index_cast %get3A_1356 : i32 to index
        %get3A_1358 = arith.index_cast %add3A_1353 : i32 to index
        %get3A_1359 = arith.index_cast %add3A_1355 : i32 to index
        %get3A_1360 = tpu.vector_load %arg7[%get3A_1357, %get3A_1358, %get3A_1359] {strides = array<i32>} : memref<2x128x128xf32, #tpu.memory_space<vmem>>, vector<16xf32>,
        %add3A_1361 = arith.constant 12 : i32
        %add3A_1362 = arith.addi %mul3A_467, %add3A_1361 : i32
        %add3A_1363 = arith.constant 1 : i32
        %add3A_1364 = arith.addi %add3A_1362, %add3A_1363 : i32
        %add3A_1365 = arith.constant 48 : i32
        %add3A_1366 = arith.addi %squeeze3A_461, %add3A_1365 : i32
        %get3A_1367 = arith.constant 0 : i32
        %get3A_1368 = arith.index_cast %get3A_1367 : i32 to index
        %get3A_1369 = arith.index_cast %add3A_1364 : i32 to index
        %get3A_1370 = arith.index_cast %add3A_1366 : i32 to index
        %get3A_1371 = tpu.vector_load %arg7[%get3A_1368, %get3A_1369, %get3A_1370] {strides = array<i32>} : memref<2x128x128xf32, #tpu.memory_space<vmem>>, vector<16xf32>,
        %add3A_1372 = arith.constant 12 : i32
        %add3A_1373 = arith.addi %mul3A_467, %add3A_1372 : i32
        %add3A_1374 = arith.constant 0 : i32
        %add3A_1375 = arith.addi %add3A_1373, %add3A_1374 : i32
        %add3A_1376 = vector.broadcast %add3A_1375 : i32 to vector<16xi32>
        %add3A_1377 = arith.addi %mul3A_40, %add3A_1376 : vector<16xi32>
        tpu.vector_store_idx %arg8[%add3A_1377], %get3A_1294 : memref<8256xf32, #tpu.memory_space<vmem>>[vector<16xi32>], vector<16xf32>,
        %add3A_1378 = arith.constant 12 : i32
        %add3A_1379 = arith.addi %mul3A_467, %add3A_1378 : i32
        %add3A_1380 = arith.constant 0 : i32
        %add3A_1381 = arith.addi %add3A_1379, %add3A_1380 : i32
        %add3A_1382 = vector.broadcast %add3A_1381 : i32 to vector<16xi32>
        %add3A_1383 = arith.addi %mul3A_46, %add3A_1382 : vector<16xi32>
        tpu.vector_store_idx %arg8[%add3A_1383], %get3A_1305 : memref<8256xf32, #tpu.memory_space<vmem>>[vector<16xi32>], vector<16xf32>,
        %add3A_1384 = arith.constant 12 : i32
        %add3A_1385 = arith.addi %mul3A_467, %add3A_1384 : i32
        %add3A_1386 = arith.constant 0 : i32
        %add3A_1387 = arith.addi %add3A_1385, %add3A_1386 : i32
        %add3A_1388 = vector.broadcast %add3A_1387 : i32 to vector<16xi32>
        %add3A_1389 = arith.addi %mul3A_52, %add3A_1388 : vector<16xi32>
        tpu.vector_store_idx %arg8[%add3A_1389], %get3A_1316 : memref<8256xf32, #tpu.memory_space<vmem>>[vector<16xi32>], vector<16xf32>,
        %add3A_1390 = arith.constant 12 : i32
        %add3A_1391 = arith.addi %mul3A_467, %add3A_1390 : i32
        %add3A_1392 = arith.constant 0 : i32
        %add3A_1393 = arith.addi %add3A_1391, %add3A_1392 : i32
        %add3A_1394 = vector.broadcast %add3A_1393 : i32 to vector<16xi32>
        %add3A_1395 = arith.addi %mul3A_58, %add3A_1394 : vector<16xi32>
        tpu.vector_store_idx %arg8[%add3A_1395], %get3A_1327 : memref<8256xf32, #tpu.memory_space<vmem>>[vector<16xi32>], vector<16xf32>,
        %add3A_1396 = arith.constant 12 : i32
        %add3A_1397 = arith.addi %mul3A_467, %add3A_1396 : i32
        %add3A_1398 = arith.constant 1 : i32
        %add3A_1399 = arith.addi %add3A_1397, %add3A_1398 : i32
        %add3A_1400 = vector.broadcast %add3A_1399 : i32 to vector<16xi32>
        %add3A_1401 = arith.addi %mul3A_40, %add3A_1400 : vector<16xi32>
        tpu.vector_store_idx %arg8[%add3A_1401], %get3A_1338 : memref<8256xf32, #tpu.memory_space<vmem>>[vector<16xi32>], vector<16xf32>,
        %add3A_1402 = arith.constant 12 : i32
        %add3A_1403 = arith.addi %mul3A_467, %add3A_1402 : i32
        %add3A_1404 = arith.constant 1 : i32
        %add3A_1405 = arith.addi %add3A_1403, %add3A_1404 : i32
        %add3A_1406 = vector.broadcast %add3A_1405 : i32 to vector<16xi32>
        %add3A_1407 = arith.addi %mul3A_46, %add3A_1406 : vector<16xi32>
        tpu.vector_store_idx %arg8[%add3A_1407], %get3A_1349 : memref<8256xf32, #tpu.memory_space<vmem>>[vector<16xi32>], vector<16xf32>,
        %add3A_1408 = arith.constant 12 : i32
        %add3A_1409 = arith.addi %mul3A_467, %add3A_1408 : i32
        %add3A_1410 = arith.constant 1 : i32
        %add3A_1411 = arith.addi %add3A_1409, %add3A_1410 : i32
        %add3A_1412 = vector.broadcast %add3A_1411 : i32 to vector<16xi32>
        %add3A_1413 = arith.addi %mul3A_52, %add3A_1412 : vector<16xi32>
        tpu.vector_store_idx %arg8[%add3A_1413], %get3A_1360 : memref<8256xf32, #tpu.memory_space<vmem>>[vector<16xi32>], vector<16xf32>,
        %add3A_1414 = arith.constant 12 : i32
        %add3A_1415 = arith.addi %mul3A_467, %add3A_1414 : i32
        %add3A_1416 = arith.constant 1 : i32
        %add3A_1417 = arith.addi %add3A_1415, %add3A_1416 : i32
        %add3A_1418 = vector.broadcast %add3A_1417 : i32 to vector<16xi32>
        %add3A_1419 = arith.addi %mul3A_58, %add3A_1418 : vector<16xi32>
        tpu.vector_store_idx %arg8[%add3A_1419], %get3A_1371 : memref<8256xf32, #tpu.memory_space<vmem>>[vector<16xi32>], vector<16xf32>,
        %add3A_1420 = arith.constant 14 : i32
        %add3A_1421 = arith.addi %mul3A_467, %add3A_1420 : i32
        %add3A_1422 = arith.constant 0 : i32
        %add3A_1423 = arith.addi %add3A_1421, %add3A_1422 : i32
        %add3A_1424 = arith.constant 0 : i32
        %add3A_1425 = arith.addi %squeeze3A_463, %add3A_1424 : i32
        %get3A_1426 = arith.constant 0 : i32
        %get3A_1427 = arith.index_cast %get3A_1426 : i32 to index
        %get3A_1428 = arith.index_cast %add3A_1423 : i32 to index
        %get3A_1429 = arith.index_cast %add3A_1425 : i32 to index
        %get3A_1430 = tpu.vector_load %arg7[%get3A_1427, %get3A_1428, %get3A_1429] {strides = array<i32>} : memref<2x128x128xf32, #tpu.memory_space<vmem>>, vector<16xf32>,
        %add3A_1431 = arith.constant 14 : i32
        %add3A_1432 = arith.addi %mul3A_467, %add3A_1431 : i32
        %add3A_1433 = arith.constant 0 : i32
        %add3A_1434 = arith.addi %add3A_1432, %add3A_1433 : i32
        %add3A_1435 = arith.constant 16 : i32
        %add3A_1436 = arith.addi %squeeze3A_463, %add3A_1435 : i32
        %get3A_1437 = arith.constant 0 : i32
        %get3A_1438 = arith.index_cast %get3A_1437 : i32 to index
        %get3A_1439 = arith.index_cast %add3A_1434 : i32 to index
        %get3A_1440 = arith.index_cast %add3A_1436 : i32 to index
        %get3A_1441 = tpu.vector_load %arg7[%get3A_1438, %get3A_1439, %get3A_1440] {strides = array<i32>} : memref<2x128x128xf32, #tpu.memory_space<vmem>>, vector<16xf32>,
        %add3A_1442 = arith.constant 14 : i32
        %add3A_1443 = arith.addi %mul3A_467, %add3A_1442 : i32
        %add3A_1444 = arith.constant 0 : i32
        %add3A_1445 = arith.addi %add3A_1443, %add3A_1444 : i32
        %add3A_1446 = arith.constant 32 : i32
        %add3A_1447 = arith.addi %squeeze3A_463, %add3A_1446 : i32
        %get3A_1448 = arith.constant 0 : i32
        %get3A_1449 = arith.index_cast %get3A_1448 : i32 to index
        %get3A_1450 = arith.index_cast %add3A_1445 : i32 to index
        %get3A_1451 = arith.index_cast %add3A_1447 : i32 to index
        %get3A_1452 = tpu.vector_load %arg7[%get3A_1449, %get3A_1450, %get3A_1451] {strides = array<i32>} : memref<2x128x128xf32, #tpu.memory_space<vmem>>, vector<16xf32>,
        %add3A_1453 = arith.constant 14 : i32
        %add3A_1454 = arith.addi %mul3A_467, %add3A_1453 : i32
        %add3A_1455 = arith.constant 0 : i32
        %add3A_1456 = arith.addi %add3A_1454, %add3A_1455 : i32
        %add3A_1457 = arith.constant 48 : i32
        %add3A_1458 = arith.addi %squeeze3A_463, %add3A_1457 : i32
        %get3A_1459 = arith.constant 0 : i32
        %get3A_1460 = arith.index_cast %get3A_1459 : i32 to index
        %get3A_1461 = arith.index_cast %add3A_1456 : i32 to index
        %get3A_1462 = arith.index_cast %add3A_1458 : i32 to index
        %get3A_1463 = tpu.vector_load %arg7[%get3A_1460, %get3A_1461, %get3A_1462] {strides = array<i32>} : memref<2x128x128xf32, #tpu.memory_space<vmem>>, vector<16xf32>,
        %add3A_1464 = arith.constant 14 : i32
        %add3A_1465 = arith.addi %mul3A_467, %add3A_1464 : i32
        %add3A_1466 = arith.constant 1 : i32
        %add3A_1467 = arith.addi %add3A_1465, %add3A_1466 : i32
        %add3A_1468 = arith.constant 0 : i32
        %add3A_1469 = arith.addi %squeeze3A_465, %add3A_1468 : i32
        %get3A_1470 = arith.constant 0 : i32
        %get3A_1471 = arith.index_cast %get3A_1470 : i32 to index
        %get3A_1472 = arith.index_cast %add3A_1467 : i32 to index
        %get3A_1473 = arith.index_cast %add3A_1469 : i32 to index
        %get3A_1474 = tpu.vector_load %arg7[%get3A_1471, %get3A_1472, %get3A_1473] {strides = array<i32>} : memref<2x128x128xf32, #tpu.memory_space<vmem>>, vector<16xf32>,
        %add3A_1475 = arith.constant 14 : i32
        %add3A_1476 = arith.addi %mul3A_467, %add3A_1475 : i32
        %add3A_1477 = arith.constant 1 : i32
        %add3A_1478 = arith.addi %add3A_1476, %add3A_1477 : i32
        %add3A_1479 = arith.constant 16 : i32
        %add3A_1480 = arith.addi %squeeze3A_465, %add3A_1479 : i32
        %get3A_1481 = arith.constant 0 : i32
        %get3A_1482 = arith.index_cast %get3A_1481 : i32 to index
        %get3A_1483 = arith.index_cast %add3A_1478 : i32 to index
        %get3A_1484 = arith.index_cast %add3A_1480 : i32 to index
        %get3A_1485 = tpu.vector_load %arg7[%get3A_1482, %get3A_1483, %get3A_1484] {strides = array<i32>} : memref<2x128x128xf32, #tpu.memory_space<vmem>>, vector<16xf32>,
        %add3A_1486 = arith.constant 14 : i32
        %add3A_1487 = arith.addi %mul3A_467, %add3A_1486 : i32
        %add3A_1488 = arith.constant 1 : i32
        %add3A_1489 = arith.addi %add3A_1487, %add3A_1488 : i32
        %add3A_1490 = arith.constant 32 : i32
        %add3A_1491 = arith.addi %squeeze3A_465, %add3A_1490 : i32
        %get3A_1492 = arith.constant 0 : i32
        %get3A_1493 = arith.index_cast %get3A_1492 : i32 to index
        %get3A_1494 = arith.index_cast %add3A_1489 : i32 to index
        %get3A_1495 = arith.index_cast %add3A_1491 : i32 to index
        %get3A_1496 = tpu.vector_load %arg7[%get3A_1493, %get3A_1494, %get3A_1495] {strides = array<i32>} : memref<2x128x128xf32, #tpu.memory_space<vmem>>, vector<16xf32>,
        %add3A_1497 = arith.constant 14 : i32
        %add3A_1498 = arith.addi %mul3A_467, %add3A_1497 : i32
        %add3A_1499 = arith.constant 1 : i32
        %add3A_1500 = arith.addi %add3A_1498, %add3A_1499 : i32
        %add3A_1501 = arith.constant 48 : i32
        %add3A_1502 = arith.addi %squeeze3A_465, %add3A_1501 : i32
        %get3A_1503 = arith.constant 0 : i32
        %get3A_1504 = arith.index_cast %get3A_1503 : i32 to index
        %get3A_1505 = arith.index_cast %add3A_1500 : i32 to index
        %get3A_1506 = arith.index_cast %add3A_1502 : i32 to index
        %get3A_1507 = tpu.vector_load %arg7[%get3A_1504, %get3A_1505, %get3A_1506] {strides = array<i32>} : memref<2x128x128xf32, #tpu.memory_space<vmem>>, vector<16xf32>,
        %add3A_1508 = arith.constant 14 : i32
        %add3A_1509 = arith.addi %mul3A_467, %add3A_1508 : i32
        %add3A_1510 = arith.constant 0 : i32
        %add3A_1511 = arith.addi %add3A_1509, %add3A_1510 : i32
        %add3A_1512 = vector.broadcast %add3A_1511 : i32 to vector<16xi32>
        %add3A_1513 = arith.addi %mul3A_40, %add3A_1512 : vector<16xi32>
        tpu.vector_store_idx %arg8[%add3A_1513], %get3A_1430 : memref<8256xf32, #tpu.memory_space<vmem>>[vector<16xi32>], vector<16xf32>,
        %add3A_1514 = arith.constant 14 : i32
        %add3A_1515 = arith.addi %mul3A_467, %add3A_1514 : i32
        %add3A_1516 = arith.constant 0 : i32
        %add3A_1517 = arith.addi %add3A_1515, %add3A_1516 : i32
        %add3A_1518 = vector.broadcast %add3A_1517 : i32 to vector<16xi32>
        %add3A_1519 = arith.addi %mul3A_46, %add3A_1518 : vector<16xi32>
        tpu.vector_store_idx %arg8[%add3A_1519], %get3A_1441 : memref<8256xf32, #tpu.memory_space<vmem>>[vector<16xi32>], vector<16xf32>,
        %add3A_1520 = arith.constant 14 : i32
        %add3A_1521 = arith.addi %mul3A_467, %add3A_1520 : i32
        %add3A_1522 = arith.constant 0 : i32
        %add3A_1523 = arith.addi %add3A_1521, %add3A_1522 : i32
        %add3A_1524 = vector.broadcast %add3A_1523 : i32 to vector<16xi32>
        %add3A_1525 = arith.addi %mul3A_52, %add3A_1524 : vector<16xi32>
        tpu.vector_store_idx %arg8[%add3A_1525], %get3A_1452 : memref<8256xf32, #tpu.memory_space<vmem>>[vector<16xi32>], vector<16xf32>,
        %add3A_1526 = arith.constant 14 : i32
        %add3A_1527 = arith.addi %mul3A_467, %add3A_1526 : i32
        %add3A_1528 = arith.constant 0 : i32
        %add3A_1529 = arith.addi %add3A_1527, %add3A_1528 : i32
        %add3A_1530 = vector.broadcast %add3A_1529 : i32 to vector<16xi32>
        %add3A_1531 = arith.addi %mul3A_58, %add3A_1530 : vector<16xi32>
        tpu.vector_store_idx %arg8[%add3A_1531], %get3A_1463 : memref<8256xf32, #tpu.memory_space<vmem>>[vector<16xi32>], vector<16xf32>,
        %add3A_1532 = arith.constant 14 : i32
        %add3A_1533 = arith.addi %mul3A_467, %add3A_1532 : i32
        %add3A_1534 = arith.constant 1 : i32
        %add3A_1535 = arith.addi %add3A_1533, %add3A_1534 : i32
        %add3A_1536 = vector.broadcast %add3A_1535 : i32 to vector<16xi32>
        %add3A_1537 = arith.addi %mul3A_40, %add3A_1536 : vector<16xi32>
        tpu.vector_store_idx %arg8[%add3A_1537], %get3A_1474 : memref<8256xf32, #tpu.memory_space<vmem>>[vector<16xi32>], vector<16xf32>,
        %add3A_1538 = arith.constant 14 : i32
        %add3A_1539 = arith.addi %mul3A_467, %add3A_1538 : i32
        %add3A_1540 = arith.constant 1 : i32
        %add3A_1541 = arith.addi %add3A_1539, %add3A_1540 : i32
        %add3A_1542 = vector.broadcast %add3A_1541 : i32 to vector<16xi32>
        %add3A_1543 = arith.addi %mul3A_46, %add3A_1542 : vector<16xi32>
        tpu.vector_store_idx %arg8[%add3A_1543], %get3A_1485 : memref<8256xf32, #tpu.memory_space<vmem>>[vector<16xi32>], vector<16xf32>,
        %add3A_1544 = arith.constant 14 : i32
        %add3A_1545 = arith.addi %mul3A_467, %add3A_1544 : i32
        %add3A_1546 = arith.constant 1 : i32
        %add3A_1547 = arith.addi %add3A_1545, %add3A_1546 : i32
        %add3A_1548 = vector.broadcast %add3A_1547 : i32 to vector<16xi32>
        %add3A_1549 = arith.addi %mul3A_52, %add3A_1548 : vector<16xi32>
        tpu.vector_store_idx %arg8[%add3A_1549], %get3A_1496 : memref<8256xf32, #tpu.memory_space<vmem>>[vector<16xi32>], vector<16xf32>,
        %add3A_1550 = arith.constant 14 : i32
        %add3A_1551 = arith.addi %mul3A_467, %add3A_1550 : i32
        %add3A_1552 = arith.constant 1 : i32
        %add3A_1553 = arith.addi %add3A_1551, %add3A_1552 : i32
        %add3A_1554 = vector.broadcast %add3A_1553 : i32 to vector<16xi32>
        %add3A_1555 = arith.addi %mul3A_58, %add3A_1554 : vector<16xi32>
        tpu.vector_store_idx %arg8[%add3A_1555], %get3A_1507 : memref<8256xf32, #tpu.memory_space<vmem>>[vector<16xi32>], vector<16xf32>,
      }
      %scan3A_324 = arith.constant 8 : i32
      %scan3A_325 = arith.constant 0 : i32
      %scan3A_326 = arith.constant 0 : i32
      %scan3A_327 = arith.constant 16 : i32
      %scan3A_328 = arith.addi %scan3A_326, %scan3A_327 : i32
      %scan3A_329 = arith.constant 1 : i32
      scf.for %scan3A_423 = %scan3A_326 to %scan3A_328 step %scan3A_329  : i32 {
        %mul3A_424 = arith.constant 4 : i32
        %mul3A_425 = arith.muli %scan3A_423, %mul3A_424 : i32
        %add3A_426 = arith.constant 0 : i32
        %add3A_427 = arith.addi %mul3A_425, %add3A_426 : i32
        %mul3A_428 = arith.constant 129 : i32
        %mul3A_429 = arith.muli %add3A_427, %mul3A_428 : i32
        %add3A_430 = arith.constant 0 : i32
        %add3A_431 = arith.addi %mul3A_429, %add3A_430 : i32
        %get3A_432 = arith.index_cast %add3A_431 : i32 to index
        %get3A_433 = tpu.vector_load %arg8[%get3A_432] {strides = array<i32>} : memref<8256xf32, #tpu.memory_space<vmem>>, vector<16xf32>,
        %mul3A_434 = arith.constant 129 : i32
        %mul3A_435 = arith.muli %add3A_427, %mul3A_434 : i32
        %add3A_436 = arith.constant 16 : i32
        %add3A_437 = arith.addi %mul3A_435, %add3A_436 : i32
        %get3A_438 = arith.index_cast %add3A_437 : i32 to index
        %get3A_439 = tpu.vector_load %arg8[%get3A_438] {strides = array<i32>} : memref<8256xf32, #tpu.memory_space<vmem>>, vector<16xf32>,
        %mul3A_440 = arith.constant 129 : i32
        %mul3A_441 = arith.muli %add3A_427, %mul3A_440 : i32
        %add3A_442 = arith.constant 32 : i32
        %add3A_443 = arith.addi %mul3A_441, %add3A_442 : i32
        %get3A_444 = arith.index_cast %add3A_443 : i32 to index
        %get3A_445 = tpu.vector_load %arg8[%get3A_444] {strides = array<i32>} : memref<8256xf32, #tpu.memory_space<vmem>>, vector<16xf32>,
        %mul3A_446 = arith.constant 129 : i32
        %mul3A_447 = arith.muli %add3A_427, %mul3A_446 : i32
        %add3A_448 = arith.constant 48 : i32
        %add3A_449 = arith.addi %mul3A_447, %add3A_448 : i32
        %get3A_450 = arith.index_cast %add3A_449 : i32 to index
        %get3A_451 = tpu.vector_load %arg8[%get3A_450] {strides = array<i32>} : memref<8256xf32, #tpu.memory_space<vmem>>, vector<16xf32>,
        %mul3A_452 = arith.constant 129 : i32
        %mul3A_453 = arith.muli %add3A_427, %mul3A_452 : i32
        %add3A_454 = arith.constant 64 : i32
        %add3A_455 = arith.addi %mul3A_453, %add3A_454 : i32
        %get3A_456 = arith.index_cast %add3A_455 : i32 to index
        %get3A_457 = tpu.vector_load %arg8[%get3A_456] {strides = array<i32>} : memref<8256xf32, #tpu.memory_space<vmem>>, vector<16xf32>,
        %mul3A_458 = arith.constant 129 : i32
        %mul3A_459 = arith.muli %add3A_427, %mul3A_458 : i32
        %add3A_460 = arith.constant 80 : i32
        %add3A_461 = arith.addi %mul3A_459, %add3A_460 : i32
        %get3A_462 = arith.index_cast %add3A_461 : i32 to index
        %get3A_463 = tpu.vector_load %arg8[%get3A_462] {strides = array<i32>} : memref<8256xf32, #tpu.memory_space<vmem>>, vector<16xf32>,
        %mul3A_464 = arith.constant 129 : i32
        %mul3A_465 = arith.muli %add3A_427, %mul3A_464 : i32
        %add3A_466 = arith.constant 96 : i32
        %add3A_467 = arith.addi %mul3A_465, %add3A_466 : i32
        %get3A_468 = arith.index_cast %add3A_467 : i32 to index
        %get3A_469 = tpu.vector_load %arg8[%get3A_468] {strides = array<i32>} : memref<8256xf32, #tpu.memory_space<vmem>>, vector<16xf32>,
        %mul3A_470 = arith.constant 129 : i32
        %mul3A_471 = arith.muli %add3A_427, %mul3A_470 : i32
        %add3A_472 = arith.constant 112 : i32
        %add3A_473 = arith.addi %mul3A_471, %add3A_472 : i32
        %get3A_474 = arith.index_cast %add3A_473 : i32 to index
        %get3A_475 = tpu.vector_load %arg8[%get3A_474] {strides = array<i32>} : memref<8256xf32, #tpu.memory_space<vmem>>, vector<16xf32>,
        %swap3A_476 = arith.constant 0 : i32
        %swap3A_477 = arith.index_cast %swap3A_476 : i32 to index
        %swap3A_478 = arith.index_cast %add3A_427 : i32 to index
        %swap3A_479 = arith.constant 0 : index
        %swap3A_480 = tpu.vector_load %arg10[%swap3A_477, %swap3A_478, %swap3A_479] {strides = array<i32>} : memref<2x64x128xf32, #tpu.memory_space<vmem>>, vector<16xf32>,
        tpu.vector_store %arg10[%swap3A_477, %swap3A_478, %swap3A_479], %get3A_433 {strides = array<i32>} : memref<2x64x128xf32, #tpu.memory_space<vmem>>, vector<16xf32>,
        %swap3A_481 = arith.constant 0 : i32
        %swap3A_482 = arith.index_cast %swap3A_481 : i32 to index
        %swap3A_483 = arith.index_cast %add3A_427 : i32 to index
        %swap3A_484 = arith.constant 16 : index
        %swap3A_485 = tpu.vector_load %arg10[%swap3A_482, %swap3A_483, %swap3A_484] {strides = array<i32>} : memref<2x64x128xf32, #tpu.memory_space<vmem>>, vector<16xf32>,
        tpu.vector_store %arg10[%swap3A_482, %swap3A_483, %swap3A_484], %get3A_439 {strides = array<i32>} : memref<2x64x128xf32, #tpu.memory_space<vmem>>, vector<16xf32>,
        %swap3A_486 = arith.constant 0 : i32
        %swap3A_487 = arith.index_cast %swap3A_486 : i32 to index
        %swap3A_488 = arith.index_cast %add3A_427 : i32 to index
        %swap3A_489 = arith.constant 32 : index
        %swap3A_490 = tpu.vector_load %arg10[%swap3A_487, %swap3A_488, %swap3A_489] {strides = array<i32>} : memref<2x64x128xf32, #tpu.memory_space<vmem>>, vector<16xf32>,
        tpu.vector_store %arg10[%swap3A_487, %swap3A_488, %swap3A_489], %get3A_445 {strides = array<i32>} : memref<2x64x128xf32, #tpu.memory_space<vmem>>, vector<16xf32>,
        %swap3A_491 = arith.constant 0 : i32
        %swap3A_492 = arith.index_cast %swap3A_491 : i32 to index
        %swap3A_493 = arith.index_cast %add3A_427 : i32 to index
        %swap3A_494 = arith.constant 48 : index
        %swap3A_495 = tpu.vector_load %arg10[%swap3A_492, %swap3A_493, %swap3A_494] {strides = array<i32>} : memref<2x64x128xf32, #tpu.memory_space<vmem>>, vector<16xf32>,
        tpu.vector_store %arg10[%swap3A_492, %swap3A_493, %swap3A_494], %get3A_451 {strides = array<i32>} : memref<2x64x128xf32, #tpu.memory_space<vmem>>, vector<16xf32>,
        %swap3A_496 = arith.constant 0 : i32
        %swap3A_497 = arith.index_cast %swap3A_496 : i32 to index
        %swap3A_498 = arith.index_cast %add3A_427 : i32 to index
        %swap3A_499 = arith.constant 64 : index
        %swap3A_500 = tpu.vector_load %arg10[%swap3A_497, %swap3A_498, %swap3A_499] {strides = array<i32>} : memref<2x64x128xf32, #tpu.memory_space<vmem>>, vector<16xf32>,
        tpu.vector_store %arg10[%swap3A_497, %swap3A_498, %swap3A_499], %get3A_457 {strides = array<i32>} : memref<2x64x128xf32, #tpu.memory_space<vmem>>, vector<16xf32>,
        %swap3A_501 = arith.constant 0 : i32
        %swap3A_502 = arith.index_cast %swap3A_501 : i32 to index
        %swap3A_503 = arith.index_cast %add3A_427 : i32 to index
        %swap3A_504 = arith.constant 80 : index
        %swap3A_505 = tpu.vector_load %arg10[%swap3A_502, %swap3A_503, %swap3A_504] {strides = array<i32>} : memref<2x64x128xf32, #tpu.memory_space<vmem>>, vector<16xf32>,
        tpu.vector_store %arg10[%swap3A_502, %swap3A_503, %swap3A_504], %get3A_463 {strides = array<i32>} : memref<2x64x128xf32, #tpu.memory_space<vmem>>, vector<16xf32>,
        %swap3A_506 = arith.constant 0 : i32
        %swap3A_507 = arith.index_cast %swap3A_506 : i32 to index
        %swap3A_508 = arith.index_cast %add3A_427 : i32 to index
        %swap3A_509 = arith.constant 96 : index
        %swap3A_510 = tpu.vector_load %arg10[%swap3A_507, %swap3A_508, %swap3A_509] {strides = array<i32>} : memref<2x64x128xf32, #tpu.memory_space<vmem>>, vector<16xf32>,
        tpu.vector_store %arg10[%swap3A_507, %swap3A_508, %swap3A_509], %get3A_469 {strides = array<i32>} : memref<2x64x128xf32, #tpu.memory_space<vmem>>, vector<16xf32>,
        %swap3A_511 = arith.constant 0 : i32
        %swap3A_512 = arith.index_cast %swap3A_511 : i32 to index
        %swap3A_513 = arith.index_cast %add3A_427 : i32 to index
        %swap3A_514 = arith.constant 112 : index
        %swap3A_515 = tpu.vector_load %arg10[%swap3A_512, %swap3A_513, %swap3A_514] {strides = array<i32>} : memref<2x64x128xf32, #tpu.memory_space<vmem>>, vector<16xf32>,
        tpu.vector_store %arg10[%swap3A_512, %swap3A_513, %swap3A_514], %get3A_475 {strides = array<i32>} : memref<2x64x128xf32, #tpu.memory_space<vmem>>, vector<16xf32>,
        %mul3A_516 = arith.constant 4 : i32
        %mul3A_517 = arith.muli %scan3A_423, %mul3A_516 : i32
        %add3A_518 = arith.constant 1 : i32
        %add3A_519 = arith.addi %mul3A_517, %add3A_518 : i32
        %mul3A_520 = arith.constant 129 : i32
        %mul3A_521 = arith.muli %add3A_519, %mul3A_520 : i32
        %add3A_522 = arith.constant 0 : i32
        %add3A_523 = arith.addi %mul3A_521, %add3A_522 : i32
        %get3A_524 = arith.index_cast %add3A_523 : i32 to index
        %get3A_525 = tpu.vector_load %arg8[%get3A_524] {strides = array<i32>} : memref<8256xf32, #tpu.memory_space<vmem>>, vector<16xf32>,
        %mul3A_526 = arith.constant 129 : i32
        %mul3A_527 = arith.muli %add3A_519, %mul3A_526 : i32
        %add3A_528 = arith.constant 16 : i32
        %add3A_529 = arith.addi %mul3A_527, %add3A_528 : i32
        %get3A_530 = arith.index_cast %add3A_529 : i32 to index
        %get3A_531 = tpu.vector_load %arg8[%get3A_530] {strides = array<i32>} : memref<8256xf32, #tpu.memory_space<vmem>>, vector<16xf32>,
        %mul3A_532 = arith.constant 129 : i32
        %mul3A_533 = arith.muli %add3A_519, %mul3A_532 : i32
        %add3A_534 = arith.constant 32 : i32
        %add3A_535 = arith.addi %mul3A_533, %add3A_534 : i32
        %get3A_536 = arith.index_cast %add3A_535 : i32 to index
        %get3A_537 = tpu.vector_load %arg8[%get3A_536] {strides = array<i32>} : memref<8256xf32, #tpu.memory_space<vmem>>, vector<16xf32>,
        %mul3A_538 = arith.constant 129 : i32
        %mul3A_539 = arith.muli %add3A_519, %mul3A_538 : i32
        %add3A_540 = arith.constant 48 : i32
        %add3A_541 = arith.addi %mul3A_539, %add3A_540 : i32
        %get3A_542 = arith.index_cast %add3A_541 : i32 to index
        %get3A_543 = tpu.vector_load %arg8[%get3A_542] {strides = array<i32>} : memref<8256xf32, #tpu.memory_space<vmem>>, vector<16xf32>,
        %mul3A_544 = arith.constant 129 : i32
        %mul3A_545 = arith.muli %add3A_519, %mul3A_544 : i32
        %add3A_546 = arith.constant 64 : i32
        %add3A_547 = arith.addi %mul3A_545, %add3A_546 : i32
        %get3A_548 = arith.index_cast %add3A_547 : i32 to index
        %get3A_549 = tpu.vector_load %arg8[%get3A_548] {strides = array<i32>} : memref<8256xf32, #tpu.memory_space<vmem>>, vector<16xf32>,
        %mul3A_550 = arith.constant 129 : i32
        %mul3A_551 = arith.muli %add3A_519, %mul3A_550 : i32
        %add3A_552 = arith.constant 80 : i32
        %add3A_553 = arith.addi %mul3A_551, %add3A_552 : i32
        %get3A_554 = arith.index_cast %add3A_553 : i32 to index
        %get3A_555 = tpu.vector_load %arg8[%get3A_554] {strides = array<i32>} : memref<8256xf32, #tpu.memory_space<vmem>>, vector<16xf32>,
        %mul3A_556 = arith.constant 129 : i32
        %mul3A_557 = arith.muli %add3A_519, %mul3A_556 : i32
        %add3A_558 = arith.constant 96 : i32
        %add3A_559 = arith.addi %mul3A_557, %add3A_558 : i32
        %get3A_560 = arith.index_cast %add3A_559 : i32 to index
        %get3A_561 = tpu.vector_load %arg8[%get3A_560] {strides = array<i32>} : memref<8256xf32, #tpu.memory_space<vmem>>, vector<16xf32>,
        %mul3A_562 = arith.constant 129 : i32
        %mul3A_563 = arith.muli %add3A_519, %mul3A_562 : i32
        %add3A_564 = arith.constant 112 : i32
        %add3A_565 = arith.addi %mul3A_563, %add3A_564 : i32
        %get3A_566 = arith.index_cast %add3A_565 : i32 to index
        %get3A_567 = tpu.vector_load %arg8[%get3A_566] {strides = array<i32>} : memref<8256xf32, #tpu.memory_space<vmem>>, vector<16xf32>,
        %swap3A_568 = arith.constant 0 : i32
        %swap3A_569 = arith.index_cast %swap3A_568 : i32 to index
        %swap3A_570 = arith.index_cast %add3A_519 : i32 to index
        %swap3A_571 = arith.constant 0 : index
        %swap3A_572 = tpu.vector_load %arg10[%swap3A_569, %swap3A_570, %swap3A_571] {strides = array<i32>} : memref<2x64x128xf32, #tpu.memory_space<vmem>>, vector<16xf32>,
        tpu.vector_store %arg10[%swap3A_569, %swap3A_570, %swap3A_571], %get3A_525 {strides = array<i32>} : memref<2x64x128xf32, #tpu.memory_space<vmem>>, vector<16xf32>,
        %swap3A_573 = arith.constant 0 : i32
        %swap3A_574 = arith.index_cast %swap3A_573 : i32 to index
        %swap3A_575 = arith.index_cast %add3A_519 : i32 to index
        %swap3A_576 = arith.constant 16 : index
        %swap3A_577 = tpu.vector_load %arg10[%swap3A_574, %swap3A_575, %swap3A_576] {strides = array<i32>} : memref<2x64x128xf32, #tpu.memory_space<vmem>>, vector<16xf32>,
        tpu.vector_store %arg10[%swap3A_574, %swap3A_575, %swap3A_576], %get3A_531 {strides = array<i32>} : memref<2x64x128xf32, #tpu.memory_space<vmem>>, vector<16xf32>,
        %swap3A_578 = arith.constant 0 : i32
        %swap3A_579 = arith.index_cast %swap3A_578 : i32 to index
        %swap3A_580 = arith.index_cast %add3A_519 : i32 to index
        %swap3A_581 = arith.constant 32 : index
        %swap3A_582 = tpu.vector_load %arg10[%swap3A_579, %swap3A_580, %swap3A_581] {strides = array<i32>} : memref<2x64x128xf32, #tpu.memory_space<vmem>>, vector<16xf32>,
        tpu.vector_store %arg10[%swap3A_579, %swap3A_580, %swap3A_581], %get3A_537 {strides = array<i32>} : memref<2x64x128xf32, #tpu.memory_space<vmem>>, vector<16xf32>,
        %swap3A_583 = arith.constant 0 : i32
        %swap3A_584 = arith.index_cast %swap3A_583 : i32 to index
        %swap3A_585 = arith.index_cast %add3A_519 : i32 to index
        %swap3A_586 = arith.constant 48 : index
        %swap3A_587 = tpu.vector_load %arg10[%swap3A_584, %swap3A_585, %swap3A_586] {strides = array<i32>} : memref<2x64x128xf32, #tpu.memory_space<vmem>>, vector<16xf32>,
        tpu.vector_store %arg10[%swap3A_584, %swap3A_585, %swap3A_586], %get3A_543 {strides = array<i32>} : memref<2x64x128xf32, #tpu.memory_space<vmem>>, vector<16xf32>,
        %swap3A_588 = arith.constant 0 : i32
        %swap3A_589 = arith.index_cast %swap3A_588 : i32 to index
        %swap3A_590 = arith.index_cast %add3A_519 : i32 to index
        %swap3A_591 = arith.constant 64 : index
        %swap3A_592 = tpu.vector_load %arg10[%swap3A_589, %swap3A_590, %swap3A_591] {strides = array<i32>} : memref<2x64x128xf32, #tpu.memory_space<vmem>>, vector<16xf32>,
        tpu.vector_store %arg10[%swap3A_589, %swap3A_590, %swap3A_591], %get3A_549 {strides = array<i32>} : memref<2x64x128xf32, #tpu.memory_space<vmem>>, vector<16xf32>,
        %swap3A_593 = arith.constant 0 : i32
        %swap3A_594 = arith.index_cast %swap3A_593 : i32 to index
        %swap3A_595 = arith.index_cast %add3A_519 : i32 to index
        %swap3A_596 = arith.constant 80 : index
        %swap3A_597 = tpu.vector_load %arg10[%swap3A_594, %swap3A_595, %swap3A_596] {strides = array<i32>} : memref<2x64x128xf32, #tpu.memory_space<vmem>>, vector<16xf32>,
        tpu.vector_store %arg10[%swap3A_594, %swap3A_595, %swap3A_596], %get3A_555 {strides = array<i32>} : memref<2x64x128xf32, #tpu.memory_space<vmem>>, vector<16xf32>,
        %swap3A_598 = arith.constant 0 : i32
        %swap3A_599 = arith.index_cast %swap3A_598 : i32 to index
        %swap3A_600 = arith.index_cast %add3A_519 : i32 to index
        %swap3A_601 = arith.constant 96 : index
        %swap3A_602 = tpu.vector_load %arg10[%swap3A_599, %swap3A_600, %swap3A_601] {strides = array<i32>} : memref<2x64x128xf32, #tpu.memory_space<vmem>>, vector<16xf32>,
        tpu.vector_store %arg10[%swap3A_599, %swap3A_600, %swap3A_601], %get3A_561 {strides = array<i32>} : memref<2x64x128xf32, #tpu.memory_space<vmem>>, vector<16xf32>,
        %swap3A_603 = arith.constant 0 : i32
        %swap3A_604 = arith.index_cast %swap3A_603 : i32 to index
        %swap3A_605 = arith.index_cast %add3A_519 : i32 to index
        %swap3A_606 = arith.constant 112 : index
        %swap3A_607 = tpu.vector_load %arg10[%swap3A_604, %swap3A_605, %swap3A_606] {strides = array<i32>} : memref<2x64x128xf32, #tpu.memory_space<vmem>>, vector<16xf32>,
        tpu.vector_store %arg10[%swap3A_604, %swap3A_605, %swap3A_606], %get3A_567 {strides = array<i32>} : memref<2x64x128xf32, #tpu.memory_space<vmem>>, vector<16xf32>,
        %mul3A_608 = arith.constant 4 : i32
        %mul3A_609 = arith.muli %scan3A_423, %mul3A_608 : i32
        %add3A_610 = arith.constant 2 : i32
        %add3A_611 = arith.addi %mul3A_609, %add3A_610 : i32
        %mul3A_612 = arith.constant 129 : i32
        %mul3A_613 = arith.muli %add3A_611, %mul3A_612 : i32
        %add3A_614 = arith.constant 0 : i32
        %add3A_615 = arith.addi %mul3A_613, %add3A_614 : i32
        %get3A_616 = arith.index_cast %add3A_615 : i32 to index
        %get3A_617 = tpu.vector_load %arg8[%get3A_616] {strides = array<i32>} : memref<8256xf32, #tpu.memory_space<vmem>>, vector<16xf32>,
        %mul3A_618 = arith.constant 129 : i32
        %mul3A_619 = arith.muli %add3A_611, %mul3A_618 : i32
        %add3A_620 = arith.constant 16 : i32
        %add3A_621 = arith.addi %mul3A_619, %add3A_620 : i32
        %get3A_622 = arith.index_cast %add3A_621 : i32 to index
        %get3A_623 = tpu.vector_load %arg8[%get3A_622] {strides = array<i32>} : memref<8256xf32, #tpu.memory_space<vmem>>, vector<16xf32>,
        %mul3A_624 = arith.constant 129 : i32
        %mul3A_625 = arith.muli %add3A_611, %mul3A_624 : i32
        %add3A_626 = arith.constant 32 : i32
        %add3A_627 = arith.addi %mul3A_625, %add3A_626 : i32
        %get3A_628 = arith.index_cast %add3A_627 : i32 to index
        %get3A_629 = tpu.vector_load %arg8[%get3A_628] {strides = array<i32>} : memref<8256xf32, #tpu.memory_space<vmem>>, vector<16xf32>,
        %mul3A_630 = arith.constant 129 : i32
        %mul3A_631 = arith.muli %add3A_611, %mul3A_630 : i32
        %add3A_632 = arith.constant 48 : i32
        %add3A_633 = arith.addi %mul3A_631, %add3A_632 : i32
        %get3A_634 = arith.index_cast %add3A_633 : i32 to index
        %get3A_635 = tpu.vector_load %arg8[%get3A_634] {strides = array<i32>} : memref<8256xf32, #tpu.memory_space<vmem>>, vector<16xf32>,
        %mul3A_636 = arith.constant 129 : i32
        %mul3A_637 = arith.muli %add3A_611, %mul3A_636 : i32
        %add3A_638 = arith.constant 64 : i32
        %add3A_639 = arith.addi %mul3A_637, %add3A_638 : i32
        %get3A_640 = arith.index_cast %add3A_639 : i32 to index
        %get3A_641 = tpu.vector_load %arg8[%get3A_640] {strides = array<i32>} : memref<8256xf32, #tpu.memory_space<vmem>>, vector<16xf32>,
        %mul3A_642 = arith.constant 129 : i32
        %mul3A_643 = arith.muli %add3A_611, %mul3A_642 : i32
        %add3A_644 = arith.constant 80 : i32
        %add3A_645 = arith.addi %mul3A_643, %add3A_644 : i32
        %get3A_646 = arith.index_cast %add3A_645 : i32 to index
        %get3A_647 = tpu.vector_load %arg8[%get3A_646] {strides = array<i32>} : memref<8256xf32, #tpu.memory_space<vmem>>, vector<16xf32>,
        %mul3A_648 = arith.constant 129 : i32
        %mul3A_649 = arith.muli %add3A_611, %mul3A_648 : i32
        %add3A_650 = arith.constant 96 : i32
        %add3A_651 = arith.addi %mul3A_649, %add3A_650 : i32
        %get3A_652 = arith.index_cast %add3A_651 : i32 to index
        %get3A_653 = tpu.vector_load %arg8[%get3A_652] {strides = array<i32>} : memref<8256xf32, #tpu.memory_space<vmem>>, vector<16xf32>,
        %mul3A_654 = arith.constant 129 : i32
        %mul3A_655 = arith.muli %add3A_611, %mul3A_654 : i32
        %add3A_656 = arith.constant 112 : i32
        %add3A_657 = arith.addi %mul3A_655, %add3A_656 : i32
        %get3A_658 = arith.index_cast %add3A_657 : i32 to index
        %get3A_659 = tpu.vector_load %arg8[%get3A_658] {strides = array<i32>} : memref<8256xf32, #tpu.memory_space<vmem>>, vector<16xf32>,
        %swap3A_660 = arith.constant 0 : i32
        %swap3A_661 = arith.index_cast %swap3A_660 : i32 to index
        %swap3A_662 = arith.index_cast %add3A_611 : i32 to index
        %swap3A_663 = arith.constant 0 : index
        %swap3A_664 = tpu.vector_load %arg10[%swap3A_661, %swap3A_662, %swap3A_663] {strides = array<i32>} : memref<2x64x128xf32, #tpu.memory_space<vmem>>, vector<16xf32>,
        tpu.vector_store %arg10[%swap3A_661, %swap3A_662, %swap3A_663], %get3A_617 {strides = array<i32>} : memref<2x64x128xf32, #tpu.memory_space<vmem>>, vector<16xf32>,
        %swap3A_665 = arith.constant 0 : i32
        %swap3A_666 = arith.index_cast %swap3A_665 : i32 to index
        %swap3A_667 = arith.index_cast %add3A_611 : i32 to index
        %swap3A_668 = arith.constant 16 : index
        %swap3A_669 = tpu.vector_load %arg10[%swap3A_666, %swap3A_667, %swap3A_668] {strides = array<i32>} : memref<2x64x128xf32, #tpu.memory_space<vmem>>, vector<16xf32>,
        tpu.vector_store %arg10[%swap3A_666, %swap3A_667, %swap3A_668], %get3A_623 {strides = array<i32>} : memref<2x64x128xf32, #tpu.memory_space<vmem>>, vector<16xf32>,
        %swap3A_670 = arith.constant 0 : i32
        %swap3A_671 = arith.index_cast %swap3A_670 : i32 to index
        %swap3A_672 = arith.index_cast %add3A_611 : i32 to index
        %swap3A_673 = arith.constant 32 : index
        %swap3A_674 = tpu.vector_load %arg10[%swap3A_671, %swap3A_672, %swap3A_673] {strides = array<i32>} : memref<2x64x128xf32, #tpu.memory_space<vmem>>, vector<16xf32>,
        tpu.vector_store %arg10[%swap3A_671, %swap3A_672, %swap3A_673], %get3A_629 {strides = array<i32>} : memref<2x64x128xf32, #tpu.memory_space<vmem>>, vector<16xf32>,
        %swap3A_675 = arith.constant 0 : i32
        %swap3A_676 = arith.index_cast %swap3A_675 : i32 to index
        %swap3A_677 = arith.index_cast %add3A_611 : i32 to index
        %swap3A_678 = arith.constant 48 : index
        %swap3A_679 = tpu.vector_load %arg10[%swap3A_676, %swap3A_677, %swap3A_678] {strides = array<i32>} : memref<2x64x128xf32, #tpu.memory_space<vmem>>, vector<16xf32>,
        tpu.vector_store %arg10[%swap3A_676, %swap3A_677, %swap3A_678], %get3A_635 {strides = array<i32>} : memref<2x64x128xf32, #tpu.memory_space<vmem>>, vector<16xf32>,
        %swap3A_680 = arith.constant 0 : i32
        %swap3A_681 = arith.index_cast %swap3A_680 : i32 to index
        %swap3A_682 = arith.index_cast %add3A_611 : i32 to index
        %swap3A_683 = arith.constant 64 : index
        %swap3A_684 = tpu.vector_load %arg10[%swap3A_681, %swap3A_682, %swap3A_683] {strides = array<i32>} : memref<2x64x128xf32, #tpu.memory_space<vmem>>, vector<16xf32>,
        tpu.vector_store %arg10[%swap3A_681, %swap3A_682, %swap3A_683], %get3A_641 {strides = array<i32>} : memref<2x64x128xf32, #tpu.memory_space<vmem>>, vector<16xf32>,
        %swap3A_685 = arith.constant 0 : i32
        %swap3A_686 = arith.index_cast %swap3A_685 : i32 to index
        %swap3A_687 = arith.index_cast %add3A_611 : i32 to index
        %swap3A_688 = arith.constant 80 : index
        %swap3A_689 = tpu.vector_load %arg10[%swap3A_686, %swap3A_687, %swap3A_688] {strides = array<i32>} : memref<2x64x128xf32, #tpu.memory_space<vmem>>, vector<16xf32>,
        tpu.vector_store %arg10[%swap3A_686, %swap3A_687, %swap3A_688], %get3A_647 {strides = array<i32>} : memref<2x64x128xf32, #tpu.memory_space<vmem>>, vector<16xf32>,
        %swap3A_690 = arith.constant 0 : i32
        %swap3A_691 = arith.index_cast %swap3A_690 : i32 to index
        %swap3A_692 = arith.index_cast %add3A_611 : i32 to index
        %swap3A_693 = arith.constant 96 : index
        %swap3A_694 = tpu.vector_load %arg10[%swap3A_691, %swap3A_692, %swap3A_693] {strides = array<i32>} : memref<2x64x128xf32, #tpu.memory_space<vmem>>, vector<16xf32>,
        tpu.vector_store %arg10[%swap3A_691, %swap3A_692, %swap3A_693], %get3A_653 {strides = array<i32>} : memref<2x64x128xf32, #tpu.memory_space<vmem>>, vector<16xf32>,
        %swap3A_695 = arith.constant 0 : i32
        %swap3A_696 = arith.index_cast %swap3A_695 : i32 to index
        %swap3A_697 = arith.index_cast %add3A_611 : i32 to index
        %swap3A_698 = arith.constant 112 : index
        %swap3A_699 = tpu.vector_load %arg10[%swap3A_696, %swap3A_697, %swap3A_698] {strides = array<i32>} : memref<2x64x128xf32, #tpu.memory_space<vmem>>, vector<16xf32>,
        tpu.vector_store %arg10[%swap3A_696, %swap3A_697, %swap3A_698], %get3A_659 {strides = array<i32>} : memref<2x64x128xf32, #tpu.memory_space<vmem>>, vector<16xf32>,
        %mul3A_700 = arith.constant 4 : i32
        %mul3A_701 = arith.muli %scan3A_423, %mul3A_700 : i32
        %add3A_702 = arith.constant 3 : i32
        %add3A_703 = arith.addi %mul3A_701, %add3A_702 : i32
        %mul3A_704 = arith.constant 129 : i32
        %mul3A_705 = arith.muli %add3A_703, %mul3A_704 : i32
        %add3A_706 = arith.constant 0 : i32
        %add3A_707 = arith.addi %mul3A_705, %add3A_706 : i32
        %get3A_708 = arith.index_cast %add3A_707 : i32 to index
        %get3A_709 = tpu.vector_load %arg8[%get3A_708] {strides = array<i32>} : memref<8256xf32, #tpu.memory_space<vmem>>, vector<16xf32>,
        %mul3A_710 = arith.constant 129 : i32
        %mul3A_711 = arith.muli %add3A_703, %mul3A_710 : i32
        %add3A_712 = arith.constant 16 : i32
        %add3A_713 = arith.addi %mul3A_711, %add3A_712 : i32
        %get3A_714 = arith.index_cast %add3A_713 : i32 to index
        %get3A_715 = tpu.vector_load %arg8[%get3A_714] {strides = array<i32>} : memref<8256xf32, #tpu.memory_space<vmem>>, vector<16xf32>,
        %mul3A_716 = arith.constant 129 : i32
        %mul3A_717 = arith.muli %add3A_703, %mul3A_716 : i32
        %add3A_718 = arith.constant 32 : i32
        %add3A_719 = arith.addi %mul3A_717, %add3A_718 : i32
        %get3A_720 = arith.index_cast %add3A_719 : i32 to index
        %get3A_721 = tpu.vector_load %arg8[%get3A_720] {strides = array<i32>} : memref<8256xf32, #tpu.memory_space<vmem>>, vector<16xf32>,
        %mul3A_722 = arith.constant 129 : i32
        %mul3A_723 = arith.muli %add3A_703, %mul3A_722 : i32
        %add3A_724 = arith.constant 48 : i32
        %add3A_725 = arith.addi %mul3A_723, %add3A_724 : i32
        %get3A_726 = arith.index_cast %add3A_725 : i32 to index
        %get3A_727 = tpu.vector_load %arg8[%get3A_726] {strides = array<i32>} : memref<8256xf32, #tpu.memory_space<vmem>>, vector<16xf32>,
        %mul3A_728 = arith.constant 129 : i32
        %mul3A_729 = arith.muli %add3A_703, %mul3A_728 : i32
        %add3A_730 = arith.constant 64 : i32
        %add3A_731 = arith.addi %mul3A_729, %add3A_730 : i32
        %get3A_732 = arith.index_cast %add3A_731 : i32 to index
        %get3A_733 = tpu.vector_load %arg8[%get3A_732] {strides = array<i32>} : memref<8256xf32, #tpu.memory_space<vmem>>, vector<16xf32>,
        %mul3A_734 = arith.constant 129 : i32
        %mul3A_735 = arith.muli %add3A_703, %mul3A_734 : i32
        %add3A_736 = arith.constant 80 : i32
        %add3A_737 = arith.addi %mul3A_735, %add3A_736 : i32
        %get3A_738 = arith.index_cast %add3A_737 : i32 to index
        %get3A_739 = tpu.vector_load %arg8[%get3A_738] {strides = array<i32>} : memref<8256xf32, #tpu.memory_space<vmem>>, vector<16xf32>,
        %mul3A_740 = arith.constant 129 : i32
        %mul3A_741 = arith.muli %add3A_703, %mul3A_740 : i32
        %add3A_742 = arith.constant 96 : i32
        %add3A_743 = arith.addi %mul3A_741, %add3A_742 : i32
        %get3A_744 = arith.index_cast %add3A_743 : i32 to index
        %get3A_745 = tpu.vector_load %arg8[%get3A_744] {strides = array<i32>} : memref<8256xf32, #tpu.memory_space<vmem>>, vector<16xf32>,
        %mul3A_746 = arith.constant 129 : i32
        %mul3A_747 = arith.muli %add3A_703, %mul3A_746 : i32
        %add3A_748 = arith.constant 112 : i32
        %add3A_749 = arith.addi %mul3A_747, %add3A_748 : i32
        %get3A_750 = arith.index_cast %add3A_749 : i32 to index
        %get3A_751 = tpu.vector_load %arg8[%get3A_750] {strides = array<i32>} : memref<8256xf32, #tpu.memory_space<vmem>>, vector<16xf32>,
        %swap3A_752 = arith.constant 0 : i32
        %swap3A_753 = arith.index_cast %swap3A_752 : i32 to index
        %swap3A_754 = arith.index_cast %add3A_703 : i32 to index
        %swap3A_755 = arith.constant 0 : index
        %swap3A_756 = tpu.vector_load %arg10[%swap3A_753, %swap3A_754, %swap3A_755] {strides = array<i32>} : memref<2x64x128xf32, #tpu.memory_space<vmem>>, vector<16xf32>,
        tpu.vector_store %arg10[%swap3A_753, %swap3A_754, %swap3A_755], %get3A_709 {strides = array<i32>} : memref<2x64x128xf32, #tpu.memory_space<vmem>>, vector<16xf32>,
        %swap3A_757 = arith.constant 0 : i32
        %swap3A_758 = arith.index_cast %swap3A_757 : i32 to index
        %swap3A_759 = arith.index_cast %add3A_703 : i32 to index
        %swap3A_760 = arith.constant 16 : index
        %swap3A_761 = tpu.vector_load %arg10[%swap3A_758, %swap3A_759, %swap3A_760] {strides = array<i32>} : memref<2x64x128xf32, #tpu.memory_space<vmem>>, vector<16xf32>,
        tpu.vector_store %arg10[%swap3A_758, %swap3A_759, %swap3A_760], %get3A_715 {strides = array<i32>} : memref<2x64x128xf32, #tpu.memory_space<vmem>>, vector<16xf32>,
        %swap3A_762 = arith.constant 0 : i32
        %swap3A_763 = arith.index_cast %swap3A_762 : i32 to index
        %swap3A_764 = arith.index_cast %add3A_703 : i32 to index
        %swap3A_765 = arith.constant 32 : index
        %swap3A_766 = tpu.vector_load %arg10[%swap3A_763, %swap3A_764, %swap3A_765] {strides = array<i32>} : memref<2x64x128xf32, #tpu.memory_space<vmem>>, vector<16xf32>,
        tpu.vector_store %arg10[%swap3A_763, %swap3A_764, %swap3A_765], %get3A_721 {strides = array<i32>} : memref<2x64x128xf32, #tpu.memory_space<vmem>>, vector<16xf32>,
        %swap3A_767 = arith.constant 0 : i32
        %swap3A_768 = arith.index_cast %swap3A_767 : i32 to index
        %swap3A_769 = arith.index_cast %add3A_703 : i32 to index
        %swap3A_770 = arith.constant 48 : index
        %swap3A_771 = tpu.vector_load %arg10[%swap3A_768, %swap3A_769, %swap3A_770] {strides = array<i32>} : memref<2x64x128xf32, #tpu.memory_space<vmem>>, vector<16xf32>,
        tpu.vector_store %arg10[%swap3A_768, %swap3A_769, %swap3A_770], %get3A_727 {strides = array<i32>} : memref<2x64x128xf32, #tpu.memory_space<vmem>>, vector<16xf32>,
        %swap3A_772 = arith.constant 0 : i32
        %swap3A_773 = arith.index_cast %swap3A_772 : i32 to index
        %swap3A_774 = arith.index_cast %add3A_703 : i32 to index
        %swap3A_775 = arith.constant 64 : index
        %swap3A_776 = tpu.vector_load %arg10[%swap3A_773, %swap3A_774, %swap3A_775] {strides = array<i32>} : memref<2x64x128xf32, #tpu.memory_space<vmem>>, vector<16xf32>,
        tpu.vector_store %arg10[%swap3A_773, %swap3A_774, %swap3A_775], %get3A_733 {strides = array<i32>} : memref<2x64x128xf32, #tpu.memory_space<vmem>>, vector<16xf32>,
        %swap3A_777 = arith.constant 0 : i32
        %swap3A_778 = arith.index_cast %swap3A_777 : i32 to index
        %swap3A_779 = arith.index_cast %add3A_703 : i32 to index
        %swap3A_780 = arith.constant 80 : index
        %swap3A_781 = tpu.vector_load %arg10[%swap3A_778, %swap3A_779, %swap3A_780] {strides = array<i32>} : memref<2x64x128xf32, #tpu.memory_space<vmem>>, vector<16xf32>,
        tpu.vector_store %arg10[%swap3A_778, %swap3A_779, %swap3A_780], %get3A_739 {strides = array<i32>} : memref<2x64x128xf32, #tpu.memory_space<vmem>>, vector<16xf32>,
        %swap3A_782 = arith.constant 0 : i32
        %swap3A_783 = arith.index_cast %swap3A_782 : i32 to index
        %swap3A_784 = arith.index_cast %add3A_703 : i32 to index
        %swap3A_785 = arith.constant 96 : index
        %swap3A_786 = tpu.vector_load %arg10[%swap3A_783, %swap3A_784, %swap3A_785] {strides = array<i32>} : memref<2x64x128xf32, #tpu.memory_space<vmem>>, vector<16xf32>,
        tpu.vector_store %arg10[%swap3A_783, %swap3A_784, %swap3A_785], %get3A_745 {strides = array<i32>} : memref<2x64x128xf32, #tpu.memory_space<vmem>>, vector<16xf32>,
        %swap3A_787 = arith.constant 0 : i32
        %swap3A_788 = arith.index_cast %swap3A_787 : i32 to index
        %swap3A_789 = arith.index_cast %add3A_703 : i32 to index
        %swap3A_790 = arith.constant 112 : index
        %swap3A_791 = tpu.vector_load %arg10[%swap3A_788, %swap3A_789, %swap3A_790] {strides = array<i32>} : memref<2x64x128xf32, #tpu.memory_space<vmem>>, vector<16xf32>,
        tpu.vector_store %arg10[%swap3A_788, %swap3A_789, %swap3A_790], %get3A_751 {strides = array<i32>} : memref<2x64x128xf32, #tpu.memory_space<vmem>>, vector<16xf32>,
      }
      %scan3A_330 = arith.constant 16 : i32
      %shift_right_arithmetic3A_331 = arith.constant 2 : i32
      %shift_right_arithmetic3A_332 = arith.shrsi %add3A_299, %shift_right_arithmetic3A_331 : i32
      %and3A_333 = arith.constant 3 : i32
      %and3A_334 = arith.andi %add3A_299, %and3A_333 : i32
      %mul3A_335 = arith.constant 128 : i32
      %mul3A_336 = arith.muli %and3A_334, %mul3A_335 : i32
      %add3A_337 = arith.addi %mul3A_336, %mul3A_2 : i32
      %dma_start3A_338 = arith.constant 0 : i32
      %dma_start3A_339 = arith.constant 0 : i32
      %dma_start3A_340 = arith.constant 0 : i32
      %dma_start3A_341 = tpu.memref_slice %arg10[%dma_start3A_338, %dma_start3A_339, %dma_start3A_340] : memref<2x64x128xf32, #tpu.memory_space<vmem>> -> memref<1x64x128xf32, #tpu.memory_space<vmem>>
      %dma_start3A_342 = tpu.memref_squeeze %dma_start3A_341 : memref<1x64x128xf32, #tpu.memory_space<vmem>> -> memref<64x128xf32, #tpu.memory_space<vmem>>
      %dma_start3A_343 = arith.constant 0 : i32
      %dma_start3A_344 = tpu.memref_slice %arg4[%shift_right_arithmetic3A_332, %dma_start3A_343, %add3A_337] : memref<50x64x16384xf32, #tpu.memory_space<hbm>> -> memref<1x64x128xf32, #tpu.memory_space<hbm>>
      %dma_start3A_345 = tpu.memref_squeeze %dma_start3A_344 : memref<1x64x128xf32, #tpu.memory_space<hbm>> -> memref<64x128xf32, #tpu.memory_space<hbm>>
      %dma_start3A_346 = arith.constant 0 : i32
      %dma_start3A_347 = tpu.memref_slice %arg4[%shift_right_arithmetic3A_332, %dma_start3A_346, %add3A_337] : memref<50x64x16384xf32, #tpu.memory_space<hbm>> -> memref<1x64x128xf32, #tpu.memory_space<hbm>>
      %dma_start3A_348 = tpu.memref_squeeze %dma_start3A_347 : memref<1x64x128xf32, #tpu.memory_space<hbm>> -> memref<64x128xf32, #tpu.memory_space<hbm>>
      %dma_start3A_349 = arith.constant 0 : i32
      %dma_start3A_350 = arith.constant 0 : i32
      %dma_start3A_351 = tpu.memref_slice %arg10[%dma_start3A_338, %dma_start3A_349, %dma_start3A_350] : memref<2x64x128xf32, #tpu.memory_space<vmem>> -> memref<1x64x128xf32, #tpu.memory_space<vmem>>
      %dma_start3A_352 = tpu.memref_squeeze %dma_start3A_351 : memref<1x64x128xf32, #tpu.memory_space<vmem>> -> memref<64x128xf32, #tpu.memory_space<vmem>>
      tpu.enqueue_dma source(%dma_start3A_352 : memref<64x128xf32, #tpu.memory_space<vmem>>) target(%dma_start3A_348 : memref<64x128xf32, #tpu.memory_space<hbm>>) target_semaphore(%arg13 : memref<!tpu.dma_semaphore, #tpu.memory_space<semaphore_mem>>)
      %lt3A = arith.constant 198 : i32
      %lt3A_353 = arith.cmpi slt, %add3A_299, %lt3A : i32
      %convert_element_type3A_354 = arith.extui %lt3A_353 : i1 to i32
      %cond3A_355 = arith.constant 0 : i32
      %cond3A_356 = arith.cmpi ne, %convert_element_type3A_354, %cond3A_355 : i32
      scf.if %cond3A_356 {
        %add3A_423 = arith.constant 2 : i32
        %add3A_424 = arith.addi %add3A_299, %add3A_423 : i32
        %shift_right_arithmetic3A_425 = arith.constant 2 : i32
        %shift_right_arithmetic3A_426 = arith.shrsi %add3A_424, %shift_right_arithmetic3A_425 : i32
        %and3A_427 = arith.constant 3 : i32
        %and3A_428 = arith.andi %add3A_424, %and3A_427 : i32
        %mul3A_429 = arith.constant 128 : i32
        %mul3A_430 = arith.muli %and3A_428, %mul3A_429 : i32
        %add3A_431 = arith.constant 0 : i32
        %add3A_432 = arith.addi %mul3A_430, %add3A_431 : i32
        %get3A_433 = arith.index_cast %shift_right_arithmetic3A_426 : i32 to index
        %get3A_434 = arith.index_cast %add3A_432 : i32 to index
        %get3A_435 = tpu.vector_load %arg5[%get3A_433, %get3A_434] {strides = array<i32>} : memref<50x512xi32, #tpu.memory_space<vmem>>, vector<16xi32>,
        %shift_right_arithmetic3A_436 = arith.constant 1 : i32
        %shift_right_arithmetic3A_437 = vector.broadcast %shift_right_arithmetic3A_436 : i32 to vector<16xi32>
        %shift_right_arithmetic3A_438 = arith.shrsi %get3A_435, %shift_right_arithmetic3A_437 : vector<16xi32>
        %swap3A_439 = arith.constant 0 : i32
        %swap3A_440 = arith.index_cast %swap3A_439 : i32 to index
        %swap3A_441 = arith.constant 0 : index
        %swap3A_442 = tpu.vector_load %arg6[%swap3A_440, %swap3A_441] {strides = array<i32>} : memref<2x128xi32, #tpu.memory_space<vmem>>, vector<16xi32>,
        tpu.vector_store %arg6[%swap3A_440, %swap3A_441], %shift_right_arithmetic3A_438 {strides = array<i32>} : memref<2x128xi32, #tpu.memory_space<vmem>>, vector<16xi32>,
        %add3A_443 = arith.constant 16 : i32
        %add3A_444 = arith.addi %mul3A_430, %add3A_443 : i32
        %get3A_445 = arith.index_cast %shift_right_arithmetic3A_426 : i32 to index
        %get3A_446 = arith.index_cast %add3A_444 : i32 to index
        %get3A_447 = tpu.vector_load %arg5[%get3A_445, %get3A_446] {strides = array<i32>} : memref<50x512xi32, #tpu.memory_space<vmem>>, vector<16xi32>,
        %shift_right_arithmetic3A_448 = arith.constant 1 : i32
        %shift_right_arithmetic3A_449 = vector.broadcast %shift_right_arithmetic3A_448 : i32 to vector<16xi32>
        %shift_right_arithmetic3A_450 = arith.shrsi %get3A_447, %shift_right_arithmetic3A_449 : vector<16xi32>
        %swap3A_451 = arith.constant 0 : i32
        %swap3A_452 = arith.index_cast %swap3A_451 : i32 to index
        %swap3A_453 = arith.constant 16 : index
        %swap3A_454 = tpu.vector_load %arg6[%swap3A_452, %swap3A_453] {strides = array<i32>} : memref<2x128xi32, #tpu.memory_space<vmem>>, vector<16xi32>,
        tpu.vector_store %arg6[%swap3A_452, %swap3A_453], %shift_right_arithmetic3A_450 {strides = array<i32>} : memref<2x128xi32, #tpu.memory_space<vmem>>, vector<16xi32>,
        %add3A_455 = arith.constant 32 : i32
        %add3A_456 = arith.addi %mul3A_430, %add3A_455 : i32
        %get3A_457 = arith.index_cast %shift_right_arithmetic3A_426 : i32 to index
        %get3A_458 = arith.index_cast %add3A_456 : i32 to index
        %get3A_459 = tpu.vector_load %arg5[%get3A_457, %get3A_458] {strides = array<i32>} : memref<50x512xi32, #tpu.memory_space<vmem>>, vector<16xi32>,
        %shift_right_arithmetic3A_460 = arith.constant 1 : i32
        %shift_right_arithmetic3A_461 = vector.broadcast %shift_right_arithmetic3A_460 : i32 to vector<16xi32>
        %shift_right_arithmetic3A_462 = arith.shrsi %get3A_459, %shift_right_arithmetic3A_461 : vector<16xi32>
        %swap3A_463 = arith.constant 0 : i32
        %swap3A_464 = arith.index_cast %swap3A_463 : i32 to index
        %swap3A_465 = arith.constant 32 : index
        %swap3A_466 = tpu.vector_load %arg6[%swap3A_464, %swap3A_465] {strides = array<i32>} : memref<2x128xi32, #tpu.memory_space<vmem>>, vector<16xi32>,
        tpu.vector_store %arg6[%swap3A_464, %swap3A_465], %shift_right_arithmetic3A_462 {strides = array<i32>} : memref<2x128xi32, #tpu.memory_space<vmem>>, vector<16xi32>,
        %add3A_467 = arith.constant 48 : i32
        %add3A_468 = arith.addi %mul3A_430, %add3A_467 : i32
        %get3A_469 = arith.index_cast %shift_right_arithmetic3A_426 : i32 to index
        %get3A_470 = arith.index_cast %add3A_468 : i32 to index
        %get3A_471 = tpu.vector_load %arg5[%get3A_469, %get3A_470] {strides = array<i32>} : memref<50x512xi32, #tpu.memory_space<vmem>>, vector<16xi32>,
        %shift_right_arithmetic3A_472 = arith.constant 1 : i32
        %shift_right_arithmetic3A_473 = vector.broadcast %shift_right_arithmetic3A_472 : i32 to vector<16xi32>
        %shift_right_arithmetic3A_474 = arith.shrsi %get3A_471, %shift_right_arithmetic3A_473 : vector<16xi32>
        %swap3A_475 = arith.constant 0 : i32
        %swap3A_476 = arith.index_cast %swap3A_475 : i32 to index
        %swap3A_477 = arith.constant 48 : index
        %swap3A_478 = tpu.vector_load %arg6[%swap3A_476, %swap3A_477] {strides = array<i32>} : memref<2x128xi32, #tpu.memory_space<vmem>>, vector<16xi32>,
        tpu.vector_store %arg6[%swap3A_476, %swap3A_477], %shift_right_arithmetic3A_474 {strides = array<i32>} : memref<2x128xi32, #tpu.memory_space<vmem>>, vector<16xi32>,
        %add3A_479 = arith.constant 64 : i32
        %add3A_480 = arith.addi %mul3A_430, %add3A_479 : i32
        %get3A_481 = arith.index_cast %shift_right_arithmetic3A_426 : i32 to index
        %get3A_482 = arith.index_cast %add3A_480 : i32 to index
        %get3A_483 = tpu.vector_load %arg5[%get3A_481, %get3A_482] {strides = array<i32>} : memref<50x512xi32, #tpu.memory_space<vmem>>, vector<16xi32>,
        %shift_right_arithmetic3A_484 = arith.constant 1 : i32
        %shift_right_arithmetic3A_485 = vector.broadcast %shift_right_arithmetic3A_484 : i32 to vector<16xi32>
        %shift_right_arithmetic3A_486 = arith.shrsi %get3A_483, %shift_right_arithmetic3A_485 : vector<16xi32>
        %swap3A_487 = arith.constant 0 : i32
        %swap3A_488 = arith.index_cast %swap3A_487 : i32 to index
        %swap3A_489 = arith.constant 64 : index
        %swap3A_490 = tpu.vector_load %arg6[%swap3A_488, %swap3A_489] {strides = array<i32>} : memref<2x128xi32, #tpu.memory_space<vmem>>, vector<16xi32>,
        tpu.vector_store %arg6[%swap3A_488, %swap3A_489], %shift_right_arithmetic3A_486 {strides = array<i32>} : memref<2x128xi32, #tpu.memory_space<vmem>>, vector<16xi32>,
        %add3A_491 = arith.constant 80 : i32
        %add3A_492 = arith.addi %mul3A_430, %add3A_491 : i32
        %get3A_493 = arith.index_cast %shift_right_arithmetic3A_426 : i32 to index
        %get3A_494 = arith.index_cast %add3A_492 : i32 to index
        %get3A_495 = tpu.vector_load %arg5[%get3A_493, %get3A_494] {strides = array<i32>} : memref<50x512xi32, #tpu.memory_space<vmem>>, vector<16xi32>,
        %shift_right_arithmetic3A_496 = arith.constant 1 : i32
        %shift_right_arithmetic3A_497 = vector.broadcast %shift_right_arithmetic3A_496 : i32 to vector<16xi32>
        %shift_right_arithmetic3A_498 = arith.shrsi %get3A_495, %shift_right_arithmetic3A_497 : vector<16xi32>
        %swap3A_499 = arith.constant 0 : i32
        %swap3A_500 = arith.index_cast %swap3A_499 : i32 to index
        %swap3A_501 = arith.constant 80 : index
        %swap3A_502 = tpu.vector_load %arg6[%swap3A_500, %swap3A_501] {strides = array<i32>} : memref<2x128xi32, #tpu.memory_space<vmem>>, vector<16xi32>,
        tpu.vector_store %arg6[%swap3A_500, %swap3A_501], %shift_right_arithmetic3A_498 {strides = array<i32>} : memref<2x128xi32, #tpu.memory_space<vmem>>, vector<16xi32>,
        %add3A_503 = arith.constant 96 : i32
        %add3A_504 = arith.addi %mul3A_430, %add3A_503 : i32
        %get3A_505 = arith.index_cast %shift_right_arithmetic3A_426 : i32 to index
        %get3A_506 = arith.index_cast %add3A_504 : i32 to index
        %get3A_507 = tpu.vector_load %arg5[%get3A_505, %get3A_506] {strides = array<i32>} : memref<50x512xi32, #tpu.memory_space<vmem>>, vector<16xi32>,
        %shift_right_arithmetic3A_508 = arith.constant 1 : i32
        %shift_right_arithmetic3A_509 = vector.broadcast %shift_right_arithmetic3A_508 : i32 to vector<16xi32>
        %shift_right_arithmetic3A_510 = arith.shrsi %get3A_507, %shift_right_arithmetic3A_509 : vector<16xi32>
        %swap3A_511 = arith.constant 0 : i32
        %swap3A_512 = arith.index_cast %swap3A_511 : i32 to index
        %swap3A_513 = arith.constant 96 : index
        %swap3A_514 = tpu.vector_load %arg6[%swap3A_512, %swap3A_513] {strides = array<i32>} : memref<2x128xi32, #tpu.memory_space<vmem>>, vector<16xi32>,
        tpu.vector_store %arg6[%swap3A_512, %swap3A_513], %shift_right_arithmetic3A_510 {strides = array<i32>} : memref<2x128xi32, #tpu.memory_space<vmem>>, vector<16xi32>,
        %add3A_515 = arith.constant 112 : i32
        %add3A_516 = arith.addi %mul3A_430, %add3A_515 : i32
        %get3A_517 = arith.index_cast %shift_right_arithmetic3A_426 : i32 to index
        %get3A_518 = arith.index_cast %add3A_516 : i32 to index
        %get3A_519 = tpu.vector_load %arg5[%get3A_517, %get3A_518] {strides = array<i32>} : memref<50x512xi32, #tpu.memory_space<vmem>>, vector<16xi32>,
        %shift_right_arithmetic3A_520 = arith.constant 1 : i32
        %shift_right_arithmetic3A_521 = vector.broadcast %shift_right_arithmetic3A_520 : i32 to vector<16xi32>
        %shift_right_arithmetic3A_522 = arith.shrsi %get3A_519, %shift_right_arithmetic3A_521 : vector<16xi32>
        %swap3A_523 = arith.constant 0 : i32
        %swap3A_524 = arith.index_cast %swap3A_523 : i32 to index
        %swap3A_525 = arith.constant 112 : index
        %swap3A_526 = tpu.vector_load %arg6[%swap3A_524, %swap3A_525] {strides = array<i32>} : memref<2x128xi32, #tpu.memory_space<vmem>>, vector<16xi32>,
        tpu.vector_store %arg6[%swap3A_524, %swap3A_525], %shift_right_arithmetic3A_522 {strides = array<i32>} : memref<2x128xi32, #tpu.memory_space<vmem>>, vector<16xi32>,
        %dma_start3A_527 = arith.constant 0 : i32
        %dma_start3A_528 = arith.constant 0 : i32
        %dma_start3A_529 = arith.constant 0 : i32
        %dma_start3A_530 = arith.constant 0 : i32
        %dma_start3A_531 = tpu.memref_slice %arg7[%dma_start3A_528, %dma_start3A_529, %dma_start3A_530] : memref<2x128x128xf32, #tpu.memory_space<vmem>> -> memref<1x128x128xf32, #tpu.memory_space<vmem>>
        %dma_start3A_532 = tpu.memref_squeeze %dma_start3A_531 : memref<1x128x128xf32, #tpu.memory_space<vmem>> -> memref<128x128xf32, #tpu.memory_space<vmem>>
        %dma_start3A_533 = arith.constant 0 : i32
        %dma_start3A_534 = tpu.memref_slice %arg6[%dma_start3A_527, %dma_start3A_533] : memref<2x128xi32, #tpu.memory_space<vmem>> -> memref<1x128xi32, #tpu.memory_space<vmem>>
        %dma_start3A_535 = tpu.memref_squeeze %dma_start3A_534 : memref<1x128xi32, #tpu.memory_space<vmem>> -> memref<128xi32, #tpu.memory_space<vmem>>
        %dma_start3A_536 = arith.constant 0 : i32
        %dma_start3A_537 = arith.constant 0 : i32
        %dma_start3A_538 = tpu.memref_slice %arg3[%dma_start3A_536, %dma_start3A_537] : memref<500000x128xf32, #tpu.memory_space<hbm>> -> memref<500000x128xf32, #tpu.memory_space<hbm>>
        tpu.enqueue_indirect_dma source(%dma_start3A_538 : memref<500000x128xf32, #tpu.memory_space<hbm>>) target(%dma_start3A_532 : memref<128x128xf32, #tpu.memory_space<vmem>>) offsets(%dma_start3A_535 : memref<128xi32, #tpu.memory_space<vmem>>) semaphore(%arg11 : memref<!tpu.dma_semaphore, #tpu.memory_space<semaphore_mem>>)
      } else {
      }
      %mul3A_357 = arith.constant 2 : i32
      %mul3A_358 = arith.muli %mul3A_357, %scan3A_295 : i32
      %add3A_359 = arith.constant 1 : i32
      %add3A_360 = arith.addi %mul3A_358, %add3A_359 : i32
      %dma_wait3A_361 = arith.constant 1 : i32
      %dma_wait3A_362 = arith.constant 1 : i32
      %dma_wait3A_363 = arith.constant 0 : i32
      %dma_wait3A_364 = arith.constant 0 : i32
      %dma_wait3A_365 = tpu.memref_slice %arg7[%dma_wait3A_362, %dma_wait3A_363, %dma_wait3A_364] : memref<2x128x128xf32, #tpu.memory_space<vmem>> -> memref<1x128x128xf32, #tpu.memory_space<vmem>>
      %dma_wait3A_366 = tpu.memref_squeeze %dma_wait3A_365 : memref<1x128x128xf32, #tpu.memory_space<vmem>> -> memref<128x128xf32, #tpu.memory_space<vmem>>
      %dma_wait3A_367 = arith.constant 0 : i32
      %dma_wait3A_368 = tpu.memref_slice %arg6[%dma_wait3A_361, %dma_wait3A_367] : memref<2x128xi32, #tpu.memory_space<vmem>> -> memref<1x128xi32, #tpu.memory_space<vmem>>
      %dma_wait3A_369 = tpu.memref_squeeze %dma_wait3A_368 : memref<1x128xi32, #tpu.memory_space<vmem>> -> memref<128xi32, #tpu.memory_space<vmem>>
      %dma_wait3A_370 = arith.constant 0 : i32
      %dma_wait3A_371 = arith.constant 0 : i32
      %dma_wait3A_372 = tpu.memref_slice %arg3[%dma_wait3A_370, %dma_wait3A_371] : memref<500000x128xf32, #tpu.memory_space<hbm>> -> memref<500000x128xf32, #tpu.memory_space<hbm>>
      tpu.wait_indirect_dma semaphore(%arg12 : memref<!tpu.dma_semaphore, #tpu.memory_space<semaphore_mem>>) src(%dma_wait3A_372 : memref<500000x128xf32, #tpu.memory_space<hbm>>) dst(%dma_wait3A_366 : memref<128x128xf32, #tpu.memory_space<vmem>>)
      %ge3A_373 = arith.constant 2 : i32
      %ge3A_374 = arith.cmpi sge, %add3A_360, %ge3A_373 : i32
      %convert_element_type3A_375 = arith.extui %ge3A_374 : i1 to i32
      %cond3A_376 = arith.constant 0 : i32
      %cond3A_377 = arith.cmpi ne, %convert_element_type3A_375, %cond3A_376 : i32
      scf.if %cond3A_377 {
        %sub3A = arith.constant 2 : i32
        %sub3A_423 = arith.subi %add3A_360, %sub3A : i32
        %shift_right_arithmetic3A_424 = arith.constant 2 : i32
        %shift_right_arithmetic3A_425 = arith.shrsi %sub3A_423, %shift_right_arithmetic3A_424 : i32
        %and3A_426 = arith.constant 3 : i32
        %and3A_427 = arith.andi %sub3A_423, %and3A_426 : i32
        %mul3A_428 = arith.constant 128 : i32
        %mul3A_429 = arith.muli %and3A_427, %mul3A_428 : i32
        %add3A_430 = arith.addi %mul3A_429, %mul3A_2 : i32
        %dma_wait3A_431 = arith.constant 1 : i32
        %dma_wait3A_432 = arith.constant 0 : i32
        %dma_wait3A_433 = arith.constant 0 : i32
        %dma_wait3A_434 = tpu.memref_slice %arg10[%dma_wait3A_431, %dma_wait3A_432, %dma_wait3A_433] : memref<2x64x128xf32, #tpu.memory_space<vmem>> -> memref<1x64x128xf32, #tpu.memory_space<vmem>>
        %dma_wait3A_435 = tpu.memref_squeeze %dma_wait3A_434 : memref<1x64x128xf32, #tpu.memory_space<vmem>> -> memref<64x128xf32, #tpu.memory_space<vmem>>
        %dma_wait3A_436 = arith.constant 0 : i32
        %dma_wait3A_437 = tpu.memref_slice %arg4[%shift_right_arithmetic3A_425, %dma_wait3A_436, %add3A_430] : memref<50x64x16384xf32, #tpu.memory_space<hbm>> -> memref<1x64x128xf32, #tpu.memory_space<hbm>>
        %dma_wait3A_438 = tpu.memref_squeeze %dma_wait3A_437 : memref<1x64x128xf32, #tpu.memory_space<hbm>> -> memref<64x128xf32, #tpu.memory_space<hbm>>
        %dma_wait3A_439 = arith.constant 0 : i32
        %dma_wait3A_440 = tpu.memref_slice %arg4[%shift_right_arithmetic3A_425, %dma_wait3A_439, %add3A_430] : memref<50x64x16384xf32, #tpu.memory_space<hbm>> -> memref<1x64x128xf32, #tpu.memory_space<hbm>>
        %dma_wait3A_441 = tpu.memref_squeeze %dma_wait3A_440 : memref<1x64x128xf32, #tpu.memory_space<hbm>> -> memref<64x128xf32, #tpu.memory_space<hbm>>
        %dma_wait3A_442 = arith.constant 0 : i32
        %dma_wait3A_443 = arith.constant 0 : i32
        %dma_wait3A_444 = tpu.memref_slice %arg10[%dma_wait3A_431, %dma_wait3A_442, %dma_wait3A_443] : memref<2x64x128xf32, #tpu.memory_space<vmem>> -> memref<1x64x128xf32, #tpu.memory_space<vmem>>
        %dma_wait3A_445 = tpu.memref_squeeze %dma_wait3A_444 : memref<1x64x128xf32, #tpu.memory_space<vmem>> -> memref<64x128xf32, #tpu.memory_space<vmem>>
        tpu.wait_dma2 semaphore(%arg14 : memref<!tpu.dma_semaphore, #tpu.memory_space<semaphore_mem>>) src(%dma_wait3A_445 : memref<64x128xf32, #tpu.memory_space<vmem>>) dst(%dma_wait3A_441 : memref<64x128xf32, #tpu.memory_space<hbm>>)
      } else {
      }
      %shift_right_arithmetic3A_378 = arith.constant 2 : i32
      %shift_right_arithmetic3A_379 = arith.shrsi %add3A_360, %shift_right_arithmetic3A_378 : i32
      %and3A_380 = arith.constant 3 : i32
      %and3A_381 = arith.andi %add3A_360, %and3A_380 : i32
      %mul3A_382 = arith.constant 128 : i32
      %mul3A_383 = arith.muli %and3A_381, %mul3A_382 : i32
      %scan3A_384 = arith.constant 0 : i32
      %scan3A_385 = arith.constant 0 : i32
      %scan3A_386 = arith.constant 8 : i32
      %scan3A_387 = arith.addi %scan3A_385, %scan3A_386 : i32
      %scan3A_388 = arith.constant 1 : i32
      scf.for %scan3A_423 = %scan3A_385 to %scan3A_387 step %scan3A_388  : i32 {
        %mul3A_424 = arith.constant 16 : i32
        %mul3A_425 = arith.muli %mul3A_424, %scan3A_423 : i32
        %add3A_426 = arith.addi %mul3A_383, %mul3A_425 : i32
        %get3A_427 = arith.index_cast %shift_right_arithmetic3A_379 : i32 to index
        %get3A_428 = arith.index_cast %add3A_426 : i32 to index
        %get3A_429 = tpu.vector_load %arg5[%get3A_427, %get3A_428] {strides = array<i32>} : memref<50x512xi32, #tpu.memory_space<vmem>>, vector<16xi32>,
        %and3A_430 = arith.constant 1 : i32
        %and3A_431 = vector.broadcast %and3A_430 : i32 to vector<16xi32>
        %and3A_432 = arith.andi %get3A_429, %and3A_431 : vector<16xi32>
        %mul3A_433 = arith.constant 64 : i32
        %mul3A_434 = vector.broadcast %mul3A_433 : i32 to vector<16xi32>
        %mul3A_435 = arith.muli %and3A_432, %mul3A_434 : vector<16xi32>
        %slice3A = vector.extract_strided_slice %mul3A_435 {offsets = [0], sizes = [1], strides = [1]} : vector<16xi32> to vector<1xi32>
        %squeeze3A = vector.extract %slice3A[0] : i32 from vector<1xi32>
        %slice3A_436 = vector.extract_strided_slice %mul3A_435 {offsets = [1], sizes = [1], strides = [1]} : vector<16xi32> to vector<1xi32>
        %squeeze3A_437 = vector.extract %slice3A_436[0] : i32 from vector<1xi32>
        %slice3A_438 = vector.extract_strided_slice %mul3A_435 {offsets = [2], sizes = [1], strides = [1]} : vector<16xi32> to vector<1xi32>
        %squeeze3A_439 = vector.extract %slice3A_438[0] : i32 from vector<1xi32>
        %slice3A_440 = vector.extract_strided_slice %mul3A_435 {offsets = [3], sizes = [1], strides = [1]} : vector<16xi32> to vector<1xi32>
        %squeeze3A_441 = vector.extract %slice3A_440[0] : i32 from vector<1xi32>
        %slice3A_442 = vector.extract_strided_slice %mul3A_435 {offsets = [4], sizes = [1], strides = [1]} : vector<16xi32> to vector<1xi32>
        %squeeze3A_443 = vector.extract %slice3A_442[0] : i32 from vector<1xi32>
        %slice3A_444 = vector.extract_strided_slice %mul3A_435 {offsets = [5], sizes = [1], strides = [1]} : vector<16xi32> to vector<1xi32>
        %squeeze3A_445 = vector.extract %slice3A_444[0] : i32 from vector<1xi32>
        %slice3A_446 = vector.extract_strided_slice %mul3A_435 {offsets = [6], sizes = [1], strides = [1]} : vector<16xi32> to vector<1xi32>
        %squeeze3A_447 = vector.extract %slice3A_446[0] : i32 from vector<1xi32>
        %slice3A_448 = vector.extract_strided_slice %mul3A_435 {offsets = [7], sizes = [1], strides = [1]} : vector<16xi32> to vector<1xi32>
        %squeeze3A_449 = vector.extract %slice3A_448[0] : i32 from vector<1xi32>
        %slice3A_450 = vector.extract_strided_slice %mul3A_435 {offsets = [8], sizes = [1], strides = [1]} : vector<16xi32> to vector<1xi32>
        %squeeze3A_451 = vector.extract %slice3A_450[0] : i32 from vector<1xi32>
        %slice3A_452 = vector.extract_strided_slice %mul3A_435 {offsets = [9], sizes = [1], strides = [1]} : vector<16xi32> to vector<1xi32>
        %squeeze3A_453 = vector.extract %slice3A_452[0] : i32 from vector<1xi32>
        %slice3A_454 = vector.extract_strided_slice %mul3A_435 {offsets = [10], sizes = [1], strides = [1]} : vector<16xi32> to vector<1xi32>
        %squeeze3A_455 = vector.extract %slice3A_454[0] : i32 from vector<1xi32>
        %slice3A_456 = vector.extract_strided_slice %mul3A_435 {offsets = [11], sizes = [1], strides = [1]} : vector<16xi32> to vector<1xi32>
        %squeeze3A_457 = vector.extract %slice3A_456[0] : i32 from vector<1xi32>
        %slice3A_458 = vector.extract_strided_slice %mul3A_435 {offsets = [12], sizes = [1], strides = [1]} : vector<16xi32> to vector<1xi32>
        %squeeze3A_459 = vector.extract %slice3A_458[0] : i32 from vector<1xi32>
        %slice3A_460 = vector.extract_strided_slice %mul3A_435 {offsets = [13], sizes = [1], strides = [1]} : vector<16xi32> to vector<1xi32>
        %squeeze3A_461 = vector.extract %slice3A_460[0] : i32 from vector<1xi32>
        %slice3A_462 = vector.extract_strided_slice %mul3A_435 {offsets = [14], sizes = [1], strides = [1]} : vector<16xi32> to vector<1xi32>
        %squeeze3A_463 = vector.extract %slice3A_462[0] : i32 from vector<1xi32>
        %slice3A_464 = vector.extract_strided_slice %mul3A_435 {offsets = [15], sizes = [1], strides = [1]} : vector<16xi32> to vector<1xi32>
        %squeeze3A_465 = vector.extract %slice3A_464[0] : i32 from vector<1xi32>
        %mul3A_466 = arith.constant 16 : i32
        %mul3A_467 = arith.muli %mul3A_466, %scan3A_423 : i32
        %add3A_468 = arith.constant 0 : i32
        %add3A_469 = arith.addi %mul3A_467, %add3A_468 : i32
        %add3A_470 = arith.constant 0 : i32
        %add3A_471 = arith.addi %add3A_469, %add3A_470 : i32
        %add3A_472 = arith.constant 0 : i32
        %add3A_473 = arith.addi %squeeze3A, %add3A_472 : i32
        %get3A_474 = arith.constant 1 : i32
        %get3A_475 = arith.index_cast %get3A_474 : i32 to index
        %get3A_476 = arith.index_cast %add3A_471 : i32 to index
        %get3A_477 = arith.index_cast %add3A_473 : i32 to index
        %get3A_478 = tpu.vector_load %arg7[%get3A_475, %get3A_476, %get3A_477] {strides = array<i32>} : memref<2x128x128xf32, #tpu.memory_space<vmem>>, vector<16xf32>,
        %add3A_479 = arith.constant 0 : i32
        %add3A_480 = arith.addi %mul3A_467, %add3A_479 : i32
        %add3A_481 = arith.constant 0 : i32
        %add3A_482 = arith.addi %add3A_480, %add3A_481 : i32
        %add3A_483 = arith.constant 16 : i32
        %add3A_484 = arith.addi %squeeze3A, %add3A_483 : i32
        %get3A_485 = arith.constant 1 : i32
        %get3A_486 = arith.index_cast %get3A_485 : i32 to index
        %get3A_487 = arith.index_cast %add3A_482 : i32 to index
        %get3A_488 = arith.index_cast %add3A_484 : i32 to index
        %get3A_489 = tpu.vector_load %arg7[%get3A_486, %get3A_487, %get3A_488] {strides = array<i32>} : memref<2x128x128xf32, #tpu.memory_space<vmem>>, vector<16xf32>,
        %add3A_490 = arith.constant 0 : i32
        %add3A_491 = arith.addi %mul3A_467, %add3A_490 : i32
        %add3A_492 = arith.constant 0 : i32
        %add3A_493 = arith.addi %add3A_491, %add3A_492 : i32
        %add3A_494 = arith.constant 32 : i32
        %add3A_495 = arith.addi %squeeze3A, %add3A_494 : i32
        %get3A_496 = arith.constant 1 : i32
        %get3A_497 = arith.index_cast %get3A_496 : i32 to index
        %get3A_498 = arith.index_cast %add3A_493 : i32 to index
        %get3A_499 = arith.index_cast %add3A_495 : i32 to index
        %get3A_500 = tpu.vector_load %arg7[%get3A_497, %get3A_498, %get3A_499] {strides = array<i32>} : memref<2x128x128xf32, #tpu.memory_space<vmem>>, vector<16xf32>,
        %add3A_501 = arith.constant 0 : i32
        %add3A_502 = arith.addi %mul3A_467, %add3A_501 : i32
        %add3A_503 = arith.constant 0 : i32
        %add3A_504 = arith.addi %add3A_502, %add3A_503 : i32
        %add3A_505 = arith.constant 48 : i32
        %add3A_506 = arith.addi %squeeze3A, %add3A_505 : i32
        %get3A_507 = arith.constant 1 : i32
        %get3A_508 = arith.index_cast %get3A_507 : i32 to index
        %get3A_509 = arith.index_cast %add3A_504 : i32 to index
        %get3A_510 = arith.index_cast %add3A_506 : i32 to index
        %get3A_511 = tpu.vector_load %arg7[%get3A_508, %get3A_509, %get3A_510] {strides = array<i32>} : memref<2x128x128xf32, #tpu.memory_space<vmem>>, vector<16xf32>,
        %add3A_512 = arith.constant 0 : i32
        %add3A_513 = arith.addi %mul3A_467, %add3A_512 : i32
        %add3A_514 = arith.constant 1 : i32
        %add3A_515 = arith.addi %add3A_513, %add3A_514 : i32
        %add3A_516 = arith.constant 0 : i32
        %add3A_517 = arith.addi %squeeze3A_437, %add3A_516 : i32
        %get3A_518 = arith.constant 1 : i32
        %get3A_519 = arith.index_cast %get3A_518 : i32 to index
        %get3A_520 = arith.index_cast %add3A_515 : i32 to index
        %get3A_521 = arith.index_cast %add3A_517 : i32 to index
        %get3A_522 = tpu.vector_load %arg7[%get3A_519, %get3A_520, %get3A_521] {strides = array<i32>} : memref<2x128x128xf32, #tpu.memory_space<vmem>>, vector<16xf32>,
        %add3A_523 = arith.constant 0 : i32
        %add3A_524 = arith.addi %mul3A_467, %add3A_523 : i32
        %add3A_525 = arith.constant 1 : i32
        %add3A_526 = arith.addi %add3A_524, %add3A_525 : i32
        %add3A_527 = arith.constant 16 : i32
        %add3A_528 = arith.addi %squeeze3A_437, %add3A_527 : i32
        %get3A_529 = arith.constant 1 : i32
        %get3A_530 = arith.index_cast %get3A_529 : i32 to index
        %get3A_531 = arith.index_cast %add3A_526 : i32 to index
        %get3A_532 = arith.index_cast %add3A_528 : i32 to index
        %get3A_533 = tpu.vector_load %arg7[%get3A_530, %get3A_531, %get3A_532] {strides = array<i32>} : memref<2x128x128xf32, #tpu.memory_space<vmem>>, vector<16xf32>,
        %add3A_534 = arith.constant 0 : i32
        %add3A_535 = arith.addi %mul3A_467, %add3A_534 : i32
        %add3A_536 = arith.constant 1 : i32
        %add3A_537 = arith.addi %add3A_535, %add3A_536 : i32
        %add3A_538 = arith.constant 32 : i32
        %add3A_539 = arith.addi %squeeze3A_437, %add3A_538 : i32
        %get3A_540 = arith.constant 1 : i32
        %get3A_541 = arith.index_cast %get3A_540 : i32 to index
        %get3A_542 = arith.index_cast %add3A_537 : i32 to index
        %get3A_543 = arith.index_cast %add3A_539 : i32 to index
        %get3A_544 = tpu.vector_load %arg7[%get3A_541, %get3A_542, %get3A_543] {strides = array<i32>} : memref<2x128x128xf32, #tpu.memory_space<vmem>>, vector<16xf32>,
        %add3A_545 = arith.constant 0 : i32
        %add3A_546 = arith.addi %mul3A_467, %add3A_545 : i32
        %add3A_547 = arith.constant 1 : i32
        %add3A_548 = arith.addi %add3A_546, %add3A_547 : i32
        %add3A_549 = arith.constant 48 : i32
        %add3A_550 = arith.addi %squeeze3A_437, %add3A_549 : i32
        %get3A_551 = arith.constant 1 : i32
        %get3A_552 = arith.index_cast %get3A_551 : i32 to index
        %get3A_553 = arith.index_cast %add3A_548 : i32 to index
        %get3A_554 = arith.index_cast %add3A_550 : i32 to index
        %get3A_555 = tpu.vector_load %arg7[%get3A_552, %get3A_553, %get3A_554] {strides = array<i32>} : memref<2x128x128xf32, #tpu.memory_space<vmem>>, vector<16xf32>,
        %add3A_556 = arith.constant 0 : i32
        %add3A_557 = arith.addi %mul3A_467, %add3A_556 : i32
        %add3A_558 = arith.constant 0 : i32
        %add3A_559 = arith.addi %add3A_557, %add3A_558 : i32
        %add3A_560 = vector.broadcast %add3A_559 : i32 to vector<16xi32>
        %add3A_561 = arith.addi %mul3A_40, %add3A_560 : vector<16xi32>
        tpu.vector_store_idx %arg9[%add3A_561], %get3A_478 : memref<8256xf32, #tpu.memory_space<vmem>>[vector<16xi32>], vector<16xf32>,
        %add3A_562 = arith.constant 0 : i32
        %add3A_563 = arith.addi %mul3A_467, %add3A_562 : i32
        %add3A_564 = arith.constant 0 : i32
        %add3A_565 = arith.addi %add3A_563, %add3A_564 : i32
        %add3A_566 = vector.broadcast %add3A_565 : i32 to vector<16xi32>
        %add3A_567 = arith.addi %mul3A_46, %add3A_566 : vector<16xi32>
        tpu.vector_store_idx %arg9[%add3A_567], %get3A_489 : memref<8256xf32, #tpu.memory_space<vmem>>[vector<16xi32>], vector<16xf32>,
        %add3A_568 = arith.constant 0 : i32
        %add3A_569 = arith.addi %mul3A_467, %add3A_568 : i32
        %add3A_570 = arith.constant 0 : i32
        %add3A_571 = arith.addi %add3A_569, %add3A_570 : i32
        %add3A_572 = vector.broadcast %add3A_571 : i32 to vector<16xi32>
        %add3A_573 = arith.addi %mul3A_52, %add3A_572 : vector<16xi32>
        tpu.vector_store_idx %arg9[%add3A_573], %get3A_500 : memref<8256xf32, #tpu.memory_space<vmem>>[vector<16xi32>], vector<16xf32>,
        %add3A_574 = arith.constant 0 : i32
        %add3A_575 = arith.addi %mul3A_467, %add3A_574 : i32
        %add3A_576 = arith.constant 0 : i32
        %add3A_577 = arith.addi %add3A_575, %add3A_576 : i32
        %add3A_578 = vector.broadcast %add3A_577 : i32 to vector<16xi32>
        %add3A_579 = arith.addi %mul3A_58, %add3A_578 : vector<16xi32>
        tpu.vector_store_idx %arg9[%add3A_579], %get3A_511 : memref<8256xf32, #tpu.memory_space<vmem>>[vector<16xi32>], vector<16xf32>,
        %add3A_580 = arith.constant 0 : i32
        %add3A_581 = arith.addi %mul3A_467, %add3A_580 : i32
        %add3A_582 = arith.constant 1 : i32
        %add3A_583 = arith.addi %add3A_581, %add3A_582 : i32
        %add3A_584 = vector.broadcast %add3A_583 : i32 to vector<16xi32>
        %add3A_585 = arith.addi %mul3A_40, %add3A_584 : vector<16xi32>
        tpu.vector_store_idx %arg9[%add3A_585], %get3A_522 : memref<8256xf32, #tpu.memory_space<vmem>>[vector<16xi32>], vector<16xf32>,
        %add3A_586 = arith.constant 0 : i32
        %add3A_587 = arith.addi %mul3A_467, %add3A_586 : i32
        %add3A_588 = arith.constant 1 : i32
        %add3A_589 = arith.addi %add3A_587, %add3A_588 : i32
        %add3A_590 = vector.broadcast %add3A_589 : i32 to vector<16xi32>
        %add3A_591 = arith.addi %mul3A_46, %add3A_590 : vector<16xi32>
        tpu.vector_store_idx %arg9[%add3A_591], %get3A_533 : memref<8256xf32, #tpu.memory_space<vmem>>[vector<16xi32>], vector<16xf32>,
        %add3A_592 = arith.constant 0 : i32
        %add3A_593 = arith.addi %mul3A_467, %add3A_592 : i32
        %add3A_594 = arith.constant 1 : i32
        %add3A_595 = arith.addi %add3A_593, %add3A_594 : i32
        %add3A_596 = vector.broadcast %add3A_595 : i32 to vector<16xi32>
        %add3A_597 = arith.addi %mul3A_52, %add3A_596 : vector<16xi32>
        tpu.vector_store_idx %arg9[%add3A_597], %get3A_544 : memref<8256xf32, #tpu.memory_space<vmem>>[vector<16xi32>], vector<16xf32>,
        %add3A_598 = arith.constant 0 : i32
        %add3A_599 = arith.addi %mul3A_467, %add3A_598 : i32
        %add3A_600 = arith.constant 1 : i32
        %add3A_601 = arith.addi %add3A_599, %add3A_600 : i32
        %add3A_602 = vector.broadcast %add3A_601 : i32 to vector<16xi32>
        %add3A_603 = arith.addi %mul3A_58, %add3A_602 : vector<16xi32>
        tpu.vector_store_idx %arg9[%add3A_603], %get3A_555 : memref<8256xf32, #tpu.memory_space<vmem>>[vector<16xi32>], vector<16xf32>,
        %add3A_604 = arith.constant 2 : i32
        %add3A_605 = arith.addi %mul3A_467, %add3A_604 : i32
        %add3A_606 = arith.constant 0 : i32
        %add3A_607 = arith.addi %add3A_605, %add3A_606 : i32
        %add3A_608 = arith.constant 0 : i32
        %add3A_609 = arith.addi %squeeze3A_439, %add3A_608 : i32
        %get3A_610 = arith.constant 1 : i32
        %get3A_611 = arith.index_cast %get3A_610 : i32 to index
        %get3A_612 = arith.index_cast %add3A_607 : i32 to index
        %get3A_613 = arith.index_cast %add3A_609 : i32 to index
        %get3A_614 = tpu.vector_load %arg7[%get3A_611, %get3A_612, %get3A_613] {strides = array<i32>} : memref<2x128x128xf32, #tpu.memory_space<vmem>>, vector<16xf32>,
        %add3A_615 = arith.constant 2 : i32
        %add3A_616 = arith.addi %mul3A_467, %add3A_615 : i32
        %add3A_617 = arith.constant 0 : i32
        %add3A_618 = arith.addi %add3A_616, %add3A_617 : i32
        %add3A_619 = arith.constant 16 : i32
        %add3A_620 = arith.addi %squeeze3A_439, %add3A_619 : i32
        %get3A_621 = arith.constant 1 : i32
        %get3A_622 = arith.index_cast %get3A_621 : i32 to index
        %get3A_623 = arith.index_cast %add3A_618 : i32 to index
        %get3A_624 = arith.index_cast %add3A_620 : i32 to index
        %get3A_625 = tpu.vector_load %arg7[%get3A_622, %get3A_623, %get3A_624] {strides = array<i32>} : memref<2x128x128xf32, #tpu.memory_space<vmem>>, vector<16xf32>,
        %add3A_626 = arith.constant 2 : i32
        %add3A_627 = arith.addi %mul3A_467, %add3A_626 : i32
        %add3A_628 = arith.constant 0 : i32
        %add3A_629 = arith.addi %add3A_627, %add3A_628 : i32
        %add3A_630 = arith.constant 32 : i32
        %add3A_631 = arith.addi %squeeze3A_439, %add3A_630 : i32
        %get3A_632 = arith.constant 1 : i32
        %get3A_633 = arith.index_cast %get3A_632 : i32 to index
        %get3A_634 = arith.index_cast %add3A_629 : i32 to index
        %get3A_635 = arith.index_cast %add3A_631 : i32 to index
        %get3A_636 = tpu.vector_load %arg7[%get3A_633, %get3A_634, %get3A_635] {strides = array<i32>} : memref<2x128x128xf32, #tpu.memory_space<vmem>>, vector<16xf32>,
        %add3A_637 = arith.constant 2 : i32
        %add3A_638 = arith.addi %mul3A_467, %add3A_637 : i32
        %add3A_639 = arith.constant 0 : i32
        %add3A_640 = arith.addi %add3A_638, %add3A_639 : i32
        %add3A_641 = arith.constant 48 : i32
        %add3A_642 = arith.addi %squeeze3A_439, %add3A_641 : i32
        %get3A_643 = arith.constant 1 : i32
        %get3A_644 = arith.index_cast %get3A_643 : i32 to index
        %get3A_645 = arith.index_cast %add3A_640 : i32 to index
        %get3A_646 = arith.index_cast %add3A_642 : i32 to index
        %get3A_647 = tpu.vector_load %arg7[%get3A_644, %get3A_645, %get3A_646] {strides = array<i32>} : memref<2x128x128xf32, #tpu.memory_space<vmem>>, vector<16xf32>,
        %add3A_648 = arith.constant 2 : i32
        %add3A_649 = arith.addi %mul3A_467, %add3A_648 : i32
        %add3A_650 = arith.constant 1 : i32
        %add3A_651 = arith.addi %add3A_649, %add3A_650 : i32
        %add3A_652 = arith.constant 0 : i32
        %add3A_653 = arith.addi %squeeze3A_441, %add3A_652 : i32
        %get3A_654 = arith.constant 1 : i32
        %get3A_655 = arith.index_cast %get3A_654 : i32 to index
        %get3A_656 = arith.index_cast %add3A_651 : i32 to index
        %get3A_657 = arith.index_cast %add3A_653 : i32 to index
        %get3A_658 = tpu.vector_load %arg7[%get3A_655, %get3A_656, %get3A_657] {strides = array<i32>} : memref<2x128x128xf32, #tpu.memory_space<vmem>>, vector<16xf32>,
        %add3A_659 = arith.constant 2 : i32
        %add3A_660 = arith.addi %mul3A_467, %add3A_659 : i32
        %add3A_661 = arith.constant 1 : i32
        %add3A_662 = arith.addi %add3A_660, %add3A_661 : i32
        %add3A_663 = arith.constant 16 : i32
        %add3A_664 = arith.addi %squeeze3A_441, %add3A_663 : i32
        %get3A_665 = arith.constant 1 : i32
        %get3A_666 = arith.index_cast %get3A_665 : i32 to index
        %get3A_667 = arith.index_cast %add3A_662 : i32 to index
        %get3A_668 = arith.index_cast %add3A_664 : i32 to index
        %get3A_669 = tpu.vector_load %arg7[%get3A_666, %get3A_667, %get3A_668] {strides = array<i32>} : memref<2x128x128xf32, #tpu.memory_space<vmem>>, vector<16xf32>,
        %add3A_670 = arith.constant 2 : i32
        %add3A_671 = arith.addi %mul3A_467, %add3A_670 : i32
        %add3A_672 = arith.constant 1 : i32
        %add3A_673 = arith.addi %add3A_671, %add3A_672 : i32
        %add3A_674 = arith.constant 32 : i32
        %add3A_675 = arith.addi %squeeze3A_441, %add3A_674 : i32
        %get3A_676 = arith.constant 1 : i32
        %get3A_677 = arith.index_cast %get3A_676 : i32 to index
        %get3A_678 = arith.index_cast %add3A_673 : i32 to index
        %get3A_679 = arith.index_cast %add3A_675 : i32 to index
        %get3A_680 = tpu.vector_load %arg7[%get3A_677, %get3A_678, %get3A_679] {strides = array<i32>} : memref<2x128x128xf32, #tpu.memory_space<vmem>>, vector<16xf32>,
        %add3A_681 = arith.constant 2 : i32
        %add3A_682 = arith.addi %mul3A_467, %add3A_681 : i32
        %add3A_683 = arith.constant 1 : i32
        %add3A_684 = arith.addi %add3A_682, %add3A_683 : i32
        %add3A_685 = arith.constant 48 : i32
        %add3A_686 = arith.addi %squeeze3A_441, %add3A_685 : i32
        %get3A_687 = arith.constant 1 : i32
        %get3A_688 = arith.index_cast %get3A_687 : i32 to index
        %get3A_689 = arith.index_cast %add3A_684 : i32 to index
        %get3A_690 = arith.index_cast %add3A_686 : i32 to index
        %get3A_691 = tpu.vector_load %arg7[%get3A_688, %get3A_689, %get3A_690] {strides = array<i32>} : memref<2x128x128xf32, #tpu.memory_space<vmem>>, vector<16xf32>,
        %add3A_692 = arith.constant 2 : i32
        %add3A_693 = arith.addi %mul3A_467, %add3A_692 : i32
        %add3A_694 = arith.constant 0 : i32
        %add3A_695 = arith.addi %add3A_693, %add3A_694 : i32
        %add3A_696 = vector.broadcast %add3A_695 : i32 to vector<16xi32>
        %add3A_697 = arith.addi %mul3A_40, %add3A_696 : vector<16xi32>
        tpu.vector_store_idx %arg9[%add3A_697], %get3A_614 : memref<8256xf32, #tpu.memory_space<vmem>>[vector<16xi32>], vector<16xf32>,
        %add3A_698 = arith.constant 2 : i32
        %add3A_699 = arith.addi %mul3A_467, %add3A_698 : i32
        %add3A_700 = arith.constant 0 : i32
        %add3A_701 = arith.addi %add3A_699, %add3A_700 : i32
        %add3A_702 = vector.broadcast %add3A_701 : i32 to vector<16xi32>
        %add3A_703 = arith.addi %mul3A_46, %add3A_702 : vector<16xi32>
        tpu.vector_store_idx %arg9[%add3A_703], %get3A_625 : memref<8256xf32, #tpu.memory_space<vmem>>[vector<16xi32>], vector<16xf32>,
        %add3A_704 = arith.constant 2 : i32
        %add3A_705 = arith.addi %mul3A_467, %add3A_704 : i32
        %add3A_706 = arith.constant 0 : i32
        %add3A_707 = arith.addi %add3A_705, %add3A_706 : i32
        %add3A_708 = vector.broadcast %add3A_707 : i32 to vector<16xi32>
        %add3A_709 = arith.addi %mul3A_52, %add3A_708 : vector<16xi32>
        tpu.vector_store_idx %arg9[%add3A_709], %get3A_636 : memref<8256xf32, #tpu.memory_space<vmem>>[vector<16xi32>], vector<16xf32>,
        %add3A_710 = arith.constant 2 : i32
        %add3A_711 = arith.addi %mul3A_467, %add3A_710 : i32
        %add3A_712 = arith.constant 0 : i32
        %add3A_713 = arith.addi %add3A_711, %add3A_712 : i32
        %add3A_714 = vector.broadcast %add3A_713 : i32 to vector<16xi32>
        %add3A_715 = arith.addi %mul3A_58, %add3A_714 : vector<16xi32>
        tpu.vector_store_idx %arg9[%add3A_715], %get3A_647 : memref<8256xf32, #tpu.memory_space<vmem>>[vector<16xi32>], vector<16xf32>,
        %add3A_716 = arith.constant 2 : i32
        %add3A_717 = arith.addi %mul3A_467, %add3A_716 : i32
        %add3A_718 = arith.constant 1 : i32
        %add3A_719 = arith.addi %add3A_717, %add3A_718 : i32
        %add3A_720 = vector.broadcast %add3A_719 : i32 to vector<16xi32>
        %add3A_721 = arith.addi %mul3A_40, %add3A_720 : vector<16xi32>
        tpu.vector_store_idx %arg9[%add3A_721], %get3A_658 : memref<8256xf32, #tpu.memory_space<vmem>>[vector<16xi32>], vector<16xf32>,
        %add3A_722 = arith.constant 2 : i32
        %add3A_723 = arith.addi %mul3A_467, %add3A_722 : i32
        %add3A_724 = arith.constant 1 : i32
        %add3A_725 = arith.addi %add3A_723, %add3A_724 : i32
        %add3A_726 = vector.broadcast %add3A_725 : i32 to vector<16xi32>
        %add3A_727 = arith.addi %mul3A_46, %add3A_726 : vector<16xi32>
        tpu.vector_store_idx %arg9[%add3A_727], %get3A_669 : memref<8256xf32, #tpu.memory_space<vmem>>[vector<16xi32>], vector<16xf32>,
        %add3A_728 = arith.constant 2 : i32
        %add3A_729 = arith.addi %mul3A_467, %add3A_728 : i32
        %add3A_730 = arith.constant 1 : i32
        %add3A_731 = arith.addi %add3A_729, %add3A_730 : i32
        %add3A_732 = vector.broadcast %add3A_731 : i32 to vector<16xi32>
        %add3A_733 = arith.addi %mul3A_52, %add3A_732 : vector<16xi32>
        tpu.vector_store_idx %arg9[%add3A_733], %get3A_680 : memref<8256xf32, #tpu.memory_space<vmem>>[vector<16xi32>], vector<16xf32>,
        %add3A_734 = arith.constant 2 : i32
        %add3A_735 = arith.addi %mul3A_467, %add3A_734 : i32
        %add3A_736 = arith.constant 1 : i32
        %add3A_737 = arith.addi %add3A_735, %add3A_736 : i32
        %add3A_738 = vector.broadcast %add3A_737 : i32 to vector<16xi32>
        %add3A_739 = arith.addi %mul3A_58, %add3A_738 : vector<16xi32>
        tpu.vector_store_idx %arg9[%add3A_739], %get3A_691 : memref<8256xf32, #tpu.memory_space<vmem>>[vector<16xi32>], vector<16xf32>,
        %add3A_740 = arith.constant 4 : i32
        %add3A_741 = arith.addi %mul3A_467, %add3A_740 : i32
        %add3A_742 = arith.constant 0 : i32
        %add3A_743 = arith.addi %add3A_741, %add3A_742 : i32
        %add3A_744 = arith.constant 0 : i32
        %add3A_745 = arith.addi %squeeze3A_443, %add3A_744 : i32
        %get3A_746 = arith.constant 1 : i32
        %get3A_747 = arith.index_cast %get3A_746 : i32 to index
        %get3A_748 = arith.index_cast %add3A_743 : i32 to index
        %get3A_749 = arith.index_cast %add3A_745 : i32 to index
        %get3A_750 = tpu.vector_load %arg7[%get3A_747, %get3A_748, %get3A_749] {strides = array<i32>} : memref<2x128x128xf32, #tpu.memory_space<vmem>>, vector<16xf32>,
        %add3A_751 = arith.constant 4 : i32
        %add3A_752 = arith.addi %mul3A_467, %add3A_751 : i32
        %add3A_753 = arith.constant 0 : i32
        %add3A_754 = arith.addi %add3A_752, %add3A_753 : i32
        %add3A_755 = arith.constant 16 : i32
        %add3A_756 = arith.addi %squeeze3A_443, %add3A_755 : i32
        %get3A_757 = arith.constant 1 : i32
        %get3A_758 = arith.index_cast %get3A_757 : i32 to index
        %get3A_759 = arith.index_cast %add3A_754 : i32 to index
        %get3A_760 = arith.index_cast %add3A_756 : i32 to index
        %get3A_761 = tpu.vector_load %arg7[%get3A_758, %get3A_759, %get3A_760] {strides = array<i32>} : memref<2x128x128xf32, #tpu.memory_space<vmem>>, vector<16xf32>,
        %add3A_762 = arith.constant 4 : i32
        %add3A_763 = arith.addi %mul3A_467, %add3A_762 : i32
        %add3A_764 = arith.constant 0 : i32
        %add3A_765 = arith.addi %add3A_763, %add3A_764 : i32
        %add3A_766 = arith.constant 32 : i32
        %add3A_767 = arith.addi %squeeze3A_443, %add3A_766 : i32
        %get3A_768 = arith.constant 1 : i32
        %get3A_769 = arith.index_cast %get3A_768 : i32 to index
        %get3A_770 = arith.index_cast %add3A_765 : i32 to index
        %get3A_771 = arith.index_cast %add3A_767 : i32 to index
        %get3A_772 = tpu.vector_load %arg7[%get3A_769, %get3A_770, %get3A_771] {strides = array<i32>} : memref<2x128x128xf32, #tpu.memory_space<vmem>>, vector<16xf32>,
        %add3A_773 = arith.constant 4 : i32
        %add3A_774 = arith.addi %mul3A_467, %add3A_773 : i32
        %add3A_775 = arith.constant 0 : i32
        %add3A_776 = arith.addi %add3A_774, %add3A_775 : i32
        %add3A_777 = arith.constant 48 : i32
        %add3A_778 = arith.addi %squeeze3A_443, %add3A_777 : i32
        %get3A_779 = arith.constant 1 : i32
        %get3A_780 = arith.index_cast %get3A_779 : i32 to index
        %get3A_781 = arith.index_cast %add3A_776 : i32 to index
        %get3A_782 = arith.index_cast %add3A_778 : i32 to index
        %get3A_783 = tpu.vector_load %arg7[%get3A_780, %get3A_781, %get3A_782] {strides = array<i32>} : memref<2x128x128xf32, #tpu.memory_space<vmem>>, vector<16xf32>,
        %add3A_784 = arith.constant 4 : i32
        %add3A_785 = arith.addi %mul3A_467, %add3A_784 : i32
        %add3A_786 = arith.constant 1 : i32
        %add3A_787 = arith.addi %add3A_785, %add3A_786 : i32
        %add3A_788 = arith.constant 0 : i32
        %add3A_789 = arith.addi %squeeze3A_445, %add3A_788 : i32
        %get3A_790 = arith.constant 1 : i32
        %get3A_791 = arith.index_cast %get3A_790 : i32 to index
        %get3A_792 = arith.index_cast %add3A_787 : i32 to index
        %get3A_793 = arith.index_cast %add3A_789 : i32 to index
        %get3A_794 = tpu.vector_load %arg7[%get3A_791, %get3A_792, %get3A_793] {strides = array<i32>} : memref<2x128x128xf32, #tpu.memory_space<vmem>>, vector<16xf32>,
        %add3A_795 = arith.constant 4 : i32
        %add3A_796 = arith.addi %mul3A_467, %add3A_795 : i32
        %add3A_797 = arith.constant 1 : i32
        %add3A_798 = arith.addi %add3A_796, %add3A_797 : i32
        %add3A_799 = arith.constant 16 : i32
        %add3A_800 = arith.addi %squeeze3A_445, %add3A_799 : i32
        %get3A_801 = arith.constant 1 : i32
        %get3A_802 = arith.index_cast %get3A_801 : i32 to index
        %get3A_803 = arith.index_cast %add3A_798 : i32 to index
        %get3A_804 = arith.index_cast %add3A_800 : i32 to index
        %get3A_805 = tpu.vector_load %arg7[%get3A_802, %get3A_803, %get3A_804] {strides = array<i32>} : memref<2x128x128xf32, #tpu.memory_space<vmem>>, vector<16xf32>,
        %add3A_806 = arith.constant 4 : i32
        %add3A_807 = arith.addi %mul3A_467, %add3A_806 : i32
        %add3A_808 = arith.constant 1 : i32
        %add3A_809 = arith.addi %add3A_807, %add3A_808 : i32
        %add3A_810 = arith.constant 32 : i32
        %add3A_811 = arith.addi %squeeze3A_445, %add3A_810 : i32
        %get3A_812 = arith.constant 1 : i32
        %get3A_813 = arith.index_cast %get3A_812 : i32 to index
        %get3A_814 = arith.index_cast %add3A_809 : i32 to index
        %get3A_815 = arith.index_cast %add3A_811 : i32 to index
        %get3A_816 = tpu.vector_load %arg7[%get3A_813, %get3A_814, %get3A_815] {strides = array<i32>} : memref<2x128x128xf32, #tpu.memory_space<vmem>>, vector<16xf32>,
        %add3A_817 = arith.constant 4 : i32
        %add3A_818 = arith.addi %mul3A_467, %add3A_817 : i32
        %add3A_819 = arith.constant 1 : i32
        %add3A_820 = arith.addi %add3A_818, %add3A_819 : i32
        %add3A_821 = arith.constant 48 : i32
        %add3A_822 = arith.addi %squeeze3A_445, %add3A_821 : i32
        %get3A_823 = arith.constant 1 : i32
        %get3A_824 = arith.index_cast %get3A_823 : i32 to index
        %get3A_825 = arith.index_cast %add3A_820 : i32 to index
        %get3A_826 = arith.index_cast %add3A_822 : i32 to index
        %get3A_827 = tpu.vector_load %arg7[%get3A_824, %get3A_825, %get3A_826] {strides = array<i32>} : memref<2x128x128xf32, #tpu.memory_space<vmem>>, vector<16xf32>,
        %add3A_828 = arith.constant 4 : i32
        %add3A_829 = arith.addi %mul3A_467, %add3A_828 : i32
        %add3A_830 = arith.constant 0 : i32
        %add3A_831 = arith.addi %add3A_829, %add3A_830 : i32
        %add3A_832 = vector.broadcast %add3A_831 : i32 to vector<16xi32>
        %add3A_833 = arith.addi %mul3A_40, %add3A_832 : vector<16xi32>
        tpu.vector_store_idx %arg9[%add3A_833], %get3A_750 : memref<8256xf32, #tpu.memory_space<vmem>>[vector<16xi32>], vector<16xf32>,
        %add3A_834 = arith.constant 4 : i32
        %add3A_835 = arith.addi %mul3A_467, %add3A_834 : i32
        %add3A_836 = arith.constant 0 : i32
        %add3A_837 = arith.addi %add3A_835, %add3A_836 : i32
        %add3A_838 = vector.broadcast %add3A_837 : i32 to vector<16xi32>
        %add3A_839 = arith.addi %mul3A_46, %add3A_838 : vector<16xi32>
        tpu.vector_store_idx %arg9[%add3A_839], %get3A_761 : memref<8256xf32, #tpu.memory_space<vmem>>[vector<16xi32>], vector<16xf32>,
        %add3A_840 = arith.constant 4 : i32
        %add3A_841 = arith.addi %mul3A_467, %add3A_840 : i32
        %add3A_842 = arith.constant 0 : i32
        %add3A_843 = arith.addi %add3A_841, %add3A_842 : i32
        %add3A_844 = vector.broadcast %add3A_843 : i32 to vector<16xi32>
        %add3A_845 = arith.addi %mul3A_52, %add3A_844 : vector<16xi32>
        tpu.vector_store_idx %arg9[%add3A_845], %get3A_772 : memref<8256xf32, #tpu.memory_space<vmem>>[vector<16xi32>], vector<16xf32>,
        %add3A_846 = arith.constant 4 : i32
        %add3A_847 = arith.addi %mul3A_467, %add3A_846 : i32
        %add3A_848 = arith.constant 0 : i32
        %add3A_849 = arith.addi %add3A_847, %add3A_848 : i32
        %add3A_850 = vector.broadcast %add3A_849 : i32 to vector<16xi32>
        %add3A_851 = arith.addi %mul3A_58, %add3A_850 : vector<16xi32>
        tpu.vector_store_idx %arg9[%add3A_851], %get3A_783 : memref<8256xf32, #tpu.memory_space<vmem>>[vector<16xi32>], vector<16xf32>,
        %add3A_852 = arith.constant 4 : i32
        %add3A_853 = arith.addi %mul3A_467, %add3A_852 : i32
        %add3A_854 = arith.constant 1 : i32
        %add3A_855 = arith.addi %add3A_853, %add3A_854 : i32
        %add3A_856 = vector.broadcast %add3A_855 : i32 to vector<16xi32>
        %add3A_857 = arith.addi %mul3A_40, %add3A_856 : vector<16xi32>
        tpu.vector_store_idx %arg9[%add3A_857], %get3A_794 : memref<8256xf32, #tpu.memory_space<vmem>>[vector<16xi32>], vector<16xf32>,
        %add3A_858 = arith.constant 4 : i32
        %add3A_859 = arith.addi %mul3A_467, %add3A_858 : i32
        %add3A_860 = arith.constant 1 : i32
        %add3A_861 = arith.addi %add3A_859, %add3A_860 : i32
        %add3A_862 = vector.broadcast %add3A_861 : i32 to vector<16xi32>
        %add3A_863 = arith.addi %mul3A_46, %add3A_862 : vector<16xi32>
        tpu.vector_store_idx %arg9[%add3A_863], %get3A_805 : memref<8256xf32, #tpu.memory_space<vmem>>[vector<16xi32>], vector<16xf32>,
        %add3A_864 = arith.constant 4 : i32
        %add3A_865 = arith.addi %mul3A_467, %add3A_864 : i32
        %add3A_866 = arith.constant 1 : i32
        %add3A_867 = arith.addi %add3A_865, %add3A_866 : i32
        %add3A_868 = vector.broadcast %add3A_867 : i32 to vector<16xi32>
        %add3A_869 = arith.addi %mul3A_52, %add3A_868 : vector<16xi32>
        tpu.vector_store_idx %arg9[%add3A_869], %get3A_816 : memref<8256xf32, #tpu.memory_space<vmem>>[vector<16xi32>], vector<16xf32>,
        %add3A_870 = arith.constant 4 : i32
        %add3A_871 = arith.addi %mul3A_467, %add3A_870 : i32
        %add3A_872 = arith.constant 1 : i32
        %add3A_873 = arith.addi %add3A_871, %add3A_872 : i32
        %add3A_874 = vector.broadcast %add3A_873 : i32 to vector<16xi32>
        %add3A_875 = arith.addi %mul3A_58, %add3A_874 : vector<16xi32>
        tpu.vector_store_idx %arg9[%add3A_875], %get3A_827 : memref<8256xf32, #tpu.memory_space<vmem>>[vector<16xi32>], vector<16xf32>,
        %add3A_876 = arith.constant 6 : i32
        %add3A_877 = arith.addi %mul3A_467, %add3A_876 : i32
        %add3A_878 = arith.constant 0 : i32
        %add3A_879 = arith.addi %add3A_877, %add3A_878 : i32
        %add3A_880 = arith.constant 0 : i32
        %add3A_881 = arith.addi %squeeze3A_447, %add3A_880 : i32
        %get3A_882 = arith.constant 1 : i32
        %get3A_883 = arith.index_cast %get3A_882 : i32 to index
        %get3A_884 = arith.index_cast %add3A_879 : i32 to index
        %get3A_885 = arith.index_cast %add3A_881 : i32 to index
        %get3A_886 = tpu.vector_load %arg7[%get3A_883, %get3A_884, %get3A_885] {strides = array<i32>} : memref<2x128x128xf32, #tpu.memory_space<vmem>>, vector<16xf32>,
        %add3A_887 = arith.constant 6 : i32
        %add3A_888 = arith.addi %mul3A_467, %add3A_887 : i32
        %add3A_889 = arith.constant 0 : i32
        %add3A_890 = arith.addi %add3A_888, %add3A_889 : i32
        %add3A_891 = arith.constant 16 : i32
        %add3A_892 = arith.addi %squeeze3A_447, %add3A_891 : i32
        %get3A_893 = arith.constant 1 : i32
        %get3A_894 = arith.index_cast %get3A_893 : i32 to index
        %get3A_895 = arith.index_cast %add3A_890 : i32 to index
        %get3A_896 = arith.index_cast %add3A_892 : i32 to index
        %get3A_897 = tpu.vector_load %arg7[%get3A_894, %get3A_895, %get3A_896] {strides = array<i32>} : memref<2x128x128xf32, #tpu.memory_space<vmem>>, vector<16xf32>,
        %add3A_898 = arith.constant 6 : i32
        %add3A_899 = arith.addi %mul3A_467, %add3A_898 : i32
        %add3A_900 = arith.constant 0 : i32
        %add3A_901 = arith.addi %add3A_899, %add3A_900 : i32
        %add3A_902 = arith.constant 32 : i32
        %add3A_903 = arith.addi %squeeze3A_447, %add3A_902 : i32
        %get3A_904 = arith.constant 1 : i32
        %get3A_905 = arith.index_cast %get3A_904 : i32 to index
        %get3A_906 = arith.index_cast %add3A_901 : i32 to index
        %get3A_907 = arith.index_cast %add3A_903 : i32 to index
        %get3A_908 = tpu.vector_load %arg7[%get3A_905, %get3A_906, %get3A_907] {strides = array<i32>} : memref<2x128x128xf32, #tpu.memory_space<vmem>>, vector<16xf32>,
        %add3A_909 = arith.constant 6 : i32
        %add3A_910 = arith.addi %mul3A_467, %add3A_909 : i32
        %add3A_911 = arith.constant 0 : i32
        %add3A_912 = arith.addi %add3A_910, %add3A_911 : i32
        %add3A_913 = arith.constant 48 : i32
        %add3A_914 = arith.addi %squeeze3A_447, %add3A_913 : i32
        %get3A_915 = arith.constant 1 : i32
        %get3A_916 = arith.index_cast %get3A_915 : i32 to index
        %get3A_917 = arith.index_cast %add3A_912 : i32 to index
        %get3A_918 = arith.index_cast %add3A_914 : i32 to index
        %get3A_919 = tpu.vector_load %arg7[%get3A_916, %get3A_917, %get3A_918] {strides = array<i32>} : memref<2x128x128xf32, #tpu.memory_space<vmem>>, vector<16xf32>,
        %add3A_920 = arith.constant 6 : i32
        %add3A_921 = arith.addi %mul3A_467, %add3A_920 : i32
        %add3A_922 = arith.constant 1 : i32
        %add3A_923 = arith.addi %add3A_921, %add3A_922 : i32
        %add3A_924 = arith.constant 0 : i32
        %add3A_925 = arith.addi %squeeze3A_449, %add3A_924 : i32
        %get3A_926 = arith.constant 1 : i32
        %get3A_927 = arith.index_cast %get3A_926 : i32 to index
        %get3A_928 = arith.index_cast %add3A_923 : i32 to index
        %get3A_929 = arith.index_cast %add3A_925 : i32 to index
        %get3A_930 = tpu.vector_load %arg7[%get3A_927, %get3A_928, %get3A_929] {strides = array<i32>} : memref<2x128x128xf32, #tpu.memory_space<vmem>>, vector<16xf32>,
        %add3A_931 = arith.constant 6 : i32
        %add3A_932 = arith.addi %mul3A_467, %add3A_931 : i32
        %add3A_933 = arith.constant 1 : i32
        %add3A_934 = arith.addi %add3A_932, %add3A_933 : i32
        %add3A_935 = arith.constant 16 : i32
        %add3A_936 = arith.addi %squeeze3A_449, %add3A_935 : i32
        %get3A_937 = arith.constant 1 : i32
        %get3A_938 = arith.index_cast %get3A_937 : i32 to index
        %get3A_939 = arith.index_cast %add3A_934 : i32 to index
        %get3A_940 = arith.index_cast %add3A_936 : i32 to index
        %get3A_941 = tpu.vector_load %arg7[%get3A_938, %get3A_939, %get3A_940] {strides = array<i32>} : memref<2x128x128xf32, #tpu.memory_space<vmem>>, vector<16xf32>,
        %add3A_942 = arith.constant 6 : i32
        %add3A_943 = arith.addi %mul3A_467, %add3A_942 : i32
        %add3A_944 = arith.constant 1 : i32
        %add3A_945 = arith.addi %add3A_943, %add3A_944 : i32
        %add3A_946 = arith.constant 32 : i32
        %add3A_947 = arith.addi %squeeze3A_449, %add3A_946 : i32
        %get3A_948 = arith.constant 1 : i32
        %get3A_949 = arith.index_cast %get3A_948 : i32 to index
        %get3A_950 = arith.index_cast %add3A_945 : i32 to index
        %get3A_951 = arith.index_cast %add3A_947 : i32 to index
        %get3A_952 = tpu.vector_load %arg7[%get3A_949, %get3A_950, %get3A_951] {strides = array<i32>} : memref<2x128x128xf32, #tpu.memory_space<vmem>>, vector<16xf32>,
        %add3A_953 = arith.constant 6 : i32
        %add3A_954 = arith.addi %mul3A_467, %add3A_953 : i32
        %add3A_955 = arith.constant 1 : i32
        %add3A_956 = arith.addi %add3A_954, %add3A_955 : i32
        %add3A_957 = arith.constant 48 : i32
        %add3A_958 = arith.addi %squeeze3A_449, %add3A_957 : i32
        %get3A_959 = arith.constant 1 : i32
        %get3A_960 = arith.index_cast %get3A_959 : i32 to index
        %get3A_961 = arith.index_cast %add3A_956 : i32 to index
        %get3A_962 = arith.index_cast %add3A_958 : i32 to index
        %get3A_963 = tpu.vector_load %arg7[%get3A_960, %get3A_961, %get3A_962] {strides = array<i32>} : memref<2x128x128xf32, #tpu.memory_space<vmem>>, vector<16xf32>,
        %add3A_964 = arith.constant 6 : i32
        %add3A_965 = arith.addi %mul3A_467, %add3A_964 : i32
        %add3A_966 = arith.constant 0 : i32
        %add3A_967 = arith.addi %add3A_965, %add3A_966 : i32
        %add3A_968 = vector.broadcast %add3A_967 : i32 to vector<16xi32>
        %add3A_969 = arith.addi %mul3A_40, %add3A_968 : vector<16xi32>
        tpu.vector_store_idx %arg9[%add3A_969], %get3A_886 : memref<8256xf32, #tpu.memory_space<vmem>>[vector<16xi32>], vector<16xf32>,
        %add3A_970 = arith.constant 6 : i32
        %add3A_971 = arith.addi %mul3A_467, %add3A_970 : i32
        %add3A_972 = arith.constant 0 : i32
        %add3A_973 = arith.addi %add3A_971, %add3A_972 : i32
        %add3A_974 = vector.broadcast %add3A_973 : i32 to vector<16xi32>
        %add3A_975 = arith.addi %mul3A_46, %add3A_974 : vector<16xi32>
        tpu.vector_store_idx %arg9[%add3A_975], %get3A_897 : memref<8256xf32, #tpu.memory_space<vmem>>[vector<16xi32>], vector<16xf32>,
        %add3A_976 = arith.constant 6 : i32
        %add3A_977 = arith.addi %mul3A_467, %add3A_976 : i32
        %add3A_978 = arith.constant 0 : i32
        %add3A_979 = arith.addi %add3A_977, %add3A_978 : i32
        %add3A_980 = vector.broadcast %add3A_979 : i32 to vector<16xi32>
        %add3A_981 = arith.addi %mul3A_52, %add3A_980 : vector<16xi32>
        tpu.vector_store_idx %arg9[%add3A_981], %get3A_908 : memref<8256xf32, #tpu.memory_space<vmem>>[vector<16xi32>], vector<16xf32>,
        %add3A_982 = arith.constant 6 : i32
        %add3A_983 = arith.addi %mul3A_467, %add3A_982 : i32
        %add3A_984 = arith.constant 0 : i32
        %add3A_985 = arith.addi %add3A_983, %add3A_984 : i32
        %add3A_986 = vector.broadcast %add3A_985 : i32 to vector<16xi32>
        %add3A_987 = arith.addi %mul3A_58, %add3A_986 : vector<16xi32>
        tpu.vector_store_idx %arg9[%add3A_987], %get3A_919 : memref<8256xf32, #tpu.memory_space<vmem>>[vector<16xi32>], vector<16xf32>,
        %add3A_988 = arith.constant 6 : i32
        %add3A_989 = arith.addi %mul3A_467, %add3A_988 : i32
        %add3A_990 = arith.constant 1 : i32
        %add3A_991 = arith.addi %add3A_989, %add3A_990 : i32
        %add3A_992 = vector.broadcast %add3A_991 : i32 to vector<16xi32>
        %add3A_993 = arith.addi %mul3A_40, %add3A_992 : vector<16xi32>
        tpu.vector_store_idx %arg9[%add3A_993], %get3A_930 : memref<8256xf32, #tpu.memory_space<vmem>>[vector<16xi32>], vector<16xf32>,
        %add3A_994 = arith.constant 6 : i32
        %add3A_995 = arith.addi %mul3A_467, %add3A_994 : i32
        %add3A_996 = arith.constant 1 : i32
        %add3A_997 = arith.addi %add3A_995, %add3A_996 : i32
        %add3A_998 = vector.broadcast %add3A_997 : i32 to vector<16xi32>
        %add3A_999 = arith.addi %mul3A_46, %add3A_998 : vector<16xi32>
        tpu.vector_store_idx %arg9[%add3A_999], %get3A_941 : memref<8256xf32, #tpu.memory_space<vmem>>[vector<16xi32>], vector<16xf32>,
        %add3A_1000 = arith.constant 6 : i32
        %add3A_1001 = arith.addi %mul3A_467, %add3A_1000 : i32
        %add3A_1002 = arith.constant 1 : i32
        %add3A_1003 = arith.addi %add3A_1001, %add3A_1002 : i32
        %add3A_1004 = vector.broadcast %add3A_1003 : i32 to vector<16xi32>
        %add3A_1005 = arith.addi %mul3A_52, %add3A_1004 : vector<16xi32>
        tpu.vector_store_idx %arg9[%add3A_1005], %get3A_952 : memref<8256xf32, #tpu.memory_space<vmem>>[vector<16xi32>], vector<16xf32>,
        %add3A_1006 = arith.constant 6 : i32
        %add3A_1007 = arith.addi %mul3A_467, %add3A_1006 : i32
        %add3A_1008 = arith.constant 1 : i32
        %add3A_1009 = arith.addi %add3A_1007, %add3A_1008 : i32
        %add3A_1010 = vector.broadcast %add3A_1009 : i32 to vector<16xi32>
        %add3A_1011 = arith.addi %mul3A_58, %add3A_1010 : vector<16xi32>
        tpu.vector_store_idx %arg9[%add3A_1011], %get3A_963 : memref<8256xf32, #tpu.memory_space<vmem>>[vector<16xi32>], vector<16xf32>,
        %add3A_1012 = arith.constant 8 : i32
        %add3A_1013 = arith.addi %mul3A_467, %add3A_1012 : i32
        %add3A_1014 = arith.constant 0 : i32
        %add3A_1015 = arith.addi %add3A_1013, %add3A_1014 : i32
        %add3A_1016 = arith.constant 0 : i32
        %add3A_1017 = arith.addi %squeeze3A_451, %add3A_1016 : i32
        %get3A_1018 = arith.constant 1 : i32
        %get3A_1019 = arith.index_cast %get3A_1018 : i32 to index
        %get3A_1020 = arith.index_cast %add3A_1015 : i32 to index
        %get3A_1021 = arith.index_cast %add3A_1017 : i32 to index
        %get3A_1022 = tpu.vector_load %arg7[%get3A_1019, %get3A_1020, %get3A_1021] {strides = array<i32>} : memref<2x128x128xf32, #tpu.memory_space<vmem>>, vector<16xf32>,
        %add3A_1023 = arith.constant 8 : i32
        %add3A_1024 = arith.addi %mul3A_467, %add3A_1023 : i32
        %add3A_1025 = arith.constant 0 : i32
        %add3A_1026 = arith.addi %add3A_1024, %add3A_1025 : i32
        %add3A_1027 = arith.constant 16 : i32
        %add3A_1028 = arith.addi %squeeze3A_451, %add3A_1027 : i32
        %get3A_1029 = arith.constant 1 : i32
        %get3A_1030 = arith.index_cast %get3A_1029 : i32 to index
        %get3A_1031 = arith.index_cast %add3A_1026 : i32 to index
        %get3A_1032 = arith.index_cast %add3A_1028 : i32 to index
        %get3A_1033 = tpu.vector_load %arg7[%get3A_1030, %get3A_1031, %get3A_1032] {strides = array<i32>} : memref<2x128x128xf32, #tpu.memory_space<vmem>>, vector<16xf32>,
        %add3A_1034 = arith.constant 8 : i32
        %add3A_1035 = arith.addi %mul3A_467, %add3A_1034 : i32
        %add3A_1036 = arith.constant 0 : i32
        %add3A_1037 = arith.addi %add3A_1035, %add3A_1036 : i32
        %add3A_1038 = arith.constant 32 : i32
        %add3A_1039 = arith.addi %squeeze3A_451, %add3A_1038 : i32
        %get3A_1040 = arith.constant 1 : i32
        %get3A_1041 = arith.index_cast %get3A_1040 : i32 to index
        %get3A_1042 = arith.index_cast %add3A_1037 : i32 to index
        %get3A_1043 = arith.index_cast %add3A_1039 : i32 to index
        %get3A_1044 = tpu.vector_load %arg7[%get3A_1041, %get3A_1042, %get3A_1043] {strides = array<i32>} : memref<2x128x128xf32, #tpu.memory_space<vmem>>, vector<16xf32>,
        %add3A_1045 = arith.constant 8 : i32
        %add3A_1046 = arith.addi %mul3A_467, %add3A_1045 : i32
        %add3A_1047 = arith.constant 0 : i32
        %add3A_1048 = arith.addi %add3A_1046, %add3A_1047 : i32
        %add3A_1049 = arith.constant 48 : i32
        %add3A_1050 = arith.addi %squeeze3A_451, %add3A_1049 : i32
        %get3A_1051 = arith.constant 1 : i32
        %get3A_1052 = arith.index_cast %get3A_1051 : i32 to index
        %get3A_1053 = arith.index_cast %add3A_1048 : i32 to index
        %get3A_1054 = arith.index_cast %add3A_1050 : i32 to index
        %get3A_1055 = tpu.vector_load %arg7[%get3A_1052, %get3A_1053, %get3A_1054] {strides = array<i32>} : memref<2x128x128xf32, #tpu.memory_space<vmem>>, vector<16xf32>,
        %add3A_1056 = arith.constant 8 : i32
        %add3A_1057 = arith.addi %mul3A_467, %add3A_1056 : i32
        %add3A_1058 = arith.constant 1 : i32
        %add3A_1059 = arith.addi %add3A_1057, %add3A_1058 : i32
        %add3A_1060 = arith.constant 0 : i32
        %add3A_1061 = arith.addi %squeeze3A_453, %add3A_1060 : i32
        %get3A_1062 = arith.constant 1 : i32
        %get3A_1063 = arith.index_cast %get3A_1062 : i32 to index
        %get3A_1064 = arith.index_cast %add3A_1059 : i32 to index
        %get3A_1065 = arith.index_cast %add3A_1061 : i32 to index
        %get3A_1066 = tpu.vector_load %arg7[%get3A_1063, %get3A_1064, %get3A_1065] {strides = array<i32>} : memref<2x128x128xf32, #tpu.memory_space<vmem>>, vector<16xf32>,
        %add3A_1067 = arith.constant 8 : i32
        %add3A_1068 = arith.addi %mul3A_467, %add3A_1067 : i32
        %add3A_1069 = arith.constant 1 : i32
        %add3A_1070 = arith.addi %add3A_1068, %add3A_1069 : i32
        %add3A_1071 = arith.constant 16 : i32
        %add3A_1072 = arith.addi %squeeze3A_453, %add3A_1071 : i32
        %get3A_1073 = arith.constant 1 : i32
        %get3A_1074 = arith.index_cast %get3A_1073 : i32 to index
        %get3A_1075 = arith.index_cast %add3A_1070 : i32 to index
        %get3A_1076 = arith.index_cast %add3A_1072 : i32 to index
        %get3A_1077 = tpu.vector_load %arg7[%get3A_1074, %get3A_1075, %get3A_1076] {strides = array<i32>} : memref<2x128x128xf32, #tpu.memory_space<vmem>>, vector<16xf32>,
        %add3A_1078 = arith.constant 8 : i32
        %add3A_1079 = arith.addi %mul3A_467, %add3A_1078 : i32
        %add3A_1080 = arith.constant 1 : i32
        %add3A_1081 = arith.addi %add3A_1079, %add3A_1080 : i32
        %add3A_1082 = arith.constant 32 : i32
        %add3A_1083 = arith.addi %squeeze3A_453, %add3A_1082 : i32
        %get3A_1084 = arith.constant 1 : i32
        %get3A_1085 = arith.index_cast %get3A_1084 : i32 to index
        %get3A_1086 = arith.index_cast %add3A_1081 : i32 to index
        %get3A_1087 = arith.index_cast %add3A_1083 : i32 to index
        %get3A_1088 = tpu.vector_load %arg7[%get3A_1085, %get3A_1086, %get3A_1087] {strides = array<i32>} : memref<2x128x128xf32, #tpu.memory_space<vmem>>, vector<16xf32>,
        %add3A_1089 = arith.constant 8 : i32
        %add3A_1090 = arith.addi %mul3A_467, %add3A_1089 : i32
        %add3A_1091 = arith.constant 1 : i32
        %add3A_1092 = arith.addi %add3A_1090, %add3A_1091 : i32
        %add3A_1093 = arith.constant 48 : i32
        %add3A_1094 = arith.addi %squeeze3A_453, %add3A_1093 : i32
        %get3A_1095 = arith.constant 1 : i32
        %get3A_1096 = arith.index_cast %get3A_1095 : i32 to index
        %get3A_1097 = arith.index_cast %add3A_1092 : i32 to index
        %get3A_1098 = arith.index_cast %add3A_1094 : i32 to index
        %get3A_1099 = tpu.vector_load %arg7[%get3A_1096, %get3A_1097, %get3A_1098] {strides = array<i32>} : memref<2x128x128xf32, #tpu.memory_space<vmem>>, vector<16xf32>,
        %add3A_1100 = arith.constant 8 : i32
        %add3A_1101 = arith.addi %mul3A_467, %add3A_1100 : i32
        %add3A_1102 = arith.constant 0 : i32
        %add3A_1103 = arith.addi %add3A_1101, %add3A_1102 : i32
        %add3A_1104 = vector.broadcast %add3A_1103 : i32 to vector<16xi32>
        %add3A_1105 = arith.addi %mul3A_40, %add3A_1104 : vector<16xi32>
        tpu.vector_store_idx %arg9[%add3A_1105], %get3A_1022 : memref<8256xf32, #tpu.memory_space<vmem>>[vector<16xi32>], vector<16xf32>,
        %add3A_1106 = arith.constant 8 : i32
        %add3A_1107 = arith.addi %mul3A_467, %add3A_1106 : i32
        %add3A_1108 = arith.constant 0 : i32
        %add3A_1109 = arith.addi %add3A_1107, %add3A_1108 : i32
        %add3A_1110 = vector.broadcast %add3A_1109 : i32 to vector<16xi32>
        %add3A_1111 = arith.addi %mul3A_46, %add3A_1110 : vector<16xi32>
        tpu.vector_store_idx %arg9[%add3A_1111], %get3A_1033 : memref<8256xf32, #tpu.memory_space<vmem>>[vector<16xi32>], vector<16xf32>,
        %add3A_1112 = arith.constant 8 : i32
        %add3A_1113 = arith.addi %mul3A_467, %add3A_1112 : i32
        %add3A_1114 = arith.constant 0 : i32
        %add3A_1115 = arith.addi %add3A_1113, %add3A_1114 : i32
        %add3A_1116 = vector.broadcast %add3A_1115 : i32 to vector<16xi32>
        %add3A_1117 = arith.addi %mul3A_52, %add3A_1116 : vector<16xi32>
        tpu.vector_store_idx %arg9[%add3A_1117], %get3A_1044 : memref<8256xf32, #tpu.memory_space<vmem>>[vector<16xi32>], vector<16xf32>,
        %add3A_1118 = arith.constant 8 : i32
        %add3A_1119 = arith.addi %mul3A_467, %add3A_1118 : i32
        %add3A_1120 = arith.constant 0 : i32
        %add3A_1121 = arith.addi %add3A_1119, %add3A_1120 : i32
        %add3A_1122 = vector.broadcast %add3A_1121 : i32 to vector<16xi32>
        %add3A_1123 = arith.addi %mul3A_58, %add3A_1122 : vector<16xi32>
        tpu.vector_store_idx %arg9[%add3A_1123], %get3A_1055 : memref<8256xf32, #tpu.memory_space<vmem>>[vector<16xi32>], vector<16xf32>,
        %add3A_1124 = arith.constant 8 : i32
        %add3A_1125 = arith.addi %mul3A_467, %add3A_1124 : i32
        %add3A_1126 = arith.constant 1 : i32
        %add3A_1127 = arith.addi %add3A_1125, %add3A_1126 : i32
        %add3A_1128 = vector.broadcast %add3A_1127 : i32 to vector<16xi32>
        %add3A_1129 = arith.addi %mul3A_40, %add3A_1128 : vector<16xi32>
        tpu.vector_store_idx %arg9[%add3A_1129], %get3A_1066 : memref<8256xf32, #tpu.memory_space<vmem>>[vector<16xi32>], vector<16xf32>,
        %add3A_1130 = arith.constant 8 : i32
        %add3A_1131 = arith.addi %mul3A_467, %add3A_1130 : i32
        %add3A_1132 = arith.constant 1 : i32
        %add3A_1133 = arith.addi %add3A_1131, %add3A_1132 : i32
        %add3A_1134 = vector.broadcast %add3A_1133 : i32 to vector<16xi32>
        %add3A_1135 = arith.addi %mul3A_46, %add3A_1134 : vector<16xi32>
        tpu.vector_store_idx %arg9[%add3A_1135], %get3A_1077 : memref<8256xf32, #tpu.memory_space<vmem>>[vector<16xi32>], vector<16xf32>,
        %add3A_1136 = arith.constant 8 : i32
        %add3A_1137 = arith.addi %mul3A_467, %add3A_1136 : i32
        %add3A_1138 = arith.constant 1 : i32
        %add3A_1139 = arith.addi %add3A_1137, %add3A_1138 : i32
        %add3A_1140 = vector.broadcast %add3A_1139 : i32 to vector<16xi32>
        %add3A_1141 = arith.addi %mul3A_52, %add3A_1140 : vector<16xi32>
        tpu.vector_store_idx %arg9[%add3A_1141], %get3A_1088 : memref<8256xf32, #tpu.memory_space<vmem>>[vector<16xi32>], vector<16xf32>,
        %add3A_1142 = arith.constant 8 : i32
        %add3A_1143 = arith.addi %mul3A_467, %add3A_1142 : i32
        %add3A_1144 = arith.constant 1 : i32
        %add3A_1145 = arith.addi %add3A_1143, %add3A_1144 : i32
        %add3A_1146 = vector.broadcast %add3A_1145 : i32 to vector<16xi32>
        %add3A_1147 = arith.addi %mul3A_58, %add3A_1146 : vector<16xi32>
        tpu.vector_store_idx %arg9[%add3A_1147], %get3A_1099 : memref<8256xf32, #tpu.memory_space<vmem>>[vector<16xi32>], vector<16xf32>,
        %add3A_1148 = arith.constant 10 : i32
        %add3A_1149 = arith.addi %mul3A_467, %add3A_1148 : i32
        %add3A_1150 = arith.constant 0 : i32
        %add3A_1151 = arith.addi %add3A_1149, %add3A_1150 : i32
        %add3A_1152 = arith.constant 0 : i32
        %add3A_1153 = arith.addi %squeeze3A_455, %add3A_1152 : i32
        %get3A_1154 = arith.constant 1 : i32
        %get3A_1155 = arith.index_cast %get3A_1154 : i32 to index
        %get3A_1156 = arith.index_cast %add3A_1151 : i32 to index
        %get3A_1157 = arith.index_cast %add3A_1153 : i32 to index
        %get3A_1158 = tpu.vector_load %arg7[%get3A_1155, %get3A_1156, %get3A_1157] {strides = array<i32>} : memref<2x128x128xf32, #tpu.memory_space<vmem>>, vector<16xf32>,
        %add3A_1159 = arith.constant 10 : i32
        %add3A_1160 = arith.addi %mul3A_467, %add3A_1159 : i32
        %add3A_1161 = arith.constant 0 : i32
        %add3A_1162 = arith.addi %add3A_1160, %add3A_1161 : i32
        %add3A_1163 = arith.constant 16 : i32
        %add3A_1164 = arith.addi %squeeze3A_455, %add3A_1163 : i32
        %get3A_1165 = arith.constant 1 : i32
        %get3A_1166 = arith.index_cast %get3A_1165 : i32 to index
        %get3A_1167 = arith.index_cast %add3A_1162 : i32 to index
        %get3A_1168 = arith.index_cast %add3A_1164 : i32 to index
        %get3A_1169 = tpu.vector_load %arg7[%get3A_1166, %get3A_1167, %get3A_1168] {strides = array<i32>} : memref<2x128x128xf32, #tpu.memory_space<vmem>>, vector<16xf32>,
        %add3A_1170 = arith.constant 10 : i32
        %add3A_1171 = arith.addi %mul3A_467, %add3A_1170 : i32
        %add3A_1172 = arith.constant 0 : i32
        %add3A_1173 = arith.addi %add3A_1171, %add3A_1172 : i32
        %add3A_1174 = arith.constant 32 : i32
        %add3A_1175 = arith.addi %squeeze3A_455, %add3A_1174 : i32
        %get3A_1176 = arith.constant 1 : i32
        %get3A_1177 = arith.index_cast %get3A_1176 : i32 to index
        %get3A_1178 = arith.index_cast %add3A_1173 : i32 to index
        %get3A_1179 = arith.index_cast %add3A_1175 : i32 to index
        %get3A_1180 = tpu.vector_load %arg7[%get3A_1177, %get3A_1178, %get3A_1179] {strides = array<i32>} : memref<2x128x128xf32, #tpu.memory_space<vmem>>, vector<16xf32>,
        %add3A_1181 = arith.constant 10 : i32
        %add3A_1182 = arith.addi %mul3A_467, %add3A_1181 : i32
        %add3A_1183 = arith.constant 0 : i32
        %add3A_1184 = arith.addi %add3A_1182, %add3A_1183 : i32
        %add3A_1185 = arith.constant 48 : i32
        %add3A_1186 = arith.addi %squeeze3A_455, %add3A_1185 : i32
        %get3A_1187 = arith.constant 1 : i32
        %get3A_1188 = arith.index_cast %get3A_1187 : i32 to index
        %get3A_1189 = arith.index_cast %add3A_1184 : i32 to index
        %get3A_1190 = arith.index_cast %add3A_1186 : i32 to index
        %get3A_1191 = tpu.vector_load %arg7[%get3A_1188, %get3A_1189, %get3A_1190] {strides = array<i32>} : memref<2x128x128xf32, #tpu.memory_space<vmem>>, vector<16xf32>,
        %add3A_1192 = arith.constant 10 : i32
        %add3A_1193 = arith.addi %mul3A_467, %add3A_1192 : i32
        %add3A_1194 = arith.constant 1 : i32
        %add3A_1195 = arith.addi %add3A_1193, %add3A_1194 : i32
        %add3A_1196 = arith.constant 0 : i32
        %add3A_1197 = arith.addi %squeeze3A_457, %add3A_1196 : i32
        %get3A_1198 = arith.constant 1 : i32
        %get3A_1199 = arith.index_cast %get3A_1198 : i32 to index
        %get3A_1200 = arith.index_cast %add3A_1195 : i32 to index
        %get3A_1201 = arith.index_cast %add3A_1197 : i32 to index
        %get3A_1202 = tpu.vector_load %arg7[%get3A_1199, %get3A_1200, %get3A_1201] {strides = array<i32>} : memref<2x128x128xf32, #tpu.memory_space<vmem>>, vector<16xf32>,
        %add3A_1203 = arith.constant 10 : i32
        %add3A_1204 = arith.addi %mul3A_467, %add3A_1203 : i32
        %add3A_1205 = arith.constant 1 : i32
        %add3A_1206 = arith.addi %add3A_1204, %add3A_1205 : i32
        %add3A_1207 = arith.constant 16 : i32
        %add3A_1208 = arith.addi %squeeze3A_457, %add3A_1207 : i32
        %get3A_1209 = arith.constant 1 : i32
        %get3A_1210 = arith.index_cast %get3A_1209 : i32 to index
        %get3A_1211 = arith.index_cast %add3A_1206 : i32 to index
        %get3A_1212 = arith.index_cast %add3A_1208 : i32 to index
        %get3A_1213 = tpu.vector_load %arg7[%get3A_1210, %get3A_1211, %get3A_1212] {strides = array<i32>} : memref<2x128x128xf32, #tpu.memory_space<vmem>>, vector<16xf32>,
        %add3A_1214 = arith.constant 10 : i32
        %add3A_1215 = arith.addi %mul3A_467, %add3A_1214 : i32
        %add3A_1216 = arith.constant 1 : i32
        %add3A_1217 = arith.addi %add3A_1215, %add3A_1216 : i32
        %add3A_1218 = arith.constant 32 : i32
        %add3A_1219 = arith.addi %squeeze3A_457, %add3A_1218 : i32
        %get3A_1220 = arith.constant 1 : i32
        %get3A_1221 = arith.index_cast %get3A_1220 : i32 to index
        %get3A_1222 = arith.index_cast %add3A_1217 : i32 to index
        %get3A_1223 = arith.index_cast %add3A_1219 : i32 to index
        %get3A_1224 = tpu.vector_load %arg7[%get3A_1221, %get3A_1222, %get3A_1223] {strides = array<i32>} : memref<2x128x128xf32, #tpu.memory_space<vmem>>, vector<16xf32>,
        %add3A_1225 = arith.constant 10 : i32
        %add3A_1226 = arith.addi %mul3A_467, %add3A_1225 : i32
        %add3A_1227 = arith.constant 1 : i32
        %add3A_1228 = arith.addi %add3A_1226, %add3A_1227 : i32
        %add3A_1229 = arith.constant 48 : i32
        %add3A_1230 = arith.addi %squeeze3A_457, %add3A_1229 : i32
        %get3A_1231 = arith.constant 1 : i32
        %get3A_1232 = arith.index_cast %get3A_1231 : i32 to index
        %get3A_1233 = arith.index_cast %add3A_1228 : i32 to index
        %get3A_1234 = arith.index_cast %add3A_1230 : i32 to index
        %get3A_1235 = tpu.vector_load %arg7[%get3A_1232, %get3A_1233, %get3A_1234] {strides = array<i32>} : memref<2x128x128xf32, #tpu.memory_space<vmem>>, vector<16xf32>,
        %add3A_1236 = arith.constant 10 : i32
        %add3A_1237 = arith.addi %mul3A_467, %add3A_1236 : i32
        %add3A_1238 = arith.constant 0 : i32
        %add3A_1239 = arith.addi %add3A_1237, %add3A_1238 : i32
        %add3A_1240 = vector.broadcast %add3A_1239 : i32 to vector<16xi32>
        %add3A_1241 = arith.addi %mul3A_40, %add3A_1240 : vector<16xi32>
        tpu.vector_store_idx %arg9[%add3A_1241], %get3A_1158 : memref<8256xf32, #tpu.memory_space<vmem>>[vector<16xi32>], vector<16xf32>,
        %add3A_1242 = arith.constant 10 : i32
        %add3A_1243 = arith.addi %mul3A_467, %add3A_1242 : i32
        %add3A_1244 = arith.constant 0 : i32
        %add3A_1245 = arith.addi %add3A_1243, %add3A_1244 : i32
        %add3A_1246 = vector.broadcast %add3A_1245 : i32 to vector<16xi32>
        %add3A_1247 = arith.addi %mul3A_46, %add3A_1246 : vector<16xi32>
        tpu.vector_store_idx %arg9[%add3A_1247], %get3A_1169 : memref<8256xf32, #tpu.memory_space<vmem>>[vector<16xi32>], vector<16xf32>,
        %add3A_1248 = arith.constant 10 : i32
        %add3A_1249 = arith.addi %mul3A_467, %add3A_1248 : i32
        %add3A_1250 = arith.constant 0 : i32
        %add3A_1251 = arith.addi %add3A_1249, %add3A_1250 : i32
        %add3A_1252 = vector.broadcast %add3A_1251 : i32 to vector<16xi32>
        %add3A_1253 = arith.addi %mul3A_52, %add3A_1252 : vector<16xi32>
        tpu.vector_store_idx %arg9[%add3A_1253], %get3A_1180 : memref<8256xf32, #tpu.memory_space<vmem>>[vector<16xi32>], vector<16xf32>,
        %add3A_1254 = arith.constant 10 : i32
        %add3A_1255 = arith.addi %mul3A_467, %add3A_1254 : i32
        %add3A_1256 = arith.constant 0 : i32
        %add3A_1257 = arith.addi %add3A_1255, %add3A_1256 : i32
        %add3A_1258 = vector.broadcast %add3A_1257 : i32 to vector<16xi32>
        %add3A_1259 = arith.addi %mul3A_58, %add3A_1258 : vector<16xi32>
        tpu.vector_store_idx %arg9[%add3A_1259], %get3A_1191 : memref<8256xf32, #tpu.memory_space<vmem>>[vector<16xi32>], vector<16xf32>,
        %add3A_1260 = arith.constant 10 : i32
        %add3A_1261 = arith.addi %mul3A_467, %add3A_1260 : i32
        %add3A_1262 = arith.constant 1 : i32
        %add3A_1263 = arith.addi %add3A_1261, %add3A_1262 : i32
        %add3A_1264 = vector.broadcast %add3A_1263 : i32 to vector<16xi32>
        %add3A_1265 = arith.addi %mul3A_40, %add3A_1264 : vector<16xi32>
        tpu.vector_store_idx %arg9[%add3A_1265], %get3A_1202 : memref<8256xf32, #tpu.memory_space<vmem>>[vector<16xi32>], vector<16xf32>,
        %add3A_1266 = arith.constant 10 : i32
        %add3A_1267 = arith.addi %mul3A_467, %add3A_1266 : i32
        %add3A_1268 = arith.constant 1 : i32
        %add3A_1269 = arith.addi %add3A_1267, %add3A_1268 : i32
        %add3A_1270 = vector.broadcast %add3A_1269 : i32 to vector<16xi32>
        %add3A_1271 = arith.addi %mul3A_46, %add3A_1270 : vector<16xi32>
        tpu.vector_store_idx %arg9[%add3A_1271], %get3A_1213 : memref<8256xf32, #tpu.memory_space<vmem>>[vector<16xi32>], vector<16xf32>,
        %add3A_1272 = arith.constant 10 : i32
        %add3A_1273 = arith.addi %mul3A_467, %add3A_1272 : i32
        %add3A_1274 = arith.constant 1 : i32
        %add3A_1275 = arith.addi %add3A_1273, %add3A_1274 : i32
        %add3A_1276 = vector.broadcast %add3A_1275 : i32 to vector<16xi32>
        %add3A_1277 = arith.addi %mul3A_52, %add3A_1276 : vector<16xi32>
        tpu.vector_store_idx %arg9[%add3A_1277], %get3A_1224 : memref<8256xf32, #tpu.memory_space<vmem>>[vector<16xi32>], vector<16xf32>,
        %add3A_1278 = arith.constant 10 : i32
        %add3A_1279 = arith.addi %mul3A_467, %add3A_1278 : i32
        %add3A_1280 = arith.constant 1 : i32
        %add3A_1281 = arith.addi %add3A_1279, %add3A_1280 : i32
        %add3A_1282 = vector.broadcast %add3A_1281 : i32 to vector<16xi32>
        %add3A_1283 = arith.addi %mul3A_58, %add3A_1282 : vector<16xi32>
        tpu.vector_store_idx %arg9[%add3A_1283], %get3A_1235 : memref<8256xf32, #tpu.memory_space<vmem>>[vector<16xi32>], vector<16xf32>,
        %add3A_1284 = arith.constant 12 : i32
        %add3A_1285 = arith.addi %mul3A_467, %add3A_1284 : i32
        %add3A_1286 = arith.constant 0 : i32
        %add3A_1287 = arith.addi %add3A_1285, %add3A_1286 : i32
        %add3A_1288 = arith.constant 0 : i32
        %add3A_1289 = arith.addi %squeeze3A_459, %add3A_1288 : i32
        %get3A_1290 = arith.constant 1 : i32
        %get3A_1291 = arith.index_cast %get3A_1290 : i32 to index
        %get3A_1292 = arith.index_cast %add3A_1287 : i32 to index
        %get3A_1293 = arith.index_cast %add3A_1289 : i32 to index
        %get3A_1294 = tpu.vector_load %arg7[%get3A_1291, %get3A_1292, %get3A_1293] {strides = array<i32>} : memref<2x128x128xf32, #tpu.memory_space<vmem>>, vector<16xf32>,
        %add3A_1295 = arith.constant 12 : i32
        %add3A_1296 = arith.addi %mul3A_467, %add3A_1295 : i32
        %add3A_1297 = arith.constant 0 : i32
        %add3A_1298 = arith.addi %add3A_1296, %add3A_1297 : i32
        %add3A_1299 = arith.constant 16 : i32
        %add3A_1300 = arith.addi %squeeze3A_459, %add3A_1299 : i32
        %get3A_1301 = arith.constant 1 : i32
        %get3A_1302 = arith.index_cast %get3A_1301 : i32 to index
        %get3A_1303 = arith.index_cast %add3A_1298 : i32 to index
        %get3A_1304 = arith.index_cast %add3A_1300 : i32 to index
        %get3A_1305 = tpu.vector_load %arg7[%get3A_1302, %get3A_1303, %get3A_1304] {strides = array<i32>} : memref<2x128x128xf32, #tpu.memory_space<vmem>>, vector<16xf32>,
        %add3A_1306 = arith.constant 12 : i32
        %add3A_1307 = arith.addi %mul3A_467, %add3A_1306 : i32
        %add3A_1308 = arith.constant 0 : i32
        %add3A_1309 = arith.addi %add3A_1307, %add3A_1308 : i32
        %add3A_1310 = arith.constant 32 : i32
        %add3A_1311 = arith.addi %squeeze3A_459, %add3A_1310 : i32
        %get3A_1312 = arith.constant 1 : i32
        %get3A_1313 = arith.index_cast %get3A_1312 : i32 to index
        %get3A_1314 = arith.index_cast %add3A_1309 : i32 to index
        %get3A_1315 = arith.index_cast %add3A_1311 : i32 to index
        %get3A_1316 = tpu.vector_load %arg7[%get3A_1313, %get3A_1314, %get3A_1315] {strides = array<i32>} : memref<2x128x128xf32, #tpu.memory_space<vmem>>, vector<16xf32>,
        %add3A_1317 = arith.constant 12 : i32
        %add3A_1318 = arith.addi %mul3A_467, %add3A_1317 : i32
        %add3A_1319 = arith.constant 0 : i32
        %add3A_1320 = arith.addi %add3A_1318, %add3A_1319 : i32
        %add3A_1321 = arith.constant 48 : i32
        %add3A_1322 = arith.addi %squeeze3A_459, %add3A_1321 : i32
        %get3A_1323 = arith.constant 1 : i32
        %get3A_1324 = arith.index_cast %get3A_1323 : i32 to index
        %get3A_1325 = arith.index_cast %add3A_1320 : i32 to index
        %get3A_1326 = arith.index_cast %add3A_1322 : i32 to index
        %get3A_1327 = tpu.vector_load %arg7[%get3A_1324, %get3A_1325, %get3A_1326] {strides = array<i32>} : memref<2x128x128xf32, #tpu.memory_space<vmem>>, vector<16xf32>,
        %add3A_1328 = arith.constant 12 : i32
        %add3A_1329 = arith.addi %mul3A_467, %add3A_1328 : i32
        %add3A_1330 = arith.constant 1 : i32
        %add3A_1331 = arith.addi %add3A_1329, %add3A_1330 : i32
        %add3A_1332 = arith.constant 0 : i32
        %add3A_1333 = arith.addi %squeeze3A_461, %add3A_1332 : i32
        %get3A_1334 = arith.constant 1 : i32
        %get3A_1335 = arith.index_cast %get3A_1334 : i32 to index
        %get3A_1336 = arith.index_cast %add3A_1331 : i32 to index
        %get3A_1337 = arith.index_cast %add3A_1333 : i32 to index
        %get3A_1338 = tpu.vector_load %arg7[%get3A_1335, %get3A_1336, %get3A_1337] {strides = array<i32>} : memref<2x128x128xf32, #tpu.memory_space<vmem>>, vector<16xf32>,
        %add3A_1339 = arith.constant 12 : i32
        %add3A_1340 = arith.addi %mul3A_467, %add3A_1339 : i32
        %add3A_1341 = arith.constant 1 : i32
        %add3A_1342 = arith.addi %add3A_1340, %add3A_1341 : i32
        %add3A_1343 = arith.constant 16 : i32
        %add3A_1344 = arith.addi %squeeze3A_461, %add3A_1343 : i32
        %get3A_1345 = arith.constant 1 : i32
        %get3A_1346 = arith.index_cast %get3A_1345 : i32 to index
        %get3A_1347 = arith.index_cast %add3A_1342 : i32 to index
        %get3A_1348 = arith.index_cast %add3A_1344 : i32 to index
        %get3A_1349 = tpu.vector_load %arg7[%get3A_1346, %get3A_1347, %get3A_1348] {strides = array<i32>} : memref<2x128x128xf32, #tpu.memory_space<vmem>>, vector<16xf32>,
        %add3A_1350 = arith.constant 12 : i32
        %add3A_1351 = arith.addi %mul3A_467, %add3A_1350 : i32
        %add3A_1352 = arith.constant 1 : i32
        %add3A_1353 = arith.addi %add3A_1351, %add3A_1352 : i32
        %add3A_1354 = arith.constant 32 : i32
        %add3A_1355 = arith.addi %squeeze3A_461, %add3A_1354 : i32
        %get3A_1356 = arith.constant 1 : i32
        %get3A_1357 = arith.index_cast %get3A_1356 : i32 to index
        %get3A_1358 = arith.index_cast %add3A_1353 : i32 to index
        %get3A_1359 = arith.index_cast %add3A_1355 : i32 to index
        %get3A_1360 = tpu.vector_load %arg7[%get3A_1357, %get3A_1358, %get3A_1359] {strides = array<i32>} : memref<2x128x128xf32, #tpu.memory_space<vmem>>, vector<16xf32>,
        %add3A_1361 = arith.constant 12 : i32
        %add3A_1362 = arith.addi %mul3A_467, %add3A_1361 : i32
        %add3A_1363 = arith.constant 1 : i32
        %add3A_1364 = arith.addi %add3A_1362, %add3A_1363 : i32
        %add3A_1365 = arith.constant 48 : i32
        %add3A_1366 = arith.addi %squeeze3A_461, %add3A_1365 : i32
        %get3A_1367 = arith.constant 1 : i32
        %get3A_1368 = arith.index_cast %get3A_1367 : i32 to index
        %get3A_1369 = arith.index_cast %add3A_1364 : i32 to index
        %get3A_1370 = arith.index_cast %add3A_1366 : i32 to index
        %get3A_1371 = tpu.vector_load %arg7[%get3A_1368, %get3A_1369, %get3A_1370] {strides = array<i32>} : memref<2x128x128xf32, #tpu.memory_space<vmem>>, vector<16xf32>,
        %add3A_1372 = arith.constant 12 : i32
        %add3A_1373 = arith.addi %mul3A_467, %add3A_1372 : i32
        %add3A_1374 = arith.constant 0 : i32
        %add3A_1375 = arith.addi %add3A_1373, %add3A_1374 : i32
        %add3A_1376 = vector.broadcast %add3A_1375 : i32 to vector<16xi32>
        %add3A_1377 = arith.addi %mul3A_40, %add3A_1376 : vector<16xi32>
        tpu.vector_store_idx %arg9[%add3A_1377], %get3A_1294 : memref<8256xf32, #tpu.memory_space<vmem>>[vector<16xi32>], vector<16xf32>,
        %add3A_1378 = arith.constant 12 : i32
        %add3A_1379 = arith.addi %mul3A_467, %add3A_1378 : i32
        %add3A_1380 = arith.constant 0 : i32
        %add3A_1381 = arith.addi %add3A_1379, %add3A_1380 : i32
        %add3A_1382 = vector.broadcast %add3A_1381 : i32 to vector<16xi32>
        %add3A_1383 = arith.addi %mul3A_46, %add3A_1382 : vector<16xi32>
        tpu.vector_store_idx %arg9[%add3A_1383], %get3A_1305 : memref<8256xf32, #tpu.memory_space<vmem>>[vector<16xi32>], vector<16xf32>,
        %add3A_1384 = arith.constant 12 : i32
        %add3A_1385 = arith.addi %mul3A_467, %add3A_1384 : i32
        %add3A_1386 = arith.constant 0 : i32
        %add3A_1387 = arith.addi %add3A_1385, %add3A_1386 : i32
        %add3A_1388 = vector.broadcast %add3A_1387 : i32 to vector<16xi32>
        %add3A_1389 = arith.addi %mul3A_52, %add3A_1388 : vector<16xi32>
        tpu.vector_store_idx %arg9[%add3A_1389], %get3A_1316 : memref<8256xf32, #tpu.memory_space<vmem>>[vector<16xi32>], vector<16xf32>,
        %add3A_1390 = arith.constant 12 : i32
        %add3A_1391 = arith.addi %mul3A_467, %add3A_1390 : i32
        %add3A_1392 = arith.constant 0 : i32
        %add3A_1393 = arith.addi %add3A_1391, %add3A_1392 : i32
        %add3A_1394 = vector.broadcast %add3A_1393 : i32 to vector<16xi32>
        %add3A_1395 = arith.addi %mul3A_58, %add3A_1394 : vector<16xi32>
        tpu.vector_store_idx %arg9[%add3A_1395], %get3A_1327 : memref<8256xf32, #tpu.memory_space<vmem>>[vector<16xi32>], vector<16xf32>,
        %add3A_1396 = arith.constant 12 : i32
        %add3A_1397 = arith.addi %mul3A_467, %add3A_1396 : i32
        %add3A_1398 = arith.constant 1 : i32
        %add3A_1399 = arith.addi %add3A_1397, %add3A_1398 : i32
        %add3A_1400 = vector.broadcast %add3A_1399 : i32 to vector<16xi32>
        %add3A_1401 = arith.addi %mul3A_40, %add3A_1400 : vector<16xi32>
        tpu.vector_store_idx %arg9[%add3A_1401], %get3A_1338 : memref<8256xf32, #tpu.memory_space<vmem>>[vector<16xi32>], vector<16xf32>,
        %add3A_1402 = arith.constant 12 : i32
        %add3A_1403 = arith.addi %mul3A_467, %add3A_1402 : i32
        %add3A_1404 = arith.constant 1 : i32
        %add3A_1405 = arith.addi %add3A_1403, %add3A_1404 : i32
        %add3A_1406 = vector.broadcast %add3A_1405 : i32 to vector<16xi32>
        %add3A_1407 = arith.addi %mul3A_46, %add3A_1406 : vector<16xi32>
        tpu.vector_store_idx %arg9[%add3A_1407], %get3A_1349 : memref<8256xf32, #tpu.memory_space<vmem>>[vector<16xi32>], vector<16xf32>,
        %add3A_1408 = arith.constant 12 : i32
        %add3A_1409 = arith.addi %mul3A_467, %add3A_1408 : i32
        %add3A_1410 = arith.constant 1 : i32
        %add3A_1411 = arith.addi %add3A_1409, %add3A_1410 : i32
        %add3A_1412 = vector.broadcast %add3A_1411 : i32 to vector<16xi32>
        %add3A_1413 = arith.addi %mul3A_52, %add3A_1412 : vector<16xi32>
        tpu.vector_store_idx %arg9[%add3A_1413], %get3A_1360 : memref<8256xf32, #tpu.memory_space<vmem>>[vector<16xi32>], vector<16xf32>,
        %add3A_1414 = arith.constant 12 : i32
        %add3A_1415 = arith.addi %mul3A_467, %add3A_1414 : i32
        %add3A_1416 = arith.constant 1 : i32
        %add3A_1417 = arith.addi %add3A_1415, %add3A_1416 : i32
        %add3A_1418 = vector.broadcast %add3A_1417 : i32 to vector<16xi32>
        %add3A_1419 = arith.addi %mul3A_58, %add3A_1418 : vector<16xi32>
        tpu.vector_store_idx %arg9[%add3A_1419], %get3A_1371 : memref<8256xf32, #tpu.memory_space<vmem>>[vector<16xi32>], vector<16xf32>,
        %add3A_1420 = arith.constant 14 : i32
        %add3A_1421 = arith.addi %mul3A_467, %add3A_1420 : i32
        %add3A_1422 = arith.constant 0 : i32
        %add3A_1423 = arith.addi %add3A_1421, %add3A_1422 : i32
        %add3A_1424 = arith.constant 0 : i32
        %add3A_1425 = arith.addi %squeeze3A_463, %add3A_1424 : i32
        %get3A_1426 = arith.constant 1 : i32
        %get3A_1427 = arith.index_cast %get3A_1426 : i32 to index
        %get3A_1428 = arith.index_cast %add3A_1423 : i32 to index
        %get3A_1429 = arith.index_cast %add3A_1425 : i32 to index
        %get3A_1430 = tpu.vector_load %arg7[%get3A_1427, %get3A_1428, %get3A_1429] {strides = array<i32>} : memref<2x128x128xf32, #tpu.memory_space<vmem>>, vector<16xf32>,
        %add3A_1431 = arith.constant 14 : i32
        %add3A_1432 = arith.addi %mul3A_467, %add3A_1431 : i32
        %add3A_1433 = arith.constant 0 : i32
        %add3A_1434 = arith.addi %add3A_1432, %add3A_1433 : i32
        %add3A_1435 = arith.constant 16 : i32
        %add3A_1436 = arith.addi %squeeze3A_463, %add3A_1435 : i32
        %get3A_1437 = arith.constant 1 : i32
        %get3A_1438 = arith.index_cast %get3A_1437 : i32 to index
        %get3A_1439 = arith.index_cast %add3A_1434 : i32 to index
        %get3A_1440 = arith.index_cast %add3A_1436 : i32 to index
        %get3A_1441 = tpu.vector_load %arg7[%get3A_1438, %get3A_1439, %get3A_1440] {strides = array<i32>} : memref<2x128x128xf32, #tpu.memory_space<vmem>>, vector<16xf32>,
        %add3A_1442 = arith.constant 14 : i32
        %add3A_1443 = arith.addi %mul3A_467, %add3A_1442 : i32
        %add3A_1444 = arith.constant 0 : i32
        %add3A_1445 = arith.addi %add3A_1443, %add3A_1444 : i32
        %add3A_1446 = arith.constant 32 : i32
        %add3A_1447 = arith.addi %squeeze3A_463, %add3A_1446 : i32
        %get3A_1448 = arith.constant 1 : i32
        %get3A_1449 = arith.index_cast %get3A_1448 : i32 to index
        %get3A_1450 = arith.index_cast %add3A_1445 : i32 to index
        %get3A_1451 = arith.index_cast %add3A_1447 : i32 to index
        %get3A_1452 = tpu.vector_load %arg7[%get3A_1449, %get3A_1450, %get3A_1451] {strides = array<i32>} : memref<2x128x128xf32, #tpu.memory_space<vmem>>, vector<16xf32>,
        %add3A_1453 = arith.constant 14 : i32
        %add3A_1454 = arith.addi %mul3A_467, %add3A_1453 : i32
        %add3A_1455 = arith.constant 0 : i32
        %add3A_1456 = arith.addi %add3A_1454, %add3A_1455 : i32
        %add3A_1457 = arith.constant 48 : i32
        %add3A_1458 = arith.addi %squeeze3A_463, %add3A_1457 : i32
        %get3A_1459 = arith.constant 1 : i32
        %get3A_1460 = arith.index_cast %get3A_1459 : i32 to index
        %get3A_1461 = arith.index_cast %add3A_1456 : i32 to index
        %get3A_1462 = arith.index_cast %add3A_1458 : i32 to index
        %get3A_1463 = tpu.vector_load %arg7[%get3A_1460, %get3A_1461, %get3A_1462] {strides = array<i32>} : memref<2x128x128xf32, #tpu.memory_space<vmem>>, vector<16xf32>,
        %add3A_1464 = arith.constant 14 : i32
        %add3A_1465 = arith.addi %mul3A_467, %add3A_1464 : i32
        %add3A_1466 = arith.constant 1 : i32
        %add3A_1467 = arith.addi %add3A_1465, %add3A_1466 : i32
        %add3A_1468 = arith.constant 0 : i32
        %add3A_1469 = arith.addi %squeeze3A_465, %add3A_1468 : i32
        %get3A_1470 = arith.constant 1 : i32
        %get3A_1471 = arith.index_cast %get3A_1470 : i32 to index
        %get3A_1472 = arith.index_cast %add3A_1467 : i32 to index
        %get3A_1473 = arith.index_cast %add3A_1469 : i32 to index
        %get3A_1474 = tpu.vector_load %arg7[%get3A_1471, %get3A_1472, %get3A_1473] {strides = array<i32>} : memref<2x128x128xf32, #tpu.memory_space<vmem>>, vector<16xf32>,
        %add3A_1475 = arith.constant 14 : i32
        %add3A_1476 = arith.addi %mul3A_467, %add3A_1475 : i32
        %add3A_1477 = arith.constant 1 : i32
        %add3A_1478 = arith.addi %add3A_1476, %add3A_1477 : i32
        %add3A_1479 = arith.constant 16 : i32
        %add3A_1480 = arith.addi %squeeze3A_465, %add3A_1479 : i32
        %get3A_1481 = arith.constant 1 : i32
        %get3A_1482 = arith.index_cast %get3A_1481 : i32 to index
        %get3A_1483 = arith.index_cast %add3A_1478 : i32 to index
        %get3A_1484 = arith.index_cast %add3A_1480 : i32 to index
        %get3A_1485 = tpu.vector_load %arg7[%get3A_1482, %get3A_1483, %get3A_1484] {strides = array<i32>} : memref<2x128x128xf32, #tpu.memory_space<vmem>>, vector<16xf32>,
        %add3A_1486 = arith.constant 14 : i32
        %add3A_1487 = arith.addi %mul3A_467, %add3A_1486 : i32
        %add3A_1488 = arith.constant 1 : i32
        %add3A_1489 = arith.addi %add3A_1487, %add3A_1488 : i32
        %add3A_1490 = arith.constant 32 : i32
        %add3A_1491 = arith.addi %squeeze3A_465, %add3A_1490 : i32
        %get3A_1492 = arith.constant 1 : i32
        %get3A_1493 = arith.index_cast %get3A_1492 : i32 to index
        %get3A_1494 = arith.index_cast %add3A_1489 : i32 to index
        %get3A_1495 = arith.index_cast %add3A_1491 : i32 to index
        %get3A_1496 = tpu.vector_load %arg7[%get3A_1493, %get3A_1494, %get3A_1495] {strides = array<i32>} : memref<2x128x128xf32, #tpu.memory_space<vmem>>, vector<16xf32>,
        %add3A_1497 = arith.constant 14 : i32
        %add3A_1498 = arith.addi %mul3A_467, %add3A_1497 : i32
        %add3A_1499 = arith.constant 1 : i32
        %add3A_1500 = arith.addi %add3A_1498, %add3A_1499 : i32
        %add3A_1501 = arith.constant 48 : i32
        %add3A_1502 = arith.addi %squeeze3A_465, %add3A_1501 : i32
        %get3A_1503 = arith.constant 1 : i32
        %get3A_1504 = arith.index_cast %get3A_1503 : i32 to index
        %get3A_1505 = arith.index_cast %add3A_1500 : i32 to index
        %get3A_1506 = arith.index_cast %add3A_1502 : i32 to index
        %get3A_1507 = tpu.vector_load %arg7[%get3A_1504, %get3A_1505, %get3A_1506] {strides = array<i32>} : memref<2x128x128xf32, #tpu.memory_space<vmem>>, vector<16xf32>,
        %add3A_1508 = arith.constant 14 : i32
        %add3A_1509 = arith.addi %mul3A_467, %add3A_1508 : i32
        %add3A_1510 = arith.constant 0 : i32
        %add3A_1511 = arith.addi %add3A_1509, %add3A_1510 : i32
        %add3A_1512 = vector.broadcast %add3A_1511 : i32 to vector<16xi32>
        %add3A_1513 = arith.addi %mul3A_40, %add3A_1512 : vector<16xi32>
        tpu.vector_store_idx %arg9[%add3A_1513], %get3A_1430 : memref<8256xf32, #tpu.memory_space<vmem>>[vector<16xi32>], vector<16xf32>,
        %add3A_1514 = arith.constant 14 : i32
        %add3A_1515 = arith.addi %mul3A_467, %add3A_1514 : i32
        %add3A_1516 = arith.constant 0 : i32
        %add3A_1517 = arith.addi %add3A_1515, %add3A_1516 : i32
        %add3A_1518 = vector.broadcast %add3A_1517 : i32 to vector<16xi32>
        %add3A_1519 = arith.addi %mul3A_46, %add3A_1518 : vector<16xi32>
        tpu.vector_store_idx %arg9[%add3A_1519], %get3A_1441 : memref<8256xf32, #tpu.memory_space<vmem>>[vector<16xi32>], vector<16xf32>,
        %add3A_1520 = arith.constant 14 : i32
        %add3A_1521 = arith.addi %mul3A_467, %add3A_1520 : i32
        %add3A_1522 = arith.constant 0 : i32
        %add3A_1523 = arith.addi %add3A_1521, %add3A_1522 : i32
        %add3A_1524 = vector.broadcast %add3A_1523 : i32 to vector<16xi32>
        %add3A_1525 = arith.addi %mul3A_52, %add3A_1524 : vector<16xi32>
        tpu.vector_store_idx %arg9[%add3A_1525], %get3A_1452 : memref<8256xf32, #tpu.memory_space<vmem>>[vector<16xi32>], vector<16xf32>,
        %add3A_1526 = arith.constant 14 : i32
        %add3A_1527 = arith.addi %mul3A_467, %add3A_1526 : i32
        %add3A_1528 = arith.constant 0 : i32
        %add3A_1529 = arith.addi %add3A_1527, %add3A_1528 : i32
        %add3A_1530 = vector.broadcast %add3A_1529 : i32 to vector<16xi32>
        %add3A_1531 = arith.addi %mul3A_58, %add3A_1530 : vector<16xi32>
        tpu.vector_store_idx %arg9[%add3A_1531], %get3A_1463 : memref<8256xf32, #tpu.memory_space<vmem>>[vector<16xi32>], vector<16xf32>,
        %add3A_1532 = arith.constant 14 : i32
        %add3A_1533 = arith.addi %mul3A_467, %add3A_1532 : i32
        %add3A_1534 = arith.constant 1 : i32
        %add3A_1535 = arith.addi %add3A_1533, %add3A_1534 : i32
        %add3A_1536 = vector.broadcast %add3A_1535 : i32 to vector<16xi32>
        %add3A_1537 = arith.addi %mul3A_40, %add3A_1536 : vector<16xi32>
        tpu.vector_store_idx %arg9[%add3A_1537], %get3A_1474 : memref<8256xf32, #tpu.memory_space<vmem>>[vector<16xi32>], vector<16xf32>,
        %add3A_1538 = arith.constant 14 : i32
        %add3A_1539 = arith.addi %mul3A_467, %add3A_1538 : i32
        %add3A_1540 = arith.constant 1 : i32
        %add3A_1541 = arith.addi %add3A_1539, %add3A_1540 : i32
        %add3A_1542 = vector.broadcast %add3A_1541 : i32 to vector<16xi32>
        %add3A_1543 = arith.addi %mul3A_46, %add3A_1542 : vector<16xi32>
        tpu.vector_store_idx %arg9[%add3A_1543], %get3A_1485 : memref<8256xf32, #tpu.memory_space<vmem>>[vector<16xi32>], vector<16xf32>,
        %add3A_1544 = arith.constant 14 : i32
        %add3A_1545 = arith.addi %mul3A_467, %add3A_1544 : i32
        %add3A_1546 = arith.constant 1 : i32
        %add3A_1547 = arith.addi %add3A_1545, %add3A_1546 : i32
        %add3A_1548 = vector.broadcast %add3A_1547 : i32 to vector<16xi32>
        %add3A_1549 = arith.addi %mul3A_52, %add3A_1548 : vector<16xi32>
        tpu.vector_store_idx %arg9[%add3A_1549], %get3A_1496 : memref<8256xf32, #tpu.memory_space<vmem>>[vector<16xi32>], vector<16xf32>,
        %add3A_1550 = arith.constant 14 : i32
        %add3A_1551 = arith.addi %mul3A_467, %add3A_1550 : i32
        %add3A_1552 = arith.constant 1 : i32
        %add3A_1553 = arith.addi %add3A_1551, %add3A_1552 : i32
        %add3A_1554 = vector.broadcast %add3A_1553 : i32 to vector<16xi32>
        %add3A_1555 = arith.addi %mul3A_58, %add3A_1554 : vector<16xi32>
        tpu.vector_store_idx %arg9[%add3A_1555], %get3A_1507 : memref<8256xf32, #tpu.memory_space<vmem>>[vector<16xi32>], vector<16xf32>,
      }
      %scan3A_389 = arith.constant 8 : i32
      %scan3A_390 = arith.constant 0 : i32
      %scan3A_391 = arith.constant 0 : i32
      %scan3A_392 = arith.constant 16 : i32
      %scan3A_393 = arith.addi %scan3A_391, %scan3A_392 : i32
      %scan3A_394 = arith.constant 1 : i32
      scf.for %scan3A_423 = %scan3A_391 to %scan3A_393 step %scan3A_394  : i32 {
        %mul3A_424 = arith.constant 4 : i32
        %mul3A_425 = arith.muli %scan3A_423, %mul3A_424 : i32
        %add3A_426 = arith.constant 0 : i32
        %add3A_427 = arith.addi %mul3A_425, %add3A_426 : i32
        %mul3A_428 = arith.constant 129 : i32
        %mul3A_429 = arith.muli %add3A_427, %mul3A_428 : i32
        %add3A_430 = arith.constant 0 : i32
        %add3A_431 = arith.addi %mul3A_429, %add3A_430 : i32
        %get3A_432 = arith.index_cast %add3A_431 : i32 to index
        %get3A_433 = tpu.vector_load %arg9[%get3A_432] {strides = array<i32>} : memref<8256xf32, #tpu.memory_space<vmem>>, vector<16xf32>,
        %mul3A_434 = arith.constant 129 : i32
        %mul3A_435 = arith.muli %add3A_427, %mul3A_434 : i32
        %add3A_436 = arith.constant 16 : i32
        %add3A_437 = arith.addi %mul3A_435, %add3A_436 : i32
        %get3A_438 = arith.index_cast %add3A_437 : i32 to index
        %get3A_439 = tpu.vector_load %arg9[%get3A_438] {strides = array<i32>} : memref<8256xf32, #tpu.memory_space<vmem>>, vector<16xf32>,
        %mul3A_440 = arith.constant 129 : i32
        %mul3A_441 = arith.muli %add3A_427, %mul3A_440 : i32
        %add3A_442 = arith.constant 32 : i32
        %add3A_443 = arith.addi %mul3A_441, %add3A_442 : i32
        %get3A_444 = arith.index_cast %add3A_443 : i32 to index
        %get3A_445 = tpu.vector_load %arg9[%get3A_444] {strides = array<i32>} : memref<8256xf32, #tpu.memory_space<vmem>>, vector<16xf32>,
        %mul3A_446 = arith.constant 129 : i32
        %mul3A_447 = arith.muli %add3A_427, %mul3A_446 : i32
        %add3A_448 = arith.constant 48 : i32
        %add3A_449 = arith.addi %mul3A_447, %add3A_448 : i32
        %get3A_450 = arith.index_cast %add3A_449 : i32 to index
        %get3A_451 = tpu.vector_load %arg9[%get3A_450] {strides = array<i32>} : memref<8256xf32, #tpu.memory_space<vmem>>, vector<16xf32>,
        %mul3A_452 = arith.constant 129 : i32
        %mul3A_453 = arith.muli %add3A_427, %mul3A_452 : i32
        %add3A_454 = arith.constant 64 : i32
        %add3A_455 = arith.addi %mul3A_453, %add3A_454 : i32
        %get3A_456 = arith.index_cast %add3A_455 : i32 to index
        %get3A_457 = tpu.vector_load %arg9[%get3A_456] {strides = array<i32>} : memref<8256xf32, #tpu.memory_space<vmem>>, vector<16xf32>,
        %mul3A_458 = arith.constant 129 : i32
        %mul3A_459 = arith.muli %add3A_427, %mul3A_458 : i32
        %add3A_460 = arith.constant 80 : i32
        %add3A_461 = arith.addi %mul3A_459, %add3A_460 : i32
        %get3A_462 = arith.index_cast %add3A_461 : i32 to index
        %get3A_463 = tpu.vector_load %arg9[%get3A_462] {strides = array<i32>} : memref<8256xf32, #tpu.memory_space<vmem>>, vector<16xf32>,
        %mul3A_464 = arith.constant 129 : i32
        %mul3A_465 = arith.muli %add3A_427, %mul3A_464 : i32
        %add3A_466 = arith.constant 96 : i32
        %add3A_467 = arith.addi %mul3A_465, %add3A_466 : i32
        %get3A_468 = arith.index_cast %add3A_467 : i32 to index
        %get3A_469 = tpu.vector_load %arg9[%get3A_468] {strides = array<i32>} : memref<8256xf32, #tpu.memory_space<vmem>>, vector<16xf32>,
        %mul3A_470 = arith.constant 129 : i32
        %mul3A_471 = arith.muli %add3A_427, %mul3A_470 : i32
        %add3A_472 = arith.constant 112 : i32
        %add3A_473 = arith.addi %mul3A_471, %add3A_472 : i32
        %get3A_474 = arith.index_cast %add3A_473 : i32 to index
        %get3A_475 = tpu.vector_load %arg9[%get3A_474] {strides = array<i32>} : memref<8256xf32, #tpu.memory_space<vmem>>, vector<16xf32>,
        %swap3A_476 = arith.constant 1 : i32
        %swap3A_477 = arith.index_cast %swap3A_476 : i32 to index
        %swap3A_478 = arith.index_cast %add3A_427 : i32 to index
        %swap3A_479 = arith.constant 0 : index
        %swap3A_480 = tpu.vector_load %arg10[%swap3A_477, %swap3A_478, %swap3A_479] {strides = array<i32>} : memref<2x64x128xf32, #tpu.memory_space<vmem>>, vector<16xf32>,
        tpu.vector_store %arg10[%swap3A_477, %swap3A_478, %swap3A_479], %get3A_433 {strides = array<i32>} : memref<2x64x128xf32, #tpu.memory_space<vmem>>, vector<16xf32>,
        %swap3A_481 = arith.constant 1 : i32
        %swap3A_482 = arith.index_cast %swap3A_481 : i32 to index
        %swap3A_483 = arith.index_cast %add3A_427 : i32 to index
        %swap3A_484 = arith.constant 16 : index
        %swap3A_485 = tpu.vector_load %arg10[%swap3A_482, %swap3A_483, %swap3A_484] {strides = array<i32>} : memref<2x64x128xf32, #tpu.memory_space<vmem>>, vector<16xf32>,
        tpu.vector_store %arg10[%swap3A_482, %swap3A_483, %swap3A_484], %get3A_439 {strides = array<i32>} : memref<2x64x128xf32, #tpu.memory_space<vmem>>, vector<16xf32>,
        %swap3A_486 = arith.constant 1 : i32
        %swap3A_487 = arith.index_cast %swap3A_486 : i32 to index
        %swap3A_488 = arith.index_cast %add3A_427 : i32 to index
        %swap3A_489 = arith.constant 32 : index
        %swap3A_490 = tpu.vector_load %arg10[%swap3A_487, %swap3A_488, %swap3A_489] {strides = array<i32>} : memref<2x64x128xf32, #tpu.memory_space<vmem>>, vector<16xf32>,
        tpu.vector_store %arg10[%swap3A_487, %swap3A_488, %swap3A_489], %get3A_445 {strides = array<i32>} : memref<2x64x128xf32, #tpu.memory_space<vmem>>, vector<16xf32>,
        %swap3A_491 = arith.constant 1 : i32
        %swap3A_492 = arith.index_cast %swap3A_491 : i32 to index
        %swap3A_493 = arith.index_cast %add3A_427 : i32 to index
        %swap3A_494 = arith.constant 48 : index
        %swap3A_495 = tpu.vector_load %arg10[%swap3A_492, %swap3A_493, %swap3A_494] {strides = array<i32>} : memref<2x64x128xf32, #tpu.memory_space<vmem>>, vector<16xf32>,
        tpu.vector_store %arg10[%swap3A_492, %swap3A_493, %swap3A_494], %get3A_451 {strides = array<i32>} : memref<2x64x128xf32, #tpu.memory_space<vmem>>, vector<16xf32>,
        %swap3A_496 = arith.constant 1 : i32
        %swap3A_497 = arith.index_cast %swap3A_496 : i32 to index
        %swap3A_498 = arith.index_cast %add3A_427 : i32 to index
        %swap3A_499 = arith.constant 64 : index
        %swap3A_500 = tpu.vector_load %arg10[%swap3A_497, %swap3A_498, %swap3A_499] {strides = array<i32>} : memref<2x64x128xf32, #tpu.memory_space<vmem>>, vector<16xf32>,
        tpu.vector_store %arg10[%swap3A_497, %swap3A_498, %swap3A_499], %get3A_457 {strides = array<i32>} : memref<2x64x128xf32, #tpu.memory_space<vmem>>, vector<16xf32>,
        %swap3A_501 = arith.constant 1 : i32
        %swap3A_502 = arith.index_cast %swap3A_501 : i32 to index
        %swap3A_503 = arith.index_cast %add3A_427 : i32 to index
        %swap3A_504 = arith.constant 80 : index
        %swap3A_505 = tpu.vector_load %arg10[%swap3A_502, %swap3A_503, %swap3A_504] {strides = array<i32>} : memref<2x64x128xf32, #tpu.memory_space<vmem>>, vector<16xf32>,
        tpu.vector_store %arg10[%swap3A_502, %swap3A_503, %swap3A_504], %get3A_463 {strides = array<i32>} : memref<2x64x128xf32, #tpu.memory_space<vmem>>, vector<16xf32>,
        %swap3A_506 = arith.constant 1 : i32
        %swap3A_507 = arith.index_cast %swap3A_506 : i32 to index
        %swap3A_508 = arith.index_cast %add3A_427 : i32 to index
        %swap3A_509 = arith.constant 96 : index
        %swap3A_510 = tpu.vector_load %arg10[%swap3A_507, %swap3A_508, %swap3A_509] {strides = array<i32>} : memref<2x64x128xf32, #tpu.memory_space<vmem>>, vector<16xf32>,
        tpu.vector_store %arg10[%swap3A_507, %swap3A_508, %swap3A_509], %get3A_469 {strides = array<i32>} : memref<2x64x128xf32, #tpu.memory_space<vmem>>, vector<16xf32>,
        %swap3A_511 = arith.constant 1 : i32
        %swap3A_512 = arith.index_cast %swap3A_511 : i32 to index
        %swap3A_513 = arith.index_cast %add3A_427 : i32 to index
        %swap3A_514 = arith.constant 112 : index
        %swap3A_515 = tpu.vector_load %arg10[%swap3A_512, %swap3A_513, %swap3A_514] {strides = array<i32>} : memref<2x64x128xf32, #tpu.memory_space<vmem>>, vector<16xf32>,
        tpu.vector_store %arg10[%swap3A_512, %swap3A_513, %swap3A_514], %get3A_475 {strides = array<i32>} : memref<2x64x128xf32, #tpu.memory_space<vmem>>, vector<16xf32>,
        %mul3A_516 = arith.constant 4 : i32
        %mul3A_517 = arith.muli %scan3A_423, %mul3A_516 : i32
        %add3A_518 = arith.constant 1 : i32
        %add3A_519 = arith.addi %mul3A_517, %add3A_518 : i32
        %mul3A_520 = arith.constant 129 : i32
        %mul3A_521 = arith.muli %add3A_519, %mul3A_520 : i32
        %add3A_522 = arith.constant 0 : i32
        %add3A_523 = arith.addi %mul3A_521, %add3A_522 : i32
        %get3A_524 = arith.index_cast %add3A_523 : i32 to index
        %get3A_525 = tpu.vector_load %arg9[%get3A_524] {strides = array<i32>} : memref<8256xf32, #tpu.memory_space<vmem>>, vector<16xf32>,
        %mul3A_526 = arith.constant 129 : i32
        %mul3A_527 = arith.muli %add3A_519, %mul3A_526 : i32
        %add3A_528 = arith.constant 16 : i32
        %add3A_529 = arith.addi %mul3A_527, %add3A_528 : i32
        %get3A_530 = arith.index_cast %add3A_529 : i32 to index
        %get3A_531 = tpu.vector_load %arg9[%get3A_530] {strides = array<i32>} : memref<8256xf32, #tpu.memory_space<vmem>>, vector<16xf32>,
        %mul3A_532 = arith.constant 129 : i32
        %mul3A_533 = arith.muli %add3A_519, %mul3A_532 : i32
        %add3A_534 = arith.constant 32 : i32
        %add3A_535 = arith.addi %mul3A_533, %add3A_534 : i32
        %get3A_536 = arith.index_cast %add3A_535 : i32 to index
        %get3A_537 = tpu.vector_load %arg9[%get3A_536] {strides = array<i32>} : memref<8256xf32, #tpu.memory_space<vmem>>, vector<16xf32>,
        %mul3A_538 = arith.constant 129 : i32
        %mul3A_539 = arith.muli %add3A_519, %mul3A_538 : i32
        %add3A_540 = arith.constant 48 : i32
        %add3A_541 = arith.addi %mul3A_539, %add3A_540 : i32
        %get3A_542 = arith.index_cast %add3A_541 : i32 to index
        %get3A_543 = tpu.vector_load %arg9[%get3A_542] {strides = array<i32>} : memref<8256xf32, #tpu.memory_space<vmem>>, vector<16xf32>,
        %mul3A_544 = arith.constant 129 : i32
        %mul3A_545 = arith.muli %add3A_519, %mul3A_544 : i32
        %add3A_546 = arith.constant 64 : i32
        %add3A_547 = arith.addi %mul3A_545, %add3A_546 : i32
        %get3A_548 = arith.index_cast %add3A_547 : i32 to index
        %get3A_549 = tpu.vector_load %arg9[%get3A_548] {strides = array<i32>} : memref<8256xf32, #tpu.memory_space<vmem>>, vector<16xf32>,
        %mul3A_550 = arith.constant 129 : i32
        %mul3A_551 = arith.muli %add3A_519, %mul3A_550 : i32
        %add3A_552 = arith.constant 80 : i32
        %add3A_553 = arith.addi %mul3A_551, %add3A_552 : i32
        %get3A_554 = arith.index_cast %add3A_553 : i32 to index
        %get3A_555 = tpu.vector_load %arg9[%get3A_554] {strides = array<i32>} : memref<8256xf32, #tpu.memory_space<vmem>>, vector<16xf32>,
        %mul3A_556 = arith.constant 129 : i32
        %mul3A_557 = arith.muli %add3A_519, %mul3A_556 : i32
        %add3A_558 = arith.constant 96 : i32
        %add3A_559 = arith.addi %mul3A_557, %add3A_558 : i32
        %get3A_560 = arith.index_cast %add3A_559 : i32 to index
        %get3A_561 = tpu.vector_load %arg9[%get3A_560] {strides = array<i32>} : memref<8256xf32, #tpu.memory_space<vmem>>, vector<16xf32>,
        %mul3A_562 = arith.constant 129 : i32
        %mul3A_563 = arith.muli %add3A_519, %mul3A_562 : i32
        %add3A_564 = arith.constant 112 : i32
        %add3A_565 = arith.addi %mul3A_563, %add3A_564 : i32
        %get3A_566 = arith.index_cast %add3A_565 : i32 to index
        %get3A_567 = tpu.vector_load %arg9[%get3A_566] {strides = array<i32>} : memref<8256xf32, #tpu.memory_space<vmem>>, vector<16xf32>,
        %swap3A_568 = arith.constant 1 : i32
        %swap3A_569 = arith.index_cast %swap3A_568 : i32 to index
        %swap3A_570 = arith.index_cast %add3A_519 : i32 to index
        %swap3A_571 = arith.constant 0 : index
        %swap3A_572 = tpu.vector_load %arg10[%swap3A_569, %swap3A_570, %swap3A_571] {strides = array<i32>} : memref<2x64x128xf32, #tpu.memory_space<vmem>>, vector<16xf32>,
        tpu.vector_store %arg10[%swap3A_569, %swap3A_570, %swap3A_571], %get3A_525 {strides = array<i32>} : memref<2x64x128xf32, #tpu.memory_space<vmem>>, vector<16xf32>,
        %swap3A_573 = arith.constant 1 : i32
        %swap3A_574 = arith.index_cast %swap3A_573 : i32 to index
        %swap3A_575 = arith.index_cast %add3A_519 : i32 to index
        %swap3A_576 = arith.constant 16 : index
        %swap3A_577 = tpu.vector_load %arg10[%swap3A_574, %swap3A_575, %swap3A_576] {strides = array<i32>} : memref<2x64x128xf32, #tpu.memory_space<vmem>>, vector<16xf32>,
        tpu.vector_store %arg10[%swap3A_574, %swap3A_575, %swap3A_576], %get3A_531 {strides = array<i32>} : memref<2x64x128xf32, #tpu.memory_space<vmem>>, vector<16xf32>,
        %swap3A_578 = arith.constant 1 : i32
        %swap3A_579 = arith.index_cast %swap3A_578 : i32 to index
        %swap3A_580 = arith.index_cast %add3A_519 : i32 to index
        %swap3A_581 = arith.constant 32 : index
        %swap3A_582 = tpu.vector_load %arg10[%swap3A_579, %swap3A_580, %swap3A_581] {strides = array<i32>} : memref<2x64x128xf32, #tpu.memory_space<vmem>>, vector<16xf32>,
        tpu.vector_store %arg10[%swap3A_579, %swap3A_580, %swap3A_581], %get3A_537 {strides = array<i32>} : memref<2x64x128xf32, #tpu.memory_space<vmem>>, vector<16xf32>,
        %swap3A_583 = arith.constant 1 : i32
        %swap3A_584 = arith.index_cast %swap3A_583 : i32 to index
        %swap3A_585 = arith.index_cast %add3A_519 : i32 to index
        %swap3A_586 = arith.constant 48 : index
        %swap3A_587 = tpu.vector_load %arg10[%swap3A_584, %swap3A_585, %swap3A_586] {strides = array<i32>} : memref<2x64x128xf32, #tpu.memory_space<vmem>>, vector<16xf32>,
        tpu.vector_store %arg10[%swap3A_584, %swap3A_585, %swap3A_586], %get3A_543 {strides = array<i32>} : memref<2x64x128xf32, #tpu.memory_space<vmem>>, vector<16xf32>,
        %swap3A_588 = arith.constant 1 : i32
        %swap3A_589 = arith.index_cast %swap3A_588 : i32 to index
        %swap3A_590 = arith.index_cast %add3A_519 : i32 to index
        %swap3A_591 = arith.constant 64 : index
        %swap3A_592 = tpu.vector_load %arg10[%swap3A_589, %swap3A_590, %swap3A_591] {strides = array<i32>} : memref<2x64x128xf32, #tpu.memory_space<vmem>>, vector<16xf32>,
        tpu.vector_store %arg10[%swap3A_589, %swap3A_590, %swap3A_591], %get3A_549 {strides = array<i32>} : memref<2x64x128xf32, #tpu.memory_space<vmem>>, vector<16xf32>,
        %swap3A_593 = arith.constant 1 : i32
        %swap3A_594 = arith.index_cast %swap3A_593 : i32 to index
        %swap3A_595 = arith.index_cast %add3A_519 : i32 to index
        %swap3A_596 = arith.constant 80 : index
        %swap3A_597 = tpu.vector_load %arg10[%swap3A_594, %swap3A_595, %swap3A_596] {strides = array<i32>} : memref<2x64x128xf32, #tpu.memory_space<vmem>>, vector<16xf32>,
        tpu.vector_store %arg10[%swap3A_594, %swap3A_595, %swap3A_596], %get3A_555 {strides = array<i32>} : memref<2x64x128xf32, #tpu.memory_space<vmem>>, vector<16xf32>,
        %swap3A_598 = arith.constant 1 : i32
        %swap3A_599 = arith.index_cast %swap3A_598 : i32 to index
        %swap3A_600 = arith.index_cast %add3A_519 : i32 to index
        %swap3A_601 = arith.constant 96 : index
        %swap3A_602 = tpu.vector_load %arg10[%swap3A_599, %swap3A_600, %swap3A_601] {strides = array<i32>} : memref<2x64x128xf32, #tpu.memory_space<vmem>>, vector<16xf32>,
        tpu.vector_store %arg10[%swap3A_599, %swap3A_600, %swap3A_601], %get3A_561 {strides = array<i32>} : memref<2x64x128xf32, #tpu.memory_space<vmem>>, vector<16xf32>,
        %swap3A_603 = arith.constant 1 : i32
        %swap3A_604 = arith.index_cast %swap3A_603 : i32 to index
        %swap3A_605 = arith.index_cast %add3A_519 : i32 to index
        %swap3A_606 = arith.constant 112 : index
        %swap3A_607 = tpu.vector_load %arg10[%swap3A_604, %swap3A_605, %swap3A_606] {strides = array<i32>} : memref<2x64x128xf32, #tpu.memory_space<vmem>>, vector<16xf32>,
        tpu.vector_store %arg10[%swap3A_604, %swap3A_605, %swap3A_606], %get3A_567 {strides = array<i32>} : memref<2x64x128xf32, #tpu.memory_space<vmem>>, vector<16xf32>,
        %mul3A_608 = arith.constant 4 : i32
        %mul3A_609 = arith.muli %scan3A_423, %mul3A_608 : i32
        %add3A_610 = arith.constant 2 : i32
        %add3A_611 = arith.addi %mul3A_609, %add3A_610 : i32
        %mul3A_612 = arith.constant 129 : i32
        %mul3A_613 = arith.muli %add3A_611, %mul3A_612 : i32
        %add3A_614 = arith.constant 0 : i32
        %add3A_615 = arith.addi %mul3A_613, %add3A_614 : i32
        %get3A_616 = arith.index_cast %add3A_615 : i32 to index
        %get3A_617 = tpu.vector_load %arg9[%get3A_616] {strides = array<i32>} : memref<8256xf32, #tpu.memory_space<vmem>>, vector<16xf32>,
        %mul3A_618 = arith.constant 129 : i32
        %mul3A_619 = arith.muli %add3A_611, %mul3A_618 : i32
        %add3A_620 = arith.constant 16 : i32
        %add3A_621 = arith.addi %mul3A_619, %add3A_620 : i32
        %get3A_622 = arith.index_cast %add3A_621 : i32 to index
        %get3A_623 = tpu.vector_load %arg9[%get3A_622] {strides = array<i32>} : memref<8256xf32, #tpu.memory_space<vmem>>, vector<16xf32>,
        %mul3A_624 = arith.constant 129 : i32
        %mul3A_625 = arith.muli %add3A_611, %mul3A_624 : i32
        %add3A_626 = arith.constant 32 : i32
        %add3A_627 = arith.addi %mul3A_625, %add3A_626 : i32
        %get3A_628 = arith.index_cast %add3A_627 : i32 to index
        %get3A_629 = tpu.vector_load %arg9[%get3A_628] {strides = array<i32>} : memref<8256xf32, #tpu.memory_space<vmem>>, vector<16xf32>,
        %mul3A_630 = arith.constant 129 : i32
        %mul3A_631 = arith.muli %add3A_611, %mul3A_630 : i32
        %add3A_632 = arith.constant 48 : i32
        %add3A_633 = arith.addi %mul3A_631, %add3A_632 : i32
        %get3A_634 = arith.index_cast %add3A_633 : i32 to index
        %get3A_635 = tpu.vector_load %arg9[%get3A_634] {strides = array<i32>} : memref<8256xf32, #tpu.memory_space<vmem>>, vector<16xf32>,
        %mul3A_636 = arith.constant 129 : i32
        %mul3A_637 = arith.muli %add3A_611, %mul3A_636 : i32
        %add3A_638 = arith.constant 64 : i32
        %add3A_639 = arith.addi %mul3A_637, %add3A_638 : i32
        %get3A_640 = arith.index_cast %add3A_639 : i32 to index
        %get3A_641 = tpu.vector_load %arg9[%get3A_640] {strides = array<i32>} : memref<8256xf32, #tpu.memory_space<vmem>>, vector<16xf32>,
        %mul3A_642 = arith.constant 129 : i32
        %mul3A_643 = arith.muli %add3A_611, %mul3A_642 : i32
        %add3A_644 = arith.constant 80 : i32
        %add3A_645 = arith.addi %mul3A_643, %add3A_644 : i32
        %get3A_646 = arith.index_cast %add3A_645 : i32 to index
        %get3A_647 = tpu.vector_load %arg9[%get3A_646] {strides = array<i32>} : memref<8256xf32, #tpu.memory_space<vmem>>, vector<16xf32>,
        %mul3A_648 = arith.constant 129 : i32
        %mul3A_649 = arith.muli %add3A_611, %mul3A_648 : i32
        %add3A_650 = arith.constant 96 : i32
        %add3A_651 = arith.addi %mul3A_649, %add3A_650 : i32
        %get3A_652 = arith.index_cast %add3A_651 : i32 to index
        %get3A_653 = tpu.vector_load %arg9[%get3A_652] {strides = array<i32>} : memref<8256xf32, #tpu.memory_space<vmem>>, vector<16xf32>,
        %mul3A_654 = arith.constant 129 : i32
        %mul3A_655 = arith.muli %add3A_611, %mul3A_654 : i32
        %add3A_656 = arith.constant 112 : i32
        %add3A_657 = arith.addi %mul3A_655, %add3A_656 : i32
        %get3A_658 = arith.index_cast %add3A_657 : i32 to index
        %get3A_659 = tpu.vector_load %arg9[%get3A_658] {strides = array<i32>} : memref<8256xf32, #tpu.memory_space<vmem>>, vector<16xf32>,
        %swap3A_660 = arith.constant 1 : i32
        %swap3A_661 = arith.index_cast %swap3A_660 : i32 to index
        %swap3A_662 = arith.index_cast %add3A_611 : i32 to index
        %swap3A_663 = arith.constant 0 : index
        %swap3A_664 = tpu.vector_load %arg10[%swap3A_661, %swap3A_662, %swap3A_663] {strides = array<i32>} : memref<2x64x128xf32, #tpu.memory_space<vmem>>, vector<16xf32>,
        tpu.vector_store %arg10[%swap3A_661, %swap3A_662, %swap3A_663], %get3A_617 {strides = array<i32>} : memref<2x64x128xf32, #tpu.memory_space<vmem>>, vector<16xf32>,
        %swap3A_665 = arith.constant 1 : i32
        %swap3A_666 = arith.index_cast %swap3A_665 : i32 to index
        %swap3A_667 = arith.index_cast %add3A_611 : i32 to index
        %swap3A_668 = arith.constant 16 : index
        %swap3A_669 = tpu.vector_load %arg10[%swap3A_666, %swap3A_667, %swap3A_668] {strides = array<i32>} : memref<2x64x128xf32, #tpu.memory_space<vmem>>, vector<16xf32>,
        tpu.vector_store %arg10[%swap3A_666, %swap3A_667, %swap3A_668], %get3A_623 {strides = array<i32>} : memref<2x64x128xf32, #tpu.memory_space<vmem>>, vector<16xf32>,
        %swap3A_670 = arith.constant 1 : i32
        %swap3A_671 = arith.index_cast %swap3A_670 : i32 to index
        %swap3A_672 = arith.index_cast %add3A_611 : i32 to index
        %swap3A_673 = arith.constant 32 : index
        %swap3A_674 = tpu.vector_load %arg10[%swap3A_671, %swap3A_672, %swap3A_673] {strides = array<i32>} : memref<2x64x128xf32, #tpu.memory_space<vmem>>, vector<16xf32>,
        tpu.vector_store %arg10[%swap3A_671, %swap3A_672, %swap3A_673], %get3A_629 {strides = array<i32>} : memref<2x64x128xf32, #tpu.memory_space<vmem>>, vector<16xf32>,
        %swap3A_675 = arith.constant 1 : i32
        %swap3A_676 = arith.index_cast %swap3A_675 : i32 to index
        %swap3A_677 = arith.index_cast %add3A_611 : i32 to index
        %swap3A_678 = arith.constant 48 : index
        %swap3A_679 = tpu.vector_load %arg10[%swap3A_676, %swap3A_677, %swap3A_678] {strides = array<i32>} : memref<2x64x128xf32, #tpu.memory_space<vmem>>, vector<16xf32>,
        tpu.vector_store %arg10[%swap3A_676, %swap3A_677, %swap3A_678], %get3A_635 {strides = array<i32>} : memref<2x64x128xf32, #tpu.memory_space<vmem>>, vector<16xf32>,
        %swap3A_680 = arith.constant 1 : i32
        %swap3A_681 = arith.index_cast %swap3A_680 : i32 to index
        %swap3A_682 = arith.index_cast %add3A_611 : i32 to index
        %swap3A_683 = arith.constant 64 : index
        %swap3A_684 = tpu.vector_load %arg10[%swap3A_681, %swap3A_682, %swap3A_683] {strides = array<i32>} : memref<2x64x128xf32, #tpu.memory_space<vmem>>, vector<16xf32>,
        tpu.vector_store %arg10[%swap3A_681, %swap3A_682, %swap3A_683], %get3A_641 {strides = array<i32>} : memref<2x64x128xf32, #tpu.memory_space<vmem>>, vector<16xf32>,
        %swap3A_685 = arith.constant 1 : i32
        %swap3A_686 = arith.index_cast %swap3A_685 : i32 to index
        %swap3A_687 = arith.index_cast %add3A_611 : i32 to index
        %swap3A_688 = arith.constant 80 : index
        %swap3A_689 = tpu.vector_load %arg10[%swap3A_686, %swap3A_687, %swap3A_688] {strides = array<i32>} : memref<2x64x128xf32, #tpu.memory_space<vmem>>, vector<16xf32>,
        tpu.vector_store %arg10[%swap3A_686, %swap3A_687, %swap3A_688], %get3A_647 {strides = array<i32>} : memref<2x64x128xf32, #tpu.memory_space<vmem>>, vector<16xf32>,
        %swap3A_690 = arith.constant 1 : i32
        %swap3A_691 = arith.index_cast %swap3A_690 : i32 to index
        %swap3A_692 = arith.index_cast %add3A_611 : i32 to index
        %swap3A_693 = arith.constant 96 : index
        %swap3A_694 = tpu.vector_load %arg10[%swap3A_691, %swap3A_692, %swap3A_693] {strides = array<i32>} : memref<2x64x128xf32, #tpu.memory_space<vmem>>, vector<16xf32>,
        tpu.vector_store %arg10[%swap3A_691, %swap3A_692, %swap3A_693], %get3A_653 {strides = array<i32>} : memref<2x64x128xf32, #tpu.memory_space<vmem>>, vector<16xf32>,
        %swap3A_695 = arith.constant 1 : i32
        %swap3A_696 = arith.index_cast %swap3A_695 : i32 to index
        %swap3A_697 = arith.index_cast %add3A_611 : i32 to index
        %swap3A_698 = arith.constant 112 : index
        %swap3A_699 = tpu.vector_load %arg10[%swap3A_696, %swap3A_697, %swap3A_698] {strides = array<i32>} : memref<2x64x128xf32, #tpu.memory_space<vmem>>, vector<16xf32>,
        tpu.vector_store %arg10[%swap3A_696, %swap3A_697, %swap3A_698], %get3A_659 {strides = array<i32>} : memref<2x64x128xf32, #tpu.memory_space<vmem>>, vector<16xf32>,
        %mul3A_700 = arith.constant 4 : i32
        %mul3A_701 = arith.muli %scan3A_423, %mul3A_700 : i32
        %add3A_702 = arith.constant 3 : i32
        %add3A_703 = arith.addi %mul3A_701, %add3A_702 : i32
        %mul3A_704 = arith.constant 129 : i32
        %mul3A_705 = arith.muli %add3A_703, %mul3A_704 : i32
        %add3A_706 = arith.constant 0 : i32
        %add3A_707 = arith.addi %mul3A_705, %add3A_706 : i32
        %get3A_708 = arith.index_cast %add3A_707 : i32 to index
        %get3A_709 = tpu.vector_load %arg9[%get3A_708] {strides = array<i32>} : memref<8256xf32, #tpu.memory_space<vmem>>, vector<16xf32>,
        %mul3A_710 = arith.constant 129 : i32
        %mul3A_711 = arith.muli %add3A_703, %mul3A_710 : i32
        %add3A_712 = arith.constant 16 : i32
        %add3A_713 = arith.addi %mul3A_711, %add3A_712 : i32
        %get3A_714 = arith.index_cast %add3A_713 : i32 to index
        %get3A_715 = tpu.vector_load %arg9[%get3A_714] {strides = array<i32>} : memref<8256xf32, #tpu.memory_space<vmem>>, vector<16xf32>,
        %mul3A_716 = arith.constant 129 : i32
        %mul3A_717 = arith.muli %add3A_703, %mul3A_716 : i32
        %add3A_718 = arith.constant 32 : i32
        %add3A_719 = arith.addi %mul3A_717, %add3A_718 : i32
        %get3A_720 = arith.index_cast %add3A_719 : i32 to index
        %get3A_721 = tpu.vector_load %arg9[%get3A_720] {strides = array<i32>} : memref<8256xf32, #tpu.memory_space<vmem>>, vector<16xf32>,
        %mul3A_722 = arith.constant 129 : i32
        %mul3A_723 = arith.muli %add3A_703, %mul3A_722 : i32
        %add3A_724 = arith.constant 48 : i32
        %add3A_725 = arith.addi %mul3A_723, %add3A_724 : i32
        %get3A_726 = arith.index_cast %add3A_725 : i32 to index
        %get3A_727 = tpu.vector_load %arg9[%get3A_726] {strides = array<i32>} : memref<8256xf32, #tpu.memory_space<vmem>>, vector<16xf32>,
        %mul3A_728 = arith.constant 129 : i32
        %mul3A_729 = arith.muli %add3A_703, %mul3A_728 : i32
        %add3A_730 = arith.constant 64 : i32
        %add3A_731 = arith.addi %mul3A_729, %add3A_730 : i32
        %get3A_732 = arith.index_cast %add3A_731 : i32 to index
        %get3A_733 = tpu.vector_load %arg9[%get3A_732] {strides = array<i32>} : memref<8256xf32, #tpu.memory_space<vmem>>, vector<16xf32>,
        %mul3A_734 = arith.constant 129 : i32
        %mul3A_735 = arith.muli %add3A_703, %mul3A_734 : i32
        %add3A_736 = arith.constant 80 : i32
        %add3A_737 = arith.addi %mul3A_735, %add3A_736 : i32
        %get3A_738 = arith.index_cast %add3A_737 : i32 to index
        %get3A_739 = tpu.vector_load %arg9[%get3A_738] {strides = array<i32>} : memref<8256xf32, #tpu.memory_space<vmem>>, vector<16xf32>,
        %mul3A_740 = arith.constant 129 : i32
        %mul3A_741 = arith.muli %add3A_703, %mul3A_740 : i32
        %add3A_742 = arith.constant 96 : i32
        %add3A_743 = arith.addi %mul3A_741, %add3A_742 : i32
        %get3A_744 = arith.index_cast %add3A_743 : i32 to index
        %get3A_745 = tpu.vector_load %arg9[%get3A_744] {strides = array<i32>} : memref<8256xf32, #tpu.memory_space<vmem>>, vector<16xf32>,
        %mul3A_746 = arith.constant 129 : i32
        %mul3A_747 = arith.muli %add3A_703, %mul3A_746 : i32
        %add3A_748 = arith.constant 112 : i32
        %add3A_749 = arith.addi %mul3A_747, %add3A_748 : i32
        %get3A_750 = arith.index_cast %add3A_749 : i32 to index
        %get3A_751 = tpu.vector_load %arg9[%get3A_750] {strides = array<i32>} : memref<8256xf32, #tpu.memory_space<vmem>>, vector<16xf32>,
        %swap3A_752 = arith.constant 1 : i32
        %swap3A_753 = arith.index_cast %swap3A_752 : i32 to index
        %swap3A_754 = arith.index_cast %add3A_703 : i32 to index
        %swap3A_755 = arith.constant 0 : index
        %swap3A_756 = tpu.vector_load %arg10[%swap3A_753, %swap3A_754, %swap3A_755] {strides = array<i32>} : memref<2x64x128xf32, #tpu.memory_space<vmem>>, vector<16xf32>,
        tpu.vector_store %arg10[%swap3A_753, %swap3A_754, %swap3A_755], %get3A_709 {strides = array<i32>} : memref<2x64x128xf32, #tpu.memory_space<vmem>>, vector<16xf32>,
        %swap3A_757 = arith.constant 1 : i32
        %swap3A_758 = arith.index_cast %swap3A_757 : i32 to index
        %swap3A_759 = arith.index_cast %add3A_703 : i32 to index
        %swap3A_760 = arith.constant 16 : index
        %swap3A_761 = tpu.vector_load %arg10[%swap3A_758, %swap3A_759, %swap3A_760] {strides = array<i32>} : memref<2x64x128xf32, #tpu.memory_space<vmem>>, vector<16xf32>,
        tpu.vector_store %arg10[%swap3A_758, %swap3A_759, %swap3A_760], %get3A_715 {strides = array<i32>} : memref<2x64x128xf32, #tpu.memory_space<vmem>>, vector<16xf32>,
        %swap3A_762 = arith.constant 1 : i32
        %swap3A_763 = arith.index_cast %swap3A_762 : i32 to index
        %swap3A_764 = arith.index_cast %add3A_703 : i32 to index
        %swap3A_765 = arith.constant 32 : index
        %swap3A_766 = tpu.vector_load %arg10[%swap3A_763, %swap3A_764, %swap3A_765] {strides = array<i32>} : memref<2x64x128xf32, #tpu.memory_space<vmem>>, vector<16xf32>,
        tpu.vector_store %arg10[%swap3A_763, %swap3A_764, %swap3A_765], %get3A_721 {strides = array<i32>} : memref<2x64x128xf32, #tpu.memory_space<vmem>>, vector<16xf32>,
        %swap3A_767 = arith.constant 1 : i32
        %swap3A_768 = arith.index_cast %swap3A_767 : i32 to index
        %swap3A_769 = arith.index_cast %add3A_703 : i32 to index
        %swap3A_770 = arith.constant 48 : index
        %swap3A_771 = tpu.vector_load %arg10[%swap3A_768, %swap3A_769, %swap3A_770] {strides = array<i32>} : memref<2x64x128xf32, #tpu.memory_space<vmem>>, vector<16xf32>,
        tpu.vector_store %arg10[%swap3A_768, %swap3A_769, %swap3A_770], %get3A_727 {strides = array<i32>} : memref<2x64x128xf32, #tpu.memory_space<vmem>>, vector<16xf32>,
        %swap3A_772 = arith.constant 1 : i32
        %swap3A_773 = arith.index_cast %swap3A_772 : i32 to index
        %swap3A_774 = arith.index_cast %add3A_703 : i32 to index
        %swap3A_775 = arith.constant 64 : index
        %swap3A_776 = tpu.vector_load %arg10[%swap3A_773, %swap3A_774, %swap3A_775] {strides = array<i32>} : memref<2x64x128xf32, #tpu.memory_space<vmem>>, vector<16xf32>,
        tpu.vector_store %arg10[%swap3A_773, %swap3A_774, %swap3A_775], %get3A_733 {strides = array<i32>} : memref<2x64x128xf32, #tpu.memory_space<vmem>>, vector<16xf32>,
        %swap3A_777 = arith.constant 1 : i32
        %swap3A_778 = arith.index_cast %swap3A_777 : i32 to index
        %swap3A_779 = arith.index_cast %add3A_703 : i32 to index
        %swap3A_780 = arith.constant 80 : index
        %swap3A_781 = tpu.vector_load %arg10[%swap3A_778, %swap3A_779, %swap3A_780] {strides = array<i32>} : memref<2x64x128xf32, #tpu.memory_space<vmem>>, vector<16xf32>,
        tpu.vector_store %arg10[%swap3A_778, %swap3A_779, %swap3A_780], %get3A_739 {strides = array<i32>} : memref<2x64x128xf32, #tpu.memory_space<vmem>>, vector<16xf32>,
        %swap3A_782 = arith.constant 1 : i32
        %swap3A_783 = arith.index_cast %swap3A_782 : i32 to index
        %swap3A_784 = arith.index_cast %add3A_703 : i32 to index
        %swap3A_785 = arith.constant 96 : index
        %swap3A_786 = tpu.vector_load %arg10[%swap3A_783, %swap3A_784, %swap3A_785] {strides = array<i32>} : memref<2x64x128xf32, #tpu.memory_space<vmem>>, vector<16xf32>,
        tpu.vector_store %arg10[%swap3A_783, %swap3A_784, %swap3A_785], %get3A_745 {strides = array<i32>} : memref<2x64x128xf32, #tpu.memory_space<vmem>>, vector<16xf32>,
        %swap3A_787 = arith.constant 1 : i32
        %swap3A_788 = arith.index_cast %swap3A_787 : i32 to index
        %swap3A_789 = arith.index_cast %add3A_703 : i32 to index
        %swap3A_790 = arith.constant 112 : index
        %swap3A_791 = tpu.vector_load %arg10[%swap3A_788, %swap3A_789, %swap3A_790] {strides = array<i32>} : memref<2x64x128xf32, #tpu.memory_space<vmem>>, vector<16xf32>,
        tpu.vector_store %arg10[%swap3A_788, %swap3A_789, %swap3A_790], %get3A_751 {strides = array<i32>} : memref<2x64x128xf32, #tpu.memory_space<vmem>>, vector<16xf32>,
      }
      %scan3A_395 = arith.constant 16 : i32
      %shift_right_arithmetic3A_396 = arith.constant 2 : i32
      %shift_right_arithmetic3A_397 = arith.shrsi %add3A_360, %shift_right_arithmetic3A_396 : i32
      %and3A_398 = arith.constant 3 : i32
      %and3A_399 = arith.andi %add3A_360, %and3A_398 : i32
      %mul3A_400 = arith.constant 128 : i32
      %mul3A_401 = arith.muli %and3A_399, %mul3A_400 : i32
      %add3A_402 = arith.addi %mul3A_401, %mul3A_2 : i32
      %dma_start3A_403 = arith.constant 1 : i32
      %dma_start3A_404 = arith.constant 0 : i32
      %dma_start3A_405 = arith.constant 0 : i32
      %dma_start3A_406 = tpu.memref_slice %arg10[%dma_start3A_403, %dma_start3A_404, %dma_start3A_405] : memref<2x64x128xf32, #tpu.memory_space<vmem>> -> memref<1x64x128xf32, #tpu.memory_space<vmem>>
      %dma_start3A_407 = tpu.memref_squeeze %dma_start3A_406 : memref<1x64x128xf32, #tpu.memory_space<vmem>> -> memref<64x128xf32, #tpu.memory_space<vmem>>
      %dma_start3A_408 = arith.constant 0 : i32
      %dma_start3A_409 = tpu.memref_slice %arg4[%shift_right_arithmetic3A_397, %dma_start3A_408, %add3A_402] : memref<50x64x16384xf32, #tpu.memory_space<hbm>> -> memref<1x64x128xf32, #tpu.memory_space<hbm>>
      %dma_start3A_410 = tpu.memref_squeeze %dma_start3A_409 : memref<1x64x128xf32, #tpu.memory_space<hbm>> -> memref<64x128xf32, #tpu.memory_space<hbm>>
      %dma_start3A_411 = arith.constant 0 : i32
      %dma_start3A_412 = tpu.memref_slice %arg4[%shift_right_arithmetic3A_397, %dma_start3A_411, %add3A_402] : memref<50x64x16384xf32, #tpu.memory_space<hbm>> -> memref<1x64x128xf32, #tpu.memory_space<hbm>>
      %dma_start3A_413 = tpu.memref_squeeze %dma_start3A_412 : memref<1x64x128xf32, #tpu.memory_space<hbm>> -> memref<64x128xf32, #tpu.memory_space<hbm>>
      %dma_start3A_414 = arith.constant 0 : i32
      %dma_start3A_415 = arith.constant 0 : i32
      %dma_start3A_416 = tpu.memref_slice %arg10[%dma_start3A_403, %dma_start3A_414, %dma_start3A_415] : memref<2x64x128xf32, #tpu.memory_space<vmem>> -> memref<1x64x128xf32, #tpu.memory_space<vmem>>
      %dma_start3A_417 = tpu.memref_squeeze %dma_start3A_416 : memref<1x64x128xf32, #tpu.memory_space<vmem>> -> memref<64x128xf32, #tpu.memory_space<vmem>>
      tpu.enqueue_dma source(%dma_start3A_417 : memref<64x128xf32, #tpu.memory_space<vmem>>) target(%dma_start3A_413 : memref<64x128xf32, #tpu.memory_space<hbm>>) target_semaphore(%arg14 : memref<!tpu.dma_semaphore, #tpu.memory_space<semaphore_mem>>)
      %lt3A_418 = arith.constant 198 : i32
      %lt3A_419 = arith.cmpi slt, %add3A_360, %lt3A_418 : i32
      %convert_element_type3A_420 = arith.extui %lt3A_419 : i1 to i32
      %cond3A_421 = arith.constant 0 : i32
      %cond3A_422 = arith.cmpi ne, %convert_element_type3A_420, %cond3A_421 : i32
      scf.if %cond3A_422 {
        %add3A_423 = arith.constant 2 : i32
        %add3A_424 = arith.addi %add3A_360, %add3A_423 : i32
        %shift_right_arithmetic3A_425 = arith.constant 2 : i32
        %shift_right_arithmetic3A_426 = arith.shrsi %add3A_424, %shift_right_arithmetic3A_425 : i32
        %and3A_427 = arith.constant 3 : i32
        %and3A_428 = arith.andi %add3A_424, %and3A_427 : i32
        %mul3A_429 = arith.constant 128 : i32
        %mul3A_430 = arith.muli %and3A_428, %mul3A_429 : i32
        %add3A_431 = arith.constant 0 : i32
        %add3A_432 = arith.addi %mul3A_430, %add3A_431 : i32
        %get3A_433 = arith.index_cast %shift_right_arithmetic3A_426 : i32 to index
        %get3A_434 = arith.index_cast %add3A_432 : i32 to index
        %get3A_435 = tpu.vector_load %arg5[%get3A_433, %get3A_434] {strides = array<i32>} : memref<50x512xi32, #tpu.memory_space<vmem>>, vector<16xi32>,
        %shift_right_arithmetic3A_436 = arith.constant 1 : i32
        %shift_right_arithmetic3A_437 = vector.broadcast %shift_right_arithmetic3A_436 : i32 to vector<16xi32>
        %shift_right_arithmetic3A_438 = arith.shrsi %get3A_435, %shift_right_arithmetic3A_437 : vector<16xi32>
        %swap3A_439 = arith.constant 1 : i32
        %swap3A_440 = arith.index_cast %swap3A_439 : i32 to index
        %swap3A_441 = arith.constant 0 : index
        %swap3A_442 = tpu.vector_load %arg6[%swap3A_440, %swap3A_441] {strides = array<i32>} : memref<2x128xi32, #tpu.memory_space<vmem>>, vector<16xi32>,
        tpu.vector_store %arg6[%swap3A_440, %swap3A_441], %shift_right_arithmetic3A_438 {strides = array<i32>} : memref<2x128xi32, #tpu.memory_space<vmem>>, vector<16xi32>,
        %add3A_443 = arith.constant 16 : i32
        %add3A_444 = arith.addi %mul3A_430, %add3A_443 : i32
        %get3A_445 = arith.index_cast %shift_right_arithmetic3A_426 : i32 to index
        %get3A_446 = arith.index_cast %add3A_444 : i32 to index
        %get3A_447 = tpu.vector_load %arg5[%get3A_445, %get3A_446] {strides = array<i32>} : memref<50x512xi32, #tpu.memory_space<vmem>>, vector<16xi32>,
        %shift_right_arithmetic3A_448 = arith.constant 1 : i32
        %shift_right_arithmetic3A_449 = vector.broadcast %shift_right_arithmetic3A_448 : i32 to vector<16xi32>
        %shift_right_arithmetic3A_450 = arith.shrsi %get3A_447, %shift_right_arithmetic3A_449 : vector<16xi32>
        %swap3A_451 = arith.constant 1 : i32
        %swap3A_452 = arith.index_cast %swap3A_451 : i32 to index
        %swap3A_453 = arith.constant 16 : index
        %swap3A_454 = tpu.vector_load %arg6[%swap3A_452, %swap3A_453] {strides = array<i32>} : memref<2x128xi32, #tpu.memory_space<vmem>>, vector<16xi32>,
        tpu.vector_store %arg6[%swap3A_452, %swap3A_453], %shift_right_arithmetic3A_450 {strides = array<i32>} : memref<2x128xi32, #tpu.memory_space<vmem>>, vector<16xi32>,
        %add3A_455 = arith.constant 32 : i32
        %add3A_456 = arith.addi %mul3A_430, %add3A_455 : i32
        %get3A_457 = arith.index_cast %shift_right_arithmetic3A_426 : i32 to index
        %get3A_458 = arith.index_cast %add3A_456 : i32 to index
        %get3A_459 = tpu.vector_load %arg5[%get3A_457, %get3A_458] {strides = array<i32>} : memref<50x512xi32, #tpu.memory_space<vmem>>, vector<16xi32>,
        %shift_right_arithmetic3A_460 = arith.constant 1 : i32
        %shift_right_arithmetic3A_461 = vector.broadcast %shift_right_arithmetic3A_460 : i32 to vector<16xi32>
        %shift_right_arithmetic3A_462 = arith.shrsi %get3A_459, %shift_right_arithmetic3A_461 : vector<16xi32>
        %swap3A_463 = arith.constant 1 : i32
        %swap3A_464 = arith.index_cast %swap3A_463 : i32 to index
        %swap3A_465 = arith.constant 32 : index
        %swap3A_466 = tpu.vector_load %arg6[%swap3A_464, %swap3A_465] {strides = array<i32>} : memref<2x128xi32, #tpu.memory_space<vmem>>, vector<16xi32>,
        tpu.vector_store %arg6[%swap3A_464, %swap3A_465], %shift_right_arithmetic3A_462 {strides = array<i32>} : memref<2x128xi32, #tpu.memory_space<vmem>>, vector<16xi32>,
        %add3A_467 = arith.constant 48 : i32
        %add3A_468 = arith.addi %mul3A_430, %add3A_467 : i32
        %get3A_469 = arith.index_cast %shift_right_arithmetic3A_426 : i32 to index
        %get3A_470 = arith.index_cast %add3A_468 : i32 to index
        %get3A_471 = tpu.vector_load %arg5[%get3A_469, %get3A_470] {strides = array<i32>} : memref<50x512xi32, #tpu.memory_space<vmem>>, vector<16xi32>,
        %shift_right_arithmetic3A_472 = arith.constant 1 : i32
        %shift_right_arithmetic3A_473 = vector.broadcast %shift_right_arithmetic3A_472 : i32 to vector<16xi32>
        %shift_right_arithmetic3A_474 = arith.shrsi %get3A_471, %shift_right_arithmetic3A_473 : vector<16xi32>
        %swap3A_475 = arith.constant 1 : i32
        %swap3A_476 = arith.index_cast %swap3A_475 : i32 to index
        %swap3A_477 = arith.constant 48 : index
        %swap3A_478 = tpu.vector_load %arg6[%swap3A_476, %swap3A_477] {strides = array<i32>} : memref<2x128xi32, #tpu.memory_space<vmem>>, vector<16xi32>,
        tpu.vector_store %arg6[%swap3A_476, %swap3A_477], %shift_right_arithmetic3A_474 {strides = array<i32>} : memref<2x128xi32, #tpu.memory_space<vmem>>, vector<16xi32>,
        %add3A_479 = arith.constant 64 : i32
        %add3A_480 = arith.addi %mul3A_430, %add3A_479 : i32
        %get3A_481 = arith.index_cast %shift_right_arithmetic3A_426 : i32 to index
        %get3A_482 = arith.index_cast %add3A_480 : i32 to index
        %get3A_483 = tpu.vector_load %arg5[%get3A_481, %get3A_482] {strides = array<i32>} : memref<50x512xi32, #tpu.memory_space<vmem>>, vector<16xi32>,
        %shift_right_arithmetic3A_484 = arith.constant 1 : i32
        %shift_right_arithmetic3A_485 = vector.broadcast %shift_right_arithmetic3A_484 : i32 to vector<16xi32>
        %shift_right_arithmetic3A_486 = arith.shrsi %get3A_483, %shift_right_arithmetic3A_485 : vector<16xi32>
        %swap3A_487 = arith.constant 1 : i32
        %swap3A_488 = arith.index_cast %swap3A_487 : i32 to index
        %swap3A_489 = arith.constant 64 : index
        %swap3A_490 = tpu.vector_load %arg6[%swap3A_488, %swap3A_489] {strides = array<i32>} : memref<2x128xi32, #tpu.memory_space<vmem>>, vector<16xi32>,
        tpu.vector_store %arg6[%swap3A_488, %swap3A_489], %shift_right_arithmetic3A_486 {strides = array<i32>} : memref<2x128xi32, #tpu.memory_space<vmem>>, vector<16xi32>,
        %add3A_491 = arith.constant 80 : i32
        %add3A_492 = arith.addi %mul3A_430, %add3A_491 : i32
        %get3A_493 = arith.index_cast %shift_right_arithmetic3A_426 : i32 to index
        %get3A_494 = arith.index_cast %add3A_492 : i32 to index
        %get3A_495 = tpu.vector_load %arg5[%get3A_493, %get3A_494] {strides = array<i32>} : memref<50x512xi32, #tpu.memory_space<vmem>>, vector<16xi32>,
        %shift_right_arithmetic3A_496 = arith.constant 1 : i32
        %shift_right_arithmetic3A_497 = vector.broadcast %shift_right_arithmetic3A_496 : i32 to vector<16xi32>
        %shift_right_arithmetic3A_498 = arith.shrsi %get3A_495, %shift_right_arithmetic3A_497 : vector<16xi32>
        %swap3A_499 = arith.constant 1 : i32
        %swap3A_500 = arith.index_cast %swap3A_499 : i32 to index
        %swap3A_501 = arith.constant 80 : index
        %swap3A_502 = tpu.vector_load %arg6[%swap3A_500, %swap3A_501] {strides = array<i32>} : memref<2x128xi32, #tpu.memory_space<vmem>>, vector<16xi32>,
        tpu.vector_store %arg6[%swap3A_500, %swap3A_501], %shift_right_arithmetic3A_498 {strides = array<i32>} : memref<2x128xi32, #tpu.memory_space<vmem>>, vector<16xi32>,
        %add3A_503 = arith.constant 96 : i32
        %add3A_504 = arith.addi %mul3A_430, %add3A_503 : i32
        %get3A_505 = arith.index_cast %shift_right_arithmetic3A_426 : i32 to index
        %get3A_506 = arith.index_cast %add3A_504 : i32 to index
        %get3A_507 = tpu.vector_load %arg5[%get3A_505, %get3A_506] {strides = array<i32>} : memref<50x512xi32, #tpu.memory_space<vmem>>, vector<16xi32>,
        %shift_right_arithmetic3A_508 = arith.constant 1 : i32
        %shift_right_arithmetic3A_509 = vector.broadcast %shift_right_arithmetic3A_508 : i32 to vector<16xi32>
        %shift_right_arithmetic3A_510 = arith.shrsi %get3A_507, %shift_right_arithmetic3A_509 : vector<16xi32>
        %swap3A_511 = arith.constant 1 : i32
        %swap3A_512 = arith.index_cast %swap3A_511 : i32 to index
        %swap3A_513 = arith.constant 96 : index
        %swap3A_514 = tpu.vector_load %arg6[%swap3A_512, %swap3A_513] {strides = array<i32>} : memref<2x128xi32, #tpu.memory_space<vmem>>, vector<16xi32>,
        tpu.vector_store %arg6[%swap3A_512, %swap3A_513], %shift_right_arithmetic3A_510 {strides = array<i32>} : memref<2x128xi32, #tpu.memory_space<vmem>>, vector<16xi32>,
        %add3A_515 = arith.constant 112 : i32
        %add3A_516 = arith.addi %mul3A_430, %add3A_515 : i32
        %get3A_517 = arith.index_cast %shift_right_arithmetic3A_426 : i32 to index
        %get3A_518 = arith.index_cast %add3A_516 : i32 to index
        %get3A_519 = tpu.vector_load %arg5[%get3A_517, %get3A_518] {strides = array<i32>} : memref<50x512xi32, #tpu.memory_space<vmem>>, vector<16xi32>,
        %shift_right_arithmetic3A_520 = arith.constant 1 : i32
        %shift_right_arithmetic3A_521 = vector.broadcast %shift_right_arithmetic3A_520 : i32 to vector<16xi32>
        %shift_right_arithmetic3A_522 = arith.shrsi %get3A_519, %shift_right_arithmetic3A_521 : vector<16xi32>
        %swap3A_523 = arith.constant 1 : i32
        %swap3A_524 = arith.index_cast %swap3A_523 : i32 to index
        %swap3A_525 = arith.constant 112 : index
        %swap3A_526 = tpu.vector_load %arg6[%swap3A_524, %swap3A_525] {strides = array<i32>} : memref<2x128xi32, #tpu.memory_space<vmem>>, vector<16xi32>,
        tpu.vector_store %arg6[%swap3A_524, %swap3A_525], %shift_right_arithmetic3A_522 {strides = array<i32>} : memref<2x128xi32, #tpu.memory_space<vmem>>, vector<16xi32>,
        %dma_start3A_527 = arith.constant 1 : i32
        %dma_start3A_528 = arith.constant 1 : i32
        %dma_start3A_529 = arith.constant 0 : i32
        %dma_start3A_530 = arith.constant 0 : i32
        %dma_start3A_531 = tpu.memref_slice %arg7[%dma_start3A_528, %dma_start3A_529, %dma_start3A_530] : memref<2x128x128xf32, #tpu.memory_space<vmem>> -> memref<1x128x128xf32, #tpu.memory_space<vmem>>
        %dma_start3A_532 = tpu.memref_squeeze %dma_start3A_531 : memref<1x128x128xf32, #tpu.memory_space<vmem>> -> memref<128x128xf32, #tpu.memory_space<vmem>>
        %dma_start3A_533 = arith.constant 0 : i32
        %dma_start3A_534 = tpu.memref_slice %arg6[%dma_start3A_527, %dma_start3A_533] : memref<2x128xi32, #tpu.memory_space<vmem>> -> memref<1x128xi32, #tpu.memory_space<vmem>>
        %dma_start3A_535 = tpu.memref_squeeze %dma_start3A_534 : memref<1x128xi32, #tpu.memory_space<vmem>> -> memref<128xi32, #tpu.memory_space<vmem>>
        %dma_start3A_536 = arith.constant 0 : i32
        %dma_start3A_537 = arith.constant 0 : i32
        %dma_start3A_538 = tpu.memref_slice %arg3[%dma_start3A_536, %dma_start3A_537] : memref<500000x128xf32, #tpu.memory_space<hbm>> -> memref<500000x128xf32, #tpu.memory_space<hbm>>
        tpu.enqueue_indirect_dma source(%dma_start3A_538 : memref<500000x128xf32, #tpu.memory_space<hbm>>) target(%dma_start3A_532 : memref<128x128xf32, #tpu.memory_space<vmem>>) offsets(%dma_start3A_535 : memref<128xi32, #tpu.memory_space<vmem>>) semaphore(%arg12 : memref<!tpu.dma_semaphore, #tpu.memory_space<semaphore_mem>>)
      } else {
      }
    }
    %scan3A_259 = arith.constant 100 : i32
    %add3A_260 = arith.constant 256 : i32
    %add3A_261 = arith.addi %add3A_260, %mul3A_2 : i32
    %dma_wait3A = arith.constant 0 : i32
    %dma_wait3A_262 = arith.constant 49 : i32
    %dma_wait3A_263 = arith.constant 0 : i32
    %dma_wait3A_264 = arith.constant 0 : i32
    %dma_wait3A_265 = tpu.memref_slice %arg10[%dma_wait3A, %dma_wait3A_263, %dma_wait3A_264] : memref<2x64x128xf32, #tpu.memory_space<vmem>> -> memref<1x64x128xf32, #tpu.memory_space<vmem>>
    %dma_wait3A_266 = tpu.memref_squeeze %dma_wait3A_265 : memref<1x64x128xf32, #tpu.memory_space<vmem>> -> memref<64x128xf32, #tpu.memory_space<vmem>>
    %dma_wait3A_267 = arith.constant 0 : i32
    %dma_wait3A_268 = tpu.memref_slice %arg4[%dma_wait3A_262, %dma_wait3A_267, %add3A_261] : memref<50x64x16384xf32, #tpu.memory_space<hbm>> -> memref<1x64x128xf32, #tpu.memory_space<hbm>>
    %dma_wait3A_269 = tpu.memref_squeeze %dma_wait3A_268 : memref<1x64x128xf32, #tpu.memory_space<hbm>> -> memref<64x128xf32, #tpu.memory_space<hbm>>
    %dma_wait3A_270 = arith.constant 0 : i32
    %dma_wait3A_271 = tpu.memref_slice %arg4[%dma_wait3A_262, %dma_wait3A_270, %add3A_261] : memref<50x64x16384xf32, #tpu.memory_space<hbm>> -> memref<1x64x128xf32, #tpu.memory_space<hbm>>
    %dma_wait3A_272 = tpu.memref_squeeze %dma_wait3A_271 : memref<1x64x128xf32, #tpu.memory_space<hbm>> -> memref<64x128xf32, #tpu.memory_space<hbm>>
    %dma_wait3A_273 = arith.constant 0 : i32
    %dma_wait3A_274 = arith.constant 0 : i32
    %dma_wait3A_275 = tpu.memref_slice %arg10[%dma_wait3A, %dma_wait3A_273, %dma_wait3A_274] : memref<2x64x128xf32, #tpu.memory_space<vmem>> -> memref<1x64x128xf32, #tpu.memory_space<vmem>>
    %dma_wait3A_276 = tpu.memref_squeeze %dma_wait3A_275 : memref<1x64x128xf32, #tpu.memory_space<vmem>> -> memref<64x128xf32, #tpu.memory_space<vmem>>
    tpu.wait_dma2 semaphore(%arg13 : memref<!tpu.dma_semaphore, #tpu.memory_space<semaphore_mem>>) src(%dma_wait3A_276 : memref<64x128xf32, #tpu.memory_space<vmem>>) dst(%dma_wait3A_272 : memref<64x128xf32, #tpu.memory_space<hbm>>)
    %add3A_277 = arith.constant 384 : i32
    %add3A_278 = arith.addi %add3A_277, %mul3A_2 : i32
    %dma_wait3A_279 = arith.constant 1 : i32
    %dma_wait3A_280 = arith.constant 49 : i32
    %dma_wait3A_281 = arith.constant 0 : i32
    %dma_wait3A_282 = arith.constant 0 : i32
    %dma_wait3A_283 = tpu.memref_slice %arg10[%dma_wait3A_279, %dma_wait3A_281, %dma_wait3A_282] : memref<2x64x128xf32, #tpu.memory_space<vmem>> -> memref<1x64x128xf32, #tpu.memory_space<vmem>>
    %dma_wait3A_284 = tpu.memref_squeeze %dma_wait3A_283 : memref<1x64x128xf32, #tpu.memory_space<vmem>> -> memref<64x128xf32, #tpu.memory_space<vmem>>
    %dma_wait3A_285 = arith.constant 0 : i32
    %dma_wait3A_286 = tpu.memref_slice %arg4[%dma_wait3A_280, %dma_wait3A_285, %add3A_278] : memref<50x64x16384xf32, #tpu.memory_space<hbm>> -> memref<1x64x128xf32, #tpu.memory_space<hbm>>
    %dma_wait3A_287 = tpu.memref_squeeze %dma_wait3A_286 : memref<1x64x128xf32, #tpu.memory_space<hbm>> -> memref<64x128xf32, #tpu.memory_space<hbm>>
    %dma_wait3A_288 = arith.constant 0 : i32
    %dma_wait3A_289 = tpu.memref_slice %arg4[%dma_wait3A_280, %dma_wait3A_288, %add3A_278] : memref<50x64x16384xf32, #tpu.memory_space<hbm>> -> memref<1x64x128xf32, #tpu.memory_space<hbm>>
    %dma_wait3A_290 = tpu.memref_squeeze %dma_wait3A_289 : memref<1x64x128xf32, #tpu.memory_space<hbm>> -> memref<64x128xf32, #tpu.memory_space<hbm>>
    %dma_wait3A_291 = arith.constant 0 : i32
    %dma_wait3A_292 = arith.constant 0 : i32
    %dma_wait3A_293 = tpu.memref_slice %arg10[%dma_wait3A_279, %dma_wait3A_291, %dma_wait3A_292] : memref<2x64x128xf32, #tpu.memory_space<vmem>> -> memref<1x64x128xf32, #tpu.memory_space<vmem>>
    %dma_wait3A_294 = tpu.memref_squeeze %dma_wait3A_293 : memref<1x64x128xf32, #tpu.memory_space<vmem>> -> memref<64x128xf32, #tpu.memory_space<vmem>>
    tpu.wait_dma2 semaphore(%arg14 : memref<!tpu.dma_semaphore, #tpu.memory_space<semaphore_mem>>) src(%dma_wait3A_294 : memref<64x128xf32, #tpu.memory_space<vmem>>) dst(%dma_wait3A_290 : memref<64x128xf32, #tpu.memory_space<hbm>>)
    return
  }
}

</mosaic_0001>

<sc_bundles>
// kernel: kernel.4.cloned.1.call-start
scs
__scs_entry_jumppad:
0x0: {  	(pc) =	sbr.rel $0x88, $3  }
0x1: {  	(tag) =	ssettag $0x0;
	lr =	simm.s32 $0x1  }
0x2: {  	[smem:$0x3F9F] =	sst lr;
	_ =	strace $0xD0000000  }
0x3: {  	_ = 	snop  }
0x4: {  	_ = 	snop  }
0x5: {  	_ = 	snop  }
0x6: {  	_ = 	snop  }
0x7: {  	_ = 	snop  }
__scs_overlays_trampoline_lowered:
0x8: {  	[smem:$0x3FAE] =	sst s0  }
0x9: {  	[smem:$0x3FAF] =	sst s1  }
0xa: {  	[smem:$0x3FB0] =	sst s2  }
0xb: {  	[smem:$0x3FB1] =	sst s3  }
0xc: {  	[smem:$0x3FB2] =	sst s4  }
0xd: {  	[smem:$0x3FB3] =	sst s5  }
0xe: {  	[smem:$0x3FB4] =	sst s6  }
0xf: {  	[smem:$0x3FB5] =	sst s7  }
0x10: {  	[smem:$0x3FB6] =	sst s8  }
0x11: {  	[smem:$0x3FB7] =	sst s9;
	s0 =	simm.s32 @!p0 $0x0  }
0x12: {  	s1 =	sld [smem:$0x3F9D];
	s0 =	simm.s32 @p0 $0x1  }
0x13: {  	[smem:$0x3FB8] =	sst s0;
	s0 =	simm.s32 @!p1 $0x0  }
0x14: {  	s2 =	sld [smem:$0x3F9C];
	s0 =	simm.s32 @p1 $0x1  }
0x15: {  	[smem:$0x3FB9] =	sst s0;
	s0 =	simm.s32 @!p2 $0x0  }
0x16: {  	s3 =	sld [smem:$0x3FDB];
	s0 =	simm.s32 @p2 $0x1  }
0x17: {  	s4 =	simm.s32 $0x1BF5;
	[smem:$0x3FBB] =	sst s0  }
0x18: {  	s0 =	sld [smem:$0x3F9E];
	_ =	swait.ge [sflag:s4], $0x0  }
0x19: {  	s7 =	sld [smem:$0x3F9F]  }
0x1a: {  	s8 =	sadd.s32 $0xFFFFE003, lr  }
0x1b: {  	s9 =	sadd.s32 $0xFFFFFEF7, lr;
	s5 =	simm.s32 $0xFFFFFFFF;
	p2 =	slt.u32 s8, $0xFFFFF086  }
0x1c: {  	p1 =	slt.u32 s9, $0xF7A;
	s5 =	simm.s32 @!p2 $0x0  }
0x1d: {  	s5 =	simm.s32 @p1 $0x1;
	p0 =	seq.s32 s7, s2  }
0x1e: {  	s7 =	smul.u32 @!p0 $0xF7A, s2;
	p2 =	seq.s32 @!p0 s5, $0x0  }
0x1f: {  	s9 =	smul.u32 $0xF7A, s1;
	s8 =	simm.s32 @!p0 $0x1BF5;
	p2 =	por !p2, p0  }
0x20: {  	[sflag:s8] =	ssyncset.s32 @!p0 $0xFFFFF086;
	s6 =	sadd.s32 @!p0 s3, s7;
	s7 =	simm.s32 @!p0 $0x108  }
0x21: {  	s3 =	sadd.s32 s3, s9;
	s6 =	sadd.s32 @!p0 $0x88, s6;
	s7 =	simm.s32 @p2 $0x1082  }
0x22: {  	[simem:s7], [sflag:s8] =	dma.local @!p0 [hbm:s6], $0xF7A  }
0x23: {  	s9 =	sor.u32 $0xD0000000, s2;
	s6 =	simm.s32 $0x108;
	_ =	swait.ge @!p0 [sflag:s8], $0x0  }
0x24: {  	s3 =	sadd.s32 $0x88, s3;
	s6 =	simm.s32 @!p1 $0x1082;
	[sflag:s4] =	ssyncset.s32 $0xFFFFF086  }
0x25: {  	[simem:s6], [sflag:s4] =	dma.local [hbm:s3], $0xF7A  }
0x26: {  	[smem:$0x3F9F] =	sst s1;
	(tag) =	ssettag s2;
	_ =	strace s9  }
0x27: {  	s1 =	sld [smem:$0x3FAF]  }
0x28: {  	s2 =	sld [smem:$0x3FB0]  }
0x29: {  	s4 =	sld [smem:$0x3FB2]  }
0x2a: {  	p0 =	seq.s32 s5, $0x0;
	s5 =	sld [smem:$0x3FB3]  }
0x2b: {  	s6 =	sld [smem:$0x3FB4]  }
0x2c: {  	s7 =	sld [smem:$0x3FB5]  }
0x2d: {  	s3 =	simm.s32 $0x108;
	s8 =	sld [smem:$0x3FB6]  }
0x2e: {  	s3 =	simm.s32 @!p0 $0x1082;
	s9 =	sld [smem:$0x3FB7]  }
0x2f: {  	lr =	sadd.s32 s0, s3;
	s0 =	sld [smem:$0x3FAE]  }
0x30: {  	s3 =	sld [smem:$0x3FB1]  }
0x31: {  	[smem:$0x3FBA] =	sst s10  }
0x32: {  	s10 =	sld [smem:$0x3FB8];
	_ =	sdelay $0x3  }
0x33: {  	p0 =	seq.s32 s10, $0x1;
	s10 =	sld [smem:$0x3FBA];
	_ =	sdelay $0x3  }
0x34: {  	[smem:$0x3FBA] =	sst s10  }
0x35: {  	s10 =	sld [smem:$0x3FB9];
	_ =	sdelay $0x3  }
0x36: {  	p1 =	seq.s32 s10, $0x1;
	s10 =	sld [smem:$0x3FBA];
	_ =	sdelay $0x3  }
0x37: {  	[smem:$0x3FBA] =	sst s10  }
0x38: {  	s10 =	sld [smem:$0x3FBB]  }
0x39: {  	_ = 	snop;
	(pc) =	sbr.ind lr, $3  }
0x3a: {  	_ = 	snop  }
0x3b: {  	_ = 	snop  }
0x3c: {  	p2 =	seq.s32 s10, $0x1;
	s10 =	sld [smem:$0x3FBA]  }
0x3d: {  	_ =	shalt  }
0x3e: {  	_ =	shalt  }
0x3f: {  	_ =	shalt  }
0x40: {  	_ =	shalt  }
0x41: {  	_ =	shalt  }
0x42: {  	_ =	shalt  }
0x43: {  	_ =	shalt  }
0x44: {  	_ =	shalt  }
0x45: {  	_ =	shalt  }
0x46: {  	_ =	shalt  }
0x47: {  	_ =	shalt  }
0x48: {  	_ =	shalt  }
0x49: {  	_ =	shalt  }
0x4a: {  	_ =	shalt  }
0x4b: {  	_ =	shalt  }
0x4c: {  	_ =	shalt  }
0x4d: {  	_ =	shalt  }
0x4e: {  	_ =	shalt  }
0x4f: {  	_ =	shalt  }
0x50: {  	_ =	shalt  }
0x51: {  	_ =	shalt  }
0x52: {  	_ =	shalt  }
0x53: {  	_ =	shalt  }
0x54: {  	_ =	shalt  }
0x55: {  	_ =	shalt  }
0x56: {  	_ =	shalt  }
0x57: {  	_ =	shalt  }
0x58: {  	_ =	shalt  }
0x59: {  	_ =	shalt  }
0x5a: {  	_ =	shalt  }
0x5b: {  	_ =	shalt  }
0x5c: {  	_ =	shalt  }
0x5d: {  	_ =	shalt  }
0x5e: {  	_ =	shalt  }
0x5f: {  	_ =	shalt  }
0x60: {  	_ =	shalt  }
0x61: {  	_ =	shalt  }
0x62: {  	_ =	shalt  }
0x63: {  	_ =	shalt  }
0x64: {  	_ =	shalt  }
0x65: {  	_ =	shalt  }
0x66: {  	_ =	shalt  }
0x67: {  	_ =	shalt  }
0x68: {  	_ =	shalt  }
0x69: {  	_ =	shalt  }
0x6a: {  	_ =	shalt  }
0x6b: {  	_ =	shalt  }
0x6c: {  	_ =	shalt  }
0x6d: {  	_ =	shalt  }
0x6e: {  	_ =	shalt  }
0x6f: {  	_ =	shalt  }
0x70: {  	_ =	shalt  }
0x71: {  	_ =	shalt  }
0x72: {  	_ =	shalt  }
0x73: {  	_ =	shalt  }
0x74: {  	_ =	shalt  }
0x75: {  	_ =	shalt  }
0x76: {  	_ =	shalt  }
0x77: {  	_ =	shalt  }
0x78: {  	_ =	shalt  }
0x79: {  	_ =	shalt  }
0x7a: {  	_ =	shalt  }
0x7b: {  	_ =	shalt  }
0x7c: {  	_ =	shalt  }
0x7d: {  	_ =	shalt  }
0x7e: {  	_ =	shalt  }
0x7f: {  	_ =	shalt  }
0x80: {  	_ =	shalt  }
0x81: {  	_ =	shalt  }
0x82: {  	_ =	shalt  }
0x83: {  	_ =	shalt  }
0x84: {  	_ =	shalt  }
0x85: {  	_ =	shalt  }
0x86: {  	_ =	shalt  }
0x87: {  	_ =	shalt  }
.Lfunc_end0:
.L_simem_size_0:
called_computation_lowered:
.L_overlay_start_0:
0x88: {  	s2 =	sld [smem:$0x3FD9]  }
0x89: {  	s3 =	sld [smem:$0x3FFE];
	_ =	sdelay $0x1  }
0x8a: {  	s1 =	srdreg.scid  }
0x8b: {  	s0 =	sand.u32 $0x1, s1  }
0x8c: {  	s17 =	sshll.u32 s0, $0xA;
	s2 =	sadd.s32 s3, s2  }
0x8d: {  	s2 =	sadd.s32 s2, s17  }
0x8e: {  	[smem:$0x3FC6] =	sst s2  }
0x8f: {  	_ = 	snop  }
0x90: {  	s2 =	sld [smem:$0x3FC8]  }
0x91: {  	s18 =	sld [smem:$0x3FD0];
	(tm) =	ssettm $0x1  }
0x92: {  	s4 =	sld [smem:$0x3FFB];
	_ =	sdelay $0x3  }
0x93: {  	_ =	strace s4  }
0x94: {  	s4 =	sld [smem:$0x3FFC];
	_ =	sdelay $0x3  }
0x95: {  	_ =	strace s4  }
0x96: {  	s4 =	sld [smem:$0x3FFD];
	_ =	sdelay $0x3  }
0x97: {  	_ =	strace s4  }
0x98: {  	_ =	strace $0x8FFFFFFF  }
0x99: {  	s19 =	sld [smem:$0x3FDB];
	_ =	sdelay $0x1  }
0x9a: {  	s5 =	simm.s32 $_scs_section_size  }
0x9b: {  	s6 =	simm.s32 $_size__tile_overlayer_lowered;
	s7 =	simm.s32 $_tile_overlayer_lowered  }
0x9c: {  	s22 =	simm.s32 $0x1BFF;
	s21 =	sshll.u32 s7, $0x1;
	s4 =	sadd.s32 s5, s19  }
0x9d: {  	s8 =	simm.s32 $0x0;
	s20 =	sshll.u32 s6, $0x1;
	s6 =	sadd.s32 s21, s4  }
0x9e: {  	[timem:s8], [sflag:s22] =	dma.local [hbm:s6], s20  }
0x9f: {  	_ =	swait.ge [sflag:s22], s20  }
0xa0: {  	s5 =	ssub.s32 $0x0, s20;
	[sflag:s22] =	ssyncset.done $0x0  }
0xa1: {  	[sflag:s22] =	ssyncadd.s32 s5;
	_ =	sdelay $0x1  }
0xa2: {  	s23 =	simm.s32 $0x1B8B  }
0xa3: {  	_ =	swait.ge [sflag:s23], $0x1  }
0xa4: {  	[sflag:s23] =	ssyncset.done $0x0  }
0xa5: {  	s25 =	simm.s32 $0x1B8E;
	s24 =	sld [smem:$0x3FFE];
	[sflag:s23] =	ssyncadd.s32 $0xFFFFFFFF  }
0xa6: {  	s26 =	simm.s32 $execute0_lowered;
	[smem:$0x3FD2] =	sst s25  }
0xa7: {  	s6 =	sshll.u32 s26, $0x1;
	_ =	strace $0x80000046;
	[dreg:$0x1] =	wrdreg $0xFFFFFFFF  }
0xa8: {  	s28 =	simm.s32 $_size_execute0_lowered;
	s4 =	sadd.s32 s4, s6;
	[dreg:$0x0] =	wrdreg $0x0  }
0xa9: {  	s6 =	sshll.u32 s28, $0x1;
	[dreg:$0x2] =	wrdreg s4  }
0xaa: {  	[dreg:$0x3] =	wrdreg s6  }
0xab: {  	[dreg:$0x4] =	wrdreg $0xC0  }
0xac: {  	_ =	task [dreg:s8], $0x5FFFF  }
0xad: {  	[dreg:$0x1] =	wrdreg $0xFFFFFFFF  }
0xae: {  	[dreg:$0x0] =	wrdreg $0x60  }
0xaf: {  	[dreg:$0x2] =	wrdreg s2  }
0xb0: {  	[dreg:$0x3] =	wrdreg s18  }
0xb1: {  	[dreg:$0x4] =	wrdreg s24  }
0xb2: {  	[dreg:$0x5] =	wrdreg $0x9  }
0xb3: {  	_ =	task.clear_ibuf [dreg:s8], $0x6FFFF;
	_ =	strace $0x90000046  }
0xb4: {  	s29 =	simm.s32 $0x9;
	_ =	strace $0x80000048  }
0xb5: {  	_ =	swait.ge [sflag:s29], $0x1  }
0xb6: {  	[sflag:s29] =	ssyncadd.s32 $0xFFFFFFFF  }
0xb7: {  	_ =	strace $0x90000048  }
0xb8: {  	_ =	sfence  }
0xb9: {  	s30 =	sld [smem:$0x0];
	_ =	sdelay $0x2  }
0xba: {  	s31 =	sshll.u32 s1, $0xD;
	s1 =	sshrl.u32 s1, $0x2  }
0xbb: {  	s3 =	sand.u32 $0x4000, s31;
	s1 =	sadd.s32 s1, s30  }
0xbc: {  	s0 =	sor.u32 s3, s0;
	s1 =	sshll.u32 s1, $0x11  }
0xbd: {  	s0 =	sor.u32 s1, s0  }
0xbe: {  	s0 =	sadd.s32 $0x8F2B, s0  }
0xbf: {  	[sflag:s0] =	ssyncadd.remote.s32 $0x1  }
0xc0: {  	_ =	sfence.sel $0xFFFF  }
0xc1: {  	[dreg:$0x0] =	wrdreg $0xFFFFFFFF;
	(pc) =	sbr.abs _section_cstart, $3  }
0xc2: {  	[dreg:$0x1] =	wrdreg $0xFFFFFFFF  }
0xc3: {  	_ =	task.clear_ibuf [dreg:s8], $0x2FFFF;
	_ =	strace $0x9FFFFFFF  }
0xc4: {  	(tm) =	ssettm $0x7FFFFFFF  }
0xc5: {  	_ =	shalt  }
tec
execute0_lowered:
.L_overlay_start_1:
0x0: {  	(tag) =	ssettag $0x1  }
0x1: {  	s1 =	rddreg [dreg:$0x0];
	s2 =	srdreg.scid  }
0x2: {  	s0 =	stileid.u32;
	s3 =	rddreg [dreg:$0x1]  }
0x3: {  	s10 =	rddreg [dreg:$0x2];
	s4 =	simm.s32 $0x0;
	s12 =	simm.s32 $0x400  }
0x4: {  	s13 =	simm.s32 $0x7A1400;
	s14 =	simm.s32 $0x2000;
	s15 =	simm.s32 $0x1  }
0x5: {  	s16 =	simm.s32 $0x4000;
	s17 =	simm.s32 $0x8100;
	s18 =	simm.s32 $0x2  }
0x6: {  	s19 =	simm.s32 $0x6080;
	s20 =	simm.s32 $0xA100;
	s22 =	simm.s32 $0x4  }
0x7: {  	s23 =	simm.s32 $0x0;
	s5 =	sand.u32 $0x1, s2;
	s31 =	sshll.u32 s0, $0x1  }
0x8: {  	[smem:$0x7FF] =	sst s4;
	p0 =	slt.u32 s0, $0x2;
	s21 =	sor.u32 s5, s31  }
0x9: {  	v0 =	vlaneseq.u32;
	_ =	strace $0x80000047;
	s9 =	ssub.s32 $0x2, s5;
	s6 =	smul.u32 $0xF4, s21  }
.Ltmp0:
0xa: {  	v0 =	vmul.u32 $0x41, v0;
	s7 =	smin.u32 s21, $0x4;
	s11 =	sshrl.u32 s9, $0x1;
	(pc) =	sbr.rel .LBB2_1-.Ltmp0, $4  }
0xb: {  	s11 =	ssub.s32 s9, s11;
	s5 =	sadd.s32 s7, s6;
	s6 =	sadd.s32 $0x800, s10  }
0xc: {  	v1 =	vadd.s32 $0x410, v0;
	s7 =	simm.s32 $0xF5;
	s10 =	sadd.s32 $0x7A1800, s10;
	s8 =	sshll.u32 s5, $0x7  }
0xd: {  	v2 =	vadd.s32 $0x820, v0;
	v3 =	vadd.s32 $0xC30, v0;
	v4 =	vadd.s32 $0x1040, v0;
	s11 =	smax.u32 s11, $0x1;
	s7 =	simm.s32 @!p0 $0xF4;
	s8 =	sadd.s32 s1, s8  }
0xe: {  	v5 =	vadd.s32 $0x1450, v0;
	v6 =	vadd.s32 $0x1860, v0;
	v7 =	vadd.s32 $0x1C70, v0;
	p0 =	sne.s32 s21, $0x1F;
	s21 =	simm.s32 $0x3;
	s9 =	sadd.s32 $0x80, s8  }
.LBB2_15:
0xf: {  	_ =	swait.ge [sflag:s21], $0x2000  }
0x10: {  	[sflag:s21] =	ssyncset.done $0x0  }
0x11: {  	[sflag:s21] =	ssyncadd.s32 $0xFFFFE000  }
0x12: {  	_ =	swait.ge [sflag:s22], $0x2000  }
0x13: {  	s2 =	simm.s32 @!p0 $0x0;
	[sflag:s22] =	ssyncset.done $0x0  }
0x14: {  	s24 =	simm.s32 @!p0 $0x8100;
	s25 =	simm.s32 @!p0 $0x5;
	[sflag:s22] =	ssyncadd.s32 $0xFFFFE000  }
0x15: {  	[tilespmem:s24], [sflag:$0x5] =	stream.linear.gather @!p0 [hbm4b:s3+s2], $0x1000, $0x38;
	[tilespmem:$0xC100] =	vst v63  }
0x16: {  	s23 =	sadd.s32 $0x1, s23;
	_ =	swait.ge @!p0 [sflag:s25], $0x1000  }
0x17: {  	p1 =	sne.s32 s23, s11;
	[sflag:s25] =	ssyncset.done @!p0 $0x0  }
.Ltmp1:
0x18: {  	[sflag:s25] =	ssyncadd.s32 @!p0 $0xFFFFF000;
	(pc) =	sbr.rel @!p1 .LBB2_16-.Ltmp1, $4  }
0x19: {  	[hbm4b:s10+s2] =	stream.linear.scatter @!p0 [tilespmem:s24], [sflag:$0x5], $0x1000, $0x38;
	[tilespmem:$0xC100] =	vst v63  }
0x1a: {  	_ =	swait.ge @!p0 [sflag:s25], $0x1000  }
0x1b: {  	[sflag:s25] =	ssyncset.done @!p0 $0x0  }
0x1c: {  	[sflag:s25] =	ssyncadd.s32 @!p0 $0xFFFFF000  }
.LBB2_1:
.Ltmp2:
0x1d: {  	(pc) =	sbr.rel .LBB2_2-.Ltmp2, $4  }
0x1e: {  	_ = 	snop  }
0x1f: {  	[tilespmem:s4], [sflag:$0x1] =	stream.strided.gather [hbm4b:s8+s12], $0x2000, s13, s12, $0x38;
	[tilespmem:$0xC100] =	vst v63  }
0x20: {  	s24 =	simm.s32 $0x0  }
0x21: {  	[tilespmem:s14], [sflag:$0x2] =	stream.strided.gather [hbm4b:s9+s12], $0x2000, s13, s12, $0x38;
	[tilespmem:$0xC100] =	vst v63  }
.LBB2_14:
0x22: {  	s24 =	sadd.s32 $0x1, s24  }
0x23: {  	p1 =	sne.s32 s24, $0x7B  }
.Ltmp3:
0x24: {  	_ = 	snop;
	(pc) =	sbr.rel @!p1 .LBB2_15-.Ltmp3, $1  }
0x25: {  	_ =	sdelay $0x3  }
.LBB2_2:
0x26: {  	s25 =	sshll.u32 s24, $0x1  }
0x27: {  	p1 =	sge.u32 s25, s7  }
.Ltmp4:
0x28: {  	_ = 	snop;
	(pc) =	sbr.rel @p1 .LBB2_8-.Ltmp4, $1  }
0x29: {  	_ =	sdelay $0x3  }
0x2a: {  	_ =	swait.ge [sflag:s15], $0x2000  }
0x2b: {  	p1 =	seq.s32 s24, $0x0;
	[sflag:s15] =	ssyncset.done $0x0  }
0x2c: {  	s28 =	simm.s32 @!p1 $0x3;
	[sflag:s15] =	ssyncadd.s32 $0xFFFFE000  }
0x2d: {  	_ =	swait.ge @!p1 [sflag:s28], $0x2000  }
0x2e: {  	s26 =	sadd.s32 s5, s25;
	[sflag:s28] =	ssyncset.done @!p1 $0x0  }
0x2f: {  	s29 =	simm.s32 $0x80;
	[sflag:s28] =	ssyncadd.s32 @!p1 $0xFFFFE000;
	s28 =	simm.s32 $0x0  }
.LBB2_4:
0x30: {  	v8 =	vld [tilespmem:s29+$0xFFFFFF80]  }
0x31: {  	v9 =	vld [tilespmem:s29+$0xFFFFFF90]  }
0x32: {  	v10 =	vld [tilespmem:s29+$0xFFFFFFA0];
	v12 =	vadd.s32 s28, v0  }
0x33: {  	v11 =	vld [tilespmem:s29+$0xFFFFFFB0];
	v14 =	vadd.s32 s28, v1  }
0x34: {  	v13 =	vld [tilespmem:s29+$0xFFFFFFC0];
	v16 =	vadd.s32 s28, v2  }
0x35: {  	v15 =	vld [tilespmem:s29+$0xFFFFFFD0];
	v18 =	vadd.s32 s28, v3  }
0x36: {  	v17 =	vld [tilespmem:s29+$0xFFFFFFE0];
	v20 =	vadd.s32 s28, v4  }
0x37: {  	v19 =	vld [tilespmem:s29+$0xFFFFFFF0];
	[tilespmem:v12+s16+$0x0] =	vst.idx.msk $0xffff, v8;
	v8 =	vadd.s32 s28, v5  }
0x38: {  	v55 =	vadd.s32 s28, v6;
	[tilespmem:v14+s16+$0x0] =	vst.idx.msk $0xffff, v9  }
0x39: {  	v56 =	vadd.s32 s28, v7;
	[tilespmem:v16+s16+$0x0] =	vst.idx.msk $0xffff, v10  }
0x3a: {  	[tilespmem:v18+s16+$0x0] =	vst.idx.msk $0xffff, v11  }
0x3b: {  	[tilespmem:v20+s16+$0x0] =	vst.idx.msk $0xffff, v13  }
0x3c: {  	[tilespmem:v8+s16+$0x0] =	vst.idx.msk $0xffff, v15  }
0x3d: {  	[tilespmem:v55+s16+$0x0] =	vst.idx.msk $0xffff, v17  }
0x3e: {  	[tilespmem:v56+s16+$0x0] =	vst.idx.msk $0xffff, v19  }
0x3f: {  	v8 =	vld [tilespmem:s29+$0x0]  }
0x40: {  	s30 =	sadd.s32 $0x1, s28;
	v9 =	vld [tilespmem:s29+$0x10]  }
0x41: {  	v57 =	vadd.s32 s30, v0;
	v10 =	vld [tilespmem:s29+$0x20]  }
0x42: {  	v58 =	vadd.s32 s30, v1;
	v11 =	vld [tilespmem:s29+$0x30]  }
0x43: {  	v59 =	vadd.s32 s30, v2;
	v13 =	vld [tilespmem:s29+$0x40]  }
0x44: {  	v60 =	vadd.s32 s30, v3;
	v15 =	vld [tilespmem:s29+$0x50]  }
0x45: {  	v61 =	vadd.s32 s30, v4;
	v17 =	vld [tilespmem:s29+$0x60]  }
0x46: {  	v19 =	vld [tilespmem:s29+$0x70];
	[tilespmem:v57+s16+$0x0] =	vst.idx.msk $0xffff, v8;
	v8 =	vadd.s32 s30, v5  }
0x47: {  	v62 =	vadd.s32 s30, v6;
	[tilespmem:v58+s16+$0x0] =	vst.idx.msk $0xffff, v9  }
0x48: {  	p1 =	sne.s32 s28, $0x3E;
	v63 =	vadd.s32 s30, v7;
	[tilespmem:v59+s16+$0x0] =	vst.idx.msk $0xffff, v10  }
.Ltmp5:
0x49: {  	[tilespmem:v60+s16+$0x0] =	vst.idx.msk $0xffff, v11;
	(pc) =	sbr.rel @p1 .LBB2_4-.Ltmp5, $4  }
0x4a: {  	[tilespmem:v61+s16+$0x0] =	vst.idx.msk $0xffff, v13  }
0x4b: {  	[tilespmem:v8+s16+$0x0] =	vst.idx.msk $0xffff, v15  }
0x4c: {  	[tilespmem:v62+s16+$0x0] =	vst.idx.msk $0xffff, v17  }
0x4d: {  	s28 =	sadd.s32 $0x2, s28;
	s29 =	sadd.s32 $0x100, s29;
	[tilespmem:v63+s16+$0x0] =	vst.idx.msk $0xffff, v19  }
0x4e: {  	s30 =	simm.s32 $0x71  }
0x4f: {  	v8 =	vld [tilespmem:s30+$0x3FBF]  }
0x50: {  	v9 =	vld [tilespmem:s30+$0x3F8F]  }
0x51: {  	v10 =	vld [tilespmem:s30+$0x3FAF]  }
0x52: {  	v11 =	vld [tilespmem:s30+$0x3F9F]  }
0x53: {  	s28 =	simm.s32 $0x8140  }
0x54: {  	[tilespmem:s28+$0xFFFFFFF0] =	vst v8  }
0x55: {  	[tilespmem:s28+$0xFFFFFFC0] =	vst v9  }
0x56: {  	[tilespmem:s28+$0xFFFFFFE0] =	vst v10  }
0x57: {  	[tilespmem:s28+$0xFFFFFFD0] =	vst v11  }
0x58: {  	v8 =	vld [tilespmem:s30+$0x3FD0]  }
0x59: {  	s31 =	simm.s32 $0x3CC;
	s29 =	simm.s32 $0x8140;
	v9 =	vld [tilespmem:s30+$0x4000]  }
.LBB2_6:
0x5a: {  	p1 =	sne.s32 s31, $0x81BC  }
0x5b: {  	v10 =	vld [tilespmem:s30+$0x3FE0];
	s28 =	sadd.s32 $0x80, s28;
	s2 =	smov.u32 s31;
	s31 =	sadd.s32 $0x208, s31  }
0x5c: {  	v11 =	vld [tilespmem:s30+$0x3FF0];
	_ =	sdelay $0x1  }
0x5d: {  	[tilespmem:s29+$0x0] =	vst v8  }
0x5e: {  	[tilespmem:s29+$0x30] =	vst v9  }
0x5f: {  	[tilespmem:s29+$0x10] =	vst v10  }
0x60: {  	s30 =	sshra.s32 s2, $0x2;
	[tilespmem:s29+$0x20] =	vst v11;
	s29 =	smov.u32 s28  }
0x61: {  	v8 =	vld [tilespmem:s30+$0x3FBF]  }
0x62: {  	v9 =	vld [tilespmem:s30+$0x3F8F]  }
0x63: {  	v10 =	vld [tilespmem:s30+$0x3FAF]  }
0x64: {  	v11 =	vld [tilespmem:s30+$0x3F9F];
	_ =	sdelay $0x1  }
0x65: {  	[tilespmem:s28+$0xFFFFFFF0] =	vst v8  }
.Ltmp6:
0x66: {  	[tilespmem:s28+$0xFFFFFFC0] =	vst v9;
	(pc) =	sbr.rel @p1 .LBB2_6-.Ltmp6, $4  }
0x67: {  	[tilespmem:s28+$0xFFFFFFE0] =	vst v10  }
0x68: {  	[tilespmem:s28+$0xFFFFFFD0] =	vst v11  }
0x69: {  	v8 =	vld [tilespmem:s30+$0x3FD0]  }
0x6a: {  	v9 =	vld [tilespmem:s30+$0x4000]  }
0x6b: {  	v10 =	vld [tilespmem:s30+$0x3FE0]  }
0x6c: {  	v11 =	vld [tilespmem:s30+$0x3FF0];
	_ =	sdelay $0x1  }
0x6d: {  	[tilespmem:s29+$0x0] =	vst v8  }
0x6e: {  	s2 =	sshll.u32 s26, $0xA;
	[tilespmem:s29+$0x30] =	vst v9  }
0x6f: {  	s2 =	sand.u32 $0x1FFFFC00, s2;
	[tilespmem:s29+$0x10] =	vst v10  }
0x70: {  	s2 =	sadd.s32 s6, s2;
	[tilespmem:s29+$0x20] =	vst v11  }
0x71: {  	[hbm4b:s2+s4] =	stream.linear.scatter [tilespmem:s17], [sflag:$0x3], $0x2000, $0x38;
	[tilespmem:$0xC100] =	vst v63  }
0x72: {  	s2 =	sadd.s32 $0x2, s25  }
0x73: {  	p1 =	sge.u32 s2, s7  }
0x74: {  	s2 =	sadd.s32 @!p1 s5, s2  }
0x75: {  	s2 =	sshll.u32 @!p1 s2, $0x7  }
0x76: {  	s26 =	simm.s32 @!p1 $0x400;
	s2 =	sand.u32 @!p1 $0x1FFFFF80, s2  }
0x77: {  	s28 =	simm.s32 @!p1 $0x7A1400;
	s29 =	simm.s32 @!p1 $0x0;
	s2 =	sadd.s32 @!p1 s1, s2  }
0x78: {  	[tilespmem:s29], [sflag:$0x1] =	stream.strided.gather @!p1 [hbm4b:s2+s26], $0x2000, s28, s26, $0x38;
	[tilespmem:$0xC100] =	vst v63  }
.LBB2_8:
0x79: {  	s26 =	sor.u32 $0x1, s25  }
0x7a: {  	p1 =	sge.u32 s26, s7  }
.Ltmp7:
0x7b: {  	_ = 	snop;
	(pc) =	sbr.rel @p1 .LBB2_14-.Ltmp7, $1  }
0x7c: {  	_ =	sdelay $0x3  }
0x7d: {  	_ =	swait.ge [sflag:s18], $0x2000  }
0x7e: {  	p1 =	seq.s32 s24, $0x0;
	[sflag:s18] =	ssyncset.done $0x0  }
0x7f: {  	s2 =	simm.s32 @!p1 $0x4;
	[sflag:s18] =	ssyncadd.s32 $0xFFFFE000  }
0x80: {  	_ =	swait.ge @!p1 [sflag:s2], $0x2000  }
0x81: {  	s26 =	sadd.s32 s5, s26;
	[sflag:s2] =	ssyncset.done @!p1 $0x0  }
0x82: {  	s28 =	simm.s32 $0x0;
	s29 =	simm.s32 $0x20F0;
	[sflag:s2] =	ssyncadd.s32 @!p1 $0xFFFFE000  }
.LBB2_10:
0x83: {  	v8 =	vld [tilespmem:s29+$0xFFFFFF10]  }
0x84: {  	v9 =	vld [tilespmem:s29+$0xFFFFFF20]  }
0x85: {  	v10 =	vld [tilespmem:s29+$0xFFFFFF30];
	v12 =	vadd.s32 s28, v0  }
0x86: {  	v11 =	vld [tilespmem:s29+$0xFFFFFF40];
	v14 =	vadd.s32 s28, v1  }
0x87: {  	v13 =	vld [tilespmem:s29+$0xFFFFFF50];
	v16 =	vadd.s32 s28, v2  }
0x88: {  	v15 =	vld [tilespmem:s29+$0xFFFFFF60];
	v18 =	vadd.s32 s28, v3  }
0x89: {  	v17 =	vld [tilespmem:s29+$0xFFFFFF70];
	v20 =	vadd.s32 s28, v4  }
0x8a: {  	v19 =	vld [tilespmem:s29+$0xFFFFFF80];
	[tilespmem:v12+s19+$0x0] =	vst.idx.msk $0xffff, v8;
	v8 =	vadd.s32 s28, v5  }
0x8b: {  	v55 =	vadd.s32 s28, v6;
	[tilespmem:v14+s19+$0x0] =	vst.idx.msk $0xffff, v9  }
0x8c: {  	v56 =	vadd.s32 s28, v7;
	[tilespmem:v16+s19+$0x0] =	vst.idx.msk $0xffff, v10  }
0x8d: {  	[tilespmem:v18+s19+$0x0] =	vst.idx.msk $0xffff, v11  }
0x8e: {  	[tilespmem:v20+s19+$0x0] =	vst.idx.msk $0xffff, v13  }
0x8f: {  	[tilespmem:v8+s19+$0x0] =	vst.idx.msk $0xffff, v15  }
0x90: {  	[tilespmem:v55+s19+$0x0] =	vst.idx.msk $0xffff, v17  }
0x91: {  	[tilespmem:v56+s19+$0x0] =	vst.idx.msk $0xffff, v19  }
0x92: {  	v8 =	vld [tilespmem:s29+$0xFFFFFF90]  }
0x93: {  	s2 =	sadd.s32 $0x1, s28;
	v9 =	vld [tilespmem:s29+$0xFFFFFFA0]  }
0x94: {  	v57 =	vadd.s32 s2, v0;
	v10 =	vld [tilespmem:s29+$0xFFFFFFB0]  }
0x95: {  	v58 =	vadd.s32 s2, v1;
	v11 =	vld [tilespmem:s29+$0xFFFFFFC0]  }
0x96: {  	v59 =	vadd.s32 s2, v2;
	v13 =	vld [tilespmem:s29+$0xFFFFFFD0]  }
0x97: {  	v60 =	vadd.s32 s2, v3;
	v15 =	vld [tilespmem:s29+$0xFFFFFFE0]  }
0x98: {  	v61 =	vadd.s32 s2, v4;
	v17 =	vld [tilespmem:s29+$0xFFFFFFF0]  }
0x99: {  	v19 =	vld [tilespmem:s29+$0x0];
	[tilespmem:v57+s19+$0x0] =	vst.idx.msk $0xffff, v8;
	v8 =	vadd.s32 s2, v5  }
0x9a: {  	v62 =	vadd.s32 s2, v6;
	[tilespmem:v58+s19+$0x0] =	vst.idx.msk $0xffff, v9  }
0x9b: {  	p1 =	sne.s32 s28, $0x3E;
	v63 =	vadd.s32 s2, v7;
	[tilespmem:v59+s19+$0x0] =	vst.idx.msk $0xffff, v10  }
.Ltmp8:
0x9c: {  	[tilespmem:v60+s19+$0x0] =	vst.idx.msk $0xffff, v11;
	(pc) =	sbr.rel @p1 .LBB2_10-.Ltmp8, $4  }
0x9d: {  	[tilespmem:v61+s19+$0x0] =	vst.idx.msk $0xffff, v13  }
0x9e: {  	[tilespmem:v8+s19+$0x0] =	vst.idx.msk $0xffff, v15  }
0x9f: {  	[tilespmem:v62+s19+$0x0] =	vst.idx.msk $0xffff, v17  }
0xa0: {  	s28 =	sadd.s32 $0x2, s28;
	s29 =	sadd.s32 $0x100, s29;
	[tilespmem:v63+s19+$0x0] =	vst.idx.msk $0xffff, v19  }
0xa1: {  	s28 =	simm.s32 $0x60C1  }
0xa2: {  	v8 =	vld [tilespmem:s28+$0xFFFFFFBF]  }
0xa3: {  	v9 =	vld [tilespmem:s28+$0xFFFFFFEF]  }
0xa4: {  	v10 =	vld [tilespmem:s28+$0xFFFFFFDF]  }
0xa5: {  	v11 =	vld [tilespmem:s28+$0xFFFFFFCF]  }
0xa6: {  	s29 =	simm.s32 $0x0  }
0xa7: {  	[tilespmem:s29+$0xA100] =	vst v8  }
0xa8: {  	[tilespmem:s29+$0xA130] =	vst v9  }
0xa9: {  	[tilespmem:s29+$0xA120] =	vst v10  }
0xaa: {  	[tilespmem:s29+$0xA110] =	vst v11  }
0xab: {  	v11 =	vld [tilespmem:s28+$0x30]  }
0xac: {  	v10 =	vld [tilespmem:s28+$0x0]  }
0xad: {  	v8 =	vld [tilespmem:s28+$0x20]  }
0xae: {  	s30 =	simm.s32 $0x200;
	v9 =	vld [tilespmem:s28+$0x10]  }
.LBB2_12:
0xaf: {  	p1 =	sne.s32 s30, $0x7E00  }
0xb0: {  	s28 =	sadd.s32 $0x82, s28;
	s2 =	smov.u32 s30;
	s30 =	sadd.s32 $0x200, s30;
	[tilespmem:s29+$0xA170] =	vst v11  }
0xb1: {  	[tilespmem:s29+$0xA140] =	vst v10  }
0xb2: {  	[tilespmem:s29+$0xA160] =	vst v8  }
0xb3: {  	[tilespmem:s29+$0xA150] =	vst v9  }
0xb4: {  	v8 =	vld [tilespmem:s28+$0xFFFFFFBF]  }
0xb5: {  	v9 =	vld [tilespmem:s28+$0xFFFFFFEF]  }
0xb6: {  	v10 =	vld [tilespmem:s28+$0xFFFFFFDF]  }
0xb7: {  	v11 =	vld [tilespmem:s28+$0xFFFFFFCF]  }
0xb8: {  	s29 =	sshra.s32 s2, $0x2  }
0xb9: {  	[tilespmem:s29+$0xA100] =	vst v8  }
0xba: {  	[tilespmem:s29+$0xA130] =	vst v9  }
0xbb: {  	[tilespmem:s29+$0xA120] =	vst v10  }
.Ltmp9:
0xbc: {  	[tilespmem:s29+$0xA110] =	vst v11;
	(pc) =	sbr.rel @p1 .LBB2_12-.Ltmp9, $4  }
0xbd: {  	v11 =	vld [tilespmem:s28+$0x30]  }
0xbe: {  	v10 =	vld [tilespmem:s28+$0x0]  }
0xbf: {  	v8 =	vld [tilespmem:s28+$0x20]  }
0xc0: {  	v9 =	vld [tilespmem:s28+$0x10]  }
0xc1: {  	_ = 	snop  }
0xc2: {  	[tilespmem:s29+$0xA170] =	vst v11  }
0xc3: {  	s2 =	sshll.u32 s26, $0xA;
	[tilespmem:s29+$0xA140] =	vst v10  }
0xc4: {  	s2 =	sand.u32 $0x1FFFFC00, s2;
	[tilespmem:s29+$0xA160] =	vst v8  }
0xc5: {  	s2 =	sadd.s32 s6, s2;
	[tilespmem:s29+$0xA150] =	vst v9  }
0xc6: {  	[hbm4b:s2+s4] =	stream.linear.scatter [tilespmem:s20], [sflag:$0x4], $0x2000, $0x38;
	[tilespmem:$0xC100] =	vst v63  }
0xc7: {  	s2 =	sadd.s32 $0x3, s25  }
0xc8: {  	p1 =	sge.u32 s2, s7  }
.Ltmp10:
0xc9: {  	s2 =	sadd.s32 @!p1 s5, s2;
	(pc) =	sbr.rel .LBB2_14-.Ltmp10, $4  }
0xca: {  	s2 =	sshll.u32 @!p1 s2, $0x7  }
0xcb: {  	s25 =	simm.s32 @!p1 $0x400;
	s2 =	sand.u32 @!p1 $0x1FFFFF80, s2  }
0xcc: {  	s26 =	simm.s32 @!p1 $0x7A1400;
	s28 =	simm.s32 @!p1 $0x2000;
	s2 =	sadd.s32 @!p1 s1, s2  }
0xcd: {  	[tilespmem:s28], [sflag:$0x2] =	stream.strided.gather @!p1 [hbm4b:s2+s25], $0x2000, s26, s25, $0x38;
	[tilespmem:$0xC100] =	vst v63  }
.LBB2_16:
0xce: {  	_ =	sfence.sel $0x180000  }
0xcf: {  	[bflag:$0x0] =	sbarrier.arrive $0xFFFF  }
0xd0: {  	_ =	strace $0x90000047  }
0xd1: {  	[bflag:$0x2] =	sbarrier.arrive $0xFFFF  }
0xd2: {  	p0 =	sne.s32 s0, $0x0;
	s0 =	rddreg [dreg:$0x3]  }
0xd3: {  	s0 =	sadd.s32 @!p0 $0x100000, s0  }
0xd4: {  	[sflag:s0] =	ssyncadd.tile.s32 @!p0 $0x1;
	_ =	shalt  }
.Lfunc_end2:
_tile_overlayer_lowered:
.L_overlay_start_2:
0xd5: {  	(tag) =	ssettag $0x2  }
0xd6: {  	s0 =	rddreg [dreg:$0x0];
	s2 =	stileid.u32  }
0xd7: {  	s1 =	rddreg [dreg:$0x1];
	p0 =	sne.s32 s2, $0x0  }
0xd8: {  	s3 =	rddreg [dreg:$0x2];
	[bflag:$0x3] =	sbarrier.arrive $0xFFFF;
	s2 =	simm.s32 @!p0 $0x1C05  }
0xd9: {  	[timem:s3], [sflag:s2] =	dma.local @!p0 [hbm:s0], s1  }
0xda: {  	s0 =	simm.s32 @!p0 $0x5  }
0xdb: {  	_ =	swait.ge @!p0 [sflag:s0], s1  }
0xdc: {  	s1 =	ssub.s32 @!p0 $0x0, s1;
	[sflag:s0] =	ssyncset.done @!p0 $0x0  }
0xdd: {  	[sflag:s0] =	ssyncadd.s32 @!p0 s1  }
0xde: {  	[bflag:$0x3] =	sbarrier.arrive $0xFFFF  }
0xdf: {  	_ =	shalt  }

// kernel: kernel.7.cloned.1.call-start
scs
__scs_entry_jumppad:
0x0: {  	(pc) =	sbr.rel $0x88, $3  }
0x1: {  	(tag) =	ssettag $0x0;
	lr =	simm.s32 $0x1  }
0x2: {  	[smem:$0x3F9F] =	sst lr;
	_ =	strace $0xD0000000  }
0x3: {  	_ = 	snop  }
0x4: {  	_ = 	snop  }
0x5: {  	_ = 	snop  }
0x6: {  	_ = 	snop  }
0x7: {  	_ = 	snop  }
__scs_overlays_trampoline_lowered:
0x8: {  	[smem:$0x3FAE] =	sst s0  }
0x9: {  	[smem:$0x3FAF] =	sst s1  }
0xa: {  	[smem:$0x3FB0] =	sst s2  }
0xb: {  	[smem:$0x3FB1] =	sst s3  }
0xc: {  	[smem:$0x3FB2] =	sst s4  }
0xd: {  	[smem:$0x3FB3] =	sst s5  }
0xe: {  	[smem:$0x3FB4] =	sst s6  }
0xf: {  	[smem:$0x3FB5] =	sst s7  }
0x10: {  	[smem:$0x3FB6] =	sst s8  }
0x11: {  	[smem:$0x3FB7] =	sst s9;
	s0 =	simm.s32 @!p0 $0x0  }
0x12: {  	s1 =	sld [smem:$0x3F9D];
	s0 =	simm.s32 @p0 $0x1  }
0x13: {  	[smem:$0x3FB8] =	sst s0;
	s0 =	simm.s32 @!p1 $0x0  }
0x14: {  	s2 =	sld [smem:$0x3F9C];
	s0 =	simm.s32 @p1 $0x1  }
0x15: {  	[smem:$0x3FB9] =	sst s0;
	s0 =	simm.s32 @!p2 $0x0  }
0x16: {  	s3 =	sld [smem:$0x3FDB];
	s0 =	simm.s32 @p2 $0x1  }
0x17: {  	s4 =	simm.s32 $0x1BF5;
	[smem:$0x3FBB] =	sst s0  }
0x18: {  	s0 =	sld [smem:$0x3F9E];
	_ =	swait.ge [sflag:s4], $0x0  }
0x19: {  	s7 =	sld [smem:$0x3F9F]  }
0x1a: {  	s8 =	sadd.s32 $0xFFFFE003, lr  }
0x1b: {  	s9 =	sadd.s32 $0xFFFFFEF7, lr;
	s5 =	simm.s32 $0xFFFFFFFF;
	p2 =	slt.u32 s8, $0xFFFFF086  }
0x1c: {  	p1 =	slt.u32 s9, $0xF7A;
	s5 =	simm.s32 @!p2 $0x0  }
0x1d: {  	s5 =	simm.s32 @p1 $0x1;
	p0 =	seq.s32 s7, s2  }
0x1e: {  	s7 =	smul.u32 @!p0 $0xF7A, s2;
	p2 =	seq.s32 @!p0 s5, $0x0  }
0x1f: {  	s9 =	smul.u32 $0xF7A, s1;
	s8 =	simm.s32 @!p0 $0x1BF5;
	p2 =	por !p2, p0  }
0x20: {  	[sflag:s8] =	ssyncset.s32 @!p0 $0xFFFFF086;
	s6 =	sadd.s32 @!p0 s3, s7;
	s7 =	simm.s32 @!p0 $0x108  }
0x21: {  	s3 =	sadd.s32 s3, s9;
	s6 =	sadd.s32 @!p0 $0x88, s6;
	s7 =	simm.s32 @p2 $0x1082  }
0x22: {  	[simem:s7], [sflag:s8] =	dma.local @!p0 [hbm:s6], $0xF7A  }
0x23: {  	s9 =	sor.u32 $0xD0000000, s2;
	s6 =	simm.s32 $0x108;
	_ =	swait.ge @!p0 [sflag:s8], $0x0  }
0x24: {  	s3 =	sadd.s32 $0x88, s3;
	s6 =	simm.s32 @!p1 $0x1082;
	[sflag:s4] =	ssyncset.s32 $0xFFFFF086  }
0x25: {  	[simem:s6], [sflag:s4] =	dma.local [hbm:s3], $0xF7A  }
0x26: {  	[smem:$0x3F9F] =	sst s1;
	(tag) =	ssettag s2;
	_ =	strace s9  }
0x27: {  	s1 =	sld [smem:$0x3FAF]  }
0x28: {  	s2 =	sld [smem:$0x3FB0]  }
0x29: {  	s4 =	sld [smem:$0x3FB2]  }
0x2a: {  	p0 =	seq.s32 s5, $0x0;
	s5 =	sld [smem:$0x3FB3]  }
0x2b: {  	s6 =	sld [smem:$0x3FB4]  }
0x2c: {  	s7 =	sld [smem:$0x3FB5]  }
0x2d: {  	s3 =	simm.s32 $0x108;
	s8 =	sld [smem:$0x3FB6]  }
0x2e: {  	s3 =	simm.s32 @!p0 $0x1082;
	s9 =	sld [smem:$0x3FB7]  }
0x2f: {  	lr =	sadd.s32 s0, s3;
	s0 =	sld [smem:$0x3FAE]  }
0x30: {  	s3 =	sld [smem:$0x3FB1]  }
0x31: {  	[smem:$0x3FBA] =	sst s10  }
0x32: {  	s10 =	sld [smem:$0x3FB8];
	_ =	sdelay $0x3  }
0x33: {  	p0 =	seq.s32 s10, $0x1;
	s10 =	sld [smem:$0x3FBA];
	_ =	sdelay $0x3  }
0x34: {  	[smem:$0x3FBA] =	sst s10  }
0x35: {  	s10 =	sld [smem:$0x3FB9];
	_ =	sdelay $0x3  }
0x36: {  	p1 =	seq.s32 s10, $0x1;
	s10 =	sld [smem:$0x3FBA];
	_ =	sdelay $0x3  }
0x37: {  	[smem:$0x3FBA] =	sst s10  }
0x38: {  	s10 =	sld [smem:$0x3FBB]  }
0x39: {  	_ = 	snop;
	(pc) =	sbr.ind lr, $3  }
0x3a: {  	_ = 	snop  }
0x3b: {  	_ = 	snop  }
0x3c: {  	p2 =	seq.s32 s10, $0x1;
	s10 =	sld [smem:$0x3FBA]  }
0x3d: {  	_ =	shalt  }
0x3e: {  	_ =	shalt  }
0x3f: {  	_ =	shalt  }
0x40: {  	_ =	shalt  }
0x41: {  	_ =	shalt  }
0x42: {  	_ =	shalt  }
0x43: {  	_ =	shalt  }
0x44: {  	_ =	shalt  }
0x45: {  	_ =	shalt  }
0x46: {  	_ =	shalt  }
0x47: {  	_ =	shalt  }
0x48: {  	_ =	shalt  }
0x49: {  	_ =	shalt  }
0x4a: {  	_ =	shalt  }
0x4b: {  	_ =	shalt  }
0x4c: {  	_ =	shalt  }
0x4d: {  	_ =	shalt  }
0x4e: {  	_ =	shalt  }
0x4f: {  	_ =	shalt  }
0x50: {  	_ =	shalt  }
0x51: {  	_ =	shalt  }
0x52: {  	_ =	shalt  }
0x53: {  	_ =	shalt  }
0x54: {  	_ =	shalt  }
0x55: {  	_ =	shalt  }
0x56: {  	_ =	shalt  }
0x57: {  	_ =	shalt  }
0x58: {  	_ =	shalt  }
0x59: {  	_ =	shalt  }
0x5a: {  	_ =	shalt  }
0x5b: {  	_ =	shalt  }
0x5c: {  	_ =	shalt  }
0x5d: {  	_ =	shalt  }
0x5e: {  	_ =	shalt  }
0x5f: {  	_ =	shalt  }
0x60: {  	_ =	shalt  }
0x61: {  	_ =	shalt  }
0x62: {  	_ =	shalt  }
0x63: {  	_ =	shalt  }
0x64: {  	_ =	shalt  }
0x65: {  	_ =	shalt  }
0x66: {  	_ =	shalt  }
0x67: {  	_ =	shalt  }
0x68: {  	_ =	shalt  }
0x69: {  	_ =	shalt  }
0x6a: {  	_ =	shalt  }
0x6b: {  	_ =	shalt  }
0x6c: {  	_ =	shalt  }
0x6d: {  	_ =	shalt  }
0x6e: {  	_ =	shalt  }
0x6f: {  	_ =	shalt  }
0x70: {  	_ =	shalt  }
0x71: {  	_ =	shalt  }
0x72: {  	_ =	shalt  }
0x73: {  	_ =	shalt  }
0x74: {  	_ =	shalt  }
0x75: {  	_ =	shalt  }
0x76: {  	_ =	shalt  }
0x77: {  	_ =	shalt  }
0x78: {  	_ =	shalt  }
0x79: {  	_ =	shalt  }
0x7a: {  	_ =	shalt  }
0x7b: {  	_ =	shalt  }
0x7c: {  	_ =	shalt  }
0x7d: {  	_ =	shalt  }
0x7e: {  	_ =	shalt  }
0x7f: {  	_ =	shalt  }
0x80: {  	_ =	shalt  }
0x81: {  	_ =	shalt  }
0x82: {  	_ =	shalt  }
0x83: {  	_ =	shalt  }
0x84: {  	_ =	shalt  }
0x85: {  	_ =	shalt  }
0x86: {  	_ =	shalt  }
0x87: {  	_ =	shalt  }
.Lfunc_end0:
.L_simem_size_0:
called_computation.1_lowered:
.L_overlay_start_0:
0x88: {  	s2 =	sld [smem:$0x3FD9]  }
0x89: {  	s3 =	sld [smem:$0x3FFE];
	_ =	sdelay $0x1  }
0x8a: {  	s1 =	srdreg.scid  }
0x8b: {  	s0 =	sand.u32 $0x1, s1  }
0x8c: {  	s17 =	sshll.u32 s0, $0xA;
	s2 =	sadd.s32 s3, s2  }
0x8d: {  	s2 =	sadd.s32 s2, s17  }
0x8e: {  	[smem:$0x3FC6] =	sst s2  }
0x8f: {  	_ = 	snop  }
0x90: {  	s2 =	sld [smem:$0x3FC9]  }
0x91: {  	s18 =	sld [smem:$0x3FD0];
	(tm) =	ssettm $0x1  }
0x92: {  	s4 =	sld [smem:$0x3FFB];
	_ =	sdelay $0x3  }
0x93: {  	_ =	strace s4  }
0x94: {  	s4 =	sld [smem:$0x3FFC];
	_ =	sdelay $0x3  }
0x95: {  	_ =	strace s4  }
0x96: {  	s4 =	sld [smem:$0x3FFD];
	_ =	sdelay $0x3  }
0x97: {  	_ =	strace s4  }
0x98: {  	_ =	strace $0x8FFFFFFF  }
0x99: {  	s19 =	sld [smem:$0x3FDB];
	_ =	sdelay $0x1  }
0x9a: {  	s5 =	simm.s32 $_scs_section_size  }
0x9b: {  	s6 =	simm.s32 $_size__tile_overlayer_lowered;
	s7 =	simm.s32 $_tile_overlayer_lowered  }
0x9c: {  	s22 =	simm.s32 $0x1BFF;
	s21 =	sshll.u32 s7, $0x1;
	s4 =	sadd.s32 s5, s19  }
0x9d: {  	s8 =	simm.s32 $0x0;
	s20 =	sshll.u32 s6, $0x1;
	s6 =	sadd.s32 s21, s4  }
0x9e: {  	[timem:s8], [sflag:s22] =	dma.local [hbm:s6], s20  }
0x9f: {  	_ =	swait.ge [sflag:s22], s20  }
0xa0: {  	s5 =	ssub.s32 $0x0, s20;
	[sflag:s22] =	ssyncset.done $0x0  }
0xa1: {  	[sflag:s22] =	ssyncadd.s32 s5;
	_ =	sdelay $0x1  }
0xa2: {  	s23 =	simm.s32 $0x1B8B  }
0xa3: {  	_ =	swait.ge [sflag:s23], $0x1  }
0xa4: {  	[sflag:s23] =	ssyncset.done $0x0  }
0xa5: {  	s25 =	simm.s32 $0x1B8E;
	s24 =	sld [smem:$0x3FFE];
	[sflag:s23] =	ssyncadd.s32 $0xFFFFFFFF  }
0xa6: {  	s26 =	simm.s32 $execute0_lowered;
	[smem:$0x3FD2] =	sst s25  }
0xa7: {  	s6 =	sshll.u32 s26, $0x1;
	_ =	strace $0x80000049;
	[dreg:$0x1] =	wrdreg $0xFFFFFFFF  }
0xa8: {  	s28 =	simm.s32 $_size_execute0_lowered;
	s4 =	sadd.s32 s4, s6;
	[dreg:$0x0] =	wrdreg $0x0  }
0xa9: {  	s6 =	sshll.u32 s28, $0x1;
	[dreg:$0x2] =	wrdreg s4  }
0xaa: {  	[dreg:$0x3] =	wrdreg s6  }
0xab: {  	[dreg:$0x4] =	wrdreg $0xC0  }
0xac: {  	_ =	task [dreg:s8], $0x5FFFF  }
0xad: {  	[dreg:$0x1] =	wrdreg $0xFFFFFFFF  }
0xae: {  	[dreg:$0x0] =	wrdreg $0x60  }
0xaf: {  	[dreg:$0x2] =	wrdreg s2  }
0xb0: {  	[dreg:$0x3] =	wrdreg s24  }
0xb1: {  	[dreg:$0x4] =	wrdreg s18  }
0xb2: {  	[dreg:$0x5] =	wrdreg $0x9  }
0xb3: {  	_ =	task.clear_ibuf [dreg:s8], $0x6FFFF;
	_ =	strace $0x90000049  }
0xb4: {  	s29 =	simm.s32 $0x9;
	_ =	strace $0x8000004B  }
0xb5: {  	_ =	swait.ge [sflag:s29], $0x1  }
0xb6: {  	[sflag:s29] =	ssyncadd.s32 $0xFFFFFFFF  }
0xb7: {  	_ =	strace $0x9000004B  }
0xb8: {  	_ =	sfence  }
0xb9: {  	s30 =	sld [smem:$0x0];
	_ =	sdelay $0x2  }
0xba: {  	s31 =	sshll.u32 s1, $0xD;
	s1 =	sshrl.u32 s1, $0x2  }
0xbb: {  	s3 =	sand.u32 $0x4000, s31;
	s1 =	sadd.s32 s1, s30  }
0xbc: {  	s0 =	sor.u32 s3, s0;
	s1 =	sshll.u32 s1, $0x11  }
0xbd: {  	s0 =	sor.u32 s1, s0  }
0xbe: {  	s0 =	sadd.s32 $0x8F2B, s0  }
0xbf: {  	[sflag:s0] =	ssyncadd.remote.s32 $0x1  }
0xc0: {  	_ =	sfence.sel $0xFFFF  }
0xc1: {  	[dreg:$0x0] =	wrdreg $0xFFFFFFFF;
	(pc) =	sbr.abs _section_cstart, $3  }
0xc2: {  	[dreg:$0x1] =	wrdreg $0xFFFFFFFF  }
0xc3: {  	_ =	task.clear_ibuf [dreg:s8], $0x2FFFF;
	_ =	strace $0x9FFFFFFF  }
0xc4: {  	(tm) =	ssettm $0x7FFFFFFF  }
0xc5: {  	_ =	shalt  }
tec
execute0_lowered:
.L_overlay_start_1:
0x0: {  	(tag) =	ssettag $0x1  }
0x1: {  	s0 =	rddreg [dreg:$0x0]  }
0x2: {  	s2 =	rddreg [dreg:$0x1]  }
0x3: {  	s1 =	rddreg [dreg:$0x2];
	s3 =	srdreg.scid;
	s4 =	simm.s32 $0x0  }
0x4: {  	s6 =	stileid.u32;
	s9 =	simm.s32 $0x20000;
	s10 =	simm.s32 $0x5  }
0x5: {  	s11 =	simm.s32 $0x80;
	s12 =	simm.s32 $0x7000;
	s13 =	simm.s32 $0x7100  }
0x6: {  	s14 =	simm.s32 $0x7080;
	s15 =	simm.s32 $0xB100;
	s16 =	simm.s32 $0x1  }
0x7: {  	s17 =	simm.s32 $0xF100;
	s18 =	simm.s32 $0x400;
	s19 =	simm.s32 $0x13200  }
0x8: {  	s20 =	simm.s32 $0x2;
	s21 =	simm.s32 $0x4;
	s22 =	simm.s32 $0x11180  }
0x9: {  	s23 =	simm.s32 $0x15200;
	s3 =	sand.u32 $0x1, s3;
	s6 =	sshll.u32 s6, $0xA  }
.Ltmp0:
0xa: {  	s30 =	ssub.s32 $0x2, s3;
	s3 =	sshll.u32 s3, $0x9;
	(pc) =	sbr.rel .LBB2_1-.Ltmp0, $4  }
0xb: {  	v0 =	vlaneseq.u32;
	[smem:$0x7FF] =	sst s4;
	s5 =	sshrl.u32 s30, $0x1;
	s4 =	sor.u32 s3, s6  }
0xc: {  	s24 =	simm.s32 $0x3;
	v0 =	vmul.u32 $0x81, v0;
	s7 =	ssub.s32 s30, s5;
	s0 =	sadd.s32 s0, s4  }
0xd: {  	_ =	strace $0x8000004A;
	[dreg:$0x4] =	wrdreg s0;
	s31 =	smax.u32 s7, $0x1  }
0xe: {  	s25 =	simm.s32 $0x0;
	v1 =	vadd.s32 $0x810, v0;
	v2 =	vadd.s32 $0x1020, v0;
	v3 =	vadd.s32 $0x1830, v0;
	s5 =	sadd.s32 $0x800, s2;
	[dreg:$0x5] =	wrdreg s31  }
.LBB2_16:
0xf: {  	_ =	swait.ge [sflag:s24], $0x2000  }
0x10: {  	[sflag:s24] =	ssyncset.done $0x0  }
0x11: {  	[sflag:s24] =	ssyncadd.s32 $0xFFFFE000  }
0x12: {  	_ =	swait.ge [sflag:s21], $0x2000  }
0x13: {  	s25 =	sadd.s32 $0x1, s25;
	s0 =	rddreg [dreg:$0x5]  }
0x14: {  	p0 =	sne.s32 s25, s0  }
.Ltmp1:
0x15: {  	_ = 	snop;
	(pc) =	sbr.rel @!p0 .LBB2_17-.Ltmp1, $3  }
0x16: {  	_ =	sdelay $0x1  }
0x17: {  	[sflag:s21] =	ssyncset.done $0x0  }
0x18: {  	[sflag:s21] =	ssyncadd.s32 $0xFFFFE000  }
.LBB2_1:
0x19: {  	s0 =	simm.s32 $0x0;
	s2 =	rddreg [dreg:$0x4];
	s3 =	simm.s32 $0x1000  }
0x1a: {  	[tilespmem:s0], [sflag:$0x5] =	stream.strided.gather [hbm4b:s2+s3], $0x7000, s9, s3, $0x38;
	[tilespmem:$0x17200] =	vst v63  }
0x1b: {  	_ =	swait.ge [sflag:s10], $0x7000  }
0x1c: {  	[sflag:s10] =	ssyncset.done $0x0  }
0x1d: {  	[sflag:s10] =	ssyncadd.s32 $0xFFFF9000  }
0x1e: {  	v4 =	vld [tilespmem:$0x0]  }
0x1f: {  	v5 =	vld [tilespmem:$0x10]  }
0x20: {  	v6 =	vld [tilespmem:$0x20]  }
0x21: {  	v7 =	vld [tilespmem:$0x30]  }
0x22: {  	v8 =	vld [tilespmem:$0x40]  }
0x23: {  	v9 =	vld [tilespmem:$0x50];
	v4 =	vshra.s32 v4, $0x1  }
0x24: {  	[tilespmem:$0x7000] =	vst v4;
	v4 =	vshra.s32 v5, $0x1;
	v5 =	vld [tilespmem:$0x60]  }
0x25: {  	v58 =	vld [tilespmem:$0x70];
	[tilespmem:$0x7010] =	vst v4;
	v4 =	vshra.s32 v6, $0x1  }
0x26: {  	[tilespmem:$0x7020] =	vst v4;
	v4 =	vshra.s32 v7, $0x1  }
0x27: {  	[tilespmem:$0x7030] =	vst v4;
	v4 =	vshra.s32 v8, $0x1  }
0x28: {  	[tilespmem:$0x7040] =	vst v4;
	v4 =	vshra.s32 v9, $0x1  }
0x29: {  	[tilespmem:$0x7050] =	vst v4;
	v4 =	vshra.s32 v5, $0x1  }
0x2a: {  	[tilespmem:$0x7060] =	vst v4;
	v4 =	vshra.s32 v58, $0x1  }
0x2b: {  	[tilespmem:$0x7070] =	vst v4  }
0x2c: {  	[tilespmem:s13], [sflag:$0x1] =	stream.indirect.gather [hbm4b:s5+s11], $0x80, s12, s11, $0xb8;
	[tilespmem:$0x17200] =	vst v63  }
0x2d: {  	v4 =	vld [tilespmem:$0x400]  }
0x2e: {  	v5 =	vld [tilespmem:$0x410]  }
0x2f: {  	v59 =	vld [tilespmem:$0x420]  }
0x30: {  	v60 =	vld [tilespmem:$0x430]  }
0x31: {  	v61 =	vld [tilespmem:$0x440]  }
0x32: {  	v62 =	vld [tilespmem:$0x450];
	v4 =	vshra.s32 v4, $0x1  }
0x33: {  	[tilespmem:$0x7080] =	vst v4;
	v4 =	vshra.s32 v5, $0x1;
	v5 =	vld [tilespmem:$0x460]  }
0x34: {  	v63 =	vld [tilespmem:$0x470];
	[tilespmem:$0x7090] =	vst v4;
	v4 =	vshra.s32 v59, $0x1  }
0x35: {  	[tilespmem:$0x70A0] =	vst v4;
	v4 =	vshra.s32 v60, $0x1  }
0x36: {  	[tilespmem:$0x70B0] =	vst v4;
	v4 =	vshra.s32 v61, $0x1  }
0x37: {  	[tilespmem:$0x70C0] =	vst v4;
	v4 =	vshra.s32 v62, $0x1  }
0x38: {  	[tilespmem:$0x70D0] =	vst v4;
	v4 =	vshra.s32 v5, $0x1  }
0x39: {  	[tilespmem:$0x70E0] =	vst v4;
	v4 =	vshra.s32 v63, $0x1  }
0x3a: {  	p0 =	por $0x0, $0x0;
	s26 =	simm.s32 $0x0;
	[tilespmem:$0x70F0] =	vst v4  }
0x3b: {  	[tilespmem:s15], [sflag:$0x2] =	stream.indirect.gather [hbm4b:s5+s11], $0x80, s14, s11, $0xb8;
	[tilespmem:$0x17200] =	vst v63  }
.LBB2_2:
0x3c: {  	s0 =	simm.s32 $0x1;
	s2 =	sshll.u32 s26, $0xA;
	s8 =	sshll.u32 s26, $0x8  }
0x3d: {  	_ =	swait.ge [sflag:s16], $0x4000;
	p1 =	seq.s32 s26, $0x0;
	s0 =	simm.s32 @!p0 $0x0  }
0x3e: {  	s28 =	sshll.u32 s26, $0x1;
	s2 =	sand.u32 $0xFFFFC000, s2;
	s0 =	sshll.u32 s0, $0xD  }
0x3f: {  	s3 =	sand.u32 $0xE00, s8;
	[sflag:s16] =	ssyncset.done $0x0;
	s0 =	sor.u32 s0, s2  }
0x40: {  	[sflag:s16] =	ssyncadd.s32 $0xFFFFC000;
	s0 =	sor.u32 s3, s0;
	s3 =	simm.s32 @!p1 $0x3  }
0x41: {  	s30 =	sshrl.u32 s26, $0x1;
	s31 =	sand.u32 $0x100, s8;
	_ =	swait.ge @!p1 [sflag:s3], $0x2000  }
0x42: {  	s8 =	simm.s32 $0xF;
	s0 =	sshrl.u32 s0, $0x2;
	[sflag:s3] =	ssyncset.done @!p1 $0x0  }
0x43: {  	s2 =	simm.s32 $0x0;
	s29 =	sor.u32 $0x400, s0;
	[sflag:s3] =	ssyncadd.s32 @!p1 $0xFFFFE000  }
.LBB2_3:
0x44: {  	v4 =	vld [tilespmem:s0+$0x0];
	_ =	sdelay $0x4  }
0x45: {  	v4 =	vshll.u32 v4, $0x6  }
0x46: {  	s3 =	sshra.s32 s2, $0x2;
	v4 =	vand.u32 $0x40, v4  }
0x47: {  	v4 =	vadd.s32 s3, v4  }
0x48: {  	(v2sf) =	vpush v4, $0x1;
	_ =	sdelay $0x1  }
0x49: {  	(v2sf) =	vpush v4, $0x0;
	_ =	sdelay $0xc  }
0x4a: {  	s3 =	spop (v2sf);
	(v2sf) =	vpush v4, $0x3  }
0x4b: {  	v10 =	vld [tilespmem:s3+$0x7180]  }
0x4c: {  	s7 =	sadd.s32 $0xFFFFFFF1, s8;
	s6 =	spop (v2sf);
	(v2sf) =	vpush v4, $0x2;
	v12 =	vld [tilespmem:s3+$0x7190]  }
0x4d: {  	v9 =	vor.u32 s7, v0;
	v5 =	vld [tilespmem:s6+$0x7100]  }
0x4e: {  	v11 =	vadd.s32 s7, v1;
	v6 =	vld [tilespmem:s6+$0x7110]  }
0x4f: {  	v13 =	vadd.s32 s7, v2;
	v7 =	vld [tilespmem:s6+$0x7120]  }
0x50: {  	v15 =	vadd.s32 s7, v3;
	v8 =	vld [tilespmem:s6+$0x7130];
	s6 =	sadd.s32 $0xFFFFFFF2, s8  }
0x51: {  	v14 =	vld [tilespmem:s3+$0x71A0];
	v17 =	vadd.s32 s6, v0  }
0x52: {  	v16 =	vld [tilespmem:s3+$0x71B0];
	[tilespmem:v9+s17+$0x0] =	vst.idx.msk $0xffff, v5;
	v5 =	vadd.s32 s6, v1  }
0x53: {  	v59 =	vadd.s32 s6, v2;
	[tilespmem:v11+s17+$0x0] =	vst.idx.msk $0xffff, v6  }
0x54: {  	v60 =	vadd.s32 s6, v3;
	[tilespmem:v13+s17+$0x0] =	vst.idx.msk $0xffff, v7  }
0x55: {  	[tilespmem:v15+s17+$0x0] =	vst.idx.msk $0xffff, v8  }
0x56: {  	[tilespmem:v17+s17+$0x0] =	vst.idx.msk $0xffff, v10  }
0x57: {  	[tilespmem:v5+s17+$0x0] =	vst.idx.msk $0xffff, v12  }
0x58: {  	[tilespmem:v59+s17+$0x0] =	vst.idx.msk $0xffff, v14  }
0x59: {  	[tilespmem:v60+s17+$0x0] =	vst.idx.msk $0xffff, v16;
	s3 =	spop (v2sf);
	(v2sf) =	vpush v4, $0x5  }
0x5a: {  	v10 =	vld [tilespmem:s3+$0x7280]  }
0x5b: {  	s7 =	sadd.s32 $0xFFFFFFF3, s8;
	s6 =	spop (v2sf);
	(v2sf) =	vpush v4, $0x4;
	v12 =	vld [tilespmem:s3+$0x7290]  }
0x5c: {  	v61 =	vadd.s32 s7, v0;
	v5 =	vld [tilespmem:s6+$0x7200]  }
0x5d: {  	v62 =	vadd.s32 s7, v1;
	v6 =	vld [tilespmem:s6+$0x7210]  }
0x5e: {  	v63 =	vadd.s32 s7, v2;
	v7 =	vld [tilespmem:s6+$0x7220]  }
0x5f: {  	v20 =	vadd.s32 s7, v3;
	v8 =	vld [tilespmem:s6+$0x7230];
	s6 =	sadd.s32 $0xFFFFFFF4, s8  }
0x60: {  	v14 =	vld [tilespmem:s3+$0x72A0];
	v21 =	vadd.s32 s6, v0  }
0x61: {  	v16 =	vld [tilespmem:s3+$0x72B0];
	[tilespmem:v61+s17+$0x0] =	vst.idx.msk $0xffff, v5;
	v5 =	vadd.s32 s6, v1  }
0x62: {  	v22 =	vadd.s32 s6, v2;
	[tilespmem:v62+s17+$0x0] =	vst.idx.msk $0xffff, v6  }
0x63: {  	v23 =	vadd.s32 s6, v3;
	[tilespmem:v63+s17+$0x0] =	vst.idx.msk $0xffff, v7  }
0x64: {  	[tilespmem:v20+s17+$0x0] =	vst.idx.msk $0xffff, v8  }
0x65: {  	[tilespmem:v21+s17+$0x0] =	vst.idx.msk $0xffff, v10  }
0x66: {  	[tilespmem:v5+s17+$0x0] =	vst.idx.msk $0xffff, v12  }
0x67: {  	[tilespmem:v22+s17+$0x0] =	vst.idx.msk $0xffff, v14  }
0x68: {  	[tilespmem:v23+s17+$0x0] =	vst.idx.msk $0xffff, v16;
	s3 =	spop (v2sf);
	(v2sf) =	vpush v4, $0x7  }
0x69: {  	v10 =	vld [tilespmem:s3+$0x7380]  }
0x6a: {  	s7 =	sadd.s32 $0xFFFFFFF5, s8;
	s6 =	spop (v2sf);
	(v2sf) =	vpush v4, $0x6;
	v12 =	vld [tilespmem:s3+$0x7390]  }
0x6b: {  	v24 =	vadd.s32 s7, v0;
	v5 =	vld [tilespmem:s6+$0x7300]  }
0x6c: {  	v25 =	vadd.s32 s7, v1;
	v6 =	vld [tilespmem:s6+$0x7310]  }
0x6d: {  	v26 =	vadd.s32 s7, v2;
	v7 =	vld [tilespmem:s6+$0x7320]  }
0x6e: {  	v27 =	vadd.s32 s7, v3;
	v8 =	vld [tilespmem:s6+$0x7330];
	s6 =	sadd.s32 $0xFFFFFFF6, s8  }
0x6f: {  	v14 =	vld [tilespmem:s3+$0x73A0];
	v28 =	vadd.s32 s6, v0  }
0x70: {  	v16 =	vld [tilespmem:s3+$0x73B0];
	[tilespmem:v24+s17+$0x0] =	vst.idx.msk $0xffff, v5;
	v5 =	vadd.s32 s6, v1  }
0x71: {  	v29 =	vadd.s32 s6, v2;
	[tilespmem:v25+s17+$0x0] =	vst.idx.msk $0xffff, v6  }
0x72: {  	v30 =	vadd.s32 s6, v3;
	[tilespmem:v26+s17+$0x0] =	vst.idx.msk $0xffff, v7  }
0x73: {  	[tilespmem:v27+s17+$0x0] =	vst.idx.msk $0xffff, v8  }
0x74: {  	[tilespmem:v28+s17+$0x0] =	vst.idx.msk $0xffff, v10  }
0x75: {  	[tilespmem:v5+s17+$0x0] =	vst.idx.msk $0xffff, v12  }
0x76: {  	[tilespmem:v29+s17+$0x0] =	vst.idx.msk $0xffff, v14  }
0x77: {  	[tilespmem:v30+s17+$0x0] =	vst.idx.msk $0xffff, v16;
	s3 =	spop (v2sf);
	(v2sf) =	vpush v4, $0x9  }
0x78: {  	v10 =	vld [tilespmem:s3+$0x7480]  }
0x79: {  	s7 =	sadd.s32 $0xFFFFFFF7, s8;
	s6 =	spop (v2sf);
	(v2sf) =	vpush v4, $0x8;
	v12 =	vld [tilespmem:s3+$0x7490]  }
0x7a: {  	v31 =	vadd.s32 s7, v0;
	v5 =	vld [tilespmem:s6+$0x7400]  }
0x7b: {  	v32 =	vadd.s32 s7, v1;
	v6 =	vld [tilespmem:s6+$0x7410]  }
0x7c: {  	v33 =	vadd.s32 s7, v2;
	v7 =	vld [tilespmem:s6+$0x7420]  }
0x7d: {  	v34 =	vadd.s32 s7, v3;
	v8 =	vld [tilespmem:s6+$0x7430];
	s6 =	sadd.s32 $0xFFFFFFF8, s8  }
0x7e: {  	v14 =	vld [tilespmem:s3+$0x74A0];
	v35 =	vadd.s32 s6, v0  }
0x7f: {  	v16 =	vld [tilespmem:s3+$0x74B0];
	[tilespmem:v31+s17+$0x0] =	vst.idx.msk $0xffff, v5;
	v5 =	vadd.s32 s6, v1  }
0x80: {  	v36 =	vadd.s32 s6, v2;
	[tilespmem:v32+s17+$0x0] =	vst.idx.msk $0xffff, v6  }
0x81: {  	v37 =	vadd.s32 s6, v3;
	[tilespmem:v33+s17+$0x0] =	vst.idx.msk $0xffff, v7  }
0x82: {  	[tilespmem:v34+s17+$0x0] =	vst.idx.msk $0xffff, v8  }
0x83: {  	[tilespmem:v35+s17+$0x0] =	vst.idx.msk $0xffff, v10  }
0x84: {  	[tilespmem:v5+s17+$0x0] =	vst.idx.msk $0xffff, v12  }
0x85: {  	[tilespmem:v36+s17+$0x0] =	vst.idx.msk $0xffff, v14  }
0x86: {  	[tilespmem:v37+s17+$0x0] =	vst.idx.msk $0xffff, v16;
	s3 =	spop (v2sf);
	(v2sf) =	vpush v4, $0xB  }
0x87: {  	v10 =	vld [tilespmem:s3+$0x7580]  }
0x88: {  	s7 =	sadd.s32 $0xFFFFFFF9, s8;
	s6 =	spop (v2sf);
	(v2sf) =	vpush v4, $0xA;
	v12 =	vld [tilespmem:s3+$0x7590]  }
0x89: {  	v38 =	vadd.s32 s7, v0;
	v5 =	vld [tilespmem:s6+$0x7500]  }
0x8a: {  	v39 =	vadd.s32 s7, v1;
	v6 =	vld [tilespmem:s6+$0x7510]  }
0x8b: {  	v40 =	vadd.s32 s7, v2;
	v7 =	vld [tilespmem:s6+$0x7520]  }
0x8c: {  	v41 =	vadd.s32 s7, v3;
	v8 =	vld [tilespmem:s6+$0x7530];
	s6 =	sadd.s32 $0xFFFFFFFA, s8  }
0x8d: {  	v14 =	vld [tilespmem:s3+$0x75A0];
	v42 =	vadd.s32 s6, v0  }
0x8e: {  	v16 =	vld [tilespmem:s3+$0x75B0];
	[tilespmem:v38+s17+$0x0] =	vst.idx.msk $0xffff, v5;
	v5 =	vadd.s32 s6, v1  }
0x8f: {  	v43 =	vadd.s32 s6, v2;
	[tilespmem:v39+s17+$0x0] =	vst.idx.msk $0xffff, v6  }
0x90: {  	v44 =	vadd.s32 s6, v3;
	[tilespmem:v40+s17+$0x0] =	vst.idx.msk $0xffff, v7  }
0x91: {  	[tilespmem:v41+s17+$0x0] =	vst.idx.msk $0xffff, v8  }
0x92: {  	[tilespmem:v42+s17+$0x0] =	vst.idx.msk $0xffff, v10  }
0x93: {  	[tilespmem:v5+s17+$0x0] =	vst.idx.msk $0xffff, v12  }
0x94: {  	[tilespmem:v43+s17+$0x0] =	vst.idx.msk $0xffff, v14  }
0x95: {  	[tilespmem:v44+s17+$0x0] =	vst.idx.msk $0xffff, v16;
	s3 =	spop (v2sf);
	(v2sf) =	vpush v4, $0xD  }
0x96: {  	v10 =	vld [tilespmem:s3+$0x7680]  }
0x97: {  	s7 =	sadd.s32 $0xFFFFFFFB, s8;
	s6 =	spop (v2sf);
	(v2sf) =	vpush v4, $0xC;
	v12 =	vld [tilespmem:s3+$0x7690]  }
0x98: {  	v45 =	vadd.s32 s7, v0;
	v5 =	vld [tilespmem:s6+$0x7600]  }
0x99: {  	v46 =	vadd.s32 s7, v1;
	v6 =	vld [tilespmem:s6+$0x7610]  }
0x9a: {  	v47 =	vadd.s32 s7, v2;
	v7 =	vld [tilespmem:s6+$0x7620]  }
0x9b: {  	v48 =	vadd.s32 s7, v3;
	v8 =	vld [tilespmem:s6+$0x7630];
	s6 =	sadd.s32 $0xFFFFFFFC, s8  }
0x9c: {  	v14 =	vld [tilespmem:s3+$0x76A0];
	v49 =	vadd.s32 s6, v0  }
0x9d: {  	v16 =	vld [tilespmem:s3+$0x76B0];
	[tilespmem:v45+s17+$0x0] =	vst.idx.msk $0xffff, v5;
	v5 =	vadd.s32 s6, v1  }
0x9e: {  	v50 =	vadd.s32 s6, v2;
	[tilespmem:v46+s17+$0x0] =	vst.idx.msk $0xffff, v6  }
0x9f: {  	v51 =	vadd.s32 s6, v3;
	[tilespmem:v47+s17+$0x0] =	vst.idx.msk $0xffff, v7  }
0xa0: {  	[tilespmem:v48+s17+$0x0] =	vst.idx.msk $0xffff, v8  }
0xa1: {  	[tilespmem:v49+s17+$0x0] =	vst.idx.msk $0xffff, v10  }
0xa2: {  	[tilespmem:v5+s17+$0x0] =	vst.idx.msk $0xffff, v12  }
0xa3: {  	[tilespmem:v50+s17+$0x0] =	vst.idx.msk $0xffff, v14  }
0xa4: {  	[tilespmem:v51+s17+$0x0] =	vst.idx.msk $0xffff, v16;
	s3 =	spop (v2sf);
	(v2sf) =	vpush v4, $0xF  }
0xa5: {  	v9 =	vld [tilespmem:s3+$0x7780]  }
0xa6: {  	s7 =	sadd.s32 $0xFFFFFFFD, s8;
	s6 =	spop (v2sf);
	(v2sf) =	vpush v4, $0xE;
	v11 =	vld [tilespmem:s3+$0x7790]  }
0xa7: {  	v52 =	vadd.s32 s7, v0;
	v5 =	vld [tilespmem:s6+$0x7700]  }
0xa8: {  	v53 =	vadd.s32 s7, v1;
	v4 =	vld [tilespmem:s6+$0x7710]  }
0xa9: {  	v54 =	vadd.s32 s7, v2;
	v6 =	vld [tilespmem:s6+$0x7720]  }
0xaa: {  	v55 =	vadd.s32 s7, v3;
	v7 =	vld [tilespmem:s6+$0x7730];
	s6 =	sadd.s32 $0xFFFFFFFE, s8  }
0xab: {  	v13 =	vld [tilespmem:s3+$0x77A0];
	v56 =	vadd.s32 s6, v0  }
0xac: {  	v15 =	vld [tilespmem:s3+$0x77B0];
	[tilespmem:v52+s17+$0x0] =	vst.idx.msk $0xffff, v5;
	v5 =	vadd.s32 s6, v1  }
0xad: {  	[tilespmem:v53+s17+$0x0] =	vst.idx.msk $0xffff, v4;
	v4 =	vadd.s32 s6, v2  }
0xae: {  	v57 =	vadd.s32 s6, v3;
	[tilespmem:v54+s17+$0x0] =	vst.idx.msk $0xffff, v6  }
0xaf: {  	[tilespmem:v55+s17+$0x0] =	vst.idx.msk $0xffff, v7  }
0xb0: {  	[tilespmem:v56+s17+$0x0] =	vst.idx.msk $0xffff, v9  }
0xb1: {  	[tilespmem:v5+s17+$0x0] =	vst.idx.msk $0xffff, v11  }
0xb2: {  	[tilespmem:v4+s17+$0x0] =	vst.idx.msk $0xffff, v13  }
0xb3: {  	[tilespmem:v57+s17+$0x0] =	vst.idx.msk $0xffff, v15;
	s3 =	spop (v2sf)  }
0xb4: {  	v9 =	vld [tilespmem:s3+$0x7880]  }
0xb5: {  	s7 =	sadd.s32 $0xFFFFFFFF, s8;
	s6 =	spop (v2sf);
	v11 =	vld [tilespmem:s3+$0x7890]  }
0xb6: {  	v58 =	vadd.s32 s7, v0;
	v4 =	vld [tilespmem:s6+$0x7800]  }
0xb7: {  	v59 =	vadd.s32 s7, v1;
	v5 =	vld [tilespmem:s6+$0x7810]  }
0xb8: {  	v60 =	vadd.s32 s7, v2;
	v6 =	vld [tilespmem:s6+$0x7820]  }
0xb9: {  	v61 =	vadd.s32 s7, v3;
	v7 =	vld [tilespmem:s6+$0x7830]  }
0xba: {  	v62 =	vadd.s32 s8, v0;
	v13 =	vld [tilespmem:s3+$0x78A0]  }
0xbb: {  	v15 =	vld [tilespmem:s3+$0x78B0];
	[tilespmem:v58+s17+$0x0] =	vst.idx.msk $0xffff, v4;
	v4 =	vadd.s32 s8, v1  }
0xbc: {  	[tilespmem:v59+s17+$0x0] =	vst.idx.msk $0xffff, v5;
	v5 =	vadd.s32 s8, v2  }
0xbd: {  	p2 =	sne.s32 s2, $0xE000;
	v63 =	vadd.s32 s8, v3;
	[tilespmem:v60+s17+$0x0] =	vst.idx.msk $0xffff, v6  }
.Ltmp2:
0xbe: {  	[tilespmem:v61+s17+$0x0] =	vst.idx.msk $0xffff, v7;
	(pc) =	sbr.rel @p2 .LBB2_3-.Ltmp2, $4  }
0xbf: {  	[tilespmem:v62+s17+$0x0] =	vst.idx.msk $0xffff, v9  }
0xc0: {  	[tilespmem:v4+s17+$0x0] =	vst.idx.msk $0xffff, v11  }
0xc1: {  	[tilespmem:v5+s17+$0x0] =	vst.idx.msk $0xffff, v13  }
0xc2: {  	s0 =	sadd.s32 $0x10, s0;
	s2 =	sadd.s32 $0x2000, s2;
	s8 =	sadd.s32 $0x10, s8;
	[tilespmem:v63+s17+$0x0] =	vst.idx.msk $0xffff, v15  }
0xc3: {  	s0 =	simm.s32 $0x7CC;
	s2 =	simm.s32 $0x13300  }
.LBB2_5:
0xc4: {  	s3 =	sshra.s32 s0, $0x2  }
0xc5: {  	v4 =	vld [tilespmem:s3+$0xEF0D]  }
0xc6: {  	v5 =	vld [tilespmem:s3+$0xEF1D]  }
0xc7: {  	v6 =	vld [tilespmem:s3+$0xEF2D]  }
0xc8: {  	v7 =	vld [tilespmem:s3+$0xEF3D]  }
0xc9: {  	v8 =	vld [tilespmem:s3+$0xEF4D]  }
0xca: {  	v9 =	vld [tilespmem:s3+$0xEF5D]  }
0xcb: {  	v10 =	vld [tilespmem:s3+$0xEF6D]  }
0xcc: {  	v11 =	vld [tilespmem:s3+$0xEF7D];
	[tilespmem:s2+$0xFFFFFF00] =	vst v4  }
0xcd: {  	[tilespmem:s2+$0xFFFFFF10] =	vst v5  }
0xce: {  	[tilespmem:s2+$0xFFFFFF20] =	vst v6  }
0xcf: {  	[tilespmem:s2+$0xFFFFFF30] =	vst v7  }
0xd0: {  	[tilespmem:s2+$0xFFFFFF40] =	vst v8  }
0xd1: {  	[tilespmem:s2+$0xFFFFFF50] =	vst v9  }
0xd2: {  	[tilespmem:s2+$0xFFFFFF60] =	vst v10  }
0xd3: {  	[tilespmem:s2+$0xFFFFFF70] =	vst v11  }
0xd4: {  	v4 =	vld [tilespmem:s3+$0xEF8E]  }
0xd5: {  	v5 =	vld [tilespmem:s3+$0xEF9E]  }
0xd6: {  	v6 =	vld [tilespmem:s3+$0xEFAE]  }
0xd7: {  	v7 =	vld [tilespmem:s3+$0xEFBE]  }
0xd8: {  	v8 =	vld [tilespmem:s3+$0xEFCE]  }
0xd9: {  	v9 =	vld [tilespmem:s3+$0xEFDE]  }
0xda: {  	v10 =	vld [tilespmem:s3+$0xEFEE]  }
0xdb: {  	v11 =	vld [tilespmem:s3+$0xEFFE];
	[tilespmem:s2+$0xFFFFFF80] =	vst v4  }
0xdc: {  	[tilespmem:s2+$0xFFFFFF90] =	vst v5  }
0xdd: {  	[tilespmem:s2+$0xFFFFFFA0] =	vst v6  }
0xde: {  	[tilespmem:s2+$0xFFFFFFB0] =	vst v7  }
0xdf: {  	[tilespmem:s2+$0xFFFFFFC0] =	vst v8  }
0xe0: {  	[tilespmem:s2+$0xFFFFFFD0] =	vst v9  }
0xe1: {  	[tilespmem:s2+$0xFFFFFFE0] =	vst v10  }
0xe2: {  	[tilespmem:s2+$0xFFFFFFF0] =	vst v11  }
0xe3: {  	v4 =	vld [tilespmem:s3+$0xF00F]  }
0xe4: {  	v5 =	vld [tilespmem:s3+$0xF01F]  }
0xe5: {  	v6 =	vld [tilespmem:s3+$0xF02F]  }
0xe6: {  	v7 =	vld [tilespmem:s3+$0xF03F]  }
0xe7: {  	v8 =	vld [tilespmem:s3+$0xF04F]  }
0xe8: {  	v9 =	vld [tilespmem:s3+$0xF05F]  }
0xe9: {  	v10 =	vld [tilespmem:s3+$0xF06F]  }
0xea: {  	v11 =	vld [tilespmem:s3+$0xF07F];
	[tilespmem:s2+$0x0] =	vst v4  }
0xeb: {  	[tilespmem:s2+$0x10] =	vst v5  }
0xec: {  	[tilespmem:s2+$0x20] =	vst v6  }
0xed: {  	[tilespmem:s2+$0x30] =	vst v7  }
0xee: {  	[tilespmem:s2+$0x40] =	vst v8  }
0xef: {  	[tilespmem:s2+$0x50] =	vst v9  }
0xf0: {  	[tilespmem:s2+$0x60] =	vst v10  }
0xf1: {  	[tilespmem:s2+$0x70] =	vst v11  }
0xf2: {  	v4 =	vld [tilespmem:s3+$0xF090]  }
0xf3: {  	v5 =	vld [tilespmem:s3+$0xF0A0]  }
0xf4: {  	v6 =	vld [tilespmem:s3+$0xF0B0]  }
0xf5: {  	v7 =	vld [tilespmem:s3+$0xF0C0]  }
0xf6: {  	v8 =	vld [tilespmem:s3+$0xF0D0]  }
0xf7: {  	v9 =	vld [tilespmem:s3+$0xF0E0]  }
0xf8: {  	v10 =	vld [tilespmem:s3+$0xF0F0]  }
0xf9: {  	v11 =	vld [tilespmem:s3+$0xF100];
	[tilespmem:s2+$0x80] =	vst v4  }
0xfa: {  	[tilespmem:s2+$0x90] =	vst v5  }
0xfb: {  	p2 =	sne.s32 s0, $0x80BC;
	[tilespmem:s2+$0xA0] =	vst v6  }
.Ltmp3:
0xfc: {  	[tilespmem:s2+$0xB0] =	vst v7;
	(pc) =	sbr.rel @p2 .LBB2_5-.Ltmp3, $4  }
0xfd: {  	[tilespmem:s2+$0xC0] =	vst v8  }
0xfe: {  	[tilespmem:s2+$0xD0] =	vst v9  }
0xff: {  	[tilespmem:s2+$0xE0] =	vst v10  }
0x100: {  	s0 =	sadd.s32 $0x810, s0;
	[tilespmem:s2+$0xF0] =	vst v11;
	s2 =	sadd.s32 $0x200, s2  }
0x101: {  	p2 =	sne.s32 s26, $0x63  }
.Ltmp4:
0x102: {  	_ = 	snop;
	(pc) =	sbr.rel @p2 .LBB2_8-.Ltmp4, $4  }
0x103: {  	s0 =	sshll.u32 s30, $0x11  }
0x104: {  	s8 =	sadd.s32 s1, s31;
	s30 =	sor.u32 s4, s0  }
0x105: {  	s0 =	sadd.s32 s30, s8  }
0x106: {  	[hbm4b:s0+s18] =	stream.strided.scatter [tilespmem:s19], [sflag:$0x3], $0x2000, s9, s18, $0x38;
	[tilespmem:$0x17200] =	vst v63  }
.Ltmp5:
0x107: {  	(pc) =	sbr.rel .LBB2_9-.Ltmp5, $4  }
0x108: {  	_ = 	snop  }
0x109: {  	_ =	swait.ge [sflag:s20], $0x4000  }
0x10a: {  	[sflag:s20] =	ssyncset.done $0x0  }
0x10b: {  	[sflag:s20] =	ssyncadd.s32 $0xFFFFC000  }
.LBB2_8:
0x10c: {  	s0 =	sadd.s32 $0x2, s28  }
0x10d: {  	s2 =	sshll.u32 s0, $0x7;
	s3 =	sshll.u32 s0, $0xA  }
0x10e: {  	s0 =	sshll.u32 s0, $0x5;
	s2 =	sand.u32 $0xF000, s2;
	s3 =	sand.u32 $0x800, s3  }
0x10f: {  	s0 =	sand.u32 $0x380, s0;
	s2 =	sor.u32 s3, s2  }
0x110: {  	s0 =	sor.u32 s0, s2  }
0x111: {  	v4 =	vld [tilespmem:s0+$0x0];
	_ =	sdelay $0x4  }
0x112: {  	v4 =	vshra.s32 v4, $0x1  }
0x113: {  	[tilespmem:$0x7000] =	vst v4  }
0x114: {  	v4 =	vld [tilespmem:s0+$0x10];
	_ =	sdelay $0x4  }
0x115: {  	v4 =	vshra.s32 v4, $0x1  }
0x116: {  	[tilespmem:$0x7010] =	vst v4  }
0x117: {  	v4 =	vld [tilespmem:s0+$0x20];
	_ =	sdelay $0x4  }
0x118: {  	v4 =	vshra.s32 v4, $0x1  }
0x119: {  	[tilespmem:$0x7020] =	vst v4  }
0x11a: {  	v4 =	vld [tilespmem:s0+$0x30];
	_ =	sdelay $0x4  }
0x11b: {  	v4 =	vshra.s32 v4, $0x1  }
0x11c: {  	[tilespmem:$0x7030] =	vst v4  }
0x11d: {  	v4 =	vld [tilespmem:s0+$0x40];
	_ =	sdelay $0x4  }
0x11e: {  	v4 =	vshra.s32 v4, $0x1  }
0x11f: {  	[tilespmem:$0x7040] =	vst v4  }
0x120: {  	v4 =	vld [tilespmem:s0+$0x50];
	_ =	sdelay $0x4  }
0x121: {  	v4 =	vshra.s32 v4, $0x1  }
0x122: {  	[tilespmem:$0x7050] =	vst v4  }
0x123: {  	v4 =	vld [tilespmem:s0+$0x60];
	_ =	sdelay $0x4  }
0x124: {  	v4 =	vshra.s32 v4, $0x1  }
0x125: {  	[tilespmem:$0x7060] =	vst v4  }
0x126: {  	v4 =	vld [tilespmem:s0+$0x70];
	_ =	sdelay $0x4  }
0x127: {  	v4 =	vshra.s32 v4, $0x1  }
.Ltmp6:
0x128: {  	[tilespmem:$0x7070] =	vst v4;
	(pc) =	sbr.rel @p1 .LBB2_10-.Ltmp6, $4  }
0x129: {  	[tilespmem:s13], [sflag:$0x1] =	stream.indirect.gather [hbm4b:s5+s11], $0x80, s12, s11, $0xb8;
	[tilespmem:$0x17200] =	vst v63  }
0x12a: {  	_ =	swait.ge [sflag:s20], $0x4000  }
0x12b: {  	[sflag:s20] =	ssyncset.done $0x0  }
0x12c: {  	[sflag:s20] =	ssyncadd.s32 $0xFFFFC000  }
.LBB2_9:
0x12d: {  	_ =	swait.ge [sflag:s21], $0x2000  }
0x12e: {  	[sflag:s21] =	ssyncset.done $0x0  }
0x12f: {  	[sflag:s21] =	ssyncadd.s32 $0xFFFFE000  }
.LBB2_10:
0x130: {  	s31 =	sor.u32 $0x80, s31;
	s0 =	simm.s32 $0x0;
	s2 =	simm.s32 $0xF  }
.LBB2_11:
0x131: {  	v4 =	vld [tilespmem:s29+$0x0];
	_ =	sdelay $0x4  }
0x132: {  	v4 =	vshll.u32 v4, $0x6  }
0x133: {  	s3 =	sshra.s32 s0, $0x2;
	v4 =	vand.u32 $0x40, v4  }
0x134: {  	v4 =	vadd.s32 s3, v4  }
0x135: {  	(v2sf) =	vpush v4, $0x1;
	_ =	sdelay $0x1  }
0x136: {  	(v2sf) =	vpush v4, $0x0;
	_ =	sdelay $0xc  }
0x137: {  	s3 =	spop (v2sf);
	(v2sf) =	vpush v4, $0x3  }
0x138: {  	v10 =	vld [tilespmem:s3+$0xB180]  }
0x139: {  	s7 =	sadd.s32 $0xFFFFFFF1, s2;
	s6 =	spop (v2sf);
	(v2sf) =	vpush v4, $0x2;
	v12 =	vld [tilespmem:s3+$0xB190]  }
0x13a: {  	v9 =	vor.u32 s7, v0;
	v5 =	vld [tilespmem:s6+$0xB100]  }
0x13b: {  	v11 =	vadd.s32 s7, v1;
	v6 =	vld [tilespmem:s6+$0xB110]  }
0x13c: {  	v13 =	vadd.s32 s7, v2;
	v7 =	vld [tilespmem:s6+$0xB120]  }
0x13d: {  	s8 =	sadd.s32 $0xFFFFFFF2, s2;
	v15 =	vadd.s32 s7, v3;
	v8 =	vld [tilespmem:s6+$0xB130]  }
0x13e: {  	v17 =	vadd.s32 s8, v0;
	v14 =	vld [tilespmem:s3+$0xB1A0]  }
0x13f: {  	v16 =	vld [tilespmem:s3+$0xB1B0];
	[tilespmem:v9+s22+$0x0] =	vst.idx.msk $0xffff, v5;
	v5 =	vadd.s32 s8, v1  }
0x140: {  	v59 =	vadd.s32 s8, v2;
	[tilespmem:v11+s22+$0x0] =	vst.idx.msk $0xffff, v6  }
0x141: {  	v60 =	vadd.s32 s8, v3;
	[tilespmem:v13+s22+$0x0] =	vst.idx.msk $0xffff, v7  }
0x142: {  	[tilespmem:v15+s22+$0x0] =	vst.idx.msk $0xffff, v8  }
0x143: {  	[tilespmem:v17+s22+$0x0] =	vst.idx.msk $0xffff, v10  }
0x144: {  	[tilespmem:v5+s22+$0x0] =	vst.idx.msk $0xffff, v12  }
0x145: {  	[tilespmem:v59+s22+$0x0] =	vst.idx.msk $0xffff, v14  }
0x146: {  	[tilespmem:v60+s22+$0x0] =	vst.idx.msk $0xffff, v16;
	s3 =	spop (v2sf);
	(v2sf) =	vpush v4, $0x5  }
0x147: {  	v10 =	vld [tilespmem:s3+$0xB280]  }
0x148: {  	s7 =	sadd.s32 $0xFFFFFFF3, s2;
	s8 =	spop (v2sf);
	(v2sf) =	vpush v4, $0x4;
	v12 =	vld [tilespmem:s3+$0xB290]  }
0x149: {  	v61 =	vadd.s32 s7, v0;
	v5 =	vld [tilespmem:s8+$0xB200]  }
0x14a: {  	v62 =	vadd.s32 s7, v1;
	v6 =	vld [tilespmem:s8+$0xB210]  }
0x14b: {  	v63 =	vadd.s32 s7, v2;
	v7 =	vld [tilespmem:s8+$0xB220]  }
0x14c: {  	v20 =	vadd.s32 s7, v3;
	v8 =	vld [tilespmem:s8+$0xB230];
	s8 =	sadd.s32 $0xFFFFFFF4, s2  }
0x14d: {  	v14 =	vld [tilespmem:s3+$0xB2A0];
	v21 =	vadd.s32 s8, v0  }
0x14e: {  	v16 =	vld [tilespmem:s3+$0xB2B0];
	[tilespmem:v61+s22+$0x0] =	vst.idx.msk $0xffff, v5;
	v5 =	vadd.s32 s8, v1  }
0x14f: {  	v22 =	vadd.s32 s8, v2;
	[tilespmem:v62+s22+$0x0] =	vst.idx.msk $0xffff, v6  }
0x150: {  	v23 =	vadd.s32 s8, v3;
	[tilespmem:v63+s22+$0x0] =	vst.idx.msk $0xffff, v7  }
0x151: {  	[tilespmem:v20+s22+$0x0] =	vst.idx.msk $0xffff, v8  }
0x152: {  	[tilespmem:v21+s22+$0x0] =	vst.idx.msk $0xffff, v10  }
0x153: {  	[tilespmem:v5+s22+$0x0] =	vst.idx.msk $0xffff, v12  }
0x154: {  	[tilespmem:v22+s22+$0x0] =	vst.idx.msk $0xffff, v14  }
0x155: {  	[tilespmem:v23+s22+$0x0] =	vst.idx.msk $0xffff, v16;
	s3 =	spop (v2sf);
	(v2sf) =	vpush v4, $0x7  }
0x156: {  	v10 =	vld [tilespmem:s3+$0xB380]  }
0x157: {  	s7 =	sadd.s32 $0xFFFFFFF5, s2;
	s8 =	spop (v2sf);
	(v2sf) =	vpush v4, $0x6;
	v12 =	vld [tilespmem:s3+$0xB390]  }
0x158: {  	v24 =	vadd.s32 s7, v0;
	v5 =	vld [tilespmem:s8+$0xB300]  }
0x159: {  	v25 =	vadd.s32 s7, v1;
	v6 =	vld [tilespmem:s8+$0xB310]  }
0x15a: {  	v26 =	vadd.s32 s7, v2;
	v7 =	vld [tilespmem:s8+$0xB320]  }
0x15b: {  	v27 =	vadd.s32 s7, v3;
	v8 =	vld [tilespmem:s8+$0xB330];
	s8 =	sadd.s32 $0xFFFFFFF6, s2  }
0x15c: {  	v14 =	vld [tilespmem:s3+$0xB3A0];
	v28 =	vadd.s32 s8, v0  }
0x15d: {  	v16 =	vld [tilespmem:s3+$0xB3B0];
	[tilespmem:v24+s22+$0x0] =	vst.idx.msk $0xffff, v5;
	v5 =	vadd.s32 s8, v1  }
0x15e: {  	v29 =	vadd.s32 s8, v2;
	[tilespmem:v25+s22+$0x0] =	vst.idx.msk $0xffff, v6  }
0x15f: {  	v30 =	vadd.s32 s8, v3;
	[tilespmem:v26+s22+$0x0] =	vst.idx.msk $0xffff, v7  }
0x160: {  	[tilespmem:v27+s22+$0x0] =	vst.idx.msk $0xffff, v8  }
0x161: {  	[tilespmem:v28+s22+$0x0] =	vst.idx.msk $0xffff, v10  }
0x162: {  	[tilespmem:v5+s22+$0x0] =	vst.idx.msk $0xffff, v12  }
0x163: {  	[tilespmem:v29+s22+$0x0] =	vst.idx.msk $0xffff, v14  }
0x164: {  	[tilespmem:v30+s22+$0x0] =	vst.idx.msk $0xffff, v16;
	s3 =	spop (v2sf);
	(v2sf) =	vpush v4, $0x9  }
0x165: {  	v10 =	vld [tilespmem:s3+$0xB480]  }
0x166: {  	s7 =	sadd.s32 $0xFFFFFFF7, s2;
	s8 =	spop (v2sf);
	(v2sf) =	vpush v4, $0x8;
	v12 =	vld [tilespmem:s3+$0xB490]  }
0x167: {  	v31 =	vadd.s32 s7, v0;
	v5 =	vld [tilespmem:s8+$0xB400]  }
0x168: {  	v32 =	vadd.s32 s7, v1;
	v6 =	vld [tilespmem:s8+$0xB410]  }
0x169: {  	v33 =	vadd.s32 s7, v2;
	v7 =	vld [tilespmem:s8+$0xB420]  }
0x16a: {  	v34 =	vadd.s32 s7, v3;
	v8 =	vld [tilespmem:s8+$0xB430];
	s8 =	sadd.s32 $0xFFFFFFF8, s2  }
0x16b: {  	v14 =	vld [tilespmem:s3+$0xB4A0];
	v35 =	vadd.s32 s8, v0  }
0x16c: {  	v16 =	vld [tilespmem:s3+$0xB4B0];
	[tilespmem:v31+s22+$0x0] =	vst.idx.msk $0xffff, v5;
	v5 =	vadd.s32 s8, v1  }
0x16d: {  	v36 =	vadd.s32 s8, v2;
	[tilespmem:v32+s22+$0x0] =	vst.idx.msk $0xffff, v6  }
0x16e: {  	v37 =	vadd.s32 s8, v3;
	[tilespmem:v33+s22+$0x0] =	vst.idx.msk $0xffff, v7  }
0x16f: {  	[tilespmem:v34+s22+$0x0] =	vst.idx.msk $0xffff, v8  }
0x170: {  	[tilespmem:v35+s22+$0x0] =	vst.idx.msk $0xffff, v10  }
0x171: {  	[tilespmem:v5+s22+$0x0] =	vst.idx.msk $0xffff, v12  }
0x172: {  	[tilespmem:v36+s22+$0x0] =	vst.idx.msk $0xffff, v14  }
0x173: {  	[tilespmem:v37+s22+$0x0] =	vst.idx.msk $0xffff, v16;
	s3 =	spop (v2sf);
	(v2sf) =	vpush v4, $0xB  }
0x174: {  	v10 =	vld [tilespmem:s3+$0xB580]  }
0x175: {  	s7 =	sadd.s32 $0xFFFFFFF9, s2;
	s8 =	spop (v2sf);
	(v2sf) =	vpush v4, $0xA;
	v12 =	vld [tilespmem:s3+$0xB590]  }
0x176: {  	v38 =	vadd.s32 s7, v0;
	v5 =	vld [tilespmem:s8+$0xB500]  }
0x177: {  	v39 =	vadd.s32 s7, v1;
	v6 =	vld [tilespmem:s8+$0xB510]  }
0x178: {  	v40 =	vadd.s32 s7, v2;
	v7 =	vld [tilespmem:s8+$0xB520]  }
0x179: {  	v41 =	vadd.s32 s7, v3;
	v8 =	vld [tilespmem:s8+$0xB530];
	s8 =	sadd.s32 $0xFFFFFFFA, s2  }
0x17a: {  	v14 =	vld [tilespmem:s3+$0xB5A0];
	v42 =	vadd.s32 s8, v0  }
0x17b: {  	v16 =	vld [tilespmem:s3+$0xB5B0];
	[tilespmem:v38+s22+$0x0] =	vst.idx.msk $0xffff, v5;
	v5 =	vadd.s32 s8, v1  }
0x17c: {  	v43 =	vadd.s32 s8, v2;
	[tilespmem:v39+s22+$0x0] =	vst.idx.msk $0xffff, v6  }
0x17d: {  	v44 =	vadd.s32 s8, v3;
	[tilespmem:v40+s22+$0x0] =	vst.idx.msk $0xffff, v7  }
0x17e: {  	[tilespmem:v41+s22+$0x0] =	vst.idx.msk $0xffff, v8  }
0x17f: {  	[tilespmem:v42+s22+$0x0] =	vst.idx.msk $0xffff, v10  }
0x180: {  	[tilespmem:v5+s22+$0x0] =	vst.idx.msk $0xffff, v12  }
0x181: {  	[tilespmem:v43+s22+$0x0] =	vst.idx.msk $0xffff, v14  }
0x182: {  	[tilespmem:v44+s22+$0x0] =	vst.idx.msk $0xffff, v16;
	s3 =	spop (v2sf);
	(v2sf) =	vpush v4, $0xD  }
0x183: {  	v10 =	vld [tilespmem:s3+$0xB680]  }
0x184: {  	s7 =	sadd.s32 $0xFFFFFFFB, s2;
	s8 =	spop (v2sf);
	(v2sf) =	vpush v4, $0xC;
	v12 =	vld [tilespmem:s3+$0xB690]  }
0x185: {  	v45 =	vadd.s32 s7, v0;
	v5 =	vld [tilespmem:s8+$0xB600]  }
0x186: {  	v46 =	vadd.s32 s7, v1;
	v6 =	vld [tilespmem:s8+$0xB610]  }
0x187: {  	v47 =	vadd.s32 s7, v2;
	v7 =	vld [tilespmem:s8+$0xB620]  }
0x188: {  	v48 =	vadd.s32 s7, v3;
	v8 =	vld [tilespmem:s8+$0xB630];
	s8 =	sadd.s32 $0xFFFFFFFC, s2  }
0x189: {  	v14 =	vld [tilespmem:s3+$0xB6A0];
	v49 =	vadd.s32 s8, v0  }
0x18a: {  	v16 =	vld [tilespmem:s3+$0xB6B0];
	[tilespmem:v45+s22+$0x0] =	vst.idx.msk $0xffff, v5;
	v5 =	vadd.s32 s8, v1  }
0x18b: {  	v50 =	vadd.s32 s8, v2;
	[tilespmem:v46+s22+$0x0] =	vst.idx.msk $0xffff, v6  }
0x18c: {  	v51 =	vadd.s32 s8, v3;
	[tilespmem:v47+s22+$0x0] =	vst.idx.msk $0xffff, v7  }
0x18d: {  	[tilespmem:v48+s22+$0x0] =	vst.idx.msk $0xffff, v8  }
0x18e: {  	[tilespmem:v49+s22+$0x0] =	vst.idx.msk $0xffff, v10  }
0x18f: {  	[tilespmem:v5+s22+$0x0] =	vst.idx.msk $0xffff, v12  }
0x190: {  	[tilespmem:v50+s22+$0x0] =	vst.idx.msk $0xffff, v14  }
0x191: {  	[tilespmem:v51+s22+$0x0] =	vst.idx.msk $0xffff, v16;
	s3 =	spop (v2sf);
	(v2sf) =	vpush v4, $0xF  }
0x192: {  	v9 =	vld [tilespmem:s3+$0xB780]  }
0x193: {  	s7 =	sadd.s32 $0xFFFFFFFD, s2;
	s8 =	spop (v2sf);
	(v2sf) =	vpush v4, $0xE;
	v11 =	vld [tilespmem:s3+$0xB790]  }
0x194: {  	v52 =	vadd.s32 s7, v0;
	v5 =	vld [tilespmem:s8+$0xB700]  }
0x195: {  	v53 =	vadd.s32 s7, v1;
	v4 =	vld [tilespmem:s8+$0xB710]  }
0x196: {  	v54 =	vadd.s32 s7, v2;
	v6 =	vld [tilespmem:s8+$0xB720]  }
0x197: {  	v55 =	vadd.s32 s7, v3;
	v7 =	vld [tilespmem:s8+$0xB730];
	s8 =	sadd.s32 $0xFFFFFFFE, s2  }
0x198: {  	v13 =	vld [tilespmem:s3+$0xB7A0];
	v56 =	vadd.s32 s8, v0  }
0x199: {  	v15 =	vld [tilespmem:s3+$0xB7B0];
	[tilespmem:v52+s22+$0x0] =	vst.idx.msk $0xffff, v5;
	v5 =	vadd.s32 s8, v1  }
0x19a: {  	[tilespmem:v53+s22+$0x0] =	vst.idx.msk $0xffff, v4;
	v4 =	vadd.s32 s8, v2  }
0x19b: {  	v57 =	vadd.s32 s8, v3;
	[tilespmem:v54+s22+$0x0] =	vst.idx.msk $0xffff, v6  }
0x19c: {  	[tilespmem:v55+s22+$0x0] =	vst.idx.msk $0xffff, v7  }
0x19d: {  	[tilespmem:v56+s22+$0x0] =	vst.idx.msk $0xffff, v9  }
0x19e: {  	[tilespmem:v5+s22+$0x0] =	vst.idx.msk $0xffff, v11  }
0x19f: {  	[tilespmem:v4+s22+$0x0] =	vst.idx.msk $0xffff, v13  }
0x1a0: {  	[tilespmem:v57+s22+$0x0] =	vst.idx.msk $0xffff, v15;
	s3 =	spop (v2sf)  }
0x1a1: {  	v9 =	vld [tilespmem:s3+$0xB880]  }
0x1a2: {  	s8 =	sadd.s32 $0xFFFFFFFF, s2;
	s7 =	spop (v2sf);
	v11 =	vld [tilespmem:s3+$0xB890]  }
0x1a3: {  	v58 =	vadd.s32 s8, v0;
	v4 =	vld [tilespmem:s7+$0xB800]  }
0x1a4: {  	v59 =	vadd.s32 s8, v1;
	v5 =	vld [tilespmem:s7+$0xB810]  }
0x1a5: {  	v60 =	vadd.s32 s8, v2;
	v6 =	vld [tilespmem:s7+$0xB820]  }
0x1a6: {  	v61 =	vadd.s32 s8, v3;
	v7 =	vld [tilespmem:s7+$0xB830]  }
0x1a7: {  	v62 =	vadd.s32 s2, v0;
	v13 =	vld [tilespmem:s3+$0xB8A0]  }
0x1a8: {  	v15 =	vld [tilespmem:s3+$0xB8B0];
	[tilespmem:v58+s22+$0x0] =	vst.idx.msk $0xffff, v4;
	v4 =	vadd.s32 s2, v1  }
0x1a9: {  	[tilespmem:v59+s22+$0x0] =	vst.idx.msk $0xffff, v5;
	v5 =	vadd.s32 s2, v2  }
0x1aa: {  	p1 =	sne.s32 s0, $0xE000;
	v63 =	vadd.s32 s2, v3;
	[tilespmem:v60+s22+$0x0] =	vst.idx.msk $0xffff, v6  }
.Ltmp7:
0x1ab: {  	[tilespmem:v61+s22+$0x0] =	vst.idx.msk $0xffff, v7;
	(pc) =	sbr.rel @p1 .LBB2_11-.Ltmp7, $4  }
0x1ac: {  	[tilespmem:v62+s22+$0x0] =	vst.idx.msk $0xffff, v9  }
0x1ad: {  	[tilespmem:v4+s22+$0x0] =	vst.idx.msk $0xffff, v11  }
0x1ae: {  	[tilespmem:v5+s22+$0x0] =	vst.idx.msk $0xffff, v13  }
0x1af: {  	s29 =	sadd.s32 $0x10, s29;
	s0 =	sadd.s32 $0x2000, s0;
	s2 =	sadd.s32 $0x10, s2;
	[tilespmem:v63+s22+$0x0] =	vst.idx.msk $0xffff, v15  }
0x1b0: {  	s2 =	simm.s32 $0x11282  }
0x1b1: {  	v4 =	vld [tilespmem:s2+$0xFFFFFF4E]  }
0x1b2: {  	v5 =	vld [tilespmem:s2+$0xFFFFFF3E]  }
0x1b3: {  	v7 =	vld [tilespmem:s2+$0xFFFFFF6E]  }
0x1b4: {  	v8 =	vld [tilespmem:s2+$0xFFFFFF5E]  }
0x1b5: {  	v9 =	vld [tilespmem:s2+$0xFFFFFEFE]  }
0x1b6: {  	v10 =	vld [tilespmem:s2+$0xFFFFFF1E]  }
0x1b7: {  	s0 =	simm.s32 $0x0;
	v6 =	vld [tilespmem:s2+$0xFFFFFF2E]  }
0x1b8: {  	v11 =	vld [tilespmem:s2+$0xFFFFFF0E];
	[tilespmem:s0+$0x15270] =	vst v7  }
0x1b9: {  	[tilespmem:s0+$0x15260] =	vst v8  }
0x1ba: {  	[tilespmem:s0+$0x15200] =	vst v9  }
0x1bb: {  	[tilespmem:s0+$0x15220] =	vst v10  }
0x1bc: {  	[tilespmem:s0+$0x15230] =	vst v6  }
0x1bd: {  	[tilespmem:s0+$0x15240] =	vst v5  }
0x1be: {  	[tilespmem:s0+$0x15210] =	vst v11  }
0x1bf: {  	[tilespmem:s0+$0x15250] =	vst v4  }
0x1c0: {  	v6 =	vld [tilespmem:s2+$0xFFFFFFDF]  }
0x1c1: {  	v4 =	vld [tilespmem:s2+$0xFFFFFFEF]  }
0x1c2: {  	v7 =	vld [tilespmem:s2+$0xFFFFFF8F]  }
0x1c3: {  	v9 =	vld [tilespmem:s2+$0xFFFFFFAF]  }
0x1c4: {  	v10 =	vld [tilespmem:s2+$0xFFFFFF9F]  }
0x1c5: {  	v8 =	vld [tilespmem:s2+$0xFFFFFFCF]  }
0x1c6: {  	v11 =	vld [tilespmem:s2+$0xFFFFFF7F]  }
0x1c7: {  	v5 =	vld [tilespmem:s2+$0xFFFFFFBF];
	[tilespmem:s0+$0x15290] =	vst v7  }
0x1c8: {  	[tilespmem:s0+$0x152B0] =	vst v9  }
0x1c9: {  	[tilespmem:s0+$0x152A0] =	vst v10  }
0x1ca: {  	[tilespmem:s0+$0x152D0] =	vst v8  }
0x1cb: {  	[tilespmem:s0+$0x15280] =	vst v11  }
0x1cc: {  	s29 =	simm.s32 $0x800;
	s8 =	simm.s32 $0x11282;
	[tilespmem:s0+$0x152E0] =	vst v6  }
.LBB2_13:
0x1cd: {  	p1 =	sne.s32 s29, $0x7800  }
0x1ce: {  	[tilespmem:s0+$0x152F0] =	vst v4;
	s2 =	sadd.s32 $0x204, s2;
	s3 =	smov.u32 s29;
	s29 =	sadd.s32 $0x800, s29  }
0x1cf: {  	[tilespmem:s0+$0x152C0] =	vst v5  }
0x1d0: {  	v4 =	vld [tilespmem:s8+$0x70]  }
0x1d1: {  	v5 =	vld [tilespmem:s8+$0x60]  }
0x1d2: {  	v6 =	vld [tilespmem:s8+$0x20]  }
0x1d3: {  	v7 =	vld [tilespmem:s8+$0x10]  }
0x1d4: {  	v8 =	vld [tilespmem:s8+$0x50]  }
0x1d5: {  	v9 =	vld [tilespmem:s8+$0x40]  }
0x1d6: {  	v10 =	vld [tilespmem:s8+$0x0]  }
0x1d7: {  	v11 =	vld [tilespmem:s8+$0x30]  }
0x1d8: {  	[tilespmem:s0+$0x15370] =	vst v4  }
0x1d9: {  	[tilespmem:s0+$0x15320] =	vst v6  }
0x1da: {  	[tilespmem:s0+$0x15360] =	vst v5  }
0x1db: {  	[tilespmem:s0+$0x15300] =	vst v10  }
0x1dc: {  	[tilespmem:s0+$0x15330] =	vst v11  }
0x1dd: {  	[tilespmem:s0+$0x15350] =	vst v8  }
0x1de: {  	[tilespmem:s0+$0x15310] =	vst v7  }
0x1df: {  	[tilespmem:s0+$0x15340] =	vst v9  }
0x1e0: {  	v4 =	vld [tilespmem:s8+$0x81]  }
0x1e1: {  	v5 =	vld [tilespmem:s8+$0xA1]  }
0x1e2: {  	v6 =	vld [tilespmem:s8+$0xF1]  }
0x1e3: {  	v7 =	vld [tilespmem:s8+$0xD1]  }
0x1e4: {  	v8 =	vld [tilespmem:s8+$0xC1]  }
0x1e5: {  	v9 =	vld [tilespmem:s8+$0x91]  }
0x1e6: {  	v10 =	vld [tilespmem:s8+$0xE1]  }
0x1e7: {  	v11 =	vld [tilespmem:s8+$0xB1];
	s8 =	smov.u32 s2  }
0x1e8: {  	[tilespmem:s0+$0x15380] =	vst v4  }
0x1e9: {  	[tilespmem:s0+$0x153A0] =	vst v5  }
0x1ea: {  	[tilespmem:s0+$0x153F0] =	vst v6  }
0x1eb: {  	[tilespmem:s0+$0x15390] =	vst v9  }
0x1ec: {  	[tilespmem:s0+$0x153E0] =	vst v10  }
0x1ed: {  	[tilespmem:s0+$0x153B0] =	vst v11  }
0x1ee: {  	[tilespmem:s0+$0x153C0] =	vst v8  }
0x1ef: {  	[tilespmem:s0+$0x153D0] =	vst v7  }
0x1f0: {  	v4 =	vld [tilespmem:s2+$0xFFFFFF4E]  }
0x1f1: {  	v5 =	vld [tilespmem:s2+$0xFFFFFF3E]  }
0x1f2: {  	v6 =	vld [tilespmem:s2+$0xFFFFFF2E]  }
0x1f3: {  	v7 =	vld [tilespmem:s2+$0xFFFFFF6E]  }
0x1f4: {  	v8 =	vld [tilespmem:s2+$0xFFFFFF5E]  }
0x1f5: {  	v9 =	vld [tilespmem:s2+$0xFFFFFEFE]  }
0x1f6: {  	v10 =	vld [tilespmem:s2+$0xFFFFFF1E]  }
0x1f7: {  	s0 =	sshra.s32 s3, $0x2;
	v11 =	vld [tilespmem:s2+$0xFFFFFF0E]  }
0x1f8: {  	[tilespmem:s0+$0x15270] =	vst v7  }
0x1f9: {  	[tilespmem:s0+$0x15260] =	vst v8  }
0x1fa: {  	[tilespmem:s0+$0x15200] =	vst v9  }
0x1fb: {  	[tilespmem:s0+$0x15220] =	vst v10  }
0x1fc: {  	[tilespmem:s0+$0x15230] =	vst v6  }
0x1fd: {  	[tilespmem:s0+$0x15240] =	vst v5  }
0x1fe: {  	[tilespmem:s0+$0x15210] =	vst v11  }
0x1ff: {  	[tilespmem:s0+$0x15250] =	vst v4  }
0x200: {  	v6 =	vld [tilespmem:s2+$0xFFFFFFDF]  }
0x201: {  	v4 =	vld [tilespmem:s2+$0xFFFFFFEF]  }
0x202: {  	v7 =	vld [tilespmem:s2+$0xFFFFFF8F]  }
0x203: {  	v8 =	vld [tilespmem:s2+$0xFFFFFFCF]  }
0x204: {  	v9 =	vld [tilespmem:s2+$0xFFFFFFAF]  }
0x205: {  	v10 =	vld [tilespmem:s2+$0xFFFFFF9F]  }
0x206: {  	v5 =	vld [tilespmem:s2+$0xFFFFFFBF]  }
0x207: {  	v11 =	vld [tilespmem:s2+$0xFFFFFF7F]  }
0x208: {  	[tilespmem:s0+$0x15290] =	vst v7  }
.Ltmp8:
0x209: {  	[tilespmem:s0+$0x152B0] =	vst v9;
	(pc) =	sbr.rel @p1 .LBB2_13-.Ltmp8, $4  }
0x20a: {  	[tilespmem:s0+$0x152A0] =	vst v10  }
0x20b: {  	[tilespmem:s0+$0x152D0] =	vst v8  }
0x20c: {  	[tilespmem:s0+$0x15280] =	vst v11  }
0x20d: {  	[tilespmem:s0+$0x152E0] =	vst v6  }
0x20e: {  	[tilespmem:s0+$0x152F0] =	vst v4  }
0x20f: {  	[tilespmem:s0+$0x152C0] =	vst v5  }
0x210: {  	v4 =	vld [tilespmem:s8+$0x70]  }
0x211: {  	v5 =	vld [tilespmem:s8+$0x60]  }
0x212: {  	v6 =	vld [tilespmem:s8+$0x20]  }
0x213: {  	v7 =	vld [tilespmem:s8+$0x10]  }
0x214: {  	v8 =	vld [tilespmem:s8+$0x50]  }
0x215: {  	v10 =	vld [tilespmem:s8+$0x0]  }
0x216: {  	v11 =	vld [tilespmem:s8+$0x30]  }
0x217: {  	v9 =	vld [tilespmem:s8+$0x40];
	[tilespmem:s0+$0x15370] =	vst v4  }
0x218: {  	[tilespmem:s0+$0x15320] =	vst v6  }
0x219: {  	[tilespmem:s0+$0x15360] =	vst v5  }
0x21a: {  	[tilespmem:s0+$0x15300] =	vst v10  }
0x21b: {  	[tilespmem:s0+$0x15330] =	vst v11  }
0x21c: {  	[tilespmem:s0+$0x15350] =	vst v8  }
0x21d: {  	[tilespmem:s0+$0x15310] =	vst v7  }
0x21e: {  	[tilespmem:s0+$0x15340] =	vst v9  }
0x21f: {  	v4 =	vld [tilespmem:s8+$0x81]  }
0x220: {  	v5 =	vld [tilespmem:s8+$0xA1]  }
0x221: {  	v6 =	vld [tilespmem:s8+$0xF1]  }
0x222: {  	v7 =	vld [tilespmem:s8+$0xD1]  }
0x223: {  	v8 =	vld [tilespmem:s8+$0xC1]  }
0x224: {  	v9 =	vld [tilespmem:s8+$0x91]  }
0x225: {  	v10 =	vld [tilespmem:s8+$0xE1]  }
0x226: {  	v11 =	vld [tilespmem:s8+$0xB1];
	[tilespmem:s0+$0x15380] =	vst v4  }
0x227: {  	[tilespmem:s0+$0x153A0] =	vst v5  }
0x228: {  	[tilespmem:s0+$0x153F0] =	vst v6  }
0x229: {  	p1 =	seq.s32 s26, $0x63;
	[tilespmem:s0+$0x15390] =	vst v9  }
.Ltmp9:
0x22a: {  	[tilespmem:s0+$0x153E0] =	vst v10;
	(pc) =	sbr.rel @p1 .LBB2_16-.Ltmp9, $4  }
0x22b: {  	[tilespmem:s0+$0x153B0] =	vst v11  }
0x22c: {  	s2 =	sadd.s32 s1, s31;
	[tilespmem:s0+$0x153C0] =	vst v8  }
0x22d: {  	s31 =	sadd.s32 s30, s2;
	[tilespmem:s0+$0x153D0] =	vst v7  }
0x22e: {  	[hbm4b:s31+s18] =	stream.strided.scatter [tilespmem:s23], [sflag:$0x4], $0x2000, s9, s18, $0x38;
	[tilespmem:$0x17200] =	vst v63  }
0x22f: {  	s0 =	sadd.s32 $0x3, s28  }
0x230: {  	s2 =	sshll.u32 s0, $0x7;
	s3 =	sshll.u32 s0, $0xA  }
0x231: {  	s0 =	sshll.u32 s0, $0x5;
	s2 =	sand.u32 $0xF000, s2;
	s3 =	sand.u32 $0xC00, s3  }
0x232: {  	s0 =	sand.u32 $0x380, s0;
	s2 =	sor.u32 s3, s2  }
0x233: {  	s0 =	sor.u32 s0, s2  }
0x234: {  	v4 =	vld [tilespmem:s0+$0x0];
	_ =	sdelay $0x4  }
0x235: {  	v4 =	vshra.s32 v4, $0x1  }
0x236: {  	[tilespmem:$0x7080] =	vst v4  }
0x237: {  	v4 =	vld [tilespmem:s0+$0x10];
	_ =	sdelay $0x4  }
0x238: {  	v4 =	vshra.s32 v4, $0x1  }
0x239: {  	[tilespmem:$0x7090] =	vst v4  }
0x23a: {  	v4 =	vld [tilespmem:s0+$0x20];
	_ =	sdelay $0x4  }
0x23b: {  	v4 =	vshra.s32 v4, $0x1  }
0x23c: {  	[tilespmem:$0x70A0] =	vst v4  }
0x23d: {  	v4 =	vld [tilespmem:s0+$0x30];
	_ =	sdelay $0x4  }
0x23e: {  	v4 =	vshra.s32 v4, $0x1  }
0x23f: {  	[tilespmem:$0x70B0] =	vst v4  }
0x240: {  	v4 =	vld [tilespmem:s0+$0x40];
	_ =	sdelay $0x4  }
0x241: {  	v4 =	vshra.s32 v4, $0x1  }
0x242: {  	[tilespmem:$0x70C0] =	vst v4  }
0x243: {  	v4 =	vld [tilespmem:s0+$0x50];
	_ =	sdelay $0x4  }
0x244: {  	v4 =	vshra.s32 v4, $0x1  }
0x245: {  	[tilespmem:$0x70D0] =	vst v4  }
0x246: {  	v4 =	vld [tilespmem:s0+$0x60];
	_ =	sdelay $0x4  }
0x247: {  	v4 =	vshra.s32 v4, $0x1  }
0x248: {  	[tilespmem:$0x70E0] =	vst v4  }
0x249: {  	v4 =	vld [tilespmem:s0+$0x70];
	_ =	sdelay $0x2  }
.Ltmp10:
0x24a: {  	_ = 	snop;
	(pc) =	sbr.rel .LBB2_2-.Ltmp10, $4  }
0x24b: {  	_ = 	snop  }
0x24c: {  	v4 =	vshra.s32 v4, $0x1  }
0x24d: {  	s26 =	sadd.s32 $0x1, s26;
	p0 =	por !p0, !p0;
	[tilespmem:$0x70F0] =	vst v4  }
0x24e: {  	[tilespmem:s15], [sflag:$0x2] =	stream.indirect.gather [hbm4b:s5+s11], $0x80, s14, s11, $0xb8;
	[tilespmem:$0x17200] =	vst v63  }
.LBB2_17:
0x24f: {  	_ =	sfence.sel $0x180000  }
0x250: {  	[bflag:$0x0] =	sbarrier.arrive $0xFFFF  }
0x251: {  	_ =	strace $0x9000004A  }
0x252: {  	s0 =	stileid.u32;
	[bflag:$0x2] =	sbarrier.arrive $0xFFFF  }
0x253: {  	p0 =	sne.s32 s0, $0x0;
	s0 =	rddreg [dreg:$0x3]  }
0x254: {  	s0 =	sadd.s32 @!p0 $0x100000, s0  }
0x255: {  	[sflag:s0] =	ssyncadd.tile.s32 @!p0 $0x1;
	_ =	shalt  }
.Lfunc_end2:
_tile_overlayer_lowered:
.L_overlay_start_2:
0x256: {  	(tag) =	ssettag $0x2  }
0x257: {  	s0 =	rddreg [dreg:$0x0];
	s2 =	stileid.u32  }
0x258: {  	s1 =	rddreg [dreg:$0x1];
	p0 =	sne.s32 s2, $0x0  }
0x259: {  	s3 =	rddreg [dreg:$0x2];
	[bflag:$0x3] =	sbarrier.arrive $0xFFFF;
	s2 =	simm.s32 @!p0 $0x1C05  }
0x25a: {  	[timem:s3], [sflag:s2] =	dma.local @!p0 [hbm:s0], s1  }
0x25b: {  	s0 =	simm.s32 @!p0 $0x5  }
0x25c: {  	_ =	swait.ge @!p0 [sflag:s0], s1  }
0x25d: {  	s1 =	ssub.s32 @!p0 $0x0, s1;
	[sflag:s0] =	ssyncset.done @!p0 $0x0  }
0x25e: {  	[sflag:s0] =	ssyncadd.s32 @!p0 s1  }
0x25f: {  	[bflag:$0x3] =	sbarrier.arrive $0xFFFF  }
0x260: {  	_ =	shalt  }

</sc_bundles>
